<compile_context>
chip_gen: v7x
topology: tpu7x:2x2x1
jax: 0.10.2.dev20260603
libtpu: 0.0.44.dev20260713+nightly
codegen_flags: <defaults>
</compile_context>

<pallas_src>
import functools

import jax
import jax.numpy as jnp
from jax import lax
from jax.experimental import pallas as pl
from jax.experimental.pallas import tpu as pltpu
from jax.experimental.pallas import tpu_sc as plsc

B = 16384
D = 32
NR = 200
NC = 2
NS = 16
NW = NC * NS
BPW = B // NW
CB = 128
CH = BPW // CB
G16 = CB // 16


def _sc_body(nodes_hbm, rels_hbm, maps_hbm, entp_hbm, relf_hbm, out_hbm,
             nodes_v, rels_v, typed_v, relf_v, egrp_v, out_v, s1, s2):
    c = lax.axis_index("c")
    s = lax.axis_index("s")
    wid = s * NC + c
    lanes = lax.iota(jnp.int32, 16)

    pltpu.sync_copy(nodes_hbm.at[wid], nodes_v)
    l1 = [pltpu.async_copy(maps_hbm.at[nodes_v.at[j]], typed_v.at[j], s1)
          for j in range(CH)]
    pltpu.sync_copy(rels_hbm.at[wid], rels_v)
    pltpu.sync_copy(relf_hbm, relf_v)

    l2 = [None] * CH
    for j in range(CH):
        l1[j].wait()
        l2[j] = pltpu.async_copy(entp_hbm.at[typed_v.at[j]], egrp_v.at[j], s2)

    for j in range(CH):
        l2[j].wait()

        def extract(g, _, j=j):
            sl = pl.ds(g * 16, 16)
            rv = rels_v.at[j][sl]
            rbase = rv * D
            erow = g * 16 + lanes
            for cc in range(D):
                ccv = jnp.full((16,), cc, jnp.int32)
                out_v.at[cc][sl] = plsc.load_gather(
                    egrp_v.at[j], [erow, ccv])
                out_v.at[D + cc][sl] = plsc.load_gather(
                    relf_v, [rbase + cc])
            return 0

        lax.fori_loop(0, G16, extract, 0)
        col = wid * BPW + j * CB
        pltpu.sync_copy(out_v, out_hbm.at[:, pl.ds(col, CB)])


@jax.jit
def _meta_gather(nodes3, rels3, node_maps, ent4, relf):
    kern = functools.partial(
        pl.kernel,
        out_type=jax.ShapeDtypeStruct((2 * D, B), jnp.float32),
        mesh=plsc.VectorSubcoreMesh(core_axis_name="c", subcore_axis_name="s"),
        compiler_params=pltpu.CompilerParams(needs_layout_passes=False),
        scratch_types=[
            pltpu.VMEM((CH, CB), jnp.int32),
            pltpu.VMEM((CH, CB), jnp.int32),
            pltpu.VMEM((CH, CB), jnp.int32),
            pltpu.VMEM((NR * D,), jnp.float32),
            pltpu.VMEM((CH, CB, 128), jnp.float32),
            pltpu.VMEM((2 * D, CB), jnp.float32),
            pltpu.SemaphoreType.DMA,
            pltpu.SemaphoreType.DMA,
        ],
    )(_sc_body)
    return kern(nodes3, rels3, node_maps, ent4, relf)


def kernel(nodes, rel_types, node_maps, ent_table, rel_table):
    nodes3 = nodes.astype(jnp.int32).reshape(NW, CH, CB)
    rels3 = rel_types.astype(jnp.int32).reshape(NW, CH, CB)
    entp = jnp.pad(ent_table, ((0, 0), (0, 128 - D)))
    relf = rel_table.reshape(-1)
    outt = _meta_gather(nodes3, rels3, node_maps.astype(jnp.int32), entp, relf)
    return outt.T

# --- scband reference (transcript-rebuilt; emitter-appended) ---
"""Pipeline reference for scband-meta-model-61117384622921 (READ-ONLY COPY).

The authoritative reference and input builder live on the scoring server;
editing this copy changes nothing except your own understanding.
"""

import jax, jax.numpy as jnp
import numpy as np

NUM_NODES = 1000000
EMBED_DIM = 32
BATCH = 16384
NUM_RELS = 200


def setup_inputs(seed: int = 0) -> dict:
    key = jax.random.key(seed)
    k1, k2, k3, k4, k5 = jax.random.split(key, 5)
    nodes = jax.random.randint(k1, (BATCH,), 0, NUM_NODES, dtype=jnp.int64 if jax.config.jax_enable_x64 else jnp.int32)
    rel_types = jax.random.randint(k2, (BATCH,), 0, NUM_RELS, dtype=jnp.int64 if jax.config.jax_enable_x64 else jnp.int32)
    # node_maps: global entity id -> typed entity id (here a random remap within table range)
    node_maps = jax.random.randint(k3, (NUM_NODES,), 0, NUM_NODES, dtype=jnp.int64 if jax.config.jax_enable_x64 else jnp.int32)
    # embedding tables initialized ~ N(0, 1/embed_dim) as in the torch module
    ent_table = jax.random.normal(k4, (NUM_NODES, EMBED_DIM), dtype=jnp.float32) * (1.0 / EMBED_DIM)
    rel_table = jax.random.normal(k5, (NUM_RELS, EMBED_DIM), dtype=jnp.float32) * (1.0 / EMBED_DIM)
    return {
        "nodes": nodes,
        "rel_types": rel_types,
        "node_maps": node_maps,
        "ent_table": ent_table,
        "rel_table": rel_table,
    }


def reference(nodes, rel_types, node_maps, ent_table, rel_table):
    # embed_ents: double gather -> ent_features[mode](node_maps[nodes])
    typed_ids = jnp.take(node_maps, nodes, axis=0)
    ent_emb = jnp.take(ent_table, typed_ids, axis=0)
    # embed_rels: rel_features(rel_types)
    rel_emb = jnp.take(rel_table, rel_types, axis=0)
    # concatenate entity and relation embeddings per batch element
    return jnp.concatenate([ent_emb, rel_emb], axis=-1)

if __name__ == "__main__":
    import jax
    _d = setup_inputs()
    print(jax.jit(kernel)(*tuple(_d.values())))

</pallas_src>

<mosaic_0001>
#map = affine_map<(d0, d1) -> (0, 0, 0)>
#map1 = affine_map<(d0, d1) -> (0)>
#map2 = affine_map<(d0, d1) -> (0, 0)>
module attributes {stable_mosaic.version = 14 : i64} {
  func.func @_sc_body(%arg0: i32, %arg1: i32, %arg2: memref<32x4x128xi32, #tpu.memory_space<hbm>>, %arg3: memref<32x4x128xi32, #tpu.memory_space<hbm>>, %arg4: memref<1000000xi32, #tpu.memory_space<hbm>>, %arg5: memref<1000000x128xf32, #tpu.memory_space<hbm>>, %arg6: memref<6400xf32, #tpu.memory_space<hbm>>, %arg7: memref<64x16384xf32, #tpu.memory_space<hbm>>, %arg8: memref<4x128xi32, #tpu.memory_space<vmem>>, %arg9: memref<4x128xi32, #tpu.memory_space<vmem>>, %arg10: memref<4x128xi32, #tpu.memory_space<vmem>>, %arg11: memref<6400xf32, #tpu.memory_space<vmem>>, %arg12: memref<4x128x128xf32, #tpu.memory_space<vmem>>, %arg13: memref<64x128xf32, #tpu.memory_space<vmem>>, %arg14: memref<!tpu.dma_semaphore, #tpu.memory_space<semaphore_mem>>, %arg15: memref<!tpu.dma_semaphore, #tpu.memory_space<semaphore_mem>>) attributes {dimension_semantics = [#tpu.dimension_semantics<core_parallel>, #tpu.dimension_semantics<subcore_parallel>], iteration_bounds = array<i64: 2, 16>, scalar_prefetch = 0 : i64, scratch_operands = 8 : i64, tpu.core_type = #tpu.core_type<sc_vector_subcore>, window_params = [{transform_indices = #map}, {transform_indices = #map}, {transform_indices = #map1}, {transform_indices = #map2}, {transform_indices = #map1}, {transform_indices = #map2}]} {
    %mul3A = arith.constant 2 : i32
    %mul3A_0 = arith.muli %arg1, %mul3A : i32
    %add3A = arith.addi %mul3A_0, %arg0 : i32
    %iota3A = tpu.iota {dimensions = array<i32: 0>} : vector<16xi32>
    "tpu.region"() ({
      %run_scoped3A = tpu.sem_alloc : memref<!tpu.dma_semaphore, #tpu.memory_space<semaphore_mem>>
      %dma_start3A_218 = arith.constant 0 : i32
      %dma_start3A_219 = arith.constant 0 : i32
      %dma_start3A_220 = tpu.memref_slice %arg2[%add3A, %dma_start3A_218, %dma_start3A_219] : memref<32x4x128xi32, #tpu.memory_space<hbm>> -> memref<1x4x128xi32, #tpu.memory_space<hbm>>
      %dma_start3A_221 = tpu.memref_squeeze %dma_start3A_220 : memref<1x4x128xi32, #tpu.memory_space<hbm>> -> memref<4x128xi32, #tpu.memory_space<hbm>>
      %dma_start3A_222 = arith.constant 0 : i32
      %dma_start3A_223 = arith.constant 0 : i32
      %dma_start3A_224 = tpu.memref_slice %arg2[%add3A, %dma_start3A_222, %dma_start3A_223] : memref<32x4x128xi32, #tpu.memory_space<hbm>> -> memref<1x4x128xi32, #tpu.memory_space<hbm>>
      %dma_start3A_225 = tpu.memref_squeeze %dma_start3A_224 : memref<1x4x128xi32, #tpu.memory_space<hbm>> -> memref<4x128xi32, #tpu.memory_space<hbm>>
      tpu.enqueue_dma source(%dma_start3A_225 : memref<4x128xi32, #tpu.memory_space<hbm>>) target(%arg8 : memref<4x128xi32, #tpu.memory_space<vmem>>) target_semaphore(%run_scoped3A : memref<!tpu.dma_semaphore, #tpu.memory_space<semaphore_mem>>)
      %dma_wait3A_226 = arith.constant 0 : i32
      %dma_wait3A_227 = arith.constant 0 : i32
      %dma_wait3A_228 = tpu.memref_slice %arg2[%add3A, %dma_wait3A_226, %dma_wait3A_227] : memref<32x4x128xi32, #tpu.memory_space<hbm>> -> memref<1x4x128xi32, #tpu.memory_space<hbm>>
      %dma_wait3A_229 = tpu.memref_squeeze %dma_wait3A_228 : memref<1x4x128xi32, #tpu.memory_space<hbm>> -> memref<4x128xi32, #tpu.memory_space<hbm>>
      %dma_wait3A_230 = arith.constant 0 : i32
      %dma_wait3A_231 = arith.constant 0 : i32
      %dma_wait3A_232 = tpu.memref_slice %arg2[%add3A, %dma_wait3A_230, %dma_wait3A_231] : memref<32x4x128xi32, #tpu.memory_space<hbm>> -> memref<1x4x128xi32, #tpu.memory_space<hbm>>
      %dma_wait3A_233 = tpu.memref_squeeze %dma_wait3A_232 : memref<1x4x128xi32, #tpu.memory_space<hbm>> -> memref<4x128xi32, #tpu.memory_space<hbm>>
      tpu.wait_dma2 semaphore(%run_scoped3A : memref<!tpu.dma_semaphore, #tpu.memory_space<semaphore_mem>>) src(%dma_wait3A_233 : memref<4x128xi32, #tpu.memory_space<hbm>>) dst(%arg8 : memref<4x128xi32, #tpu.memory_space<vmem>>)
      tpu.yield
    }) : () -> ()
    %dma_start3A = arith.constant 0 : i32
    %dma_start3A_1 = arith.constant 0 : i32
    %dma_start3A_2 = arith.constant 0 : i32
    %dma_start3A_3 = tpu.memref_slice %arg10[%dma_start3A_1, %dma_start3A_2] : memref<4x128xi32, #tpu.memory_space<vmem>> -> memref<1x128xi32, #tpu.memory_space<vmem>>
    %dma_start3A_4 = tpu.memref_squeeze %dma_start3A_3 : memref<1x128xi32, #tpu.memory_space<vmem>> -> memref<128xi32, #tpu.memory_space<vmem>>
    %dma_start3A_5 = arith.constant 0 : i32
    %dma_start3A_6 = tpu.memref_slice %arg8[%dma_start3A, %dma_start3A_5] : memref<4x128xi32, #tpu.memory_space<vmem>> -> memref<1x128xi32, #tpu.memory_space<vmem>>
    %dma_start3A_7 = tpu.memref_squeeze %dma_start3A_6 : memref<1x128xi32, #tpu.memory_space<vmem>> -> memref<128xi32, #tpu.memory_space<vmem>>
    %dma_start3A_8 = arith.constant 0 : i32
    %dma_start3A_9 = tpu.memref_slice %arg4[%dma_start3A_8] : memref<1000000xi32, #tpu.memory_space<hbm>> -> memref<1000000xi32, #tpu.memory_space<hbm>>
    tpu.enqueue_indirect_dma source(%dma_start3A_9 : memref<1000000xi32, #tpu.memory_space<hbm>>) target(%dma_start3A_4 : memref<128xi32, #tpu.memory_space<vmem>>) offsets(%dma_start3A_7 : memref<128xi32, #tpu.memory_space<vmem>>) semaphore(%arg14 : memref<!tpu.dma_semaphore, #tpu.memory_space<semaphore_mem>>)
    %dma_start3A_10 = arith.constant 1 : i32
    %dma_start3A_11 = arith.constant 1 : i32
    %dma_start3A_12 = arith.constant 0 : i32
    %dma_start3A_13 = tpu.memref_slice %arg10[%dma_start3A_11, %dma_start3A_12] : memref<4x128xi32, #tpu.memory_space<vmem>> -> memref<1x128xi32, #tpu.memory_space<vmem>>
    %dma_start3A_14 = tpu.memref_squeeze %dma_start3A_13 : memref<1x128xi32, #tpu.memory_space<vmem>> -> memref<128xi32, #tpu.memory_space<vmem>>
    %dma_start3A_15 = arith.constant 0 : i32
    %dma_start3A_16 = tpu.memref_slice %arg8[%dma_start3A_10, %dma_start3A_15] : memref<4x128xi32, #tpu.memory_space<vmem>> -> memref<1x128xi32, #tpu.memory_space<vmem>>
    %dma_start3A_17 = tpu.memref_squeeze %dma_start3A_16 : memref<1x128xi32, #tpu.memory_space<vmem>> -> memref<128xi32, #tpu.memory_space<vmem>>
    %dma_start3A_18 = arith.constant 0 : i32
    %dma_start3A_19 = tpu.memref_slice %arg4[%dma_start3A_18] : memref<1000000xi32, #tpu.memory_space<hbm>> -> memref<1000000xi32, #tpu.memory_space<hbm>>
    tpu.enqueue_indirect_dma source(%dma_start3A_19 : memref<1000000xi32, #tpu.memory_space<hbm>>) target(%dma_start3A_14 : memref<128xi32, #tpu.memory_space<vmem>>) offsets(%dma_start3A_17 : memref<128xi32, #tpu.memory_space<vmem>>) semaphore(%arg14 : memref<!tpu.dma_semaphore, #tpu.memory_space<semaphore_mem>>)
    %dma_start3A_20 = arith.constant 2 : i32
    %dma_start3A_21 = arith.constant 2 : i32
    %dma_start3A_22 = arith.constant 0 : i32
    %dma_start3A_23 = tpu.memref_slice %arg10[%dma_start3A_21, %dma_start3A_22] : memref<4x128xi32, #tpu.memory_space<vmem>> -> memref<1x128xi32, #tpu.memory_space<vmem>>
    %dma_start3A_24 = tpu.memref_squeeze %dma_start3A_23 : memref<1x128xi32, #tpu.memory_space<vmem>> -> memref<128xi32, #tpu.memory_space<vmem>>
    %dma_start3A_25 = arith.constant 0 : i32
    %dma_start3A_26 = tpu.memref_slice %arg8[%dma_start3A_20, %dma_start3A_25] : memref<4x128xi32, #tpu.memory_space<vmem>> -> memref<1x128xi32, #tpu.memory_space<vmem>>
    %dma_start3A_27 = tpu.memref_squeeze %dma_start3A_26 : memref<1x128xi32, #tpu.memory_space<vmem>> -> memref<128xi32, #tpu.memory_space<vmem>>
    %dma_start3A_28 = arith.constant 0 : i32
    %dma_start3A_29 = tpu.memref_slice %arg4[%dma_start3A_28] : memref<1000000xi32, #tpu.memory_space<hbm>> -> memref<1000000xi32, #tpu.memory_space<hbm>>
    tpu.enqueue_indirect_dma source(%dma_start3A_29 : memref<1000000xi32, #tpu.memory_space<hbm>>) target(%dma_start3A_24 : memref<128xi32, #tpu.memory_space<vmem>>) offsets(%dma_start3A_27 : memref<128xi32, #tpu.memory_space<vmem>>) semaphore(%arg14 : memref<!tpu.dma_semaphore, #tpu.memory_space<semaphore_mem>>)
    %dma_start3A_30 = arith.constant 3 : i32
    %dma_start3A_31 = arith.constant 3 : i32
    %dma_start3A_32 = arith.constant 0 : i32
    %dma_start3A_33 = tpu.memref_slice %arg10[%dma_start3A_31, %dma_start3A_32] : memref<4x128xi32, #tpu.memory_space<vmem>> -> memref<1x128xi32, #tpu.memory_space<vmem>>
    %dma_start3A_34 = tpu.memref_squeeze %dma_start3A_33 : memref<1x128xi32, #tpu.memory_space<vmem>> -> memref<128xi32, #tpu.memory_space<vmem>>
    %dma_start3A_35 = arith.constant 0 : i32
    %dma_start3A_36 = tpu.memref_slice %arg8[%dma_start3A_30, %dma_start3A_35] : memref<4x128xi32, #tpu.memory_space<vmem>> -> memref<1x128xi32, #tpu.memory_space<vmem>>
    %dma_start3A_37 = tpu.memref_squeeze %dma_start3A_36 : memref<1x128xi32, #tpu.memory_space<vmem>> -> memref<128xi32, #tpu.memory_space<vmem>>
    %dma_start3A_38 = arith.constant 0 : i32
    %dma_start3A_39 = tpu.memref_slice %arg4[%dma_start3A_38] : memref<1000000xi32, #tpu.memory_space<hbm>> -> memref<1000000xi32, #tpu.memory_space<hbm>>
    tpu.enqueue_indirect_dma source(%dma_start3A_39 : memref<1000000xi32, #tpu.memory_space<hbm>>) target(%dma_start3A_34 : memref<128xi32, #tpu.memory_space<vmem>>) offsets(%dma_start3A_37 : memref<128xi32, #tpu.memory_space<vmem>>) semaphore(%arg14 : memref<!tpu.dma_semaphore, #tpu.memory_space<semaphore_mem>>)
    "tpu.region"() ({
      %run_scoped3A = tpu.sem_alloc : memref<!tpu.dma_semaphore, #tpu.memory_space<semaphore_mem>>
      %dma_start3A_218 = arith.constant 0 : i32
      %dma_start3A_219 = arith.constant 0 : i32
      %dma_start3A_220 = tpu.memref_slice %arg3[%add3A, %dma_start3A_218, %dma_start3A_219] : memref<32x4x128xi32, #tpu.memory_space<hbm>> -> memref<1x4x128xi32, #tpu.memory_space<hbm>>
      %dma_start3A_221 = tpu.memref_squeeze %dma_start3A_220 : memref<1x4x128xi32, #tpu.memory_space<hbm>> -> memref<4x128xi32, #tpu.memory_space<hbm>>
      %dma_start3A_222 = arith.constant 0 : i32
      %dma_start3A_223 = arith.constant 0 : i32
      %dma_start3A_224 = tpu.memref_slice %arg3[%add3A, %dma_start3A_222, %dma_start3A_223] : memref<32x4x128xi32, #tpu.memory_space<hbm>> -> memref<1x4x128xi32, #tpu.memory_space<hbm>>
      %dma_start3A_225 = tpu.memref_squeeze %dma_start3A_224 : memref<1x4x128xi32, #tpu.memory_space<hbm>> -> memref<4x128xi32, #tpu.memory_space<hbm>>
      tpu.enqueue_dma source(%dma_start3A_225 : memref<4x128xi32, #tpu.memory_space<hbm>>) target(%arg9 : memref<4x128xi32, #tpu.memory_space<vmem>>) target_semaphore(%run_scoped3A : memref<!tpu.dma_semaphore, #tpu.memory_space<semaphore_mem>>)
      %dma_wait3A_226 = arith.constant 0 : i32
      %dma_wait3A_227 = arith.constant 0 : i32
      %dma_wait3A_228 = tpu.memref_slice %arg3[%add3A, %dma_wait3A_226, %dma_wait3A_227] : memref<32x4x128xi32, #tpu.memory_space<hbm>> -> memref<1x4x128xi32, #tpu.memory_space<hbm>>
      %dma_wait3A_229 = tpu.memref_squeeze %dma_wait3A_228 : memref<1x4x128xi32, #tpu.memory_space<hbm>> -> memref<4x128xi32, #tpu.memory_space<hbm>>
      %dma_wait3A_230 = arith.constant 0 : i32
      %dma_wait3A_231 = arith.constant 0 : i32
      %dma_wait3A_232 = tpu.memref_slice %arg3[%add3A, %dma_wait3A_230, %dma_wait3A_231] : memref<32x4x128xi32, #tpu.memory_space<hbm>> -> memref<1x4x128xi32, #tpu.memory_space<hbm>>
      %dma_wait3A_233 = tpu.memref_squeeze %dma_wait3A_232 : memref<1x4x128xi32, #tpu.memory_space<hbm>> -> memref<4x128xi32, #tpu.memory_space<hbm>>
      tpu.wait_dma2 semaphore(%run_scoped3A : memref<!tpu.dma_semaphore, #tpu.memory_space<semaphore_mem>>) src(%dma_wait3A_233 : memref<4x128xi32, #tpu.memory_space<hbm>>) dst(%arg9 : memref<4x128xi32, #tpu.memory_space<vmem>>)
      tpu.yield
    }) : () -> ()
    "tpu.region"() ({
      %run_scoped3A = tpu.sem_alloc : memref<!tpu.dma_semaphore, #tpu.memory_space<semaphore_mem>>
      tpu.enqueue_dma source(%arg6 : memref<6400xf32, #tpu.memory_space<hbm>>) target(%arg11 : memref<6400xf32, #tpu.memory_space<vmem>>) target_semaphore(%run_scoped3A : memref<!tpu.dma_semaphore, #tpu.memory_space<semaphore_mem>>)
      tpu.wait_dma2 semaphore(%run_scoped3A : memref<!tpu.dma_semaphore, #tpu.memory_space<semaphore_mem>>) src(%arg6 : memref<6400xf32, #tpu.memory_space<hbm>>) dst(%arg11 : memref<6400xf32, #tpu.memory_space<vmem>>)
      tpu.yield
    }) : () -> ()
    %dma_wait3A = arith.constant 0 : i32
    %dma_wait3A_40 = arith.constant 0 : i32
    %dma_wait3A_41 = arith.constant 0 : i32
    %dma_wait3A_42 = tpu.memref_slice %arg10[%dma_wait3A_40, %dma_wait3A_41] : memref<4x128xi32, #tpu.memory_space<vmem>> -> memref<1x128xi32, #tpu.memory_space<vmem>>
    %dma_wait3A_43 = tpu.memref_squeeze %dma_wait3A_42 : memref<1x128xi32, #tpu.memory_space<vmem>> -> memref<128xi32, #tpu.memory_space<vmem>>
    %dma_wait3A_44 = arith.constant 0 : i32
    %dma_wait3A_45 = tpu.memref_slice %arg8[%dma_wait3A, %dma_wait3A_44] : memref<4x128xi32, #tpu.memory_space<vmem>> -> memref<1x128xi32, #tpu.memory_space<vmem>>
    %dma_wait3A_46 = tpu.memref_squeeze %dma_wait3A_45 : memref<1x128xi32, #tpu.memory_space<vmem>> -> memref<128xi32, #tpu.memory_space<vmem>>
    %dma_wait3A_47 = arith.constant 0 : i32
    %dma_wait3A_48 = tpu.memref_slice %arg4[%dma_wait3A_47] : memref<1000000xi32, #tpu.memory_space<hbm>> -> memref<1000000xi32, #tpu.memory_space<hbm>>
    tpu.wait_indirect_dma semaphore(%arg14 : memref<!tpu.dma_semaphore, #tpu.memory_space<semaphore_mem>>) src(%dma_wait3A_48 : memref<1000000xi32, #tpu.memory_space<hbm>>) dst(%dma_wait3A_43 : memref<128xi32, #tpu.memory_space<vmem>>)
    %dma_start3A_49 = arith.constant 0 : i32
    %dma_start3A_50 = arith.constant 0 : i32
    %dma_start3A_51 = arith.constant 0 : i32
    %dma_start3A_52 = arith.constant 0 : i32
    %dma_start3A_53 = tpu.memref_slice %arg12[%dma_start3A_50, %dma_start3A_51, %dma_start3A_52] : memref<4x128x128xf32, #tpu.memory_space<vmem>> -> memref<1x128x128xf32, #tpu.memory_space<vmem>>
    %dma_start3A_54 = tpu.memref_squeeze %dma_start3A_53 : memref<1x128x128xf32, #tpu.memory_space<vmem>> -> memref<128x128xf32, #tpu.memory_space<vmem>>
    %dma_start3A_55 = arith.constant 0 : i32
    %dma_start3A_56 = tpu.memref_slice %arg10[%dma_start3A_49, %dma_start3A_55] : memref<4x128xi32, #tpu.memory_space<vmem>> -> memref<1x128xi32, #tpu.memory_space<vmem>>
    %dma_start3A_57 = tpu.memref_squeeze %dma_start3A_56 : memref<1x128xi32, #tpu.memory_space<vmem>> -> memref<128xi32, #tpu.memory_space<vmem>>
    %dma_start3A_58 = arith.constant 0 : i32
    %dma_start3A_59 = arith.constant 0 : i32
    %dma_start3A_60 = tpu.memref_slice %arg5[%dma_start3A_58, %dma_start3A_59] : memref<1000000x128xf32, #tpu.memory_space<hbm>> -> memref<1000000x128xf32, #tpu.memory_space<hbm>>
    tpu.enqueue_indirect_dma source(%dma_start3A_60 : memref<1000000x128xf32, #tpu.memory_space<hbm>>) target(%dma_start3A_54 : memref<128x128xf32, #tpu.memory_space<vmem>>) offsets(%dma_start3A_57 : memref<128xi32, #tpu.memory_space<vmem>>) semaphore(%arg15 : memref<!tpu.dma_semaphore, #tpu.memory_space<semaphore_mem>>)
    %dma_wait3A_61 = arith.constant 1 : i32
    %dma_wait3A_62 = arith.constant 1 : i32
    %dma_wait3A_63 = arith.constant 0 : i32
    %dma_wait3A_64 = tpu.memref_slice %arg10[%dma_wait3A_62, %dma_wait3A_63] : memref<4x128xi32, #tpu.memory_space<vmem>> -> memref<1x128xi32, #tpu.memory_space<vmem>>
    %dma_wait3A_65 = tpu.memref_squeeze %dma_wait3A_64 : memref<1x128xi32, #tpu.memory_space<vmem>> -> memref<128xi32, #tpu.memory_space<vmem>>
    %dma_wait3A_66 = arith.constant 0 : i32
    %dma_wait3A_67 = tpu.memref_slice %arg8[%dma_wait3A_61, %dma_wait3A_66] : memref<4x128xi32, #tpu.memory_space<vmem>> -> memref<1x128xi32, #tpu.memory_space<vmem>>
    %dma_wait3A_68 = tpu.memref_squeeze %dma_wait3A_67 : memref<1x128xi32, #tpu.memory_space<vmem>> -> memref<128xi32, #tpu.memory_space<vmem>>
    %dma_wait3A_69 = arith.constant 0 : i32
    %dma_wait3A_70 = tpu.memref_slice %arg4[%dma_wait3A_69] : memref<1000000xi32, #tpu.memory_space<hbm>> -> memref<1000000xi32, #tpu.memory_space<hbm>>
    tpu.wait_indirect_dma semaphore(%arg14 : memref<!tpu.dma_semaphore, #tpu.memory_space<semaphore_mem>>) src(%dma_wait3A_70 : memref<1000000xi32, #tpu.memory_space<hbm>>) dst(%dma_wait3A_65 : memref<128xi32, #tpu.memory_space<vmem>>)
    %dma_start3A_71 = arith.constant 1 : i32
    %dma_start3A_72 = arith.constant 1 : i32
    %dma_start3A_73 = arith.constant 0 : i32
    %dma_start3A_74 = arith.constant 0 : i32
    %dma_start3A_75 = tpu.memref_slice %arg12[%dma_start3A_72, %dma_start3A_73, %dma_start3A_74] : memref<4x128x128xf32, #tpu.memory_space<vmem>> -> memref<1x128x128xf32, #tpu.memory_space<vmem>>
    %dma_start3A_76 = tpu.memref_squeeze %dma_start3A_75 : memref<1x128x128xf32, #tpu.memory_space<vmem>> -> memref<128x128xf32, #tpu.memory_space<vmem>>
    %dma_start3A_77 = arith.constant 0 : i32
    %dma_start3A_78 = tpu.memref_slice %arg10[%dma_start3A_71, %dma_start3A_77] : memref<4x128xi32, #tpu.memory_space<vmem>> -> memref<1x128xi32, #tpu.memory_space<vmem>>
    %dma_start3A_79 = tpu.memref_squeeze %dma_start3A_78 : memref<1x128xi32, #tpu.memory_space<vmem>> -> memref<128xi32, #tpu.memory_space<vmem>>
    %dma_start3A_80 = arith.constant 0 : i32
    %dma_start3A_81 = arith.constant 0 : i32
    %dma_start3A_82 = tpu.memref_slice %arg5[%dma_start3A_80, %dma_start3A_81] : memref<1000000x128xf32, #tpu.memory_space<hbm>> -> memref<1000000x128xf32, #tpu.memory_space<hbm>>
    tpu.enqueue_indirect_dma source(%dma_start3A_82 : memref<1000000x128xf32, #tpu.memory_space<hbm>>) target(%dma_start3A_76 : memref<128x128xf32, #tpu.memory_space<vmem>>) offsets(%dma_start3A_79 : memref<128xi32, #tpu.memory_space<vmem>>) semaphore(%arg15 : memref<!tpu.dma_semaphore, #tpu.memory_space<semaphore_mem>>)
    %dma_wait3A_83 = arith.constant 2 : i32
    %dma_wait3A_84 = arith.constant 2 : i32
    %dma_wait3A_85 = arith.constant 0 : i32
    %dma_wait3A_86 = tpu.memref_slice %arg10[%dma_wait3A_84, %dma_wait3A_85] : memref<4x128xi32, #tpu.memory_space<vmem>> -> memref<1x128xi32, #tpu.memory_space<vmem>>
    %dma_wait3A_87 = tpu.memref_squeeze %dma_wait3A_86 : memref<1x128xi32, #tpu.memory_space<vmem>> -> memref<128xi32, #tpu.memory_space<vmem>>
    %dma_wait3A_88 = arith.constant 0 : i32
    %dma_wait3A_89 = tpu.memref_slice %arg8[%dma_wait3A_83, %dma_wait3A_88] : memref<4x128xi32, #tpu.memory_space<vmem>> -> memref<1x128xi32, #tpu.memory_space<vmem>>
    %dma_wait3A_90 = tpu.memref_squeeze %dma_wait3A_89 : memref<1x128xi32, #tpu.memory_space<vmem>> -> memref<128xi32, #tpu.memory_space<vmem>>
    %dma_wait3A_91 = arith.constant 0 : i32
    %dma_wait3A_92 = tpu.memref_slice %arg4[%dma_wait3A_91] : memref<1000000xi32, #tpu.memory_space<hbm>> -> memref<1000000xi32, #tpu.memory_space<hbm>>
    tpu.wait_indirect_dma semaphore(%arg14 : memref<!tpu.dma_semaphore, #tpu.memory_space<semaphore_mem>>) src(%dma_wait3A_92 : memref<1000000xi32, #tpu.memory_space<hbm>>) dst(%dma_wait3A_87 : memref<128xi32, #tpu.memory_space<vmem>>)
    %dma_start3A_93 = arith.constant 2 : i32
    %dma_start3A_94 = arith.constant 2 : i32
    %dma_start3A_95 = arith.constant 0 : i32
    %dma_start3A_96 = arith.constant 0 : i32
    %dma_start3A_97 = tpu.memref_slice %arg12[%dma_start3A_94, %dma_start3A_95, %dma_start3A_96] : memref<4x128x128xf32, #tpu.memory_space<vmem>> -> memref<1x128x128xf32, #tpu.memory_space<vmem>>
    %dma_start3A_98 = tpu.memref_squeeze %dma_start3A_97 : memref<1x128x128xf32, #tpu.memory_space<vmem>> -> memref<128x128xf32, #tpu.memory_space<vmem>>
    %dma_start3A_99 = arith.constant 0 : i32
    %dma_start3A_100 = tpu.memref_slice %arg10[%dma_start3A_93, %dma_start3A_99] : memref<4x128xi32, #tpu.memory_space<vmem>> -> memref<1x128xi32, #tpu.memory_space<vmem>>
    %dma_start3A_101 = tpu.memref_squeeze %dma_start3A_100 : memref<1x128xi32, #tpu.memory_space<vmem>> -> memref<128xi32, #tpu.memory_space<vmem>>
    %dma_start3A_102 = arith.constant 0 : i32
    %dma_start3A_103 = arith.constant 0 : i32
    %dma_start3A_104 = tpu.memref_slice %arg5[%dma_start3A_102, %dma_start3A_103] : memref<1000000x128xf32, #tpu.memory_space<hbm>> -> memref<1000000x128xf32, #tpu.memory_space<hbm>>
    tpu.enqueue_indirect_dma source(%dma_start3A_104 : memref<1000000x128xf32, #tpu.memory_space<hbm>>) target(%dma_start3A_98 : memref<128x128xf32, #tpu.memory_space<vmem>>) offsets(%dma_start3A_101 : memref<128xi32, #tpu.memory_space<vmem>>) semaphore(%arg15 : memref<!tpu.dma_semaphore, #tpu.memory_space<semaphore_mem>>)
    %dma_wait3A_105 = arith.constant 3 : i32
    %dma_wait3A_106 = arith.constant 3 : i32
    %dma_wait3A_107 = arith.constant 0 : i32
    %dma_wait3A_108 = tpu.memref_slice %arg10[%dma_wait3A_106, %dma_wait3A_107] : memref<4x128xi32, #tpu.memory_space<vmem>> -> memref<1x128xi32, #tpu.memory_space<vmem>>
    %dma_wait3A_109 = tpu.memref_squeeze %dma_wait3A_108 : memref<1x128xi32, #tpu.memory_space<vmem>> -> memref<128xi32, #tpu.memory_space<vmem>>
    %dma_wait3A_110 = arith.constant 0 : i32
    %dma_wait3A_111 = tpu.memref_slice %arg8[%dma_wait3A_105, %dma_wait3A_110] : memref<4x128xi32, #tpu.memory_space<vmem>> -> memref<1x128xi32, #tpu.memory_space<vmem>>
    %dma_wait3A_112 = tpu.memref_squeeze %dma_wait3A_111 : memref<1x128xi32, #tpu.memory_space<vmem>> -> memref<128xi32, #tpu.memory_space<vmem>>
    %dma_wait3A_113 = arith.constant 0 : i32
    %dma_wait3A_114 = tpu.memref_slice %arg4[%dma_wait3A_113] : memref<1000000xi32, #tpu.memory_space<hbm>> -> memref<1000000xi32, #tpu.memory_space<hbm>>
    tpu.wait_indirect_dma semaphore(%arg14 : memref<!tpu.dma_semaphore, #tpu.memory_space<semaphore_mem>>) src(%dma_wait3A_114 : memref<1000000xi32, #tpu.memory_space<hbm>>) dst(%dma_wait3A_109 : memref<128xi32, #tpu.memory_space<vmem>>)
    %dma_start3A_115 = arith.constant 3 : i32
    %dma_start3A_116 = arith.constant 3 : i32
    %dma_start3A_117 = arith.constant 0 : i32
    %dma_start3A_118 = arith.constant 0 : i32
    %dma_start3A_119 = tpu.memref_slice %arg12[%dma_start3A_116, %dma_start3A_117, %dma_start3A_118] : memref<4x128x128xf32, #tpu.memory_space<vmem>> -> memref<1x128x128xf32, #tpu.memory_space<vmem>>
    %dma_start3A_120 = tpu.memref_squeeze %dma_start3A_119 : memref<1x128x128xf32, #tpu.memory_space<vmem>> -> memref<128x128xf32, #tpu.memory_space<vmem>>
    %dma_start3A_121 = arith.constant 0 : i32
    %dma_start3A_122 = tpu.memref_slice %arg10[%dma_start3A_115, %dma_start3A_121] : memref<4x128xi32, #tpu.memory_space<vmem>> -> memref<1x128xi32, #tpu.memory_space<vmem>>
    %dma_start3A_123 = tpu.memref_squeeze %dma_start3A_122 : memref<1x128xi32, #tpu.memory_space<vmem>> -> memref<128xi32, #tpu.memory_space<vmem>>
    %dma_start3A_124 = arith.constant 0 : i32
    %dma_start3A_125 = arith.constant 0 : i32
    %dma_start3A_126 = tpu.memref_slice %arg5[%dma_start3A_124, %dma_start3A_125] : memref<1000000x128xf32, #tpu.memory_space<hbm>> -> memref<1000000x128xf32, #tpu.memory_space<hbm>>
    tpu.enqueue_indirect_dma source(%dma_start3A_126 : memref<1000000x128xf32, #tpu.memory_space<hbm>>) target(%dma_start3A_120 : memref<128x128xf32, #tpu.memory_space<vmem>>) offsets(%dma_start3A_123 : memref<128xi32, #tpu.memory_space<vmem>>) semaphore(%arg15 : memref<!tpu.dma_semaphore, #tpu.memory_space<semaphore_mem>>)
    %dma_wait3A_127 = arith.constant 0 : i32
    %dma_wait3A_128 = arith.constant 0 : i32
    %dma_wait3A_129 = arith.constant 0 : i32
    %dma_wait3A_130 = arith.constant 0 : i32
    %dma_wait3A_131 = tpu.memref_slice %arg12[%dma_wait3A_128, %dma_wait3A_129, %dma_wait3A_130] : memref<4x128x128xf32, #tpu.memory_space<vmem>> -> memref<1x128x128xf32, #tpu.memory_space<vmem>>
    %dma_wait3A_132 = tpu.memref_squeeze %dma_wait3A_131 : memref<1x128x128xf32, #tpu.memory_space<vmem>> -> memref<128x128xf32, #tpu.memory_space<vmem>>
    %dma_wait3A_133 = arith.constant 0 : i32
    %dma_wait3A_134 = tpu.memref_slice %arg10[%dma_wait3A_127, %dma_wait3A_133] : memref<4x128xi32, #tpu.memory_space<vmem>> -> memref<1x128xi32, #tpu.memory_space<vmem>>
    %dma_wait3A_135 = tpu.memref_squeeze %dma_wait3A_134 : memref<1x128xi32, #tpu.memory_space<vmem>> -> memref<128xi32, #tpu.memory_space<vmem>>
    %dma_wait3A_136 = arith.constant 0 : i32
    %dma_wait3A_137 = arith.constant 0 : i32
    %dma_wait3A_138 = tpu.memref_slice %arg5[%dma_wait3A_136, %dma_wait3A_137] : memref<1000000x128xf32, #tpu.memory_space<hbm>> -> memref<1000000x128xf32, #tpu.memory_space<hbm>>
    tpu.wait_indirect_dma semaphore(%arg15 : memref<!tpu.dma_semaphore, #tpu.memory_space<semaphore_mem>>) src(%dma_wait3A_138 : memref<1000000x128xf32, #tpu.memory_space<hbm>>) dst(%dma_wait3A_132 : memref<128x128xf32, #tpu.memory_space<vmem>>)
    %scan3A = arith.constant 0 : i32
    %scan3A_139 = arith.constant 0 : i32
    %scan3A_140 = arith.constant 8 : i32
    %scan3A_141 = arith.addi %scan3A_139, %scan3A_140 : i32
    %scan3A_142 = arith.constant 1 : i32
    %scan3A_143 = scf.for %scan3A_218 = %scan3A_139 to %scan3A_141 step %scan3A_142 iter_args(%scan3A_219 = %scan3A) -> (i32)  : i32 {
      %mul3A_220 = arith.constant 16 : i32
      %mul3A_221 = arith.muli %scan3A_218, %mul3A_220 : i32
      %get3A = arith.constant 0 : i32
      %get3A_222 = arith.constant 0 : i32
      %get3A_223 = tpu.memref_slice %arg9[%get3A, %get3A_222] : memref<4x128xi32, #tpu.memory_space<vmem>> -> memref<1x128xi32, #tpu.memory_space<vmem>>
      %get3A_224 = tpu.memref_squeeze %get3A_223 : memref<1x128xi32, #tpu.memory_space<vmem>> -> memref<128xi32, #tpu.memory_space<vmem>>
      %get3A_225 = arith.index_cast %mul3A_221 : i32 to index
      %get3A_226 = tpu.vector_load %get3A_224[%get3A_225] {strides = array<i32>} : memref<128xi32, #tpu.memory_space<vmem>>, vector<16xi32>,
      %mul3A_227 = arith.constant 32 : i32
      %mul3A_228 = vector.broadcast %mul3A_227 : i32 to vector<16xi32>
      %mul3A_229 = arith.muli %get3A_226, %mul3A_228 : vector<16xi32>
      %mul3A_230 = arith.constant 16 : i32
      %mul3A_231 = arith.muli %scan3A_218, %mul3A_230 : i32
      %add3A_232 = vector.broadcast %mul3A_231 : i32 to vector<16xi32>
      %add3A_233 = arith.addi %add3A_232, %iota3A : vector<16xi32>
      %broadcast_in_dim3A = arith.constant 0 : i32
      %broadcast_in_dim3A_234 = vector.broadcast %broadcast_in_dim3A : i32 to vector<16xi32>
      %gather3A = arith.constant 0 : i32
      %gather3A_235 = arith.constant 0 : i32
      %gather3A_236 = arith.constant 0 : i32
      %gather3A_237 = tpu.memref_slice %arg12[%gather3A, %gather3A_235, %gather3A_236] : memref<4x128x128xf32, #tpu.memory_space<vmem>> -> memref<1x128x128xf32, #tpu.memory_space<vmem>>
      %gather3A_238 = tpu.memref_squeeze %gather3A_237 : memref<1x128x128xf32, #tpu.memory_space<vmem>> -> memref<128x128xf32, #tpu.memory_space<vmem>>
      %gather3A_239 = tpu.vector_load_idx %gather3A_238[%add3A_233, %broadcast_in_dim3A_234] : memref<128x128xf32, #tpu.memory_space<vmem>>[vector<16xi32>, vector<16xi32>], vector<16xf32>,
      %swap3A = arith.constant 0 : i32
      %swap3A_240 = arith.constant 0 : i32
      %swap3A_241 = tpu.memref_slice %arg13[%swap3A, %swap3A_240] : memref<64x128xf32, #tpu.memory_space<vmem>> -> memref<1x128xf32, #tpu.memory_space<vmem>>
      %swap3A_242 = tpu.memref_squeeze %swap3A_241 : memref<1x128xf32, #tpu.memory_space<vmem>> -> memref<128xf32, #tpu.memory_space<vmem>>
      %swap3A_243 = arith.index_cast %mul3A_221 : i32 to index
      %swap3A_244 = tpu.vector_load %swap3A_242[%swap3A_243] {strides = array<i32>} : memref<128xf32, #tpu.memory_space<vmem>>, vector<16xf32>,
      tpu.vector_store %swap3A_242[%swap3A_243], %gather3A_239 {strides = array<i32>} : memref<128xf32, #tpu.memory_space<vmem>>, vector<16xf32>,
      %add3A_245 = arith.constant 0 : i32
      %add3A_246 = vector.broadcast %add3A_245 : i32 to vector<16xi32>
      %add3A_247 = arith.addi %mul3A_229, %add3A_246 : vector<16xi32>
      %gather3A_248 = tpu.vector_load_idx %arg11[%add3A_247] : memref<6400xf32, #tpu.memory_space<vmem>>[vector<16xi32>], vector<16xf32>,
      %swap3A_249 = arith.constant 32 : i32
      %swap3A_250 = arith.constant 0 : i32
      %swap3A_251 = tpu.memref_slice %arg13[%swap3A_249, %swap3A_250] : memref<64x128xf32, #tpu.memory_space<vmem>> -> memref<1x128xf32, #tpu.memory_space<vmem>>
      %swap3A_252 = tpu.memref_squeeze %swap3A_251 : memref<1x128xf32, #tpu.memory_space<vmem>> -> memref<128xf32, #tpu.memory_space<vmem>>
      %swap3A_253 = arith.index_cast %mul3A_221 : i32 to index
      %swap3A_254 = tpu.vector_load %swap3A_252[%swap3A_253] {strides = array<i32>} : memref<128xf32, #tpu.memory_space<vmem>>, vector<16xf32>,
      tpu.vector_store %swap3A_252[%swap3A_253], %gather3A_248 {strides = array<i32>} : memref<128xf32, #tpu.memory_space<vmem>>, vector<16xf32>,
      %broadcast_in_dim3A_255 = arith.constant 1 : i32
      %broadcast_in_dim3A_256 = vector.broadcast %broadcast_in_dim3A_255 : i32 to vector<16xi32>
      %gather3A_257 = arith.constant 0 : i32
      %gather3A_258 = arith.constant 0 : i32
      %gather3A_259 = arith.constant 0 : i32
      %gather3A_260 = tpu.memref_slice %arg12[%gather3A_257, %gather3A_258, %gather3A_259] : memref<4x128x128xf32, #tpu.memory_space<vmem>> -> memref<1x128x128xf32, #tpu.memory_space<vmem>>
      %gather3A_261 = tpu.memref_squeeze %gather3A_260 : memref<1x128x128xf32, #tpu.memory_space<vmem>> -> memref<128x128xf32, #tpu.memory_space<vmem>>
      %gather3A_262 = tpu.vector_load_idx %gather3A_261[%add3A_233, %broadcast_in_dim3A_256] : memref<128x128xf32, #tpu.memory_space<vmem>>[vector<16xi32>, vector<16xi32>], vector<16xf32>,
      %swap3A_263 = arith.constant 1 : i32
      %swap3A_264 = arith.constant 0 : i32
      %swap3A_265 = tpu.memref_slice %arg13[%swap3A_263, %swap3A_264] : memref<64x128xf32, #tpu.memory_space<vmem>> -> memref<1x128xf32, #tpu.memory_space<vmem>>
      %swap3A_266 = tpu.memref_squeeze %swap3A_265 : memref<1x128xf32, #tpu.memory_space<vmem>> -> memref<128xf32, #tpu.memory_space<vmem>>
      %swap3A_267 = arith.index_cast %mul3A_221 : i32 to index
      %swap3A_268 = tpu.vector_load %swap3A_266[%swap3A_267] {strides = array<i32>} : memref<128xf32, #tpu.memory_space<vmem>>, vector<16xf32>,
      tpu.vector_store %swap3A_266[%swap3A_267], %gather3A_262 {strides = array<i32>} : memref<128xf32, #tpu.memory_space<vmem>>, vector<16xf32>,
      %add3A_269 = arith.constant 1 : i32
      %add3A_270 = vector.broadcast %add3A_269 : i32 to vector<16xi32>
      %add3A_271 = arith.addi %mul3A_229, %add3A_270 : vector<16xi32>
      %gather3A_272 = tpu.vector_load_idx %arg11[%add3A_271] : memref<6400xf32, #tpu.memory_space<vmem>>[vector<16xi32>], vector<16xf32>,
      %swap3A_273 = arith.constant 33 : i32
      %swap3A_274 = arith.constant 0 : i32
      %swap3A_275 = tpu.memref_slice %arg13[%swap3A_273, %swap3A_274] : memref<64x128xf32, #tpu.memory_space<vmem>> -> memref<1x128xf32, #tpu.memory_space<vmem>>
      %swap3A_276 = tpu.memref_squeeze %swap3A_275 : memref<1x128xf32, #tpu.memory_space<vmem>> -> memref<128xf32, #tpu.memory_space<vmem>>
      %swap3A_277 = arith.index_cast %mul3A_221 : i32 to index
      %swap3A_278 = tpu.vector_load %swap3A_276[%swap3A_277] {strides = array<i32>} : memref<128xf32, #tpu.memory_space<vmem>>, vector<16xf32>,
      tpu.vector_store %swap3A_276[%swap3A_277], %gather3A_272 {strides = array<i32>} : memref<128xf32, #tpu.memory_space<vmem>>, vector<16xf32>,
      %broadcast_in_dim3A_279 = arith.constant 2 : i32
      %broadcast_in_dim3A_280 = vector.broadcast %broadcast_in_dim3A_279 : i32 to vector<16xi32>
      %gather3A_281 = arith.constant 0 : i32
      %gather3A_282 = arith.constant 0 : i32
      %gather3A_283 = arith.constant 0 : i32
      %gather3A_284 = tpu.memref_slice %arg12[%gather3A_281, %gather3A_282, %gather3A_283] : memref<4x128x128xf32, #tpu.memory_space<vmem>> -> memref<1x128x128xf32, #tpu.memory_space<vmem>>
      %gather3A_285 = tpu.memref_squeeze %gather3A_284 : memref<1x128x128xf32, #tpu.memory_space<vmem>> -> memref<128x128xf32, #tpu.memory_space<vmem>>
      %gather3A_286 = tpu.vector_load_idx %gather3A_285[%add3A_233, %broadcast_in_dim3A_280] : memref<128x128xf32, #tpu.memory_space<vmem>>[vector<16xi32>, vector<16xi32>], vector<16xf32>,
      %swap3A_287 = arith.constant 2 : i32
      %swap3A_288 = arith.constant 0 : i32
      %swap3A_289 = tpu.memref_slice %arg13[%swap3A_287, %swap3A_288] : memref<64x128xf32, #tpu.memory_space<vmem>> -> memref<1x128xf32, #tpu.memory_space<vmem>>
      %swap3A_290 = tpu.memref_squeeze %swap3A_289 : memref<1x128xf32, #tpu.memory_space<vmem>> -> memref<128xf32, #tpu.memory_space<vmem>>
      %swap3A_291 = arith.index_cast %mul3A_221 : i32 to index
      %swap3A_292 = tpu.vector_load %swap3A_290[%swap3A_291] {strides = array<i32>} : memref<128xf32, #tpu.memory_space<vmem>>, vector<16xf32>,
      tpu.vector_store %swap3A_290[%swap3A_291], %gather3A_286 {strides = array<i32>} : memref<128xf32, #tpu.memory_space<vmem>>, vector<16xf32>,
      %add3A_293 = arith.constant 2 : i32
      %add3A_294 = vector.broadcast %add3A_293 : i32 to vector<16xi32>
      %add3A_295 = arith.addi %mul3A_229, %add3A_294 : vector<16xi32>
      %gather3A_296 = tpu.vector_load_idx %arg11[%add3A_295] : memref<6400xf32, #tpu.memory_space<vmem>>[vector<16xi32>], vector<16xf32>,
      %swap3A_297 = arith.constant 34 : i32
      %swap3A_298 = arith.constant 0 : i32
      %swap3A_299 = tpu.memref_slice %arg13[%swap3A_297, %swap3A_298] : memref<64x128xf32, #tpu.memory_space<vmem>> -> memref<1x128xf32, #tpu.memory_space<vmem>>
      %swap3A_300 = tpu.memref_squeeze %swap3A_299 : memref<1x128xf32, #tpu.memory_space<vmem>> -> memref<128xf32, #tpu.memory_space<vmem>>
      %swap3A_301 = arith.index_cast %mul3A_221 : i32 to index
      %swap3A_302 = tpu.vector_load %swap3A_300[%swap3A_301] {strides = array<i32>} : memref<128xf32, #tpu.memory_space<vmem>>, vector<16xf32>,
      tpu.vector_store %swap3A_300[%swap3A_301], %gather3A_296 {strides = array<i32>} : memref<128xf32, #tpu.memory_space<vmem>>, vector<16xf32>,
      %broadcast_in_dim3A_303 = arith.constant 3 : i32
      %broadcast_in_dim3A_304 = vector.broadcast %broadcast_in_dim3A_303 : i32 to vector<16xi32>
      %gather3A_305 = arith.constant 0 : i32
      %gather3A_306 = arith.constant 0 : i32
      %gather3A_307 = arith.constant 0 : i32
      %gather3A_308 = tpu.memref_slice %arg12[%gather3A_305, %gather3A_306, %gather3A_307] : memref<4x128x128xf32, #tpu.memory_space<vmem>> -> memref<1x128x128xf32, #tpu.memory_space<vmem>>
      %gather3A_309 = tpu.memref_squeeze %gather3A_308 : memref<1x128x128xf32, #tpu.memory_space<vmem>> -> memref<128x128xf32, #tpu.memory_space<vmem>>
      %gather3A_310 = tpu.vector_load_idx %gather3A_309[%add3A_233, %broadcast_in_dim3A_304] : memref<128x128xf32, #tpu.memory_space<vmem>>[vector<16xi32>, vector<16xi32>], vector<16xf32>,
      %swap3A_311 = arith.constant 3 : i32
      %swap3A_312 = arith.constant 0 : i32
      %swap3A_313 = tpu.memref_slice %arg13[%swap3A_311, %swap3A_312] : memref<64x128xf32, #tpu.memory_space<vmem>> -> memref<1x128xf32, #tpu.memory_space<vmem>>
      %swap3A_314 = tpu.memref_squeeze %swap3A_313 : memref<1x128xf32, #tpu.memory_space<vmem>> -> memref<128xf32, #tpu.memory_space<vmem>>
      %swap3A_315 = arith.index_cast %mul3A_221 : i32 to index
      %swap3A_316 = tpu.vector_load %swap3A_314[%swap3A_315] {strides = array<i32>} : memref<128xf32, #tpu.memory_space<vmem>>, vector<16xf32>,
      tpu.vector_store %swap3A_314[%swap3A_315], %gather3A_310 {strides = array<i32>} : memref<128xf32, #tpu.memory_space<vmem>>, vector<16xf32>,
      %add3A_317 = arith.constant 3 : i32
      %add3A_318 = vector.broadcast %add3A_317 : i32 to vector<16xi32>
      %add3A_319 = arith.addi %mul3A_229, %add3A_318 : vector<16xi32>
      %gather3A_320 = tpu.vector_load_idx %arg11[%add3A_319] : memref<6400xf32, #tpu.memory_space<vmem>>[vector<16xi32>], vector<16xf32>,
      %swap3A_321 = arith.constant 35 : i32
      %swap3A_322 = arith.constant 0 : i32
      %swap3A_323 = tpu.memref_slice %arg13[%swap3A_321, %swap3A_322] : memref<64x128xf32, #tpu.memory_space<vmem>> -> memref<1x128xf32, #tpu.memory_space<vmem>>
      %swap3A_324 = tpu.memref_squeeze %swap3A_323 : memref<1x128xf32, #tpu.memory_space<vmem>> -> memref<128xf32, #tpu.memory_space<vmem>>
      %swap3A_325 = arith.index_cast %mul3A_221 : i32 to index
      %swap3A_326 = tpu.vector_load %swap3A_324[%swap3A_325] {strides = array<i32>} : memref<128xf32, #tpu.memory_space<vmem>>, vector<16xf32>,
      tpu.vector_store %swap3A_324[%swap3A_325], %gather3A_320 {strides = array<i32>} : memref<128xf32, #tpu.memory_space<vmem>>, vector<16xf32>,
      %broadcast_in_dim3A_327 = arith.constant 4 : i32
      %broadcast_in_dim3A_328 = vector.broadcast %broadcast_in_dim3A_327 : i32 to vector<16xi32>
      %gather3A_329 = arith.constant 0 : i32
      %gather3A_330 = arith.constant 0 : i32
      %gather3A_331 = arith.constant 0 : i32
      %gather3A_332 = tpu.memref_slice %arg12[%gather3A_329, %gather3A_330, %gather3A_331] : memref<4x128x128xf32, #tpu.memory_space<vmem>> -> memref<1x128x128xf32, #tpu.memory_space<vmem>>
      %gather3A_333 = tpu.memref_squeeze %gather3A_332 : memref<1x128x128xf32, #tpu.memory_space<vmem>> -> memref<128x128xf32, #tpu.memory_space<vmem>>
      %gather3A_334 = tpu.vector_load_idx %gather3A_333[%add3A_233, %broadcast_in_dim3A_328] : memref<128x128xf32, #tpu.memory_space<vmem>>[vector<16xi32>, vector<16xi32>], vector<16xf32>,
      %swap3A_335 = arith.constant 4 : i32
      %swap3A_336 = arith.constant 0 : i32
      %swap3A_337 = tpu.memref_slice %arg13[%swap3A_335, %swap3A_336] : memref<64x128xf32, #tpu.memory_space<vmem>> -> memref<1x128xf32, #tpu.memory_space<vmem>>
      %swap3A_338 = tpu.memref_squeeze %swap3A_337 : memref<1x128xf32, #tpu.memory_space<vmem>> -> memref<128xf32, #tpu.memory_space<vmem>>
      %swap3A_339 = arith.index_cast %mul3A_221 : i32 to index
      %swap3A_340 = tpu.vector_load %swap3A_338[%swap3A_339] {strides = array<i32>} : memref<128xf32, #tpu.memory_space<vmem>>, vector<16xf32>,
      tpu.vector_store %swap3A_338[%swap3A_339], %gather3A_334 {strides = array<i32>} : memref<128xf32, #tpu.memory_space<vmem>>, vector<16xf32>,
      %add3A_341 = arith.constant 4 : i32
      %add3A_342 = vector.broadcast %add3A_341 : i32 to vector<16xi32>
      %add3A_343 = arith.addi %mul3A_229, %add3A_342 : vector<16xi32>
      %gather3A_344 = tpu.vector_load_idx %arg11[%add3A_343] : memref<6400xf32, #tpu.memory_space<vmem>>[vector<16xi32>], vector<16xf32>,
      %swap3A_345 = arith.constant 36 : i32
      %swap3A_346 = arith.constant 0 : i32
      %swap3A_347 = tpu.memref_slice %arg13[%swap3A_345, %swap3A_346] : memref<64x128xf32, #tpu.memory_space<vmem>> -> memref<1x128xf32, #tpu.memory_space<vmem>>
      %swap3A_348 = tpu.memref_squeeze %swap3A_347 : memref<1x128xf32, #tpu.memory_space<vmem>> -> memref<128xf32, #tpu.memory_space<vmem>>
      %swap3A_349 = arith.index_cast %mul3A_221 : i32 to index
      %swap3A_350 = tpu.vector_load %swap3A_348[%swap3A_349] {strides = array<i32>} : memref<128xf32, #tpu.memory_space<vmem>>, vector<16xf32>,
      tpu.vector_store %swap3A_348[%swap3A_349], %gather3A_344 {strides = array<i32>} : memref<128xf32, #tpu.memory_space<vmem>>, vector<16xf32>,
      %broadcast_in_dim3A_351 = arith.constant 5 : i32
      %broadcast_in_dim3A_352 = vector.broadcast %broadcast_in_dim3A_351 : i32 to vector<16xi32>
      %gather3A_353 = arith.constant 0 : i32
      %gather3A_354 = arith.constant 0 : i32
      %gather3A_355 = arith.constant 0 : i32
      %gather3A_356 = tpu.memref_slice %arg12[%gather3A_353, %gather3A_354, %gather3A_355] : memref<4x128x128xf32, #tpu.memory_space<vmem>> -> memref<1x128x128xf32, #tpu.memory_space<vmem>>
      %gather3A_357 = tpu.memref_squeeze %gather3A_356 : memref<1x128x128xf32, #tpu.memory_space<vmem>> -> memref<128x128xf32, #tpu.memory_space<vmem>>
      %gather3A_358 = tpu.vector_load_idx %gather3A_357[%add3A_233, %broadcast_in_dim3A_352] : memref<128x128xf32, #tpu.memory_space<vmem>>[vector<16xi32>, vector<16xi32>], vector<16xf32>,
      %swap3A_359 = arith.constant 5 : i32
      %swap3A_360 = arith.constant 0 : i32
      %swap3A_361 = tpu.memref_slice %arg13[%swap3A_359, %swap3A_360] : memref<64x128xf32, #tpu.memory_space<vmem>> -> memref<1x128xf32, #tpu.memory_space<vmem>>
      %swap3A_362 = tpu.memref_squeeze %swap3A_361 : memref<1x128xf32, #tpu.memory_space<vmem>> -> memref<128xf32, #tpu.memory_space<vmem>>
      %swap3A_363 = arith.index_cast %mul3A_221 : i32 to index
      %swap3A_364 = tpu.vector_load %swap3A_362[%swap3A_363] {strides = array<i32>} : memref<128xf32, #tpu.memory_space<vmem>>, vector<16xf32>,
      tpu.vector_store %swap3A_362[%swap3A_363], %gather3A_358 {strides = array<i32>} : memref<128xf32, #tpu.memory_space<vmem>>, vector<16xf32>,
      %add3A_365 = arith.constant 5 : i32
      %add3A_366 = vector.broadcast %add3A_365 : i32 to vector<16xi32>
      %add3A_367 = arith.addi %mul3A_229, %add3A_366 : vector<16xi32>
      %gather3A_368 = tpu.vector_load_idx %arg11[%add3A_367] : memref<6400xf32, #tpu.memory_space<vmem>>[vector<16xi32>], vector<16xf32>,
      %swap3A_369 = arith.constant 37 : i32
      %swap3A_370 = arith.constant 0 : i32
      %swap3A_371 = tpu.memref_slice %arg13[%swap3A_369, %swap3A_370] : memref<64x128xf32, #tpu.memory_space<vmem>> -> memref<1x128xf32, #tpu.memory_space<vmem>>
      %swap3A_372 = tpu.memref_squeeze %swap3A_371 : memref<1x128xf32, #tpu.memory_space<vmem>> -> memref<128xf32, #tpu.memory_space<vmem>>
      %swap3A_373 = arith.index_cast %mul3A_221 : i32 to index
      %swap3A_374 = tpu.vector_load %swap3A_372[%swap3A_373] {strides = array<i32>} : memref<128xf32, #tpu.memory_space<vmem>>, vector<16xf32>,
      tpu.vector_store %swap3A_372[%swap3A_373], %gather3A_368 {strides = array<i32>} : memref<128xf32, #tpu.memory_space<vmem>>, vector<16xf32>,
      %broadcast_in_dim3A_375 = arith.constant 6 : i32
      %broadcast_in_dim3A_376 = vector.broadcast %broadcast_in_dim3A_375 : i32 to vector<16xi32>
      %gather3A_377 = arith.constant 0 : i32
      %gather3A_378 = arith.constant 0 : i32
      %gather3A_379 = arith.constant 0 : i32
      %gather3A_380 = tpu.memref_slice %arg12[%gather3A_377, %gather3A_378, %gather3A_379] : memref<4x128x128xf32, #tpu.memory_space<vmem>> -> memref<1x128x128xf32, #tpu.memory_space<vmem>>
      %gather3A_381 = tpu.memref_squeeze %gather3A_380 : memref<1x128x128xf32, #tpu.memory_space<vmem>> -> memref<128x128xf32, #tpu.memory_space<vmem>>
      %gather3A_382 = tpu.vector_load_idx %gather3A_381[%add3A_233, %broadcast_in_dim3A_376] : memref<128x128xf32, #tpu.memory_space<vmem>>[vector<16xi32>, vector<16xi32>], vector<16xf32>,
      %swap3A_383 = arith.constant 6 : i32
      %swap3A_384 = arith.constant 0 : i32
      %swap3A_385 = tpu.memref_slice %arg13[%swap3A_383, %swap3A_384] : memref<64x128xf32, #tpu.memory_space<vmem>> -> memref<1x128xf32, #tpu.memory_space<vmem>>
      %swap3A_386 = tpu.memref_squeeze %swap3A_385 : memref<1x128xf32, #tpu.memory_space<vmem>> -> memref<128xf32, #tpu.memory_space<vmem>>
      %swap3A_387 = arith.index_cast %mul3A_221 : i32 to index
      %swap3A_388 = tpu.vector_load %swap3A_386[%swap3A_387] {strides = array<i32>} : memref<128xf32, #tpu.memory_space<vmem>>, vector<16xf32>,
      tpu.vector_store %swap3A_386[%swap3A_387], %gather3A_382 {strides = array<i32>} : memref<128xf32, #tpu.memory_space<vmem>>, vector<16xf32>,
      %add3A_389 = arith.constant 6 : i32
      %add3A_390 = vector.broadcast %add3A_389 : i32 to vector<16xi32>
      %add3A_391 = arith.addi %mul3A_229, %add3A_390 : vector<16xi32>
      %gather3A_392 = tpu.vector_load_idx %arg11[%add3A_391] : memref<6400xf32, #tpu.memory_space<vmem>>[vector<16xi32>], vector<16xf32>,
      %swap3A_393 = arith.constant 38 : i32
      %swap3A_394 = arith.constant 0 : i32
      %swap3A_395 = tpu.memref_slice %arg13[%swap3A_393, %swap3A_394] : memref<64x128xf32, #tpu.memory_space<vmem>> -> memref<1x128xf32, #tpu.memory_space<vmem>>
      %swap3A_396 = tpu.memref_squeeze %swap3A_395 : memref<1x128xf32, #tpu.memory_space<vmem>> -> memref<128xf32, #tpu.memory_space<vmem>>
      %swap3A_397 = arith.index_cast %mul3A_221 : i32 to index
      %swap3A_398 = tpu.vector_load %swap3A_396[%swap3A_397] {strides = array<i32>} : memref<128xf32, #tpu.memory_space<vmem>>, vector<16xf32>,
      tpu.vector_store %swap3A_396[%swap3A_397], %gather3A_392 {strides = array<i32>} : memref<128xf32, #tpu.memory_space<vmem>>, vector<16xf32>,
      %broadcast_in_dim3A_399 = arith.constant 7 : i32
      %broadcast_in_dim3A_400 = vector.broadcast %broadcast_in_dim3A_399 : i32 to vector<16xi32>
      %gather3A_401 = arith.constant 0 : i32
      %gather3A_402 = arith.constant 0 : i32
      %gather3A_403 = arith.constant 0 : i32
      %gather3A_404 = tpu.memref_slice %arg12[%gather3A_401, %gather3A_402, %gather3A_403] : memref<4x128x128xf32, #tpu.memory_space<vmem>> -> memref<1x128x128xf32, #tpu.memory_space<vmem>>
      %gather3A_405 = tpu.memref_squeeze %gather3A_404 : memref<1x128x128xf32, #tpu.memory_space<vmem>> -> memref<128x128xf32, #tpu.memory_space<vmem>>
      %gather3A_406 = tpu.vector_load_idx %gather3A_405[%add3A_233, %broadcast_in_dim3A_400] : memref<128x128xf32, #tpu.memory_space<vmem>>[vector<16xi32>, vector<16xi32>], vector<16xf32>,
      %swap3A_407 = arith.constant 7 : i32
      %swap3A_408 = arith.constant 0 : i32
      %swap3A_409 = tpu.memref_slice %arg13[%swap3A_407, %swap3A_408] : memref<64x128xf32, #tpu.memory_space<vmem>> -> memref<1x128xf32, #tpu.memory_space<vmem>>
      %swap3A_410 = tpu.memref_squeeze %swap3A_409 : memref<1x128xf32, #tpu.memory_space<vmem>> -> memref<128xf32, #tpu.memory_space<vmem>>
      %swap3A_411 = arith.index_cast %mul3A_221 : i32 to index
      %swap3A_412 = tpu.vector_load %swap3A_410[%swap3A_411] {strides = array<i32>} : memref<128xf32, #tpu.memory_space<vmem>>, vector<16xf32>,
      tpu.vector_store %swap3A_410[%swap3A_411], %gather3A_406 {strides = array<i32>} : memref<128xf32, #tpu.memory_space<vmem>>, vector<16xf32>,
      %add3A_413 = arith.constant 7 : i32
      %add3A_414 = vector.broadcast %add3A_413 : i32 to vector<16xi32>
      %add3A_415 = arith.addi %mul3A_229, %add3A_414 : vector<16xi32>
      %gather3A_416 = tpu.vector_load_idx %arg11[%add3A_415] : memref<6400xf32, #tpu.memory_space<vmem>>[vector<16xi32>], vector<16xf32>,
      %swap3A_417 = arith.constant 39 : i32
      %swap3A_418 = arith.constant 0 : i32
      %swap3A_419 = tpu.memref_slice %arg13[%swap3A_417, %swap3A_418] : memref<64x128xf32, #tpu.memory_space<vmem>> -> memref<1x128xf32, #tpu.memory_space<vmem>>
      %swap3A_420 = tpu.memref_squeeze %swap3A_419 : memref<1x128xf32, #tpu.memory_space<vmem>> -> memref<128xf32, #tpu.memory_space<vmem>>
      %swap3A_421 = arith.index_cast %mul3A_221 : i32 to index
      %swap3A_422 = tpu.vector_load %swap3A_420[%swap3A_421] {strides = array<i32>} : memref<128xf32, #tpu.memory_space<vmem>>, vector<16xf32>,
      tpu.vector_store %swap3A_420[%swap3A_421], %gather3A_416 {strides = array<i32>} : memref<128xf32, #tpu.memory_space<vmem>>, vector<16xf32>,
      %broadcast_in_dim3A_423 = arith.constant 8 : i32
      %broadcast_in_dim3A_424 = vector.broadcast %broadcast_in_dim3A_423 : i32 to vector<16xi32>
      %gather3A_425 = arith.constant 0 : i32
      %gather3A_426 = arith.constant 0 : i32
      %gather3A_427 = arith.constant 0 : i32
      %gather3A_428 = tpu.memref_slice %arg12[%gather3A_425, %gather3A_426, %gather3A_427] : memref<4x128x128xf32, #tpu.memory_space<vmem>> -> memref<1x128x128xf32, #tpu.memory_space<vmem>>
      %gather3A_429 = tpu.memref_squeeze %gather3A_428 : memref<1x128x128xf32, #tpu.memory_space<vmem>> -> memref<128x128xf32, #tpu.memory_space<vmem>>
      %gather3A_430 = tpu.vector_load_idx %gather3A_429[%add3A_233, %broadcast_in_dim3A_424] : memref<128x128xf32, #tpu.memory_space<vmem>>[vector<16xi32>, vector<16xi32>], vector<16xf32>,
      %swap3A_431 = arith.constant 8 : i32
      %swap3A_432 = arith.constant 0 : i32
      %swap3A_433 = tpu.memref_slice %arg13[%swap3A_431, %swap3A_432] : memref<64x128xf32, #tpu.memory_space<vmem>> -> memref<1x128xf32, #tpu.memory_space<vmem>>
      %swap3A_434 = tpu.memref_squeeze %swap3A_433 : memref<1x128xf32, #tpu.memory_space<vmem>> -> memref<128xf32, #tpu.memory_space<vmem>>
      %swap3A_435 = arith.index_cast %mul3A_221 : i32 to index
      %swap3A_436 = tpu.vector_load %swap3A_434[%swap3A_435] {strides = array<i32>} : memref<128xf32, #tpu.memory_space<vmem>>, vector<16xf32>,
      tpu.vector_store %swap3A_434[%swap3A_435], %gather3A_430 {strides = array<i32>} : memref<128xf32, #tpu.memory_space<vmem>>, vector<16xf32>,
      %add3A_437 = arith.constant 8 : i32
      %add3A_438 = vector.broadcast %add3A_437 : i32 to vector<16xi32>
      %add3A_439 = arith.addi %mul3A_229, %add3A_438 : vector<16xi32>
      %gather3A_440 = tpu.vector_load_idx %arg11[%add3A_439] : memref<6400xf32, #tpu.memory_space<vmem>>[vector<16xi32>], vector<16xf32>,
      %swap3A_441 = arith.constant 40 : i32
      %swap3A_442 = arith.constant 0 : i32
      %swap3A_443 = tpu.memref_slice %arg13[%swap3A_441, %swap3A_442] : memref<64x128xf32, #tpu.memory_space<vmem>> -> memref<1x128xf32, #tpu.memory_space<vmem>>
      %swap3A_444 = tpu.memref_squeeze %swap3A_443 : memref<1x128xf32, #tpu.memory_space<vmem>> -> memref<128xf32, #tpu.memory_space<vmem>>
      %swap3A_445 = arith.index_cast %mul3A_221 : i32 to index
      %swap3A_446 = tpu.vector_load %swap3A_444[%swap3A_445] {strides = array<i32>} : memref<128xf32, #tpu.memory_space<vmem>>, vector<16xf32>,
      tpu.vector_store %swap3A_444[%swap3A_445], %gather3A_440 {strides = array<i32>} : memref<128xf32, #tpu.memory_space<vmem>>, vector<16xf32>,
      %broadcast_in_dim3A_447 = arith.constant 9 : i32
      %broadcast_in_dim3A_448 = vector.broadcast %broadcast_in_dim3A_447 : i32 to vector<16xi32>
      %gather3A_449 = arith.constant 0 : i32
      %gather3A_450 = arith.constant 0 : i32
      %gather3A_451 = arith.constant 0 : i32
      %gather3A_452 = tpu.memref_slice %arg12[%gather3A_449, %gather3A_450, %gather3A_451] : memref<4x128x128xf32, #tpu.memory_space<vmem>> -> memref<1x128x128xf32, #tpu.memory_space<vmem>>
      %gather3A_453 = tpu.memref_squeeze %gather3A_452 : memref<1x128x128xf32, #tpu.memory_space<vmem>> -> memref<128x128xf32, #tpu.memory_space<vmem>>
      %gather3A_454 = tpu.vector_load_idx %gather3A_453[%add3A_233, %broadcast_in_dim3A_448] : memref<128x128xf32, #tpu.memory_space<vmem>>[vector<16xi32>, vector<16xi32>], vector<16xf32>,
      %swap3A_455 = arith.constant 9 : i32
      %swap3A_456 = arith.constant 0 : i32
      %swap3A_457 = tpu.memref_slice %arg13[%swap3A_455, %swap3A_456] : memref<64x128xf32, #tpu.memory_space<vmem>> -> memref<1x128xf32, #tpu.memory_space<vmem>>
      %swap3A_458 = tpu.memref_squeeze %swap3A_457 : memref<1x128xf32, #tpu.memory_space<vmem>> -> memref<128xf32, #tpu.memory_space<vmem>>
      %swap3A_459 = arith.index_cast %mul3A_221 : i32 to index
      %swap3A_460 = tpu.vector_load %swap3A_458[%swap3A_459] {strides = array<i32>} : memref<128xf32, #tpu.memory_space<vmem>>, vector<16xf32>,
      tpu.vector_store %swap3A_458[%swap3A_459], %gather3A_454 {strides = array<i32>} : memref<128xf32, #tpu.memory_space<vmem>>, vector<16xf32>,
      %add3A_461 = arith.constant 9 : i32
      %add3A_462 = vector.broadcast %add3A_461 : i32 to vector<16xi32>
      %add3A_463 = arith.addi %mul3A_229, %add3A_462 : vector<16xi32>
      %gather3A_464 = tpu.vector_load_idx %arg11[%add3A_463] : memref<6400xf32, #tpu.memory_space<vmem>>[vector<16xi32>], vector<16xf32>,
      %swap3A_465 = arith.constant 41 : i32
      %swap3A_466 = arith.constant 0 : i32
      %swap3A_467 = tpu.memref_slice %arg13[%swap3A_465, %swap3A_466] : memref<64x128xf32, #tpu.memory_space<vmem>> -> memref<1x128xf32, #tpu.memory_space<vmem>>
      %swap3A_468 = tpu.memref_squeeze %swap3A_467 : memref<1x128xf32, #tpu.memory_space<vmem>> -> memref<128xf32, #tpu.memory_space<vmem>>
      %swap3A_469 = arith.index_cast %mul3A_221 : i32 to index
      %swap3A_470 = tpu.vector_load %swap3A_468[%swap3A_469] {strides = array<i32>} : memref<128xf32, #tpu.memory_space<vmem>>, vector<16xf32>,
      tpu.vector_store %swap3A_468[%swap3A_469], %gather3A_464 {strides = array<i32>} : memref<128xf32, #tpu.memory_space<vmem>>, vector<16xf32>,
      %broadcast_in_dim3A_471 = arith.constant 10 : i32
      %broadcast_in_dim3A_472 = vector.broadcast %broadcast_in_dim3A_471 : i32 to vector<16xi32>
      %gather3A_473 = arith.constant 0 : i32
      %gather3A_474 = arith.constant 0 : i32
      %gather3A_475 = arith.constant 0 : i32
      %gather3A_476 = tpu.memref_slice %arg12[%gather3A_473, %gather3A_474, %gather3A_475] : memref<4x128x128xf32, #tpu.memory_space<vmem>> -> memref<1x128x128xf32, #tpu.memory_space<vmem>>
      %gather3A_477 = tpu.memref_squeeze %gather3A_476 : memref<1x128x128xf32, #tpu.memory_space<vmem>> -> memref<128x128xf32, #tpu.memory_space<vmem>>
      %gather3A_478 = tpu.vector_load_idx %gather3A_477[%add3A_233, %broadcast_in_dim3A_472] : memref<128x128xf32, #tpu.memory_space<vmem>>[vector<16xi32>, vector<16xi32>], vector<16xf32>,
      %swap3A_479 = arith.constant 10 : i32
      %swap3A_480 = arith.constant 0 : i32
      %swap3A_481 = tpu.memref_slice %arg13[%swap3A_479, %swap3A_480] : memref<64x128xf32, #tpu.memory_space<vmem>> -> memref<1x128xf32, #tpu.memory_space<vmem>>
      %swap3A_482 = tpu.memref_squeeze %swap3A_481 : memref<1x128xf32, #tpu.memory_space<vmem>> -> memref<128xf32, #tpu.memory_space<vmem>>
      %swap3A_483 = arith.index_cast %mul3A_221 : i32 to index
      %swap3A_484 = tpu.vector_load %swap3A_482[%swap3A_483] {strides = array<i32>} : memref<128xf32, #tpu.memory_space<vmem>>, vector<16xf32>,
      tpu.vector_store %swap3A_482[%swap3A_483], %gather3A_478 {strides = array<i32>} : memref<128xf32, #tpu.memory_space<vmem>>, vector<16xf32>,
      %add3A_485 = arith.constant 10 : i32
      %add3A_486 = vector.broadcast %add3A_485 : i32 to vector<16xi32>
      %add3A_487 = arith.addi %mul3A_229, %add3A_486 : vector<16xi32>
      %gather3A_488 = tpu.vector_load_idx %arg11[%add3A_487] : memref<6400xf32, #tpu.memory_space<vmem>>[vector<16xi32>], vector<16xf32>,
      %swap3A_489 = arith.constant 42 : i32
      %swap3A_490 = arith.constant 0 : i32
      %swap3A_491 = tpu.memref_slice %arg13[%swap3A_489, %swap3A_490] : memref<64x128xf32, #tpu.memory_space<vmem>> -> memref<1x128xf32, #tpu.memory_space<vmem>>
      %swap3A_492 = tpu.memref_squeeze %swap3A_491 : memref<1x128xf32, #tpu.memory_space<vmem>> -> memref<128xf32, #tpu.memory_space<vmem>>
      %swap3A_493 = arith.index_cast %mul3A_221 : i32 to index
      %swap3A_494 = tpu.vector_load %swap3A_492[%swap3A_493] {strides = array<i32>} : memref<128xf32, #tpu.memory_space<vmem>>, vector<16xf32>,
      tpu.vector_store %swap3A_492[%swap3A_493], %gather3A_488 {strides = array<i32>} : memref<128xf32, #tpu.memory_space<vmem>>, vector<16xf32>,
      %broadcast_in_dim3A_495 = arith.constant 11 : i32
      %broadcast_in_dim3A_496 = vector.broadcast %broadcast_in_dim3A_495 : i32 to vector<16xi32>
      %gather3A_497 = arith.constant 0 : i32
      %gather3A_498 = arith.constant 0 : i32
      %gather3A_499 = arith.constant 0 : i32
      %gather3A_500 = tpu.memref_slice %arg12[%gather3A_497, %gather3A_498, %gather3A_499] : memref<4x128x128xf32, #tpu.memory_space<vmem>> -> memref<1x128x128xf32, #tpu.memory_space<vmem>>
      %gather3A_501 = tpu.memref_squeeze %gather3A_500 : memref<1x128x128xf32, #tpu.memory_space<vmem>> -> memref<128x128xf32, #tpu.memory_space<vmem>>
      %gather3A_502 = tpu.vector_load_idx %gather3A_501[%add3A_233, %broadcast_in_dim3A_496] : memref<128x128xf32, #tpu.memory_space<vmem>>[vector<16xi32>, vector<16xi32>], vector<16xf32>,
      %swap3A_503 = arith.constant 11 : i32
      %swap3A_504 = arith.constant 0 : i32
      %swap3A_505 = tpu.memref_slice %arg13[%swap3A_503, %swap3A_504] : memref<64x128xf32, #tpu.memory_space<vmem>> -> memref<1x128xf32, #tpu.memory_space<vmem>>
      %swap3A_506 = tpu.memref_squeeze %swap3A_505 : memref<1x128xf32, #tpu.memory_space<vmem>> -> memref<128xf32, #tpu.memory_space<vmem>>
      %swap3A_507 = arith.index_cast %mul3A_221 : i32 to index
      %swap3A_508 = tpu.vector_load %swap3A_506[%swap3A_507] {strides = array<i32>} : memref<128xf32, #tpu.memory_space<vmem>>, vector<16xf32>,
      tpu.vector_store %swap3A_506[%swap3A_507], %gather3A_502 {strides = array<i32>} : memref<128xf32, #tpu.memory_space<vmem>>, vector<16xf32>,
      %add3A_509 = arith.constant 11 : i32
      %add3A_510 = vector.broadcast %add3A_509 : i32 to vector<16xi32>
      %add3A_511 = arith.addi %mul3A_229, %add3A_510 : vector<16xi32>
      %gather3A_512 = tpu.vector_load_idx %arg11[%add3A_511] : memref<6400xf32, #tpu.memory_space<vmem>>[vector<16xi32>], vector<16xf32>,
      %swap3A_513 = arith.constant 43 : i32
      %swap3A_514 = arith.constant 0 : i32
      %swap3A_515 = tpu.memref_slice %arg13[%swap3A_513, %swap3A_514] : memref<64x128xf32, #tpu.memory_space<vmem>> -> memref<1x128xf32, #tpu.memory_space<vmem>>
      %swap3A_516 = tpu.memref_squeeze %swap3A_515 : memref<1x128xf32, #tpu.memory_space<vmem>> -> memref<128xf32, #tpu.memory_space<vmem>>
      %swap3A_517 = arith.index_cast %mul3A_221 : i32 to index
      %swap3A_518 = tpu.vector_load %swap3A_516[%swap3A_517] {strides = array<i32>} : memref<128xf32, #tpu.memory_space<vmem>>, vector<16xf32>,
      tpu.vector_store %swap3A_516[%swap3A_517], %gather3A_512 {strides = array<i32>} : memref<128xf32, #tpu.memory_space<vmem>>, vector<16xf32>,
      %broadcast_in_dim3A_519 = arith.constant 12 : i32
      %broadcast_in_dim3A_520 = vector.broadcast %broadcast_in_dim3A_519 : i32 to vector<16xi32>
      %gather3A_521 = arith.constant 0 : i32
      %gather3A_522 = arith.constant 0 : i32
      %gather3A_523 = arith.constant 0 : i32
      %gather3A_524 = tpu.memref_slice %arg12[%gather3A_521, %gather3A_522, %gather3A_523] : memref<4x128x128xf32, #tpu.memory_space<vmem>> -> memref<1x128x128xf32, #tpu.memory_space<vmem>>
      %gather3A_525 = tpu.memref_squeeze %gather3A_524 : memref<1x128x128xf32, #tpu.memory_space<vmem>> -> memref<128x128xf32, #tpu.memory_space<vmem>>
      %gather3A_526 = tpu.vector_load_idx %gather3A_525[%add3A_233, %broadcast_in_dim3A_520] : memref<128x128xf32, #tpu.memory_space<vmem>>[vector<16xi32>, vector<16xi32>], vector<16xf32>,
      %swap3A_527 = arith.constant 12 : i32
      %swap3A_528 = arith.constant 0 : i32
      %swap3A_529 = tpu.memref_slice %arg13[%swap3A_527, %swap3A_528] : memref<64x128xf32, #tpu.memory_space<vmem>> -> memref<1x128xf32, #tpu.memory_space<vmem>>
      %swap3A_530 = tpu.memref_squeeze %swap3A_529 : memref<1x128xf32, #tpu.memory_space<vmem>> -> memref<128xf32, #tpu.memory_space<vmem>>
      %swap3A_531 = arith.index_cast %mul3A_221 : i32 to index
      %swap3A_532 = tpu.vector_load %swap3A_530[%swap3A_531] {strides = array<i32>} : memref<128xf32, #tpu.memory_space<vmem>>, vector<16xf32>,
      tpu.vector_store %swap3A_530[%swap3A_531], %gather3A_526 {strides = array<i32>} : memref<128xf32, #tpu.memory_space<vmem>>, vector<16xf32>,
      %add3A_533 = arith.constant 12 : i32
      %add3A_534 = vector.broadcast %add3A_533 : i32 to vector<16xi32>
      %add3A_535 = arith.addi %mul3A_229, %add3A_534 : vector<16xi32>
      %gather3A_536 = tpu.vector_load_idx %arg11[%add3A_535] : memref<6400xf32, #tpu.memory_space<vmem>>[vector<16xi32>], vector<16xf32>,
      %swap3A_537 = arith.constant 44 : i32
      %swap3A_538 = arith.constant 0 : i32
      %swap3A_539 = tpu.memref_slice %arg13[%swap3A_537, %swap3A_538] : memref<64x128xf32, #tpu.memory_space<vmem>> -> memref<1x128xf32, #tpu.memory_space<vmem>>
      %swap3A_540 = tpu.memref_squeeze %swap3A_539 : memref<1x128xf32, #tpu.memory_space<vmem>> -> memref<128xf32, #tpu.memory_space<vmem>>
      %swap3A_541 = arith.index_cast %mul3A_221 : i32 to index
      %swap3A_542 = tpu.vector_load %swap3A_540[%swap3A_541] {strides = array<i32>} : memref<128xf32, #tpu.memory_space<vmem>>, vector<16xf32>,
      tpu.vector_store %swap3A_540[%swap3A_541], %gather3A_536 {strides = array<i32>} : memref<128xf32, #tpu.memory_space<vmem>>, vector<16xf32>,
      %broadcast_in_dim3A_543 = arith.constant 13 : i32
      %broadcast_in_dim3A_544 = vector.broadcast %broadcast_in_dim3A_543 : i32 to vector<16xi32>
      %gather3A_545 = arith.constant 0 : i32
      %gather3A_546 = arith.constant 0 : i32
      %gather3A_547 = arith.constant 0 : i32
      %gather3A_548 = tpu.memref_slice %arg12[%gather3A_545, %gather3A_546, %gather3A_547] : memref<4x128x128xf32, #tpu.memory_space<vmem>> -> memref<1x128x128xf32, #tpu.memory_space<vmem>>
      %gather3A_549 = tpu.memref_squeeze %gather3A_548 : memref<1x128x128xf32, #tpu.memory_space<vmem>> -> memref<128x128xf32, #tpu.memory_space<vmem>>
      %gather3A_550 = tpu.vector_load_idx %gather3A_549[%add3A_233, %broadcast_in_dim3A_544] : memref<128x128xf32, #tpu.memory_space<vmem>>[vector<16xi32>, vector<16xi32>], vector<16xf32>,
      %swap3A_551 = arith.constant 13 : i32
      %swap3A_552 = arith.constant 0 : i32
      %swap3A_553 = tpu.memref_slice %arg13[%swap3A_551, %swap3A_552] : memref<64x128xf32, #tpu.memory_space<vmem>> -> memref<1x128xf32, #tpu.memory_space<vmem>>
      %swap3A_554 = tpu.memref_squeeze %swap3A_553 : memref<1x128xf32, #tpu.memory_space<vmem>> -> memref<128xf32, #tpu.memory_space<vmem>>
      %swap3A_555 = arith.index_cast %mul3A_221 : i32 to index
      %swap3A_556 = tpu.vector_load %swap3A_554[%swap3A_555] {strides = array<i32>} : memref<128xf32, #tpu.memory_space<vmem>>, vector<16xf32>,
      tpu.vector_store %swap3A_554[%swap3A_555], %gather3A_550 {strides = array<i32>} : memref<128xf32, #tpu.memory_space<vmem>>, vector<16xf32>,
      %add3A_557 = arith.constant 13 : i32
      %add3A_558 = vector.broadcast %add3A_557 : i32 to vector<16xi32>
      %add3A_559 = arith.addi %mul3A_229, %add3A_558 : vector<16xi32>
      %gather3A_560 = tpu.vector_load_idx %arg11[%add3A_559] : memref<6400xf32, #tpu.memory_space<vmem>>[vector<16xi32>], vector<16xf32>,
      %swap3A_561 = arith.constant 45 : i32
      %swap3A_562 = arith.constant 0 : i32
      %swap3A_563 = tpu.memref_slice %arg13[%swap3A_561, %swap3A_562] : memref<64x128xf32, #tpu.memory_space<vmem>> -> memref<1x128xf32, #tpu.memory_space<vmem>>
      %swap3A_564 = tpu.memref_squeeze %swap3A_563 : memref<1x128xf32, #tpu.memory_space<vmem>> -> memref<128xf32, #tpu.memory_space<vmem>>
      %swap3A_565 = arith.index_cast %mul3A_221 : i32 to index
      %swap3A_566 = tpu.vector_load %swap3A_564[%swap3A_565] {strides = array<i32>} : memref<128xf32, #tpu.memory_space<vmem>>, vector<16xf32>,
      tpu.vector_store %swap3A_564[%swap3A_565], %gather3A_560 {strides = array<i32>} : memref<128xf32, #tpu.memory_space<vmem>>, vector<16xf32>,
      %broadcast_in_dim3A_567 = arith.constant 14 : i32
      %broadcast_in_dim3A_568 = vector.broadcast %broadcast_in_dim3A_567 : i32 to vector<16xi32>
      %gather3A_569 = arith.constant 0 : i32
      %gather3A_570 = arith.constant 0 : i32
      %gather3A_571 = arith.constant 0 : i32
      %gather3A_572 = tpu.memref_slice %arg12[%gather3A_569, %gather3A_570, %gather3A_571] : memref<4x128x128xf32, #tpu.memory_space<vmem>> -> memref<1x128x128xf32, #tpu.memory_space<vmem>>
      %gather3A_573 = tpu.memref_squeeze %gather3A_572 : memref<1x128x128xf32, #tpu.memory_space<vmem>> -> memref<128x128xf32, #tpu.memory_space<vmem>>
      %gather3A_574 = tpu.vector_load_idx %gather3A_573[%add3A_233, %broadcast_in_dim3A_568] : memref<128x128xf32, #tpu.memory_space<vmem>>[vector<16xi32>, vector<16xi32>], vector<16xf32>,
      %swap3A_575 = arith.constant 14 : i32
      %swap3A_576 = arith.constant 0 : i32
      %swap3A_577 = tpu.memref_slice %arg13[%swap3A_575, %swap3A_576] : memref<64x128xf32, #tpu.memory_space<vmem>> -> memref<1x128xf32, #tpu.memory_space<vmem>>
      %swap3A_578 = tpu.memref_squeeze %swap3A_577 : memref<1x128xf32, #tpu.memory_space<vmem>> -> memref<128xf32, #tpu.memory_space<vmem>>
      %swap3A_579 = arith.index_cast %mul3A_221 : i32 to index
      %swap3A_580 = tpu.vector_load %swap3A_578[%swap3A_579] {strides = array<i32>} : memref<128xf32, #tpu.memory_space<vmem>>, vector<16xf32>,
      tpu.vector_store %swap3A_578[%swap3A_579], %gather3A_574 {strides = array<i32>} : memref<128xf32, #tpu.memory_space<vmem>>, vector<16xf32>,
      %add3A_581 = arith.constant 14 : i32
      %add3A_582 = vector.broadcast %add3A_581 : i32 to vector<16xi32>
      %add3A_583 = arith.addi %mul3A_229, %add3A_582 : vector<16xi32>
      %gather3A_584 = tpu.vector_load_idx %arg11[%add3A_583] : memref<6400xf32, #tpu.memory_space<vmem>>[vector<16xi32>], vector<16xf32>,
      %swap3A_585 = arith.constant 46 : i32
      %swap3A_586 = arith.constant 0 : i32
      %swap3A_587 = tpu.memref_slice %arg13[%swap3A_585, %swap3A_586] : memref<64x128xf32, #tpu.memory_space<vmem>> -> memref<1x128xf32, #tpu.memory_space<vmem>>
      %swap3A_588 = tpu.memref_squeeze %swap3A_587 : memref<1x128xf32, #tpu.memory_space<vmem>> -> memref<128xf32, #tpu.memory_space<vmem>>
      %swap3A_589 = arith.index_cast %mul3A_221 : i32 to index
      %swap3A_590 = tpu.vector_load %swap3A_588[%swap3A_589] {strides = array<i32>} : memref<128xf32, #tpu.memory_space<vmem>>, vector<16xf32>,
      tpu.vector_store %swap3A_588[%swap3A_589], %gather3A_584 {strides = array<i32>} : memref<128xf32, #tpu.memory_space<vmem>>, vector<16xf32>,
      %broadcast_in_dim3A_591 = arith.constant 15 : i32
      %broadcast_in_dim3A_592 = vector.broadcast %broadcast_in_dim3A_591 : i32 to vector<16xi32>
      %gather3A_593 = arith.constant 0 : i32
      %gather3A_594 = arith.constant 0 : i32
      %gather3A_595 = arith.constant 0 : i32
      %gather3A_596 = tpu.memref_slice %arg12[%gather3A_593, %gather3A_594, %gather3A_595] : memref<4x128x128xf32, #tpu.memory_space<vmem>> -> memref<1x128x128xf32, #tpu.memory_space<vmem>>
      %gather3A_597 = tpu.memref_squeeze %gather3A_596 : memref<1x128x128xf32, #tpu.memory_space<vmem>> -> memref<128x128xf32, #tpu.memory_space<vmem>>
      %gather3A_598 = tpu.vector_load_idx %gather3A_597[%add3A_233, %broadcast_in_dim3A_592] : memref<128x128xf32, #tpu.memory_space<vmem>>[vector<16xi32>, vector<16xi32>], vector<16xf32>,
      %swap3A_599 = arith.constant 15 : i32
      %swap3A_600 = arith.constant 0 : i32
      %swap3A_601 = tpu.memref_slice %arg13[%swap3A_599, %swap3A_600] : memref<64x128xf32, #tpu.memory_space<vmem>> -> memref<1x128xf32, #tpu.memory_space<vmem>>
      %swap3A_602 = tpu.memref_squeeze %swap3A_601 : memref<1x128xf32, #tpu.memory_space<vmem>> -> memref<128xf32, #tpu.memory_space<vmem>>
      %swap3A_603 = arith.index_cast %mul3A_221 : i32 to index
      %swap3A_604 = tpu.vector_load %swap3A_602[%swap3A_603] {strides = array<i32>} : memref<128xf32, #tpu.memory_space<vmem>>, vector<16xf32>,
      tpu.vector_store %swap3A_602[%swap3A_603], %gather3A_598 {strides = array<i32>} : memref<128xf32, #tpu.memory_space<vmem>>, vector<16xf32>,
      %add3A_605 = arith.constant 15 : i32
      %add3A_606 = vector.broadcast %add3A_605 : i32 to vector<16xi32>
      %add3A_607 = arith.addi %mul3A_229, %add3A_606 : vector<16xi32>
      %gather3A_608 = tpu.vector_load_idx %arg11[%add3A_607] : memref<6400xf32, #tpu.memory_space<vmem>>[vector<16xi32>], vector<16xf32>,
      %swap3A_609 = arith.constant 47 : i32
      %swap3A_610 = arith.constant 0 : i32
      %swap3A_611 = tpu.memref_slice %arg13[%swap3A_609, %swap3A_610] : memref<64x128xf32, #tpu.memory_space<vmem>> -> memref<1x128xf32, #tpu.memory_space<vmem>>
      %swap3A_612 = tpu.memref_squeeze %swap3A_611 : memref<1x128xf32, #tpu.memory_space<vmem>> -> memref<128xf32, #tpu.memory_space<vmem>>
      %swap3A_613 = arith.index_cast %mul3A_221 : i32 to index
      %swap3A_614 = tpu.vector_load %swap3A_612[%swap3A_613] {strides = array<i32>} : memref<128xf32, #tpu.memory_space<vmem>>, vector<16xf32>,
      tpu.vector_store %swap3A_612[%swap3A_613], %gather3A_608 {strides = array<i32>} : memref<128xf32, #tpu.memory_space<vmem>>, vector<16xf32>,
      %broadcast_in_dim3A_615 = arith.constant 16 : i32
      %broadcast_in_dim3A_616 = vector.broadcast %broadcast_in_dim3A_615 : i32 to vector<16xi32>
      %gather3A_617 = arith.constant 0 : i32
      %gather3A_618 = arith.constant 0 : i32
      %gather3A_619 = arith.constant 0 : i32
      %gather3A_620 = tpu.memref_slice %arg12[%gather3A_617, %gather3A_618, %gather3A_619] : memref<4x128x128xf32, #tpu.memory_space<vmem>> -> memref<1x128x128xf32, #tpu.memory_space<vmem>>
      %gather3A_621 = tpu.memref_squeeze %gather3A_620 : memref<1x128x128xf32, #tpu.memory_space<vmem>> -> memref<128x128xf32, #tpu.memory_space<vmem>>
      %gather3A_622 = tpu.vector_load_idx %gather3A_621[%add3A_233, %broadcast_in_dim3A_616] : memref<128x128xf32, #tpu.memory_space<vmem>>[vector<16xi32>, vector<16xi32>], vector<16xf32>,
      %swap3A_623 = arith.constant 16 : i32
      %swap3A_624 = arith.constant 0 : i32
      %swap3A_625 = tpu.memref_slice %arg13[%swap3A_623, %swap3A_624] : memref<64x128xf32, #tpu.memory_space<vmem>> -> memref<1x128xf32, #tpu.memory_space<vmem>>
      %swap3A_626 = tpu.memref_squeeze %swap3A_625 : memref<1x128xf32, #tpu.memory_space<vmem>> -> memref<128xf32, #tpu.memory_space<vmem>>
      %swap3A_627 = arith.index_cast %mul3A_221 : i32 to index
      %swap3A_628 = tpu.vector_load %swap3A_626[%swap3A_627] {strides = array<i32>} : memref<128xf32, #tpu.memory_space<vmem>>, vector<16xf32>,
      tpu.vector_store %swap3A_626[%swap3A_627], %gather3A_622 {strides = array<i32>} : memref<128xf32, #tpu.memory_space<vmem>>, vector<16xf32>,
      %add3A_629 = arith.constant 16 : i32
      %add3A_630 = vector.broadcast %add3A_629 : i32 to vector<16xi32>
      %add3A_631 = arith.addi %mul3A_229, %add3A_630 : vector<16xi32>
      %gather3A_632 = tpu.vector_load_idx %arg11[%add3A_631] : memref<6400xf32, #tpu.memory_space<vmem>>[vector<16xi32>], vector<16xf32>,
      %swap3A_633 = arith.constant 48 : i32
      %swap3A_634 = arith.constant 0 : i32
      %swap3A_635 = tpu.memref_slice %arg13[%swap3A_633, %swap3A_634] : memref<64x128xf32, #tpu.memory_space<vmem>> -> memref<1x128xf32, #tpu.memory_space<vmem>>
      %swap3A_636 = tpu.memref_squeeze %swap3A_635 : memref<1x128xf32, #tpu.memory_space<vmem>> -> memref<128xf32, #tpu.memory_space<vmem>>
      %swap3A_637 = arith.index_cast %mul3A_221 : i32 to index
      %swap3A_638 = tpu.vector_load %swap3A_636[%swap3A_637] {strides = array<i32>} : memref<128xf32, #tpu.memory_space<vmem>>, vector<16xf32>,
      tpu.vector_store %swap3A_636[%swap3A_637], %gather3A_632 {strides = array<i32>} : memref<128xf32, #tpu.memory_space<vmem>>, vector<16xf32>,
      %broadcast_in_dim3A_639 = arith.constant 17 : i32
      %broadcast_in_dim3A_640 = vector.broadcast %broadcast_in_dim3A_639 : i32 to vector<16xi32>
      %gather3A_641 = arith.constant 0 : i32
      %gather3A_642 = arith.constant 0 : i32
      %gather3A_643 = arith.constant 0 : i32
      %gather3A_644 = tpu.memref_slice %arg12[%gather3A_641, %gather3A_642, %gather3A_643] : memref<4x128x128xf32, #tpu.memory_space<vmem>> -> memref<1x128x128xf32, #tpu.memory_space<vmem>>
      %gather3A_645 = tpu.memref_squeeze %gather3A_644 : memref<1x128x128xf32, #tpu.memory_space<vmem>> -> memref<128x128xf32, #tpu.memory_space<vmem>>
      %gather3A_646 = tpu.vector_load_idx %gather3A_645[%add3A_233, %broadcast_in_dim3A_640] : memref<128x128xf32, #tpu.memory_space<vmem>>[vector<16xi32>, vector<16xi32>], vector<16xf32>,
      %swap3A_647 = arith.constant 17 : i32
      %swap3A_648 = arith.constant 0 : i32
      %swap3A_649 = tpu.memref_slice %arg13[%swap3A_647, %swap3A_648] : memref<64x128xf32, #tpu.memory_space<vmem>> -> memref<1x128xf32, #tpu.memory_space<vmem>>
      %swap3A_650 = tpu.memref_squeeze %swap3A_649 : memref<1x128xf32, #tpu.memory_space<vmem>> -> memref<128xf32, #tpu.memory_space<vmem>>
      %swap3A_651 = arith.index_cast %mul3A_221 : i32 to index
      %swap3A_652 = tpu.vector_load %swap3A_650[%swap3A_651] {strides = array<i32>} : memref<128xf32, #tpu.memory_space<vmem>>, vector<16xf32>,
      tpu.vector_store %swap3A_650[%swap3A_651], %gather3A_646 {strides = array<i32>} : memref<128xf32, #tpu.memory_space<vmem>>, vector<16xf32>,
      %add3A_653 = arith.constant 17 : i32
      %add3A_654 = vector.broadcast %add3A_653 : i32 to vector<16xi32>
      %add3A_655 = arith.addi %mul3A_229, %add3A_654 : vector<16xi32>
      %gather3A_656 = tpu.vector_load_idx %arg11[%add3A_655] : memref<6400xf32, #tpu.memory_space<vmem>>[vector<16xi32>], vector<16xf32>,
      %swap3A_657 = arith.constant 49 : i32
      %swap3A_658 = arith.constant 0 : i32
      %swap3A_659 = tpu.memref_slice %arg13[%swap3A_657, %swap3A_658] : memref<64x128xf32, #tpu.memory_space<vmem>> -> memref<1x128xf32, #tpu.memory_space<vmem>>
      %swap3A_660 = tpu.memref_squeeze %swap3A_659 : memref<1x128xf32, #tpu.memory_space<vmem>> -> memref<128xf32, #tpu.memory_space<vmem>>
      %swap3A_661 = arith.index_cast %mul3A_221 : i32 to index
      %swap3A_662 = tpu.vector_load %swap3A_660[%swap3A_661] {strides = array<i32>} : memref<128xf32, #tpu.memory_space<vmem>>, vector<16xf32>,
      tpu.vector_store %swap3A_660[%swap3A_661], %gather3A_656 {strides = array<i32>} : memref<128xf32, #tpu.memory_space<vmem>>, vector<16xf32>,
      %broadcast_in_dim3A_663 = arith.constant 18 : i32
      %broadcast_in_dim3A_664 = vector.broadcast %broadcast_in_dim3A_663 : i32 to vector<16xi32>
      %gather3A_665 = arith.constant 0 : i32
      %gather3A_666 = arith.constant 0 : i32
      %gather3A_667 = arith.constant 0 : i32
      %gather3A_668 = tpu.memref_slice %arg12[%gather3A_665, %gather3A_666, %gather3A_667] : memref<4x128x128xf32, #tpu.memory_space<vmem>> -> memref<1x128x128xf32, #tpu.memory_space<vmem>>
      %gather3A_669 = tpu.memref_squeeze %gather3A_668 : memref<1x128x128xf32, #tpu.memory_space<vmem>> -> memref<128x128xf32, #tpu.memory_space<vmem>>
      %gather3A_670 = tpu.vector_load_idx %gather3A_669[%add3A_233, %broadcast_in_dim3A_664] : memref<128x128xf32, #tpu.memory_space<vmem>>[vector<16xi32>, vector<16xi32>], vector<16xf32>,
      %swap3A_671 = arith.constant 18 : i32
      %swap3A_672 = arith.constant 0 : i32
      %swap3A_673 = tpu.memref_slice %arg13[%swap3A_671, %swap3A_672] : memref<64x128xf32, #tpu.memory_space<vmem>> -> memref<1x128xf32, #tpu.memory_space<vmem>>
      %swap3A_674 = tpu.memref_squeeze %swap3A_673 : memref<1x128xf32, #tpu.memory_space<vmem>> -> memref<128xf32, #tpu.memory_space<vmem>>
      %swap3A_675 = arith.index_cast %mul3A_221 : i32 to index
      %swap3A_676 = tpu.vector_load %swap3A_674[%swap3A_675] {strides = array<i32>} : memref<128xf32, #tpu.memory_space<vmem>>, vector<16xf32>,
      tpu.vector_store %swap3A_674[%swap3A_675], %gather3A_670 {strides = array<i32>} : memref<128xf32, #tpu.memory_space<vmem>>, vector<16xf32>,
      %add3A_677 = arith.constant 18 : i32
      %add3A_678 = vector.broadcast %add3A_677 : i32 to vector<16xi32>
      %add3A_679 = arith.addi %mul3A_229, %add3A_678 : vector<16xi32>
      %gather3A_680 = tpu.vector_load_idx %arg11[%add3A_679] : memref<6400xf32, #tpu.memory_space<vmem>>[vector<16xi32>], vector<16xf32>,
      %swap3A_681 = arith.constant 50 : i32
      %swap3A_682 = arith.constant 0 : i32
      %swap3A_683 = tpu.memref_slice %arg13[%swap3A_681, %swap3A_682] : memref<64x128xf32, #tpu.memory_space<vmem>> -> memref<1x128xf32, #tpu.memory_space<vmem>>
      %swap3A_684 = tpu.memref_squeeze %swap3A_683 : memref<1x128xf32, #tpu.memory_space<vmem>> -> memref<128xf32, #tpu.memory_space<vmem>>
      %swap3A_685 = arith.index_cast %mul3A_221 : i32 to index
      %swap3A_686 = tpu.vector_load %swap3A_684[%swap3A_685] {strides = array<i32>} : memref<128xf32, #tpu.memory_space<vmem>>, vector<16xf32>,
      tpu.vector_store %swap3A_684[%swap3A_685], %gather3A_680 {strides = array<i32>} : memref<128xf32, #tpu.memory_space<vmem>>, vector<16xf32>,
      %broadcast_in_dim3A_687 = arith.constant 19 : i32
      %broadcast_in_dim3A_688 = vector.broadcast %broadcast_in_dim3A_687 : i32 to vector<16xi32>
      %gather3A_689 = arith.constant 0 : i32
      %gather3A_690 = arith.constant 0 : i32
      %gather3A_691 = arith.constant 0 : i32
      %gather3A_692 = tpu.memref_slice %arg12[%gather3A_689, %gather3A_690, %gather3A_691] : memref<4x128x128xf32, #tpu.memory_space<vmem>> -> memref<1x128x128xf32, #tpu.memory_space<vmem>>
      %gather3A_693 = tpu.memref_squeeze %gather3A_692 : memref<1x128x128xf32, #tpu.memory_space<vmem>> -> memref<128x128xf32, #tpu.memory_space<vmem>>
      %gather3A_694 = tpu.vector_load_idx %gather3A_693[%add3A_233, %broadcast_in_dim3A_688] : memref<128x128xf32, #tpu.memory_space<vmem>>[vector<16xi32>, vector<16xi32>], vector<16xf32>,
      %swap3A_695 = arith.constant 19 : i32
      %swap3A_696 = arith.constant 0 : i32
      %swap3A_697 = tpu.memref_slice %arg13[%swap3A_695, %swap3A_696] : memref<64x128xf32, #tpu.memory_space<vmem>> -> memref<1x128xf32, #tpu.memory_space<vmem>>
      %swap3A_698 = tpu.memref_squeeze %swap3A_697 : memref<1x128xf32, #tpu.memory_space<vmem>> -> memref<128xf32, #tpu.memory_space<vmem>>
      %swap3A_699 = arith.index_cast %mul3A_221 : i32 to index
      %swap3A_700 = tpu.vector_load %swap3A_698[%swap3A_699] {strides = array<i32>} : memref<128xf32, #tpu.memory_space<vmem>>, vector<16xf32>,
      tpu.vector_store %swap3A_698[%swap3A_699], %gather3A_694 {strides = array<i32>} : memref<128xf32, #tpu.memory_space<vmem>>, vector<16xf32>,
      %add3A_701 = arith.constant 19 : i32
      %add3A_702 = vector.broadcast %add3A_701 : i32 to vector<16xi32>
      %add3A_703 = arith.addi %mul3A_229, %add3A_702 : vector<16xi32>
      %gather3A_704 = tpu.vector_load_idx %arg11[%add3A_703] : memref<6400xf32, #tpu.memory_space<vmem>>[vector<16xi32>], vector<16xf32>,
      %swap3A_705 = arith.constant 51 : i32
      %swap3A_706 = arith.constant 0 : i32
      %swap3A_707 = tpu.memref_slice %arg13[%swap3A_705, %swap3A_706] : memref<64x128xf32, #tpu.memory_space<vmem>> -> memref<1x128xf32, #tpu.memory_space<vmem>>
      %swap3A_708 = tpu.memref_squeeze %swap3A_707 : memref<1x128xf32, #tpu.memory_space<vmem>> -> memref<128xf32, #tpu.memory_space<vmem>>
      %swap3A_709 = arith.index_cast %mul3A_221 : i32 to index
      %swap3A_710 = tpu.vector_load %swap3A_708[%swap3A_709] {strides = array<i32>} : memref<128xf32, #tpu.memory_space<vmem>>, vector<16xf32>,
      tpu.vector_store %swap3A_708[%swap3A_709], %gather3A_704 {strides = array<i32>} : memref<128xf32, #tpu.memory_space<vmem>>, vector<16xf32>,
      %broadcast_in_dim3A_711 = arith.constant 20 : i32
      %broadcast_in_dim3A_712 = vector.broadcast %broadcast_in_dim3A_711 : i32 to vector<16xi32>
      %gather3A_713 = arith.constant 0 : i32
      %gather3A_714 = arith.constant 0 : i32
      %gather3A_715 = arith.constant 0 : i32
      %gather3A_716 = tpu.memref_slice %arg12[%gather3A_713, %gather3A_714, %gather3A_715] : memref<4x128x128xf32, #tpu.memory_space<vmem>> -> memref<1x128x128xf32, #tpu.memory_space<vmem>>
      %gather3A_717 = tpu.memref_squeeze %gather3A_716 : memref<1x128x128xf32, #tpu.memory_space<vmem>> -> memref<128x128xf32, #tpu.memory_space<vmem>>
      %gather3A_718 = tpu.vector_load_idx %gather3A_717[%add3A_233, %broadcast_in_dim3A_712] : memref<128x128xf32, #tpu.memory_space<vmem>>[vector<16xi32>, vector<16xi32>], vector<16xf32>,
      %swap3A_719 = arith.constant 20 : i32
      %swap3A_720 = arith.constant 0 : i32
      %swap3A_721 = tpu.memref_slice %arg13[%swap3A_719, %swap3A_720] : memref<64x128xf32, #tpu.memory_space<vmem>> -> memref<1x128xf32, #tpu.memory_space<vmem>>
      %swap3A_722 = tpu.memref_squeeze %swap3A_721 : memref<1x128xf32, #tpu.memory_space<vmem>> -> memref<128xf32, #tpu.memory_space<vmem>>
      %swap3A_723 = arith.index_cast %mul3A_221 : i32 to index
      %swap3A_724 = tpu.vector_load %swap3A_722[%swap3A_723] {strides = array<i32>} : memref<128xf32, #tpu.memory_space<vmem>>, vector<16xf32>,
      tpu.vector_store %swap3A_722[%swap3A_723], %gather3A_718 {strides = array<i32>} : memref<128xf32, #tpu.memory_space<vmem>>, vector<16xf32>,
      %add3A_725 = arith.constant 20 : i32
      %add3A_726 = vector.broadcast %add3A_725 : i32 to vector<16xi32>
      %add3A_727 = arith.addi %mul3A_229, %add3A_726 : vector<16xi32>
      %gather3A_728 = tpu.vector_load_idx %arg11[%add3A_727] : memref<6400xf32, #tpu.memory_space<vmem>>[vector<16xi32>], vector<16xf32>,
      %swap3A_729 = arith.constant 52 : i32
      %swap3A_730 = arith.constant 0 : i32
      %swap3A_731 = tpu.memref_slice %arg13[%swap3A_729, %swap3A_730] : memref<64x128xf32, #tpu.memory_space<vmem>> -> memref<1x128xf32, #tpu.memory_space<vmem>>
      %swap3A_732 = tpu.memref_squeeze %swap3A_731 : memref<1x128xf32, #tpu.memory_space<vmem>> -> memref<128xf32, #tpu.memory_space<vmem>>
      %swap3A_733 = arith.index_cast %mul3A_221 : i32 to index
      %swap3A_734 = tpu.vector_load %swap3A_732[%swap3A_733] {strides = array<i32>} : memref<128xf32, #tpu.memory_space<vmem>>, vector<16xf32>,
      tpu.vector_store %swap3A_732[%swap3A_733], %gather3A_728 {strides = array<i32>} : memref<128xf32, #tpu.memory_space<vmem>>, vector<16xf32>,
      %broadcast_in_dim3A_735 = arith.constant 21 : i32
      %broadcast_in_dim3A_736 = vector.broadcast %broadcast_in_dim3A_735 : i32 to vector<16xi32>
      %gather3A_737 = arith.constant 0 : i32
      %gather3A_738 = arith.constant 0 : i32
      %gather3A_739 = arith.constant 0 : i32
      %gather3A_740 = tpu.memref_slice %arg12[%gather3A_737, %gather3A_738, %gather3A_739] : memref<4x128x128xf32, #tpu.memory_space<vmem>> -> memref<1x128x128xf32, #tpu.memory_space<vmem>>
      %gather3A_741 = tpu.memref_squeeze %gather3A_740 : memref<1x128x128xf32, #tpu.memory_space<vmem>> -> memref<128x128xf32, #tpu.memory_space<vmem>>
      %gather3A_742 = tpu.vector_load_idx %gather3A_741[%add3A_233, %broadcast_in_dim3A_736] : memref<128x128xf32, #tpu.memory_space<vmem>>[vector<16xi32>, vector<16xi32>], vector<16xf32>,
      %swap3A_743 = arith.constant 21 : i32
      %swap3A_744 = arith.constant 0 : i32
      %swap3A_745 = tpu.memref_slice %arg13[%swap3A_743, %swap3A_744] : memref<64x128xf32, #tpu.memory_space<vmem>> -> memref<1x128xf32, #tpu.memory_space<vmem>>
      %swap3A_746 = tpu.memref_squeeze %swap3A_745 : memref<1x128xf32, #tpu.memory_space<vmem>> -> memref<128xf32, #tpu.memory_space<vmem>>
      %swap3A_747 = arith.index_cast %mul3A_221 : i32 to index
      %swap3A_748 = tpu.vector_load %swap3A_746[%swap3A_747] {strides = array<i32>} : memref<128xf32, #tpu.memory_space<vmem>>, vector<16xf32>,
      tpu.vector_store %swap3A_746[%swap3A_747], %gather3A_742 {strides = array<i32>} : memref<128xf32, #tpu.memory_space<vmem>>, vector<16xf32>,
      %add3A_749 = arith.constant 21 : i32
      %add3A_750 = vector.broadcast %add3A_749 : i32 to vector<16xi32>
      %add3A_751 = arith.addi %mul3A_229, %add3A_750 : vector<16xi32>
      %gather3A_752 = tpu.vector_load_idx %arg11[%add3A_751] : memref<6400xf32, #tpu.memory_space<vmem>>[vector<16xi32>], vector<16xf32>,
      %swap3A_753 = arith.constant 53 : i32
      %swap3A_754 = arith.constant 0 : i32
      %swap3A_755 = tpu.memref_slice %arg13[%swap3A_753, %swap3A_754] : memref<64x128xf32, #tpu.memory_space<vmem>> -> memref<1x128xf32, #tpu.memory_space<vmem>>
      %swap3A_756 = tpu.memref_squeeze %swap3A_755 : memref<1x128xf32, #tpu.memory_space<vmem>> -> memref<128xf32, #tpu.memory_space<vmem>>
      %swap3A_757 = arith.index_cast %mul3A_221 : i32 to index
      %swap3A_758 = tpu.vector_load %swap3A_756[%swap3A_757] {strides = array<i32>} : memref<128xf32, #tpu.memory_space<vmem>>, vector<16xf32>,
      tpu.vector_store %swap3A_756[%swap3A_757], %gather3A_752 {strides = array<i32>} : memref<128xf32, #tpu.memory_space<vmem>>, vector<16xf32>,
      %broadcast_in_dim3A_759 = arith.constant 22 : i32
      %broadcast_in_dim3A_760 = vector.broadcast %broadcast_in_dim3A_759 : i32 to vector<16xi32>
      %gather3A_761 = arith.constant 0 : i32
      %gather3A_762 = arith.constant 0 : i32
      %gather3A_763 = arith.constant 0 : i32
      %gather3A_764 = tpu.memref_slice %arg12[%gather3A_761, %gather3A_762, %gather3A_763] : memref<4x128x128xf32, #tpu.memory_space<vmem>> -> memref<1x128x128xf32, #tpu.memory_space<vmem>>
      %gather3A_765 = tpu.memref_squeeze %gather3A_764 : memref<1x128x128xf32, #tpu.memory_space<vmem>> -> memref<128x128xf32, #tpu.memory_space<vmem>>
      %gather3A_766 = tpu.vector_load_idx %gather3A_765[%add3A_233, %broadcast_in_dim3A_760] : memref<128x128xf32, #tpu.memory_space<vmem>>[vector<16xi32>, vector<16xi32>], vector<16xf32>,
      %swap3A_767 = arith.constant 22 : i32
      %swap3A_768 = arith.constant 0 : i32
      %swap3A_769 = tpu.memref_slice %arg13[%swap3A_767, %swap3A_768] : memref<64x128xf32, #tpu.memory_space<vmem>> -> memref<1x128xf32, #tpu.memory_space<vmem>>
      %swap3A_770 = tpu.memref_squeeze %swap3A_769 : memref<1x128xf32, #tpu.memory_space<vmem>> -> memref<128xf32, #tpu.memory_space<vmem>>
      %swap3A_771 = arith.index_cast %mul3A_221 : i32 to index
      %swap3A_772 = tpu.vector_load %swap3A_770[%swap3A_771] {strides = array<i32>} : memref<128xf32, #tpu.memory_space<vmem>>, vector<16xf32>,
      tpu.vector_store %swap3A_770[%swap3A_771], %gather3A_766 {strides = array<i32>} : memref<128xf32, #tpu.memory_space<vmem>>, vector<16xf32>,
      %add3A_773 = arith.constant 22 : i32
      %add3A_774 = vector.broadcast %add3A_773 : i32 to vector<16xi32>
      %add3A_775 = arith.addi %mul3A_229, %add3A_774 : vector<16xi32>
      %gather3A_776 = tpu.vector_load_idx %arg11[%add3A_775] : memref<6400xf32, #tpu.memory_space<vmem>>[vector<16xi32>], vector<16xf32>,
      %swap3A_777 = arith.constant 54 : i32
      %swap3A_778 = arith.constant 0 : i32
      %swap3A_779 = tpu.memref_slice %arg13[%swap3A_777, %swap3A_778] : memref<64x128xf32, #tpu.memory_space<vmem>> -> memref<1x128xf32, #tpu.memory_space<vmem>>
      %swap3A_780 = tpu.memref_squeeze %swap3A_779 : memref<1x128xf32, #tpu.memory_space<vmem>> -> memref<128xf32, #tpu.memory_space<vmem>>
      %swap3A_781 = arith.index_cast %mul3A_221 : i32 to index
      %swap3A_782 = tpu.vector_load %swap3A_780[%swap3A_781] {strides = array<i32>} : memref<128xf32, #tpu.memory_space<vmem>>, vector<16xf32>,
      tpu.vector_store %swap3A_780[%swap3A_781], %gather3A_776 {strides = array<i32>} : memref<128xf32, #tpu.memory_space<vmem>>, vector<16xf32>,
      %broadcast_in_dim3A_783 = arith.constant 23 : i32
      %broadcast_in_dim3A_784 = vector.broadcast %broadcast_in_dim3A_783 : i32 to vector<16xi32>
      %gather3A_785 = arith.constant 0 : i32
      %gather3A_786 = arith.constant 0 : i32
      %gather3A_787 = arith.constant 0 : i32
      %gather3A_788 = tpu.memref_slice %arg12[%gather3A_785, %gather3A_786, %gather3A_787] : memref<4x128x128xf32, #tpu.memory_space<vmem>> -> memref<1x128x128xf32, #tpu.memory_space<vmem>>
      %gather3A_789 = tpu.memref_squeeze %gather3A_788 : memref<1x128x128xf32, #tpu.memory_space<vmem>> -> memref<128x128xf32, #tpu.memory_space<vmem>>
      %gather3A_790 = tpu.vector_load_idx %gather3A_789[%add3A_233, %broadcast_in_dim3A_784] : memref<128x128xf32, #tpu.memory_space<vmem>>[vector<16xi32>, vector<16xi32>], vector<16xf32>,
      %swap3A_791 = arith.constant 23 : i32
      %swap3A_792 = arith.constant 0 : i32
      %swap3A_793 = tpu.memref_slice %arg13[%swap3A_791, %swap3A_792] : memref<64x128xf32, #tpu.memory_space<vmem>> -> memref<1x128xf32, #tpu.memory_space<vmem>>
      %swap3A_794 = tpu.memref_squeeze %swap3A_793 : memref<1x128xf32, #tpu.memory_space<vmem>> -> memref<128xf32, #tpu.memory_space<vmem>>
      %swap3A_795 = arith.index_cast %mul3A_221 : i32 to index
      %swap3A_796 = tpu.vector_load %swap3A_794[%swap3A_795] {strides = array<i32>} : memref<128xf32, #tpu.memory_space<vmem>>, vector<16xf32>,
      tpu.vector_store %swap3A_794[%swap3A_795], %gather3A_790 {strides = array<i32>} : memref<128xf32, #tpu.memory_space<vmem>>, vector<16xf32>,
      %add3A_797 = arith.constant 23 : i32
      %add3A_798 = vector.broadcast %add3A_797 : i32 to vector<16xi32>
      %add3A_799 = arith.addi %mul3A_229, %add3A_798 : vector<16xi32>
      %gather3A_800 = tpu.vector_load_idx %arg11[%add3A_799] : memref<6400xf32, #tpu.memory_space<vmem>>[vector<16xi32>], vector<16xf32>,
      %swap3A_801 = arith.constant 55 : i32
      %swap3A_802 = arith.constant 0 : i32
      %swap3A_803 = tpu.memref_slice %arg13[%swap3A_801, %swap3A_802] : memref<64x128xf32, #tpu.memory_space<vmem>> -> memref<1x128xf32, #tpu.memory_space<vmem>>
      %swap3A_804 = tpu.memref_squeeze %swap3A_803 : memref<1x128xf32, #tpu.memory_space<vmem>> -> memref<128xf32, #tpu.memory_space<vmem>>
      %swap3A_805 = arith.index_cast %mul3A_221 : i32 to index
      %swap3A_806 = tpu.vector_load %swap3A_804[%swap3A_805] {strides = array<i32>} : memref<128xf32, #tpu.memory_space<vmem>>, vector<16xf32>,
      tpu.vector_store %swap3A_804[%swap3A_805], %gather3A_800 {strides = array<i32>} : memref<128xf32, #tpu.memory_space<vmem>>, vector<16xf32>,
      %broadcast_in_dim3A_807 = arith.constant 24 : i32
      %broadcast_in_dim3A_808 = vector.broadcast %broadcast_in_dim3A_807 : i32 to vector<16xi32>
      %gather3A_809 = arith.constant 0 : i32
      %gather3A_810 = arith.constant 0 : i32
      %gather3A_811 = arith.constant 0 : i32
      %gather3A_812 = tpu.memref_slice %arg12[%gather3A_809, %gather3A_810, %gather3A_811] : memref<4x128x128xf32, #tpu.memory_space<vmem>> -> memref<1x128x128xf32, #tpu.memory_space<vmem>>
      %gather3A_813 = tpu.memref_squeeze %gather3A_812 : memref<1x128x128xf32, #tpu.memory_space<vmem>> -> memref<128x128xf32, #tpu.memory_space<vmem>>
      %gather3A_814 = tpu.vector_load_idx %gather3A_813[%add3A_233, %broadcast_in_dim3A_808] : memref<128x128xf32, #tpu.memory_space<vmem>>[vector<16xi32>, vector<16xi32>], vector<16xf32>,
      %swap3A_815 = arith.constant 24 : i32
      %swap3A_816 = arith.constant 0 : i32
      %swap3A_817 = tpu.memref_slice %arg13[%swap3A_815, %swap3A_816] : memref<64x128xf32, #tpu.memory_space<vmem>> -> memref<1x128xf32, #tpu.memory_space<vmem>>
      %swap3A_818 = tpu.memref_squeeze %swap3A_817 : memref<1x128xf32, #tpu.memory_space<vmem>> -> memref<128xf32, #tpu.memory_space<vmem>>
      %swap3A_819 = arith.index_cast %mul3A_221 : i32 to index
      %swap3A_820 = tpu.vector_load %swap3A_818[%swap3A_819] {strides = array<i32>} : memref<128xf32, #tpu.memory_space<vmem>>, vector<16xf32>,
      tpu.vector_store %swap3A_818[%swap3A_819], %gather3A_814 {strides = array<i32>} : memref<128xf32, #tpu.memory_space<vmem>>, vector<16xf32>,
      %add3A_821 = arith.constant 24 : i32
      %add3A_822 = vector.broadcast %add3A_821 : i32 to vector<16xi32>
      %add3A_823 = arith.addi %mul3A_229, %add3A_822 : vector<16xi32>
      %gather3A_824 = tpu.vector_load_idx %arg11[%add3A_823] : memref<6400xf32, #tpu.memory_space<vmem>>[vector<16xi32>], vector<16xf32>,
      %swap3A_825 = arith.constant 56 : i32
      %swap3A_826 = arith.constant 0 : i32
      %swap3A_827 = tpu.memref_slice %arg13[%swap3A_825, %swap3A_826] : memref<64x128xf32, #tpu.memory_space<vmem>> -> memref<1x128xf32, #tpu.memory_space<vmem>>
      %swap3A_828 = tpu.memref_squeeze %swap3A_827 : memref<1x128xf32, #tpu.memory_space<vmem>> -> memref<128xf32, #tpu.memory_space<vmem>>
      %swap3A_829 = arith.index_cast %mul3A_221 : i32 to index
      %swap3A_830 = tpu.vector_load %swap3A_828[%swap3A_829] {strides = array<i32>} : memref<128xf32, #tpu.memory_space<vmem>>, vector<16xf32>,
      tpu.vector_store %swap3A_828[%swap3A_829], %gather3A_824 {strides = array<i32>} : memref<128xf32, #tpu.memory_space<vmem>>, vector<16xf32>,
      %broadcast_in_dim3A_831 = arith.constant 25 : i32
      %broadcast_in_dim3A_832 = vector.broadcast %broadcast_in_dim3A_831 : i32 to vector<16xi32>
      %gather3A_833 = arith.constant 0 : i32
      %gather3A_834 = arith.constant 0 : i32
      %gather3A_835 = arith.constant 0 : i32
      %gather3A_836 = tpu.memref_slice %arg12[%gather3A_833, %gather3A_834, %gather3A_835] : memref<4x128x128xf32, #tpu.memory_space<vmem>> -> memref<1x128x128xf32, #tpu.memory_space<vmem>>
      %gather3A_837 = tpu.memref_squeeze %gather3A_836 : memref<1x128x128xf32, #tpu.memory_space<vmem>> -> memref<128x128xf32, #tpu.memory_space<vmem>>
      %gather3A_838 = tpu.vector_load_idx %gather3A_837[%add3A_233, %broadcast_in_dim3A_832] : memref<128x128xf32, #tpu.memory_space<vmem>>[vector<16xi32>, vector<16xi32>], vector<16xf32>,
      %swap3A_839 = arith.constant 25 : i32
      %swap3A_840 = arith.constant 0 : i32
      %swap3A_841 = tpu.memref_slice %arg13[%swap3A_839, %swap3A_840] : memref<64x128xf32, #tpu.memory_space<vmem>> -> memref<1x128xf32, #tpu.memory_space<vmem>>
      %swap3A_842 = tpu.memref_squeeze %swap3A_841 : memref<1x128xf32, #tpu.memory_space<vmem>> -> memref<128xf32, #tpu.memory_space<vmem>>
      %swap3A_843 = arith.index_cast %mul3A_221 : i32 to index
      %swap3A_844 = tpu.vector_load %swap3A_842[%swap3A_843] {strides = array<i32>} : memref<128xf32, #tpu.memory_space<vmem>>, vector<16xf32>,
      tpu.vector_store %swap3A_842[%swap3A_843], %gather3A_838 {strides = array<i32>} : memref<128xf32, #tpu.memory_space<vmem>>, vector<16xf32>,
      %add3A_845 = arith.constant 25 : i32
      %add3A_846 = vector.broadcast %add3A_845 : i32 to vector<16xi32>
      %add3A_847 = arith.addi %mul3A_229, %add3A_846 : vector<16xi32>
      %gather3A_848 = tpu.vector_load_idx %arg11[%add3A_847] : memref<6400xf32, #tpu.memory_space<vmem>>[vector<16xi32>], vector<16xf32>,
      %swap3A_849 = arith.constant 57 : i32
      %swap3A_850 = arith.constant 0 : i32
      %swap3A_851 = tpu.memref_slice %arg13[%swap3A_849, %swap3A_850] : memref<64x128xf32, #tpu.memory_space<vmem>> -> memref<1x128xf32, #tpu.memory_space<vmem>>
      %swap3A_852 = tpu.memref_squeeze %swap3A_851 : memref<1x128xf32, #tpu.memory_space<vmem>> -> memref<128xf32, #tpu.memory_space<vmem>>
      %swap3A_853 = arith.index_cast %mul3A_221 : i32 to index
      %swap3A_854 = tpu.vector_load %swap3A_852[%swap3A_853] {strides = array<i32>} : memref<128xf32, #tpu.memory_space<vmem>>, vector<16xf32>,
      tpu.vector_store %swap3A_852[%swap3A_853], %gather3A_848 {strides = array<i32>} : memref<128xf32, #tpu.memory_space<vmem>>, vector<16xf32>,
      %broadcast_in_dim3A_855 = arith.constant 26 : i32
      %broadcast_in_dim3A_856 = vector.broadcast %broadcast_in_dim3A_855 : i32 to vector<16xi32>
      %gather3A_857 = arith.constant 0 : i32
      %gather3A_858 = arith.constant 0 : i32
      %gather3A_859 = arith.constant 0 : i32
      %gather3A_860 = tpu.memref_slice %arg12[%gather3A_857, %gather3A_858, %gather3A_859] : memref<4x128x128xf32, #tpu.memory_space<vmem>> -> memref<1x128x128xf32, #tpu.memory_space<vmem>>
      %gather3A_861 = tpu.memref_squeeze %gather3A_860 : memref<1x128x128xf32, #tpu.memory_space<vmem>> -> memref<128x128xf32, #tpu.memory_space<vmem>>
      %gather3A_862 = tpu.vector_load_idx %gather3A_861[%add3A_233, %broadcast_in_dim3A_856] : memref<128x128xf32, #tpu.memory_space<vmem>>[vector<16xi32>, vector<16xi32>], vector<16xf32>,
      %swap3A_863 = arith.constant 26 : i32
      %swap3A_864 = arith.constant 0 : i32
      %swap3A_865 = tpu.memref_slice %arg13[%swap3A_863, %swap3A_864] : memref<64x128xf32, #tpu.memory_space<vmem>> -> memref<1x128xf32, #tpu.memory_space<vmem>>
      %swap3A_866 = tpu.memref_squeeze %swap3A_865 : memref<1x128xf32, #tpu.memory_space<vmem>> -> memref<128xf32, #tpu.memory_space<vmem>>
      %swap3A_867 = arith.index_cast %mul3A_221 : i32 to index
      %swap3A_868 = tpu.vector_load %swap3A_866[%swap3A_867] {strides = array<i32>} : memref<128xf32, #tpu.memory_space<vmem>>, vector<16xf32>,
      tpu.vector_store %swap3A_866[%swap3A_867], %gather3A_862 {strides = array<i32>} : memref<128xf32, #tpu.memory_space<vmem>>, vector<16xf32>,
      %add3A_869 = arith.constant 26 : i32
      %add3A_870 = vector.broadcast %add3A_869 : i32 to vector<16xi32>
      %add3A_871 = arith.addi %mul3A_229, %add3A_870 : vector<16xi32>
      %gather3A_872 = tpu.vector_load_idx %arg11[%add3A_871] : memref<6400xf32, #tpu.memory_space<vmem>>[vector<16xi32>], vector<16xf32>,
      %swap3A_873 = arith.constant 58 : i32
      %swap3A_874 = arith.constant 0 : i32
      %swap3A_875 = tpu.memref_slice %arg13[%swap3A_873, %swap3A_874] : memref<64x128xf32, #tpu.memory_space<vmem>> -> memref<1x128xf32, #tpu.memory_space<vmem>>
      %swap3A_876 = tpu.memref_squeeze %swap3A_875 : memref<1x128xf32, #tpu.memory_space<vmem>> -> memref<128xf32, #tpu.memory_space<vmem>>
      %swap3A_877 = arith.index_cast %mul3A_221 : i32 to index
      %swap3A_878 = tpu.vector_load %swap3A_876[%swap3A_877] {strides = array<i32>} : memref<128xf32, #tpu.memory_space<vmem>>, vector<16xf32>,
      tpu.vector_store %swap3A_876[%swap3A_877], %gather3A_872 {strides = array<i32>} : memref<128xf32, #tpu.memory_space<vmem>>, vector<16xf32>,
      %broadcast_in_dim3A_879 = arith.constant 27 : i32
      %broadcast_in_dim3A_880 = vector.broadcast %broadcast_in_dim3A_879 : i32 to vector<16xi32>
      %gather3A_881 = arith.constant 0 : i32
      %gather3A_882 = arith.constant 0 : i32
      %gather3A_883 = arith.constant 0 : i32
      %gather3A_884 = tpu.memref_slice %arg12[%gather3A_881, %gather3A_882, %gather3A_883] : memref<4x128x128xf32, #tpu.memory_space<vmem>> -> memref<1x128x128xf32, #tpu.memory_space<vmem>>
      %gather3A_885 = tpu.memref_squeeze %gather3A_884 : memref<1x128x128xf32, #tpu.memory_space<vmem>> -> memref<128x128xf32, #tpu.memory_space<vmem>>
      %gather3A_886 = tpu.vector_load_idx %gather3A_885[%add3A_233, %broadcast_in_dim3A_880] : memref<128x128xf32, #tpu.memory_space<vmem>>[vector<16xi32>, vector<16xi32>], vector<16xf32>,
      %swap3A_887 = arith.constant 27 : i32
      %swap3A_888 = arith.constant 0 : i32
      %swap3A_889 = tpu.memref_slice %arg13[%swap3A_887, %swap3A_888] : memref<64x128xf32, #tpu.memory_space<vmem>> -> memref<1x128xf32, #tpu.memory_space<vmem>>
      %swap3A_890 = tpu.memref_squeeze %swap3A_889 : memref<1x128xf32, #tpu.memory_space<vmem>> -> memref<128xf32, #tpu.memory_space<vmem>>
      %swap3A_891 = arith.index_cast %mul3A_221 : i32 to index
      %swap3A_892 = tpu.vector_load %swap3A_890[%swap3A_891] {strides = array<i32>} : memref<128xf32, #tpu.memory_space<vmem>>, vector<16xf32>,
      tpu.vector_store %swap3A_890[%swap3A_891], %gather3A_886 {strides = array<i32>} : memref<128xf32, #tpu.memory_space<vmem>>, vector<16xf32>,
      %add3A_893 = arith.constant 27 : i32
      %add3A_894 = vector.broadcast %add3A_893 : i32 to vector<16xi32>
      %add3A_895 = arith.addi %mul3A_229, %add3A_894 : vector<16xi32>
      %gather3A_896 = tpu.vector_load_idx %arg11[%add3A_895] : memref<6400xf32, #tpu.memory_space<vmem>>[vector<16xi32>], vector<16xf32>,
      %swap3A_897 = arith.constant 59 : i32
      %swap3A_898 = arith.constant 0 : i32
      %swap3A_899 = tpu.memref_slice %arg13[%swap3A_897, %swap3A_898] : memref<64x128xf32, #tpu.memory_space<vmem>> -> memref<1x128xf32, #tpu.memory_space<vmem>>
      %swap3A_900 = tpu.memref_squeeze %swap3A_899 : memref<1x128xf32, #tpu.memory_space<vmem>> -> memref<128xf32, #tpu.memory_space<vmem>>
      %swap3A_901 = arith.index_cast %mul3A_221 : i32 to index
      %swap3A_902 = tpu.vector_load %swap3A_900[%swap3A_901] {strides = array<i32>} : memref<128xf32, #tpu.memory_space<vmem>>, vector<16xf32>,
      tpu.vector_store %swap3A_900[%swap3A_901], %gather3A_896 {strides = array<i32>} : memref<128xf32, #tpu.memory_space<vmem>>, vector<16xf32>,
      %broadcast_in_dim3A_903 = arith.constant 28 : i32
      %broadcast_in_dim3A_904 = vector.broadcast %broadcast_in_dim3A_903 : i32 to vector<16xi32>
      %gather3A_905 = arith.constant 0 : i32
      %gather3A_906 = arith.constant 0 : i32
      %gather3A_907 = arith.constant 0 : i32
      %gather3A_908 = tpu.memref_slice %arg12[%gather3A_905, %gather3A_906, %gather3A_907] : memref<4x128x128xf32, #tpu.memory_space<vmem>> -> memref<1x128x128xf32, #tpu.memory_space<vmem>>
      %gather3A_909 = tpu.memref_squeeze %gather3A_908 : memref<1x128x128xf32, #tpu.memory_space<vmem>> -> memref<128x128xf32, #tpu.memory_space<vmem>>
      %gather3A_910 = tpu.vector_load_idx %gather3A_909[%add3A_233, %broadcast_in_dim3A_904] : memref<128x128xf32, #tpu.memory_space<vmem>>[vector<16xi32>, vector<16xi32>], vector<16xf32>,
      %swap3A_911 = arith.constant 28 : i32
      %swap3A_912 = arith.constant 0 : i32
      %swap3A_913 = tpu.memref_slice %arg13[%swap3A_911, %swap3A_912] : memref<64x128xf32, #tpu.memory_space<vmem>> -> memref<1x128xf32, #tpu.memory_space<vmem>>
      %swap3A_914 = tpu.memref_squeeze %swap3A_913 : memref<1x128xf32, #tpu.memory_space<vmem>> -> memref<128xf32, #tpu.memory_space<vmem>>
      %swap3A_915 = arith.index_cast %mul3A_221 : i32 to index
      %swap3A_916 = tpu.vector_load %swap3A_914[%swap3A_915] {strides = array<i32>} : memref<128xf32, #tpu.memory_space<vmem>>, vector<16xf32>,
      tpu.vector_store %swap3A_914[%swap3A_915], %gather3A_910 {strides = array<i32>} : memref<128xf32, #tpu.memory_space<vmem>>, vector<16xf32>,
      %add3A_917 = arith.constant 28 : i32
      %add3A_918 = vector.broadcast %add3A_917 : i32 to vector<16xi32>
      %add3A_919 = arith.addi %mul3A_229, %add3A_918 : vector<16xi32>
      %gather3A_920 = tpu.vector_load_idx %arg11[%add3A_919] : memref<6400xf32, #tpu.memory_space<vmem>>[vector<16xi32>], vector<16xf32>,
      %swap3A_921 = arith.constant 60 : i32
      %swap3A_922 = arith.constant 0 : i32
      %swap3A_923 = tpu.memref_slice %arg13[%swap3A_921, %swap3A_922] : memref<64x128xf32, #tpu.memory_space<vmem>> -> memref<1x128xf32, #tpu.memory_space<vmem>>
      %swap3A_924 = tpu.memref_squeeze %swap3A_923 : memref<1x128xf32, #tpu.memory_space<vmem>> -> memref<128xf32, #tpu.memory_space<vmem>>
      %swap3A_925 = arith.index_cast %mul3A_221 : i32 to index
      %swap3A_926 = tpu.vector_load %swap3A_924[%swap3A_925] {strides = array<i32>} : memref<128xf32, #tpu.memory_space<vmem>>, vector<16xf32>,
      tpu.vector_store %swap3A_924[%swap3A_925], %gather3A_920 {strides = array<i32>} : memref<128xf32, #tpu.memory_space<vmem>>, vector<16xf32>,
      %broadcast_in_dim3A_927 = arith.constant 29 : i32
      %broadcast_in_dim3A_928 = vector.broadcast %broadcast_in_dim3A_927 : i32 to vector<16xi32>
      %gather3A_929 = arith.constant 0 : i32
      %gather3A_930 = arith.constant 0 : i32
      %gather3A_931 = arith.constant 0 : i32
      %gather3A_932 = tpu.memref_slice %arg12[%gather3A_929, %gather3A_930, %gather3A_931] : memref<4x128x128xf32, #tpu.memory_space<vmem>> -> memref<1x128x128xf32, #tpu.memory_space<vmem>>
      %gather3A_933 = tpu.memref_squeeze %gather3A_932 : memref<1x128x128xf32, #tpu.memory_space<vmem>> -> memref<128x128xf32, #tpu.memory_space<vmem>>
      %gather3A_934 = tpu.vector_load_idx %gather3A_933[%add3A_233, %broadcast_in_dim3A_928] : memref<128x128xf32, #tpu.memory_space<vmem>>[vector<16xi32>, vector<16xi32>], vector<16xf32>,
      %swap3A_935 = arith.constant 29 : i32
      %swap3A_936 = arith.constant 0 : i32
      %swap3A_937 = tpu.memref_slice %arg13[%swap3A_935, %swap3A_936] : memref<64x128xf32, #tpu.memory_space<vmem>> -> memref<1x128xf32, #tpu.memory_space<vmem>>
      %swap3A_938 = tpu.memref_squeeze %swap3A_937 : memref<1x128xf32, #tpu.memory_space<vmem>> -> memref<128xf32, #tpu.memory_space<vmem>>
      %swap3A_939 = arith.index_cast %mul3A_221 : i32 to index
      %swap3A_940 = tpu.vector_load %swap3A_938[%swap3A_939] {strides = array<i32>} : memref<128xf32, #tpu.memory_space<vmem>>, vector<16xf32>,
      tpu.vector_store %swap3A_938[%swap3A_939], %gather3A_934 {strides = array<i32>} : memref<128xf32, #tpu.memory_space<vmem>>, vector<16xf32>,
      %add3A_941 = arith.constant 29 : i32
      %add3A_942 = vector.broadcast %add3A_941 : i32 to vector<16xi32>
      %add3A_943 = arith.addi %mul3A_229, %add3A_942 : vector<16xi32>
      %gather3A_944 = tpu.vector_load_idx %arg11[%add3A_943] : memref<6400xf32, #tpu.memory_space<vmem>>[vector<16xi32>], vector<16xf32>,
      %swap3A_945 = arith.constant 61 : i32
      %swap3A_946 = arith.constant 0 : i32
      %swap3A_947 = tpu.memref_slice %arg13[%swap3A_945, %swap3A_946] : memref<64x128xf32, #tpu.memory_space<vmem>> -> memref<1x128xf32, #tpu.memory_space<vmem>>
      %swap3A_948 = tpu.memref_squeeze %swap3A_947 : memref<1x128xf32, #tpu.memory_space<vmem>> -> memref<128xf32, #tpu.memory_space<vmem>>
      %swap3A_949 = arith.index_cast %mul3A_221 : i32 to index
      %swap3A_950 = tpu.vector_load %swap3A_948[%swap3A_949] {strides = array<i32>} : memref<128xf32, #tpu.memory_space<vmem>>, vector<16xf32>,
      tpu.vector_store %swap3A_948[%swap3A_949], %gather3A_944 {strides = array<i32>} : memref<128xf32, #tpu.memory_space<vmem>>, vector<16xf32>,
      %broadcast_in_dim3A_951 = arith.constant 30 : i32
      %broadcast_in_dim3A_952 = vector.broadcast %broadcast_in_dim3A_951 : i32 to vector<16xi32>
      %gather3A_953 = arith.constant 0 : i32
      %gather3A_954 = arith.constant 0 : i32
      %gather3A_955 = arith.constant 0 : i32
      %gather3A_956 = tpu.memref_slice %arg12[%gather3A_953, %gather3A_954, %gather3A_955] : memref<4x128x128xf32, #tpu.memory_space<vmem>> -> memref<1x128x128xf32, #tpu.memory_space<vmem>>
      %gather3A_957 = tpu.memref_squeeze %gather3A_956 : memref<1x128x128xf32, #tpu.memory_space<vmem>> -> memref<128x128xf32, #tpu.memory_space<vmem>>
      %gather3A_958 = tpu.vector_load_idx %gather3A_957[%add3A_233, %broadcast_in_dim3A_952] : memref<128x128xf32, #tpu.memory_space<vmem>>[vector<16xi32>, vector<16xi32>], vector<16xf32>,
      %swap3A_959 = arith.constant 30 : i32
      %swap3A_960 = arith.constant 0 : i32
      %swap3A_961 = tpu.memref_slice %arg13[%swap3A_959, %swap3A_960] : memref<64x128xf32, #tpu.memory_space<vmem>> -> memref<1x128xf32, #tpu.memory_space<vmem>>
      %swap3A_962 = tpu.memref_squeeze %swap3A_961 : memref<1x128xf32, #tpu.memory_space<vmem>> -> memref<128xf32, #tpu.memory_space<vmem>>
      %swap3A_963 = arith.index_cast %mul3A_221 : i32 to index
      %swap3A_964 = tpu.vector_load %swap3A_962[%swap3A_963] {strides = array<i32>} : memref<128xf32, #tpu.memory_space<vmem>>, vector<16xf32>,
      tpu.vector_store %swap3A_962[%swap3A_963], %gather3A_958 {strides = array<i32>} : memref<128xf32, #tpu.memory_space<vmem>>, vector<16xf32>,
      %add3A_965 = arith.constant 30 : i32
      %add3A_966 = vector.broadcast %add3A_965 : i32 to vector<16xi32>
      %add3A_967 = arith.addi %mul3A_229, %add3A_966 : vector<16xi32>
      %gather3A_968 = tpu.vector_load_idx %arg11[%add3A_967] : memref<6400xf32, #tpu.memory_space<vmem>>[vector<16xi32>], vector<16xf32>,
      %swap3A_969 = arith.constant 62 : i32
      %swap3A_970 = arith.constant 0 : i32
      %swap3A_971 = tpu.memref_slice %arg13[%swap3A_969, %swap3A_970] : memref<64x128xf32, #tpu.memory_space<vmem>> -> memref<1x128xf32, #tpu.memory_space<vmem>>
      %swap3A_972 = tpu.memref_squeeze %swap3A_971 : memref<1x128xf32, #tpu.memory_space<vmem>> -> memref<128xf32, #tpu.memory_space<vmem>>
      %swap3A_973 = arith.index_cast %mul3A_221 : i32 to index
      %swap3A_974 = tpu.vector_load %swap3A_972[%swap3A_973] {strides = array<i32>} : memref<128xf32, #tpu.memory_space<vmem>>, vector<16xf32>,
      tpu.vector_store %swap3A_972[%swap3A_973], %gather3A_968 {strides = array<i32>} : memref<128xf32, #tpu.memory_space<vmem>>, vector<16xf32>,
      %broadcast_in_dim3A_975 = arith.constant 31 : i32
      %broadcast_in_dim3A_976 = vector.broadcast %broadcast_in_dim3A_975 : i32 to vector<16xi32>
      %gather3A_977 = arith.constant 0 : i32
      %gather3A_978 = arith.constant 0 : i32
      %gather3A_979 = arith.constant 0 : i32
      %gather3A_980 = tpu.memref_slice %arg12[%gather3A_977, %gather3A_978, %gather3A_979] : memref<4x128x128xf32, #tpu.memory_space<vmem>> -> memref<1x128x128xf32, #tpu.memory_space<vmem>>
      %gather3A_981 = tpu.memref_squeeze %gather3A_980 : memref<1x128x128xf32, #tpu.memory_space<vmem>> -> memref<128x128xf32, #tpu.memory_space<vmem>>
      %gather3A_982 = tpu.vector_load_idx %gather3A_981[%add3A_233, %broadcast_in_dim3A_976] : memref<128x128xf32, #tpu.memory_space<vmem>>[vector<16xi32>, vector<16xi32>], vector<16xf32>,
      %swap3A_983 = arith.constant 31 : i32
      %swap3A_984 = arith.constant 0 : i32
      %swap3A_985 = tpu.memref_slice %arg13[%swap3A_983, %swap3A_984] : memref<64x128xf32, #tpu.memory_space<vmem>> -> memref<1x128xf32, #tpu.memory_space<vmem>>
      %swap3A_986 = tpu.memref_squeeze %swap3A_985 : memref<1x128xf32, #tpu.memory_space<vmem>> -> memref<128xf32, #tpu.memory_space<vmem>>
      %swap3A_987 = arith.index_cast %mul3A_221 : i32 to index
      %swap3A_988 = tpu.vector_load %swap3A_986[%swap3A_987] {strides = array<i32>} : memref<128xf32, #tpu.memory_space<vmem>>, vector<16xf32>,
      tpu.vector_store %swap3A_986[%swap3A_987], %gather3A_982 {strides = array<i32>} : memref<128xf32, #tpu.memory_space<vmem>>, vector<16xf32>,
      %add3A_989 = arith.constant 31 : i32
      %add3A_990 = vector.broadcast %add3A_989 : i32 to vector<16xi32>
      %add3A_991 = arith.addi %mul3A_229, %add3A_990 : vector<16xi32>
      %gather3A_992 = tpu.vector_load_idx %arg11[%add3A_991] : memref<6400xf32, #tpu.memory_space<vmem>>[vector<16xi32>], vector<16xf32>,
      %swap3A_993 = arith.constant 63 : i32
      %swap3A_994 = arith.constant 0 : i32
      %swap3A_995 = tpu.memref_slice %arg13[%swap3A_993, %swap3A_994] : memref<64x128xf32, #tpu.memory_space<vmem>> -> memref<1x128xf32, #tpu.memory_space<vmem>>
      %swap3A_996 = tpu.memref_squeeze %swap3A_995 : memref<1x128xf32, #tpu.memory_space<vmem>> -> memref<128xf32, #tpu.memory_space<vmem>>
      %swap3A_997 = arith.index_cast %mul3A_221 : i32 to index
      %swap3A_998 = tpu.vector_load %swap3A_996[%swap3A_997] {strides = array<i32>} : memref<128xf32, #tpu.memory_space<vmem>>, vector<16xf32>,
      tpu.vector_store %swap3A_996[%swap3A_997], %gather3A_992 {strides = array<i32>} : memref<128xf32, #tpu.memory_space<vmem>>, vector<16xf32>,
      %scan3A_999 = arith.constant 0 : i32
      scf.yield %scan3A_999 : i32
    }
    %scan3A_144 = arith.constant 8 : i32
    %mul3A_145 = arith.constant 512 : i32
    %mul3A_146 = arith.muli %add3A, %mul3A_145 : i32
    %add3A_147 = arith.constant 0 : i32
    %add3A_148 = arith.addi %mul3A_146, %add3A_147 : i32
    "tpu.region"() ({
      %run_scoped3A = tpu.sem_alloc : memref<!tpu.dma_semaphore, #tpu.memory_space<semaphore_mem>>
      %dma_start3A_218 = arith.constant 0 : i32
      %dma_start3A_219 = tpu.memref_slice %arg7[%dma_start3A_218, %add3A_148] : memref<64x16384xf32, #tpu.memory_space<hbm>> -> memref<64x128xf32, #tpu.memory_space<hbm>>
      %dma_start3A_220 = arith.constant 0 : i32
      %dma_start3A_221 = tpu.memref_slice %arg7[%dma_start3A_220, %add3A_148] : memref<64x16384xf32, #tpu.memory_space<hbm>> -> memref<64x128xf32, #tpu.memory_space<hbm>>
      tpu.enqueue_dma source(%arg13 : memref<64x128xf32, #tpu.memory_space<vmem>>) target(%dma_start3A_221 : memref<64x128xf32, #tpu.memory_space<hbm>>) target_semaphore(%run_scoped3A : memref<!tpu.dma_semaphore, #tpu.memory_space<semaphore_mem>>)
      %dma_wait3A_222 = arith.constant 0 : i32
      %dma_wait3A_223 = tpu.memref_slice %arg7[%dma_wait3A_222, %add3A_148] : memref<64x16384xf32, #tpu.memory_space<hbm>> -> memref<64x128xf32, #tpu.memory_space<hbm>>
      %dma_wait3A_224 = arith.constant 0 : i32
      %dma_wait3A_225 = tpu.memref_slice %arg7[%dma_wait3A_224, %add3A_148] : memref<64x16384xf32, #tpu.memory_space<hbm>> -> memref<64x128xf32, #tpu.memory_space<hbm>>
      tpu.wait_dma2 semaphore(%run_scoped3A : memref<!tpu.dma_semaphore, #tpu.memory_space<semaphore_mem>>) src(%arg13 : memref<64x128xf32, #tpu.memory_space<vmem>>) dst(%dma_wait3A_225 : memref<64x128xf32, #tpu.memory_space<hbm>>)
      tpu.yield
    }) : () -> ()
    %dma_wait3A_149 = arith.constant 1 : i32
    %dma_wait3A_150 = arith.constant 1 : i32
    %dma_wait3A_151 = arith.constant 0 : i32
    %dma_wait3A_152 = arith.constant 0 : i32
    %dma_wait3A_153 = tpu.memref_slice %arg12[%dma_wait3A_150, %dma_wait3A_151, %dma_wait3A_152] : memref<4x128x128xf32, #tpu.memory_space<vmem>> -> memref<1x128x128xf32, #tpu.memory_space<vmem>>
    %dma_wait3A_154 = tpu.memref_squeeze %dma_wait3A_153 : memref<1x128x128xf32, #tpu.memory_space<vmem>> -> memref<128x128xf32, #tpu.memory_space<vmem>>
    %dma_wait3A_155 = arith.constant 0 : i32
    %dma_wait3A_156 = tpu.memref_slice %arg10[%dma_wait3A_149, %dma_wait3A_155] : memref<4x128xi32, #tpu.memory_space<vmem>> -> memref<1x128xi32, #tpu.memory_space<vmem>>
    %dma_wait3A_157 = tpu.memref_squeeze %dma_wait3A_156 : memref<1x128xi32, #tpu.memory_space<vmem>> -> memref<128xi32, #tpu.memory_space<vmem>>
    %dma_wait3A_158 = arith.constant 0 : i32
    %dma_wait3A_159 = arith.constant 0 : i32
    %dma_wait3A_160 = tpu.memref_slice %arg5[%dma_wait3A_158, %dma_wait3A_159] : memref<1000000x128xf32, #tpu.memory_space<hbm>> -> memref<1000000x128xf32, #tpu.memory_space<hbm>>
    tpu.wait_indirect_dma semaphore(%arg15 : memref<!tpu.dma_semaphore, #tpu.memory_space<semaphore_mem>>) src(%dma_wait3A_160 : memref<1000000x128xf32, #tpu.memory_space<hbm>>) dst(%dma_wait3A_154 : memref<128x128xf32, #tpu.memory_space<vmem>>)
    %scan3A_161 = arith.constant 0 : i32
    %scan3A_162 = arith.constant 0 : i32
    %scan3A_163 = arith.constant 8 : i32
    %scan3A_164 = arith.addi %scan3A_162, %scan3A_163 : i32
    %scan3A_165 = arith.constant 1 : i32
    %scan3A_166 = scf.for %scan3A_218 = %scan3A_162 to %scan3A_164 step %scan3A_165 iter_args(%scan3A_219 = %scan3A_161) -> (i32)  : i32 {
      %mul3A_220 = arith.constant 16 : i32
      %mul3A_221 = arith.muli %scan3A_218, %mul3A_220 : i32
      %get3A = arith.constant 1 : i32
      %get3A_222 = arith.constant 0 : i32
      %get3A_223 = tpu.memref_slice %arg9[%get3A, %get3A_222] : memref<4x128xi32, #tpu.memory_space<vmem>> -> memref<1x128xi32, #tpu.memory_space<vmem>>
      %get3A_224 = tpu.memref_squeeze %get3A_223 : memref<1x128xi32, #tpu.memory_space<vmem>> -> memref<128xi32, #tpu.memory_space<vmem>>
      %get3A_225 = arith.index_cast %mul3A_221 : i32 to index
      %get3A_226 = tpu.vector_load %get3A_224[%get3A_225] {strides = array<i32>} : memref<128xi32, #tpu.memory_space<vmem>>, vector<16xi32>,
      %mul3A_227 = arith.constant 32 : i32
      %mul3A_228 = vector.broadcast %mul3A_227 : i32 to vector<16xi32>
      %mul3A_229 = arith.muli %get3A_226, %mul3A_228 : vector<16xi32>
      %mul3A_230 = arith.constant 16 : i32
      %mul3A_231 = arith.muli %scan3A_218, %mul3A_230 : i32
      %add3A_232 = vector.broadcast %mul3A_231 : i32 to vector<16xi32>
      %add3A_233 = arith.addi %add3A_232, %iota3A : vector<16xi32>
      %broadcast_in_dim3A = arith.constant 0 : i32
      %broadcast_in_dim3A_234 = vector.broadcast %broadcast_in_dim3A : i32 to vector<16xi32>
      %gather3A = arith.constant 1 : i32
      %gather3A_235 = arith.constant 0 : i32
      %gather3A_236 = arith.constant 0 : i32
      %gather3A_237 = tpu.memref_slice %arg12[%gather3A, %gather3A_235, %gather3A_236] : memref<4x128x128xf32, #tpu.memory_space<vmem>> -> memref<1x128x128xf32, #tpu.memory_space<vmem>>
      %gather3A_238 = tpu.memref_squeeze %gather3A_237 : memref<1x128x128xf32, #tpu.memory_space<vmem>> -> memref<128x128xf32, #tpu.memory_space<vmem>>
      %gather3A_239 = tpu.vector_load_idx %gather3A_238[%add3A_233, %broadcast_in_dim3A_234] : memref<128x128xf32, #tpu.memory_space<vmem>>[vector<16xi32>, vector<16xi32>], vector<16xf32>,
      %swap3A = arith.constant 0 : i32
      %swap3A_240 = arith.constant 0 : i32
      %swap3A_241 = tpu.memref_slice %arg13[%swap3A, %swap3A_240] : memref<64x128xf32, #tpu.memory_space<vmem>> -> memref<1x128xf32, #tpu.memory_space<vmem>>
      %swap3A_242 = tpu.memref_squeeze %swap3A_241 : memref<1x128xf32, #tpu.memory_space<vmem>> -> memref<128xf32, #tpu.memory_space<vmem>>
      %swap3A_243 = arith.index_cast %mul3A_221 : i32 to index
      %swap3A_244 = tpu.vector_load %swap3A_242[%swap3A_243] {strides = array<i32>} : memref<128xf32, #tpu.memory_space<vmem>>, vector<16xf32>,
      tpu.vector_store %swap3A_242[%swap3A_243], %gather3A_239 {strides = array<i32>} : memref<128xf32, #tpu.memory_space<vmem>>, vector<16xf32>,
      %add3A_245 = arith.constant 0 : i32
      %add3A_246 = vector.broadcast %add3A_245 : i32 to vector<16xi32>
      %add3A_247 = arith.addi %mul3A_229, %add3A_246 : vector<16xi32>
      %gather3A_248 = tpu.vector_load_idx %arg11[%add3A_247] : memref<6400xf32, #tpu.memory_space<vmem>>[vector<16xi32>], vector<16xf32>,
      %swap3A_249 = arith.constant 32 : i32
      %swap3A_250 = arith.constant 0 : i32
      %swap3A_251 = tpu.memref_slice %arg13[%swap3A_249, %swap3A_250] : memref<64x128xf32, #tpu.memory_space<vmem>> -> memref<1x128xf32, #tpu.memory_space<vmem>>
      %swap3A_252 = tpu.memref_squeeze %swap3A_251 : memref<1x128xf32, #tpu.memory_space<vmem>> -> memref<128xf32, #tpu.memory_space<vmem>>
      %swap3A_253 = arith.index_cast %mul3A_221 : i32 to index
      %swap3A_254 = tpu.vector_load %swap3A_252[%swap3A_253] {strides = array<i32>} : memref<128xf32, #tpu.memory_space<vmem>>, vector<16xf32>,
      tpu.vector_store %swap3A_252[%swap3A_253], %gather3A_248 {strides = array<i32>} : memref<128xf32, #tpu.memory_space<vmem>>, vector<16xf32>,
      %broadcast_in_dim3A_255 = arith.constant 1 : i32
      %broadcast_in_dim3A_256 = vector.broadcast %broadcast_in_dim3A_255 : i32 to vector<16xi32>
      %gather3A_257 = arith.constant 1 : i32
      %gather3A_258 = arith.constant 0 : i32
      %gather3A_259 = arith.constant 0 : i32
      %gather3A_260 = tpu.memref_slice %arg12[%gather3A_257, %gather3A_258, %gather3A_259] : memref<4x128x128xf32, #tpu.memory_space<vmem>> -> memref<1x128x128xf32, #tpu.memory_space<vmem>>
      %gather3A_261 = tpu.memref_squeeze %gather3A_260 : memref<1x128x128xf32, #tpu.memory_space<vmem>> -> memref<128x128xf32, #tpu.memory_space<vmem>>
      %gather3A_262 = tpu.vector_load_idx %gather3A_261[%add3A_233, %broadcast_in_dim3A_256] : memref<128x128xf32, #tpu.memory_space<vmem>>[vector<16xi32>, vector<16xi32>], vector<16xf32>,
      %swap3A_263 = arith.constant 1 : i32
      %swap3A_264 = arith.constant 0 : i32
      %swap3A_265 = tpu.memref_slice %arg13[%swap3A_263, %swap3A_264] : memref<64x128xf32, #tpu.memory_space<vmem>> -> memref<1x128xf32, #tpu.memory_space<vmem>>
      %swap3A_266 = tpu.memref_squeeze %swap3A_265 : memref<1x128xf32, #tpu.memory_space<vmem>> -> memref<128xf32, #tpu.memory_space<vmem>>
      %swap3A_267 = arith.index_cast %mul3A_221 : i32 to index
      %swap3A_268 = tpu.vector_load %swap3A_266[%swap3A_267] {strides = array<i32>} : memref<128xf32, #tpu.memory_space<vmem>>, vector<16xf32>,
      tpu.vector_store %swap3A_266[%swap3A_267], %gather3A_262 {strides = array<i32>} : memref<128xf32, #tpu.memory_space<vmem>>, vector<16xf32>,
      %add3A_269 = arith.constant 1 : i32
      %add3A_270 = vector.broadcast %add3A_269 : i32 to vector<16xi32>
      %add3A_271 = arith.addi %mul3A_229, %add3A_270 : vector<16xi32>
      %gather3A_272 = tpu.vector_load_idx %arg11[%add3A_271] : memref<6400xf32, #tpu.memory_space<vmem>>[vector<16xi32>], vector<16xf32>,
      %swap3A_273 = arith.constant 33 : i32
      %swap3A_274 = arith.constant 0 : i32
      %swap3A_275 = tpu.memref_slice %arg13[%swap3A_273, %swap3A_274] : memref<64x128xf32, #tpu.memory_space<vmem>> -> memref<1x128xf32, #tpu.memory_space<vmem>>
      %swap3A_276 = tpu.memref_squeeze %swap3A_275 : memref<1x128xf32, #tpu.memory_space<vmem>> -> memref<128xf32, #tpu.memory_space<vmem>>
      %swap3A_277 = arith.index_cast %mul3A_221 : i32 to index
      %swap3A_278 = tpu.vector_load %swap3A_276[%swap3A_277] {strides = array<i32>} : memref<128xf32, #tpu.memory_space<vmem>>, vector<16xf32>,
      tpu.vector_store %swap3A_276[%swap3A_277], %gather3A_272 {strides = array<i32>} : memref<128xf32, #tpu.memory_space<vmem>>, vector<16xf32>,
      %broadcast_in_dim3A_279 = arith.constant 2 : i32
      %broadcast_in_dim3A_280 = vector.broadcast %broadcast_in_dim3A_279 : i32 to vector<16xi32>
      %gather3A_281 = arith.constant 1 : i32
      %gather3A_282 = arith.constant 0 : i32
      %gather3A_283 = arith.constant 0 : i32
      %gather3A_284 = tpu.memref_slice %arg12[%gather3A_281, %gather3A_282, %gather3A_283] : memref<4x128x128xf32, #tpu.memory_space<vmem>> -> memref<1x128x128xf32, #tpu.memory_space<vmem>>
      %gather3A_285 = tpu.memref_squeeze %gather3A_284 : memref<1x128x128xf32, #tpu.memory_space<vmem>> -> memref<128x128xf32, #tpu.memory_space<vmem>>
      %gather3A_286 = tpu.vector_load_idx %gather3A_285[%add3A_233, %broadcast_in_dim3A_280] : memref<128x128xf32, #tpu.memory_space<vmem>>[vector<16xi32>, vector<16xi32>], vector<16xf32>,
      %swap3A_287 = arith.constant 2 : i32
      %swap3A_288 = arith.constant 0 : i32
      %swap3A_289 = tpu.memref_slice %arg13[%swap3A_287, %swap3A_288] : memref<64x128xf32, #tpu.memory_space<vmem>> -> memref<1x128xf32, #tpu.memory_space<vmem>>
      %swap3A_290 = tpu.memref_squeeze %swap3A_289 : memref<1x128xf32, #tpu.memory_space<vmem>> -> memref<128xf32, #tpu.memory_space<vmem>>
      %swap3A_291 = arith.index_cast %mul3A_221 : i32 to index
      %swap3A_292 = tpu.vector_load %swap3A_290[%swap3A_291] {strides = array<i32>} : memref<128xf32, #tpu.memory_space<vmem>>, vector<16xf32>,
      tpu.vector_store %swap3A_290[%swap3A_291], %gather3A_286 {strides = array<i32>} : memref<128xf32, #tpu.memory_space<vmem>>, vector<16xf32>,
      %add3A_293 = arith.constant 2 : i32
      %add3A_294 = vector.broadcast %add3A_293 : i32 to vector<16xi32>
      %add3A_295 = arith.addi %mul3A_229, %add3A_294 : vector<16xi32>
      %gather3A_296 = tpu.vector_load_idx %arg11[%add3A_295] : memref<6400xf32, #tpu.memory_space<vmem>>[vector<16xi32>], vector<16xf32>,
      %swap3A_297 = arith.constant 34 : i32
      %swap3A_298 = arith.constant 0 : i32
      %swap3A_299 = tpu.memref_slice %arg13[%swap3A_297, %swap3A_298] : memref<64x128xf32, #tpu.memory_space<vmem>> -> memref<1x128xf32, #tpu.memory_space<vmem>>
      %swap3A_300 = tpu.memref_squeeze %swap3A_299 : memref<1x128xf32, #tpu.memory_space<vmem>> -> memref<128xf32, #tpu.memory_space<vmem>>
      %swap3A_301 = arith.index_cast %mul3A_221 : i32 to index
      %swap3A_302 = tpu.vector_load %swap3A_300[%swap3A_301] {strides = array<i32>} : memref<128xf32, #tpu.memory_space<vmem>>, vector<16xf32>,
      tpu.vector_store %swap3A_300[%swap3A_301], %gather3A_296 {strides = array<i32>} : memref<128xf32, #tpu.memory_space<vmem>>, vector<16xf32>,
      %broadcast_in_dim3A_303 = arith.constant 3 : i32
      %broadcast_in_dim3A_304 = vector.broadcast %broadcast_in_dim3A_303 : i32 to vector<16xi32>
      %gather3A_305 = arith.constant 1 : i32
      %gather3A_306 = arith.constant 0 : i32
      %gather3A_307 = arith.constant 0 : i32
      %gather3A_308 = tpu.memref_slice %arg12[%gather3A_305, %gather3A_306, %gather3A_307] : memref<4x128x128xf32, #tpu.memory_space<vmem>> -> memref<1x128x128xf32, #tpu.memory_space<vmem>>
      %gather3A_309 = tpu.memref_squeeze %gather3A_308 : memref<1x128x128xf32, #tpu.memory_space<vmem>> -> memref<128x128xf32, #tpu.memory_space<vmem>>
      %gather3A_310 = tpu.vector_load_idx %gather3A_309[%add3A_233, %broadcast_in_dim3A_304] : memref<128x128xf32, #tpu.memory_space<vmem>>[vector<16xi32>, vector<16xi32>], vector<16xf32>,
      %swap3A_311 = arith.constant 3 : i32
      %swap3A_312 = arith.constant 0 : i32
      %swap3A_313 = tpu.memref_slice %arg13[%swap3A_311, %swap3A_312] : memref<64x128xf32, #tpu.memory_space<vmem>> -> memref<1x128xf32, #tpu.memory_space<vmem>>
      %swap3A_314 = tpu.memref_squeeze %swap3A_313 : memref<1x128xf32, #tpu.memory_space<vmem>> -> memref<128xf32, #tpu.memory_space<vmem>>
      %swap3A_315 = arith.index_cast %mul3A_221 : i32 to index
      %swap3A_316 = tpu.vector_load %swap3A_314[%swap3A_315] {strides = array<i32>} : memref<128xf32, #tpu.memory_space<vmem>>, vector<16xf32>,
      tpu.vector_store %swap3A_314[%swap3A_315], %gather3A_310 {strides = array<i32>} : memref<128xf32, #tpu.memory_space<vmem>>, vector<16xf32>,
      %add3A_317 = arith.constant 3 : i32
      %add3A_318 = vector.broadcast %add3A_317 : i32 to vector<16xi32>
      %add3A_319 = arith.addi %mul3A_229, %add3A_318 : vector<16xi32>
      %gather3A_320 = tpu.vector_load_idx %arg11[%add3A_319] : memref<6400xf32, #tpu.memory_space<vmem>>[vector<16xi32>], vector<16xf32>,
      %swap3A_321 = arith.constant 35 : i32
      %swap3A_322 = arith.constant 0 : i32
      %swap3A_323 = tpu.memref_slice %arg13[%swap3A_321, %swap3A_322] : memref<64x128xf32, #tpu.memory_space<vmem>> -> memref<1x128xf32, #tpu.memory_space<vmem>>
      %swap3A_324 = tpu.memref_squeeze %swap3A_323 : memref<1x128xf32, #tpu.memory_space<vmem>> -> memref<128xf32, #tpu.memory_space<vmem>>
      %swap3A_325 = arith.index_cast %mul3A_221 : i32 to index
      %swap3A_326 = tpu.vector_load %swap3A_324[%swap3A_325] {strides = array<i32>} : memref<128xf32, #tpu.memory_space<vmem>>, vector<16xf32>,
      tpu.vector_store %swap3A_324[%swap3A_325], %gather3A_320 {strides = array<i32>} : memref<128xf32, #tpu.memory_space<vmem>>, vector<16xf32>,
      %broadcast_in_dim3A_327 = arith.constant 4 : i32
      %broadcast_in_dim3A_328 = vector.broadcast %broadcast_in_dim3A_327 : i32 to vector<16xi32>
      %gather3A_329 = arith.constant 1 : i32
      %gather3A_330 = arith.constant 0 : i32
      %gather3A_331 = arith.constant 0 : i32
      %gather3A_332 = tpu.memref_slice %arg12[%gather3A_329, %gather3A_330, %gather3A_331] : memref<4x128x128xf32, #tpu.memory_space<vmem>> -> memref<1x128x128xf32, #tpu.memory_space<vmem>>
      %gather3A_333 = tpu.memref_squeeze %gather3A_332 : memref<1x128x128xf32, #tpu.memory_space<vmem>> -> memref<128x128xf32, #tpu.memory_space<vmem>>
      %gather3A_334 = tpu.vector_load_idx %gather3A_333[%add3A_233, %broadcast_in_dim3A_328] : memref<128x128xf32, #tpu.memory_space<vmem>>[vector<16xi32>, vector<16xi32>], vector<16xf32>,
      %swap3A_335 = arith.constant 4 : i32
      %swap3A_336 = arith.constant 0 : i32
      %swap3A_337 = tpu.memref_slice %arg13[%swap3A_335, %swap3A_336] : memref<64x128xf32, #tpu.memory_space<vmem>> -> memref<1x128xf32, #tpu.memory_space<vmem>>
      %swap3A_338 = tpu.memref_squeeze %swap3A_337 : memref<1x128xf32, #tpu.memory_space<vmem>> -> memref<128xf32, #tpu.memory_space<vmem>>
      %swap3A_339 = arith.index_cast %mul3A_221 : i32 to index
      %swap3A_340 = tpu.vector_load %swap3A_338[%swap3A_339] {strides = array<i32>} : memref<128xf32, #tpu.memory_space<vmem>>, vector<16xf32>,
      tpu.vector_store %swap3A_338[%swap3A_339], %gather3A_334 {strides = array<i32>} : memref<128xf32, #tpu.memory_space<vmem>>, vector<16xf32>,
      %add3A_341 = arith.constant 4 : i32
      %add3A_342 = vector.broadcast %add3A_341 : i32 to vector<16xi32>
      %add3A_343 = arith.addi %mul3A_229, %add3A_342 : vector<16xi32>
      %gather3A_344 = tpu.vector_load_idx %arg11[%add3A_343] : memref<6400xf32, #tpu.memory_space<vmem>>[vector<16xi32>], vector<16xf32>,
      %swap3A_345 = arith.constant 36 : i32
      %swap3A_346 = arith.constant 0 : i32
      %swap3A_347 = tpu.memref_slice %arg13[%swap3A_345, %swap3A_346] : memref<64x128xf32, #tpu.memory_space<vmem>> -> memref<1x128xf32, #tpu.memory_space<vmem>>
      %swap3A_348 = tpu.memref_squeeze %swap3A_347 : memref<1x128xf32, #tpu.memory_space<vmem>> -> memref<128xf32, #tpu.memory_space<vmem>>
      %swap3A_349 = arith.index_cast %mul3A_221 : i32 to index
      %swap3A_350 = tpu.vector_load %swap3A_348[%swap3A_349] {strides = array<i32>} : memref<128xf32, #tpu.memory_space<vmem>>, vector<16xf32>,
      tpu.vector_store %swap3A_348[%swap3A_349], %gather3A_344 {strides = array<i32>} : memref<128xf32, #tpu.memory_space<vmem>>, vector<16xf32>,
      %broadcast_in_dim3A_351 = arith.constant 5 : i32
      %broadcast_in_dim3A_352 = vector.broadcast %broadcast_in_dim3A_351 : i32 to vector<16xi32>
      %gather3A_353 = arith.constant 1 : i32
      %gather3A_354 = arith.constant 0 : i32
      %gather3A_355 = arith.constant 0 : i32
      %gather3A_356 = tpu.memref_slice %arg12[%gather3A_353, %gather3A_354, %gather3A_355] : memref<4x128x128xf32, #tpu.memory_space<vmem>> -> memref<1x128x128xf32, #tpu.memory_space<vmem>>
      %gather3A_357 = tpu.memref_squeeze %gather3A_356 : memref<1x128x128xf32, #tpu.memory_space<vmem>> -> memref<128x128xf32, #tpu.memory_space<vmem>>
      %gather3A_358 = tpu.vector_load_idx %gather3A_357[%add3A_233, %broadcast_in_dim3A_352] : memref<128x128xf32, #tpu.memory_space<vmem>>[vector<16xi32>, vector<16xi32>], vector<16xf32>,
      %swap3A_359 = arith.constant 5 : i32
      %swap3A_360 = arith.constant 0 : i32
      %swap3A_361 = tpu.memref_slice %arg13[%swap3A_359, %swap3A_360] : memref<64x128xf32, #tpu.memory_space<vmem>> -> memref<1x128xf32, #tpu.memory_space<vmem>>
      %swap3A_362 = tpu.memref_squeeze %swap3A_361 : memref<1x128xf32, #tpu.memory_space<vmem>> -> memref<128xf32, #tpu.memory_space<vmem>>
      %swap3A_363 = arith.index_cast %mul3A_221 : i32 to index
      %swap3A_364 = tpu.vector_load %swap3A_362[%swap3A_363] {strides = array<i32>} : memref<128xf32, #tpu.memory_space<vmem>>, vector<16xf32>,
      tpu.vector_store %swap3A_362[%swap3A_363], %gather3A_358 {strides = array<i32>} : memref<128xf32, #tpu.memory_space<vmem>>, vector<16xf32>,
      %add3A_365 = arith.constant 5 : i32
      %add3A_366 = vector.broadcast %add3A_365 : i32 to vector<16xi32>
      %add3A_367 = arith.addi %mul3A_229, %add3A_366 : vector<16xi32>
      %gather3A_368 = tpu.vector_load_idx %arg11[%add3A_367] : memref<6400xf32, #tpu.memory_space<vmem>>[vector<16xi32>], vector<16xf32>,
      %swap3A_369 = arith.constant 37 : i32
      %swap3A_370 = arith.constant 0 : i32
      %swap3A_371 = tpu.memref_slice %arg13[%swap3A_369, %swap3A_370] : memref<64x128xf32, #tpu.memory_space<vmem>> -> memref<1x128xf32, #tpu.memory_space<vmem>>
      %swap3A_372 = tpu.memref_squeeze %swap3A_371 : memref<1x128xf32, #tpu.memory_space<vmem>> -> memref<128xf32, #tpu.memory_space<vmem>>
      %swap3A_373 = arith.index_cast %mul3A_221 : i32 to index
      %swap3A_374 = tpu.vector_load %swap3A_372[%swap3A_373] {strides = array<i32>} : memref<128xf32, #tpu.memory_space<vmem>>, vector<16xf32>,
      tpu.vector_store %swap3A_372[%swap3A_373], %gather3A_368 {strides = array<i32>} : memref<128xf32, #tpu.memory_space<vmem>>, vector<16xf32>,
      %broadcast_in_dim3A_375 = arith.constant 6 : i32
      %broadcast_in_dim3A_376 = vector.broadcast %broadcast_in_dim3A_375 : i32 to vector<16xi32>
      %gather3A_377 = arith.constant 1 : i32
      %gather3A_378 = arith.constant 0 : i32
      %gather3A_379 = arith.constant 0 : i32
      %gather3A_380 = tpu.memref_slice %arg12[%gather3A_377, %gather3A_378, %gather3A_379] : memref<4x128x128xf32, #tpu.memory_space<vmem>> -> memref<1x128x128xf32, #tpu.memory_space<vmem>>
      %gather3A_381 = tpu.memref_squeeze %gather3A_380 : memref<1x128x128xf32, #tpu.memory_space<vmem>> -> memref<128x128xf32, #tpu.memory_space<vmem>>
      %gather3A_382 = tpu.vector_load_idx %gather3A_381[%add3A_233, %broadcast_in_dim3A_376] : memref<128x128xf32, #tpu.memory_space<vmem>>[vector<16xi32>, vector<16xi32>], vector<16xf32>,
      %swap3A_383 = arith.constant 6 : i32
      %swap3A_384 = arith.constant 0 : i32
      %swap3A_385 = tpu.memref_slice %arg13[%swap3A_383, %swap3A_384] : memref<64x128xf32, #tpu.memory_space<vmem>> -> memref<1x128xf32, #tpu.memory_space<vmem>>
      %swap3A_386 = tpu.memref_squeeze %swap3A_385 : memref<1x128xf32, #tpu.memory_space<vmem>> -> memref<128xf32, #tpu.memory_space<vmem>>
      %swap3A_387 = arith.index_cast %mul3A_221 : i32 to index
      %swap3A_388 = tpu.vector_load %swap3A_386[%swap3A_387] {strides = array<i32>} : memref<128xf32, #tpu.memory_space<vmem>>, vector<16xf32>,
      tpu.vector_store %swap3A_386[%swap3A_387], %gather3A_382 {strides = array<i32>} : memref<128xf32, #tpu.memory_space<vmem>>, vector<16xf32>,
      %add3A_389 = arith.constant 6 : i32
      %add3A_390 = vector.broadcast %add3A_389 : i32 to vector<16xi32>
      %add3A_391 = arith.addi %mul3A_229, %add3A_390 : vector<16xi32>
      %gather3A_392 = tpu.vector_load_idx %arg11[%add3A_391] : memref<6400xf32, #tpu.memory_space<vmem>>[vector<16xi32>], vector<16xf32>,
      %swap3A_393 = arith.constant 38 : i32
      %swap3A_394 = arith.constant 0 : i32
      %swap3A_395 = tpu.memref_slice %arg13[%swap3A_393, %swap3A_394] : memref<64x128xf32, #tpu.memory_space<vmem>> -> memref<1x128xf32, #tpu.memory_space<vmem>>
      %swap3A_396 = tpu.memref_squeeze %swap3A_395 : memref<1x128xf32, #tpu.memory_space<vmem>> -> memref<128xf32, #tpu.memory_space<vmem>>
      %swap3A_397 = arith.index_cast %mul3A_221 : i32 to index
      %swap3A_398 = tpu.vector_load %swap3A_396[%swap3A_397] {strides = array<i32>} : memref<128xf32, #tpu.memory_space<vmem>>, vector<16xf32>,
      tpu.vector_store %swap3A_396[%swap3A_397], %gather3A_392 {strides = array<i32>} : memref<128xf32, #tpu.memory_space<vmem>>, vector<16xf32>,
      %broadcast_in_dim3A_399 = arith.constant 7 : i32
      %broadcast_in_dim3A_400 = vector.broadcast %broadcast_in_dim3A_399 : i32 to vector<16xi32>
      %gather3A_401 = arith.constant 1 : i32
      %gather3A_402 = arith.constant 0 : i32
      %gather3A_403 = arith.constant 0 : i32
      %gather3A_404 = tpu.memref_slice %arg12[%gather3A_401, %gather3A_402, %gather3A_403] : memref<4x128x128xf32, #tpu.memory_space<vmem>> -> memref<1x128x128xf32, #tpu.memory_space<vmem>>
      %gather3A_405 = tpu.memref_squeeze %gather3A_404 : memref<1x128x128xf32, #tpu.memory_space<vmem>> -> memref<128x128xf32, #tpu.memory_space<vmem>>
      %gather3A_406 = tpu.vector_load_idx %gather3A_405[%add3A_233, %broadcast_in_dim3A_400] : memref<128x128xf32, #tpu.memory_space<vmem>>[vector<16xi32>, vector<16xi32>], vector<16xf32>,
      %swap3A_407 = arith.constant 7 : i32
      %swap3A_408 = arith.constant 0 : i32
      %swap3A_409 = tpu.memref_slice %arg13[%swap3A_407, %swap3A_408] : memref<64x128xf32, #tpu.memory_space<vmem>> -> memref<1x128xf32, #tpu.memory_space<vmem>>
      %swap3A_410 = tpu.memref_squeeze %swap3A_409 : memref<1x128xf32, #tpu.memory_space<vmem>> -> memref<128xf32, #tpu.memory_space<vmem>>
      %swap3A_411 = arith.index_cast %mul3A_221 : i32 to index
      %swap3A_412 = tpu.vector_load %swap3A_410[%swap3A_411] {strides = array<i32>} : memref<128xf32, #tpu.memory_space<vmem>>, vector<16xf32>,
      tpu.vector_store %swap3A_410[%swap3A_411], %gather3A_406 {strides = array<i32>} : memref<128xf32, #tpu.memory_space<vmem>>, vector<16xf32>,
      %add3A_413 = arith.constant 7 : i32
      %add3A_414 = vector.broadcast %add3A_413 : i32 to vector<16xi32>
      %add3A_415 = arith.addi %mul3A_229, %add3A_414 : vector<16xi32>
      %gather3A_416 = tpu.vector_load_idx %arg11[%add3A_415] : memref<6400xf32, #tpu.memory_space<vmem>>[vector<16xi32>], vector<16xf32>,
      %swap3A_417 = arith.constant 39 : i32
      %swap3A_418 = arith.constant 0 : i32
      %swap3A_419 = tpu.memref_slice %arg13[%swap3A_417, %swap3A_418] : memref<64x128xf32, #tpu.memory_space<vmem>> -> memref<1x128xf32, #tpu.memory_space<vmem>>
      %swap3A_420 = tpu.memref_squeeze %swap3A_419 : memref<1x128xf32, #tpu.memory_space<vmem>> -> memref<128xf32, #tpu.memory_space<vmem>>
      %swap3A_421 = arith.index_cast %mul3A_221 : i32 to index
      %swap3A_422 = tpu.vector_load %swap3A_420[%swap3A_421] {strides = array<i32>} : memref<128xf32, #tpu.memory_space<vmem>>, vector<16xf32>,
      tpu.vector_store %swap3A_420[%swap3A_421], %gather3A_416 {strides = array<i32>} : memref<128xf32, #tpu.memory_space<vmem>>, vector<16xf32>,
      %broadcast_in_dim3A_423 = arith.constant 8 : i32
      %broadcast_in_dim3A_424 = vector.broadcast %broadcast_in_dim3A_423 : i32 to vector<16xi32>
      %gather3A_425 = arith.constant 1 : i32
      %gather3A_426 = arith.constant 0 : i32
      %gather3A_427 = arith.constant 0 : i32
      %gather3A_428 = tpu.memref_slice %arg12[%gather3A_425, %gather3A_426, %gather3A_427] : memref<4x128x128xf32, #tpu.memory_space<vmem>> -> memref<1x128x128xf32, #tpu.memory_space<vmem>>
      %gather3A_429 = tpu.memref_squeeze %gather3A_428 : memref<1x128x128xf32, #tpu.memory_space<vmem>> -> memref<128x128xf32, #tpu.memory_space<vmem>>
      %gather3A_430 = tpu.vector_load_idx %gather3A_429[%add3A_233, %broadcast_in_dim3A_424] : memref<128x128xf32, #tpu.memory_space<vmem>>[vector<16xi32>, vector<16xi32>], vector<16xf32>,
      %swap3A_431 = arith.constant 8 : i32
      %swap3A_432 = arith.constant 0 : i32
      %swap3A_433 = tpu.memref_slice %arg13[%swap3A_431, %swap3A_432] : memref<64x128xf32, #tpu.memory_space<vmem>> -> memref<1x128xf32, #tpu.memory_space<vmem>>
      %swap3A_434 = tpu.memref_squeeze %swap3A_433 : memref<1x128xf32, #tpu.memory_space<vmem>> -> memref<128xf32, #tpu.memory_space<vmem>>
      %swap3A_435 = arith.index_cast %mul3A_221 : i32 to index
      %swap3A_436 = tpu.vector_load %swap3A_434[%swap3A_435] {strides = array<i32>} : memref<128xf32, #tpu.memory_space<vmem>>, vector<16xf32>,
      tpu.vector_store %swap3A_434[%swap3A_435], %gather3A_430 {strides = array<i32>} : memref<128xf32, #tpu.memory_space<vmem>>, vector<16xf32>,
      %add3A_437 = arith.constant 8 : i32
      %add3A_438 = vector.broadcast %add3A_437 : i32 to vector<16xi32>
      %add3A_439 = arith.addi %mul3A_229, %add3A_438 : vector<16xi32>
      %gather3A_440 = tpu.vector_load_idx %arg11[%add3A_439] : memref<6400xf32, #tpu.memory_space<vmem>>[vector<16xi32>], vector<16xf32>,
      %swap3A_441 = arith.constant 40 : i32
      %swap3A_442 = arith.constant 0 : i32
      %swap3A_443 = tpu.memref_slice %arg13[%swap3A_441, %swap3A_442] : memref<64x128xf32, #tpu.memory_space<vmem>> -> memref<1x128xf32, #tpu.memory_space<vmem>>
      %swap3A_444 = tpu.memref_squeeze %swap3A_443 : memref<1x128xf32, #tpu.memory_space<vmem>> -> memref<128xf32, #tpu.memory_space<vmem>>
      %swap3A_445 = arith.index_cast %mul3A_221 : i32 to index
      %swap3A_446 = tpu.vector_load %swap3A_444[%swap3A_445] {strides = array<i32>} : memref<128xf32, #tpu.memory_space<vmem>>, vector<16xf32>,
      tpu.vector_store %swap3A_444[%swap3A_445], %gather3A_440 {strides = array<i32>} : memref<128xf32, #tpu.memory_space<vmem>>, vector<16xf32>,
      %broadcast_in_dim3A_447 = arith.constant 9 : i32
      %broadcast_in_dim3A_448 = vector.broadcast %broadcast_in_dim3A_447 : i32 to vector<16xi32>
      %gather3A_449 = arith.constant 1 : i32
      %gather3A_450 = arith.constant 0 : i32
      %gather3A_451 = arith.constant 0 : i32
      %gather3A_452 = tpu.memref_slice %arg12[%gather3A_449, %gather3A_450, %gather3A_451] : memref<4x128x128xf32, #tpu.memory_space<vmem>> -> memref<1x128x128xf32, #tpu.memory_space<vmem>>
      %gather3A_453 = tpu.memref_squeeze %gather3A_452 : memref<1x128x128xf32, #tpu.memory_space<vmem>> -> memref<128x128xf32, #tpu.memory_space<vmem>>
      %gather3A_454 = tpu.vector_load_idx %gather3A_453[%add3A_233, %broadcast_in_dim3A_448] : memref<128x128xf32, #tpu.memory_space<vmem>>[vector<16xi32>, vector<16xi32>], vector<16xf32>,
      %swap3A_455 = arith.constant 9 : i32
      %swap3A_456 = arith.constant 0 : i32
      %swap3A_457 = tpu.memref_slice %arg13[%swap3A_455, %swap3A_456] : memref<64x128xf32, #tpu.memory_space<vmem>> -> memref<1x128xf32, #tpu.memory_space<vmem>>
      %swap3A_458 = tpu.memref_squeeze %swap3A_457 : memref<1x128xf32, #tpu.memory_space<vmem>> -> memref<128xf32, #tpu.memory_space<vmem>>
      %swap3A_459 = arith.index_cast %mul3A_221 : i32 to index
      %swap3A_460 = tpu.vector_load %swap3A_458[%swap3A_459] {strides = array<i32>} : memref<128xf32, #tpu.memory_space<vmem>>, vector<16xf32>,
      tpu.vector_store %swap3A_458[%swap3A_459], %gather3A_454 {strides = array<i32>} : memref<128xf32, #tpu.memory_space<vmem>>, vector<16xf32>,
      %add3A_461 = arith.constant 9 : i32
      %add3A_462 = vector.broadcast %add3A_461 : i32 to vector<16xi32>
      %add3A_463 = arith.addi %mul3A_229, %add3A_462 : vector<16xi32>
      %gather3A_464 = tpu.vector_load_idx %arg11[%add3A_463] : memref<6400xf32, #tpu.memory_space<vmem>>[vector<16xi32>], vector<16xf32>,
      %swap3A_465 = arith.constant 41 : i32
      %swap3A_466 = arith.constant 0 : i32
      %swap3A_467 = tpu.memref_slice %arg13[%swap3A_465, %swap3A_466] : memref<64x128xf32, #tpu.memory_space<vmem>> -> memref<1x128xf32, #tpu.memory_space<vmem>>
      %swap3A_468 = tpu.memref_squeeze %swap3A_467 : memref<1x128xf32, #tpu.memory_space<vmem>> -> memref<128xf32, #tpu.memory_space<vmem>>
      %swap3A_469 = arith.index_cast %mul3A_221 : i32 to index
      %swap3A_470 = tpu.vector_load %swap3A_468[%swap3A_469] {strides = array<i32>} : memref<128xf32, #tpu.memory_space<vmem>>, vector<16xf32>,
      tpu.vector_store %swap3A_468[%swap3A_469], %gather3A_464 {strides = array<i32>} : memref<128xf32, #tpu.memory_space<vmem>>, vector<16xf32>,
      %broadcast_in_dim3A_471 = arith.constant 10 : i32
      %broadcast_in_dim3A_472 = vector.broadcast %broadcast_in_dim3A_471 : i32 to vector<16xi32>
      %gather3A_473 = arith.constant 1 : i32
      %gather3A_474 = arith.constant 0 : i32
      %gather3A_475 = arith.constant 0 : i32
      %gather3A_476 = tpu.memref_slice %arg12[%gather3A_473, %gather3A_474, %gather3A_475] : memref<4x128x128xf32, #tpu.memory_space<vmem>> -> memref<1x128x128xf32, #tpu.memory_space<vmem>>
      %gather3A_477 = tpu.memref_squeeze %gather3A_476 : memref<1x128x128xf32, #tpu.memory_space<vmem>> -> memref<128x128xf32, #tpu.memory_space<vmem>>
      %gather3A_478 = tpu.vector_load_idx %gather3A_477[%add3A_233, %broadcast_in_dim3A_472] : memref<128x128xf32, #tpu.memory_space<vmem>>[vector<16xi32>, vector<16xi32>], vector<16xf32>,
      %swap3A_479 = arith.constant 10 : i32
      %swap3A_480 = arith.constant 0 : i32
      %swap3A_481 = tpu.memref_slice %arg13[%swap3A_479, %swap3A_480] : memref<64x128xf32, #tpu.memory_space<vmem>> -> memref<1x128xf32, #tpu.memory_space<vmem>>
      %swap3A_482 = tpu.memref_squeeze %swap3A_481 : memref<1x128xf32, #tpu.memory_space<vmem>> -> memref<128xf32, #tpu.memory_space<vmem>>
      %swap3A_483 = arith.index_cast %mul3A_221 : i32 to index
      %swap3A_484 = tpu.vector_load %swap3A_482[%swap3A_483] {strides = array<i32>} : memref<128xf32, #tpu.memory_space<vmem>>, vector<16xf32>,
      tpu.vector_store %swap3A_482[%swap3A_483], %gather3A_478 {strides = array<i32>} : memref<128xf32, #tpu.memory_space<vmem>>, vector<16xf32>,
      %add3A_485 = arith.constant 10 : i32
      %add3A_486 = vector.broadcast %add3A_485 : i32 to vector<16xi32>
      %add3A_487 = arith.addi %mul3A_229, %add3A_486 : vector<16xi32>
      %gather3A_488 = tpu.vector_load_idx %arg11[%add3A_487] : memref<6400xf32, #tpu.memory_space<vmem>>[vector<16xi32>], vector<16xf32>,
      %swap3A_489 = arith.constant 42 : i32
      %swap3A_490 = arith.constant 0 : i32
      %swap3A_491 = tpu.memref_slice %arg13[%swap3A_489, %swap3A_490] : memref<64x128xf32, #tpu.memory_space<vmem>> -> memref<1x128xf32, #tpu.memory_space<vmem>>
      %swap3A_492 = tpu.memref_squeeze %swap3A_491 : memref<1x128xf32, #tpu.memory_space<vmem>> -> memref<128xf32, #tpu.memory_space<vmem>>
      %swap3A_493 = arith.index_cast %mul3A_221 : i32 to index
      %swap3A_494 = tpu.vector_load %swap3A_492[%swap3A_493] {strides = array<i32>} : memref<128xf32, #tpu.memory_space<vmem>>, vector<16xf32>,
      tpu.vector_store %swap3A_492[%swap3A_493], %gather3A_488 {strides = array<i32>} : memref<128xf32, #tpu.memory_space<vmem>>, vector<16xf32>,
      %broadcast_in_dim3A_495 = arith.constant 11 : i32
      %broadcast_in_dim3A_496 = vector.broadcast %broadcast_in_dim3A_495 : i32 to vector<16xi32>
      %gather3A_497 = arith.constant 1 : i32
      %gather3A_498 = arith.constant 0 : i32
      %gather3A_499 = arith.constant 0 : i32
      %gather3A_500 = tpu.memref_slice %arg12[%gather3A_497, %gather3A_498, %gather3A_499] : memref<4x128x128xf32, #tpu.memory_space<vmem>> -> memref<1x128x128xf32, #tpu.memory_space<vmem>>
      %gather3A_501 = tpu.memref_squeeze %gather3A_500 : memref<1x128x128xf32, #tpu.memory_space<vmem>> -> memref<128x128xf32, #tpu.memory_space<vmem>>
      %gather3A_502 = tpu.vector_load_idx %gather3A_501[%add3A_233, %broadcast_in_dim3A_496] : memref<128x128xf32, #tpu.memory_space<vmem>>[vector<16xi32>, vector<16xi32>], vector<16xf32>,
      %swap3A_503 = arith.constant 11 : i32
      %swap3A_504 = arith.constant 0 : i32
      %swap3A_505 = tpu.memref_slice %arg13[%swap3A_503, %swap3A_504] : memref<64x128xf32, #tpu.memory_space<vmem>> -> memref<1x128xf32, #tpu.memory_space<vmem>>
      %swap3A_506 = tpu.memref_squeeze %swap3A_505 : memref<1x128xf32, #tpu.memory_space<vmem>> -> memref<128xf32, #tpu.memory_space<vmem>>
      %swap3A_507 = arith.index_cast %mul3A_221 : i32 to index
      %swap3A_508 = tpu.vector_load %swap3A_506[%swap3A_507] {strides = array<i32>} : memref<128xf32, #tpu.memory_space<vmem>>, vector<16xf32>,
      tpu.vector_store %swap3A_506[%swap3A_507], %gather3A_502 {strides = array<i32>} : memref<128xf32, #tpu.memory_space<vmem>>, vector<16xf32>,
      %add3A_509 = arith.constant 11 : i32
      %add3A_510 = vector.broadcast %add3A_509 : i32 to vector<16xi32>
      %add3A_511 = arith.addi %mul3A_229, %add3A_510 : vector<16xi32>
      %gather3A_512 = tpu.vector_load_idx %arg11[%add3A_511] : memref<6400xf32, #tpu.memory_space<vmem>>[vector<16xi32>], vector<16xf32>,
      %swap3A_513 = arith.constant 43 : i32
      %swap3A_514 = arith.constant 0 : i32
      %swap3A_515 = tpu.memref_slice %arg13[%swap3A_513, %swap3A_514] : memref<64x128xf32, #tpu.memory_space<vmem>> -> memref<1x128xf32, #tpu.memory_space<vmem>>
      %swap3A_516 = tpu.memref_squeeze %swap3A_515 : memref<1x128xf32, #tpu.memory_space<vmem>> -> memref<128xf32, #tpu.memory_space<vmem>>
      %swap3A_517 = arith.index_cast %mul3A_221 : i32 to index
      %swap3A_518 = tpu.vector_load %swap3A_516[%swap3A_517] {strides = array<i32>} : memref<128xf32, #tpu.memory_space<vmem>>, vector<16xf32>,
      tpu.vector_store %swap3A_516[%swap3A_517], %gather3A_512 {strides = array<i32>} : memref<128xf32, #tpu.memory_space<vmem>>, vector<16xf32>,
      %broadcast_in_dim3A_519 = arith.constant 12 : i32
      %broadcast_in_dim3A_520 = vector.broadcast %broadcast_in_dim3A_519 : i32 to vector<16xi32>
      %gather3A_521 = arith.constant 1 : i32
      %gather3A_522 = arith.constant 0 : i32
      %gather3A_523 = arith.constant 0 : i32
      %gather3A_524 = tpu.memref_slice %arg12[%gather3A_521, %gather3A_522, %gather3A_523] : memref<4x128x128xf32, #tpu.memory_space<vmem>> -> memref<1x128x128xf32, #tpu.memory_space<vmem>>
      %gather3A_525 = tpu.memref_squeeze %gather3A_524 : memref<1x128x128xf32, #tpu.memory_space<vmem>> -> memref<128x128xf32, #tpu.memory_space<vmem>>
      %gather3A_526 = tpu.vector_load_idx %gather3A_525[%add3A_233, %broadcast_in_dim3A_520] : memref<128x128xf32, #tpu.memory_space<vmem>>[vector<16xi32>, vector<16xi32>], vector<16xf32>,
      %swap3A_527 = arith.constant 12 : i32
      %swap3A_528 = arith.constant 0 : i32
      %swap3A_529 = tpu.memref_slice %arg13[%swap3A_527, %swap3A_528] : memref<64x128xf32, #tpu.memory_space<vmem>> -> memref<1x128xf32, #tpu.memory_space<vmem>>
      %swap3A_530 = tpu.memref_squeeze %swap3A_529 : memref<1x128xf32, #tpu.memory_space<vmem>> -> memref<128xf32, #tpu.memory_space<vmem>>
      %swap3A_531 = arith.index_cast %mul3A_221 : i32 to index
      %swap3A_532 = tpu.vector_load %swap3A_530[%swap3A_531] {strides = array<i32>} : memref<128xf32, #tpu.memory_space<vmem>>, vector<16xf32>,
      tpu.vector_store %swap3A_530[%swap3A_531], %gather3A_526 {strides = array<i32>} : memref<128xf32, #tpu.memory_space<vmem>>, vector<16xf32>,
      %add3A_533 = arith.constant 12 : i32
      %add3A_534 = vector.broadcast %add3A_533 : i32 to vector<16xi32>
      %add3A_535 = arith.addi %mul3A_229, %add3A_534 : vector<16xi32>
      %gather3A_536 = tpu.vector_load_idx %arg11[%add3A_535] : memref<6400xf32, #tpu.memory_space<vmem>>[vector<16xi32>], vector<16xf32>,
      %swap3A_537 = arith.constant 44 : i32
      %swap3A_538 = arith.constant 0 : i32
      %swap3A_539 = tpu.memref_slice %arg13[%swap3A_537, %swap3A_538] : memref<64x128xf32, #tpu.memory_space<vmem>> -> memref<1x128xf32, #tpu.memory_space<vmem>>
      %swap3A_540 = tpu.memref_squeeze %swap3A_539 : memref<1x128xf32, #tpu.memory_space<vmem>> -> memref<128xf32, #tpu.memory_space<vmem>>
      %swap3A_541 = arith.index_cast %mul3A_221 : i32 to index
      %swap3A_542 = tpu.vector_load %swap3A_540[%swap3A_541] {strides = array<i32>} : memref<128xf32, #tpu.memory_space<vmem>>, vector<16xf32>,
      tpu.vector_store %swap3A_540[%swap3A_541], %gather3A_536 {strides = array<i32>} : memref<128xf32, #tpu.memory_space<vmem>>, vector<16xf32>,
      %broadcast_in_dim3A_543 = arith.constant 13 : i32
      %broadcast_in_dim3A_544 = vector.broadcast %broadcast_in_dim3A_543 : i32 to vector<16xi32>
      %gather3A_545 = arith.constant 1 : i32
      %gather3A_546 = arith.constant 0 : i32
      %gather3A_547 = arith.constant 0 : i32
      %gather3A_548 = tpu.memref_slice %arg12[%gather3A_545, %gather3A_546, %gather3A_547] : memref<4x128x128xf32, #tpu.memory_space<vmem>> -> memref<1x128x128xf32, #tpu.memory_space<vmem>>
      %gather3A_549 = tpu.memref_squeeze %gather3A_548 : memref<1x128x128xf32, #tpu.memory_space<vmem>> -> memref<128x128xf32, #tpu.memory_space<vmem>>
      %gather3A_550 = tpu.vector_load_idx %gather3A_549[%add3A_233, %broadcast_in_dim3A_544] : memref<128x128xf32, #tpu.memory_space<vmem>>[vector<16xi32>, vector<16xi32>], vector<16xf32>,
      %swap3A_551 = arith.constant 13 : i32
      %swap3A_552 = arith.constant 0 : i32
      %swap3A_553 = tpu.memref_slice %arg13[%swap3A_551, %swap3A_552] : memref<64x128xf32, #tpu.memory_space<vmem>> -> memref<1x128xf32, #tpu.memory_space<vmem>>
      %swap3A_554 = tpu.memref_squeeze %swap3A_553 : memref<1x128xf32, #tpu.memory_space<vmem>> -> memref<128xf32, #tpu.memory_space<vmem>>
      %swap3A_555 = arith.index_cast %mul3A_221 : i32 to index
      %swap3A_556 = tpu.vector_load %swap3A_554[%swap3A_555] {strides = array<i32>} : memref<128xf32, #tpu.memory_space<vmem>>, vector<16xf32>,
      tpu.vector_store %swap3A_554[%swap3A_555], %gather3A_550 {strides = array<i32>} : memref<128xf32, #tpu.memory_space<vmem>>, vector<16xf32>,
      %add3A_557 = arith.constant 13 : i32
      %add3A_558 = vector.broadcast %add3A_557 : i32 to vector<16xi32>
      %add3A_559 = arith.addi %mul3A_229, %add3A_558 : vector<16xi32>
      %gather3A_560 = tpu.vector_load_idx %arg11[%add3A_559] : memref<6400xf32, #tpu.memory_space<vmem>>[vector<16xi32>], vector<16xf32>,
      %swap3A_561 = arith.constant 45 : i32
      %swap3A_562 = arith.constant 0 : i32
      %swap3A_563 = tpu.memref_slice %arg13[%swap3A_561, %swap3A_562] : memref<64x128xf32, #tpu.memory_space<vmem>> -> memref<1x128xf32, #tpu.memory_space<vmem>>
      %swap3A_564 = tpu.memref_squeeze %swap3A_563 : memref<1x128xf32, #tpu.memory_space<vmem>> -> memref<128xf32, #tpu.memory_space<vmem>>
      %swap3A_565 = arith.index_cast %mul3A_221 : i32 to index
      %swap3A_566 = tpu.vector_load %swap3A_564[%swap3A_565] {strides = array<i32>} : memref<128xf32, #tpu.memory_space<vmem>>, vector<16xf32>,
      tpu.vector_store %swap3A_564[%swap3A_565], %gather3A_560 {strides = array<i32>} : memref<128xf32, #tpu.memory_space<vmem>>, vector<16xf32>,
      %broadcast_in_dim3A_567 = arith.constant 14 : i32
      %broadcast_in_dim3A_568 = vector.broadcast %broadcast_in_dim3A_567 : i32 to vector<16xi32>
      %gather3A_569 = arith.constant 1 : i32
      %gather3A_570 = arith.constant 0 : i32
      %gather3A_571 = arith.constant 0 : i32
      %gather3A_572 = tpu.memref_slice %arg12[%gather3A_569, %gather3A_570, %gather3A_571] : memref<4x128x128xf32, #tpu.memory_space<vmem>> -> memref<1x128x128xf32, #tpu.memory_space<vmem>>
      %gather3A_573 = tpu.memref_squeeze %gather3A_572 : memref<1x128x128xf32, #tpu.memory_space<vmem>> -> memref<128x128xf32, #tpu.memory_space<vmem>>
      %gather3A_574 = tpu.vector_load_idx %gather3A_573[%add3A_233, %broadcast_in_dim3A_568] : memref<128x128xf32, #tpu.memory_space<vmem>>[vector<16xi32>, vector<16xi32>], vector<16xf32>,
      %swap3A_575 = arith.constant 14 : i32
      %swap3A_576 = arith.constant 0 : i32
      %swap3A_577 = tpu.memref_slice %arg13[%swap3A_575, %swap3A_576] : memref<64x128xf32, #tpu.memory_space<vmem>> -> memref<1x128xf32, #tpu.memory_space<vmem>>
      %swap3A_578 = tpu.memref_squeeze %swap3A_577 : memref<1x128xf32, #tpu.memory_space<vmem>> -> memref<128xf32, #tpu.memory_space<vmem>>
      %swap3A_579 = arith.index_cast %mul3A_221 : i32 to index
      %swap3A_580 = tpu.vector_load %swap3A_578[%swap3A_579] {strides = array<i32>} : memref<128xf32, #tpu.memory_space<vmem>>, vector<16xf32>,
      tpu.vector_store %swap3A_578[%swap3A_579], %gather3A_574 {strides = array<i32>} : memref<128xf32, #tpu.memory_space<vmem>>, vector<16xf32>,
      %add3A_581 = arith.constant 14 : i32
      %add3A_582 = vector.broadcast %add3A_581 : i32 to vector<16xi32>
      %add3A_583 = arith.addi %mul3A_229, %add3A_582 : vector<16xi32>
      %gather3A_584 = tpu.vector_load_idx %arg11[%add3A_583] : memref<6400xf32, #tpu.memory_space<vmem>>[vector<16xi32>], vector<16xf32>,
      %swap3A_585 = arith.constant 46 : i32
      %swap3A_586 = arith.constant 0 : i32
      %swap3A_587 = tpu.memref_slice %arg13[%swap3A_585, %swap3A_586] : memref<64x128xf32, #tpu.memory_space<vmem>> -> memref<1x128xf32, #tpu.memory_space<vmem>>
      %swap3A_588 = tpu.memref_squeeze %swap3A_587 : memref<1x128xf32, #tpu.memory_space<vmem>> -> memref<128xf32, #tpu.memory_space<vmem>>
      %swap3A_589 = arith.index_cast %mul3A_221 : i32 to index
      %swap3A_590 = tpu.vector_load %swap3A_588[%swap3A_589] {strides = array<i32>} : memref<128xf32, #tpu.memory_space<vmem>>, vector<16xf32>,
      tpu.vector_store %swap3A_588[%swap3A_589], %gather3A_584 {strides = array<i32>} : memref<128xf32, #tpu.memory_space<vmem>>, vector<16xf32>,
      %broadcast_in_dim3A_591 = arith.constant 15 : i32
      %broadcast_in_dim3A_592 = vector.broadcast %broadcast_in_dim3A_591 : i32 to vector<16xi32>
      %gather3A_593 = arith.constant 1 : i32
      %gather3A_594 = arith.constant 0 : i32
      %gather3A_595 = arith.constant 0 : i32
      %gather3A_596 = tpu.memref_slice %arg12[%gather3A_593, %gather3A_594, %gather3A_595] : memref<4x128x128xf32, #tpu.memory_space<vmem>> -> memref<1x128x128xf32, #tpu.memory_space<vmem>>
      %gather3A_597 = tpu.memref_squeeze %gather3A_596 : memref<1x128x128xf32, #tpu.memory_space<vmem>> -> memref<128x128xf32, #tpu.memory_space<vmem>>
      %gather3A_598 = tpu.vector_load_idx %gather3A_597[%add3A_233, %broadcast_in_dim3A_592] : memref<128x128xf32, #tpu.memory_space<vmem>>[vector<16xi32>, vector<16xi32>], vector<16xf32>,
      %swap3A_599 = arith.constant 15 : i32
      %swap3A_600 = arith.constant 0 : i32
      %swap3A_601 = tpu.memref_slice %arg13[%swap3A_599, %swap3A_600] : memref<64x128xf32, #tpu.memory_space<vmem>> -> memref<1x128xf32, #tpu.memory_space<vmem>>
      %swap3A_602 = tpu.memref_squeeze %swap3A_601 : memref<1x128xf32, #tpu.memory_space<vmem>> -> memref<128xf32, #tpu.memory_space<vmem>>
      %swap3A_603 = arith.index_cast %mul3A_221 : i32 to index
      %swap3A_604 = tpu.vector_load %swap3A_602[%swap3A_603] {strides = array<i32>} : memref<128xf32, #tpu.memory_space<vmem>>, vector<16xf32>,
      tpu.vector_store %swap3A_602[%swap3A_603], %gather3A_598 {strides = array<i32>} : memref<128xf32, #tpu.memory_space<vmem>>, vector<16xf32>,
      %add3A_605 = arith.constant 15 : i32
      %add3A_606 = vector.broadcast %add3A_605 : i32 to vector<16xi32>
      %add3A_607 = arith.addi %mul3A_229, %add3A_606 : vector<16xi32>
      %gather3A_608 = tpu.vector_load_idx %arg11[%add3A_607] : memref<6400xf32, #tpu.memory_space<vmem>>[vector<16xi32>], vector<16xf32>,
      %swap3A_609 = arith.constant 47 : i32
      %swap3A_610 = arith.constant 0 : i32
      %swap3A_611 = tpu.memref_slice %arg13[%swap3A_609, %swap3A_610] : memref<64x128xf32, #tpu.memory_space<vmem>> -> memref<1x128xf32, #tpu.memory_space<vmem>>
      %swap3A_612 = tpu.memref_squeeze %swap3A_611 : memref<1x128xf32, #tpu.memory_space<vmem>> -> memref<128xf32, #tpu.memory_space<vmem>>
      %swap3A_613 = arith.index_cast %mul3A_221 : i32 to index
      %swap3A_614 = tpu.vector_load %swap3A_612[%swap3A_613] {strides = array<i32>} : memref<128xf32, #tpu.memory_space<vmem>>, vector<16xf32>,
      tpu.vector_store %swap3A_612[%swap3A_613], %gather3A_608 {strides = array<i32>} : memref<128xf32, #tpu.memory_space<vmem>>, vector<16xf32>,
      %broadcast_in_dim3A_615 = arith.constant 16 : i32
      %broadcast_in_dim3A_616 = vector.broadcast %broadcast_in_dim3A_615 : i32 to vector<16xi32>
      %gather3A_617 = arith.constant 1 : i32
      %gather3A_618 = arith.constant 0 : i32
      %gather3A_619 = arith.constant 0 : i32
      %gather3A_620 = tpu.memref_slice %arg12[%gather3A_617, %gather3A_618, %gather3A_619] : memref<4x128x128xf32, #tpu.memory_space<vmem>> -> memref<1x128x128xf32, #tpu.memory_space<vmem>>
      %gather3A_621 = tpu.memref_squeeze %gather3A_620 : memref<1x128x128xf32, #tpu.memory_space<vmem>> -> memref<128x128xf32, #tpu.memory_space<vmem>>
      %gather3A_622 = tpu.vector_load_idx %gather3A_621[%add3A_233, %broadcast_in_dim3A_616] : memref<128x128xf32, #tpu.memory_space<vmem>>[vector<16xi32>, vector<16xi32>], vector<16xf32>,
      %swap3A_623 = arith.constant 16 : i32
      %swap3A_624 = arith.constant 0 : i32
      %swap3A_625 = tpu.memref_slice %arg13[%swap3A_623, %swap3A_624] : memref<64x128xf32, #tpu.memory_space<vmem>> -> memref<1x128xf32, #tpu.memory_space<vmem>>
      %swap3A_626 = tpu.memref_squeeze %swap3A_625 : memref<1x128xf32, #tpu.memory_space<vmem>> -> memref<128xf32, #tpu.memory_space<vmem>>
      %swap3A_627 = arith.index_cast %mul3A_221 : i32 to index
      %swap3A_628 = tpu.vector_load %swap3A_626[%swap3A_627] {strides = array<i32>} : memref<128xf32, #tpu.memory_space<vmem>>, vector<16xf32>,
      tpu.vector_store %swap3A_626[%swap3A_627], %gather3A_622 {strides = array<i32>} : memref<128xf32, #tpu.memory_space<vmem>>, vector<16xf32>,
      %add3A_629 = arith.constant 16 : i32
      %add3A_630 = vector.broadcast %add3A_629 : i32 to vector<16xi32>
      %add3A_631 = arith.addi %mul3A_229, %add3A_630 : vector<16xi32>
      %gather3A_632 = tpu.vector_load_idx %arg11[%add3A_631] : memref<6400xf32, #tpu.memory_space<vmem>>[vector<16xi32>], vector<16xf32>,
      %swap3A_633 = arith.constant 48 : i32
      %swap3A_634 = arith.constant 0 : i32
      %swap3A_635 = tpu.memref_slice %arg13[%swap3A_633, %swap3A_634] : memref<64x128xf32, #tpu.memory_space<vmem>> -> memref<1x128xf32, #tpu.memory_space<vmem>>
      %swap3A_636 = tpu.memref_squeeze %swap3A_635 : memref<1x128xf32, #tpu.memory_space<vmem>> -> memref<128xf32, #tpu.memory_space<vmem>>
      %swap3A_637 = arith.index_cast %mul3A_221 : i32 to index
      %swap3A_638 = tpu.vector_load %swap3A_636[%swap3A_637] {strides = array<i32>} : memref<128xf32, #tpu.memory_space<vmem>>, vector<16xf32>,
      tpu.vector_store %swap3A_636[%swap3A_637], %gather3A_632 {strides = array<i32>} : memref<128xf32, #tpu.memory_space<vmem>>, vector<16xf32>,
      %broadcast_in_dim3A_639 = arith.constant 17 : i32
      %broadcast_in_dim3A_640 = vector.broadcast %broadcast_in_dim3A_639 : i32 to vector<16xi32>
      %gather3A_641 = arith.constant 1 : i32
      %gather3A_642 = arith.constant 0 : i32
      %gather3A_643 = arith.constant 0 : i32
      %gather3A_644 = tpu.memref_slice %arg12[%gather3A_641, %gather3A_642, %gather3A_643] : memref<4x128x128xf32, #tpu.memory_space<vmem>> -> memref<1x128x128xf32, #tpu.memory_space<vmem>>
      %gather3A_645 = tpu.memref_squeeze %gather3A_644 : memref<1x128x128xf32, #tpu.memory_space<vmem>> -> memref<128x128xf32, #tpu.memory_space<vmem>>
      %gather3A_646 = tpu.vector_load_idx %gather3A_645[%add3A_233, %broadcast_in_dim3A_640] : memref<128x128xf32, #tpu.memory_space<vmem>>[vector<16xi32>, vector<16xi32>], vector<16xf32>,
      %swap3A_647 = arith.constant 17 : i32
      %swap3A_648 = arith.constant 0 : i32
      %swap3A_649 = tpu.memref_slice %arg13[%swap3A_647, %swap3A_648] : memref<64x128xf32, #tpu.memory_space<vmem>> -> memref<1x128xf32, #tpu.memory_space<vmem>>
      %swap3A_650 = tpu.memref_squeeze %swap3A_649 : memref<1x128xf32, #tpu.memory_space<vmem>> -> memref<128xf32, #tpu.memory_space<vmem>>
      %swap3A_651 = arith.index_cast %mul3A_221 : i32 to index
      %swap3A_652 = tpu.vector_load %swap3A_650[%swap3A_651] {strides = array<i32>} : memref<128xf32, #tpu.memory_space<vmem>>, vector<16xf32>,
      tpu.vector_store %swap3A_650[%swap3A_651], %gather3A_646 {strides = array<i32>} : memref<128xf32, #tpu.memory_space<vmem>>, vector<16xf32>,
      %add3A_653 = arith.constant 17 : i32
      %add3A_654 = vector.broadcast %add3A_653 : i32 to vector<16xi32>
      %add3A_655 = arith.addi %mul3A_229, %add3A_654 : vector<16xi32>
      %gather3A_656 = tpu.vector_load_idx %arg11[%add3A_655] : memref<6400xf32, #tpu.memory_space<vmem>>[vector<16xi32>], vector<16xf32>,
      %swap3A_657 = arith.constant 49 : i32
      %swap3A_658 = arith.constant 0 : i32
      %swap3A_659 = tpu.memref_slice %arg13[%swap3A_657, %swap3A_658] : memref<64x128xf32, #tpu.memory_space<vmem>> -> memref<1x128xf32, #tpu.memory_space<vmem>>
      %swap3A_660 = tpu.memref_squeeze %swap3A_659 : memref<1x128xf32, #tpu.memory_space<vmem>> -> memref<128xf32, #tpu.memory_space<vmem>>
      %swap3A_661 = arith.index_cast %mul3A_221 : i32 to index
      %swap3A_662 = tpu.vector_load %swap3A_660[%swap3A_661] {strides = array<i32>} : memref<128xf32, #tpu.memory_space<vmem>>, vector<16xf32>,
      tpu.vector_store %swap3A_660[%swap3A_661], %gather3A_656 {strides = array<i32>} : memref<128xf32, #tpu.memory_space<vmem>>, vector<16xf32>,
      %broadcast_in_dim3A_663 = arith.constant 18 : i32
      %broadcast_in_dim3A_664 = vector.broadcast %broadcast_in_dim3A_663 : i32 to vector<16xi32>
      %gather3A_665 = arith.constant 1 : i32
      %gather3A_666 = arith.constant 0 : i32
      %gather3A_667 = arith.constant 0 : i32
      %gather3A_668 = tpu.memref_slice %arg12[%gather3A_665, %gather3A_666, %gather3A_667] : memref<4x128x128xf32, #tpu.memory_space<vmem>> -> memref<1x128x128xf32, #tpu.memory_space<vmem>>
      %gather3A_669 = tpu.memref_squeeze %gather3A_668 : memref<1x128x128xf32, #tpu.memory_space<vmem>> -> memref<128x128xf32, #tpu.memory_space<vmem>>
      %gather3A_670 = tpu.vector_load_idx %gather3A_669[%add3A_233, %broadcast_in_dim3A_664] : memref<128x128xf32, #tpu.memory_space<vmem>>[vector<16xi32>, vector<16xi32>], vector<16xf32>,
      %swap3A_671 = arith.constant 18 : i32
      %swap3A_672 = arith.constant 0 : i32
      %swap3A_673 = tpu.memref_slice %arg13[%swap3A_671, %swap3A_672] : memref<64x128xf32, #tpu.memory_space<vmem>> -> memref<1x128xf32, #tpu.memory_space<vmem>>
      %swap3A_674 = tpu.memref_squeeze %swap3A_673 : memref<1x128xf32, #tpu.memory_space<vmem>> -> memref<128xf32, #tpu.memory_space<vmem>>
      %swap3A_675 = arith.index_cast %mul3A_221 : i32 to index
      %swap3A_676 = tpu.vector_load %swap3A_674[%swap3A_675] {strides = array<i32>} : memref<128xf32, #tpu.memory_space<vmem>>, vector<16xf32>,
      tpu.vector_store %swap3A_674[%swap3A_675], %gather3A_670 {strides = array<i32>} : memref<128xf32, #tpu.memory_space<vmem>>, vector<16xf32>,
      %add3A_677 = arith.constant 18 : i32
      %add3A_678 = vector.broadcast %add3A_677 : i32 to vector<16xi32>
      %add3A_679 = arith.addi %mul3A_229, %add3A_678 : vector<16xi32>
      %gather3A_680 = tpu.vector_load_idx %arg11[%add3A_679] : memref<6400xf32, #tpu.memory_space<vmem>>[vector<16xi32>], vector<16xf32>,
      %swap3A_681 = arith.constant 50 : i32
      %swap3A_682 = arith.constant 0 : i32
      %swap3A_683 = tpu.memref_slice %arg13[%swap3A_681, %swap3A_682] : memref<64x128xf32, #tpu.memory_space<vmem>> -> memref<1x128xf32, #tpu.memory_space<vmem>>
      %swap3A_684 = tpu.memref_squeeze %swap3A_683 : memref<1x128xf32, #tpu.memory_space<vmem>> -> memref<128xf32, #tpu.memory_space<vmem>>
      %swap3A_685 = arith.index_cast %mul3A_221 : i32 to index
      %swap3A_686 = tpu.vector_load %swap3A_684[%swap3A_685] {strides = array<i32>} : memref<128xf32, #tpu.memory_space<vmem>>, vector<16xf32>,
      tpu.vector_store %swap3A_684[%swap3A_685], %gather3A_680 {strides = array<i32>} : memref<128xf32, #tpu.memory_space<vmem>>, vector<16xf32>,
      %broadcast_in_dim3A_687 = arith.constant 19 : i32
      %broadcast_in_dim3A_688 = vector.broadcast %broadcast_in_dim3A_687 : i32 to vector<16xi32>
      %gather3A_689 = arith.constant 1 : i32
      %gather3A_690 = arith.constant 0 : i32
      %gather3A_691 = arith.constant 0 : i32
      %gather3A_692 = tpu.memref_slice %arg12[%gather3A_689, %gather3A_690, %gather3A_691] : memref<4x128x128xf32, #tpu.memory_space<vmem>> -> memref<1x128x128xf32, #tpu.memory_space<vmem>>
      %gather3A_693 = tpu.memref_squeeze %gather3A_692 : memref<1x128x128xf32, #tpu.memory_space<vmem>> -> memref<128x128xf32, #tpu.memory_space<vmem>>
      %gather3A_694 = tpu.vector_load_idx %gather3A_693[%add3A_233, %broadcast_in_dim3A_688] : memref<128x128xf32, #tpu.memory_space<vmem>>[vector<16xi32>, vector<16xi32>], vector<16xf32>,
      %swap3A_695 = arith.constant 19 : i32
      %swap3A_696 = arith.constant 0 : i32
      %swap3A_697 = tpu.memref_slice %arg13[%swap3A_695, %swap3A_696] : memref<64x128xf32, #tpu.memory_space<vmem>> -> memref<1x128xf32, #tpu.memory_space<vmem>>
      %swap3A_698 = tpu.memref_squeeze %swap3A_697 : memref<1x128xf32, #tpu.memory_space<vmem>> -> memref<128xf32, #tpu.memory_space<vmem>>
      %swap3A_699 = arith.index_cast %mul3A_221 : i32 to index
      %swap3A_700 = tpu.vector_load %swap3A_698[%swap3A_699] {strides = array<i32>} : memref<128xf32, #tpu.memory_space<vmem>>, vector<16xf32>,
      tpu.vector_store %swap3A_698[%swap3A_699], %gather3A_694 {strides = array<i32>} : memref<128xf32, #tpu.memory_space<vmem>>, vector<16xf32>,
      %add3A_701 = arith.constant 19 : i32
      %add3A_702 = vector.broadcast %add3A_701 : i32 to vector<16xi32>
      %add3A_703 = arith.addi %mul3A_229, %add3A_702 : vector<16xi32>
      %gather3A_704 = tpu.vector_load_idx %arg11[%add3A_703] : memref<6400xf32, #tpu.memory_space<vmem>>[vector<16xi32>], vector<16xf32>,
      %swap3A_705 = arith.constant 51 : i32
      %swap3A_706 = arith.constant 0 : i32
      %swap3A_707 = tpu.memref_slice %arg13[%swap3A_705, %swap3A_706] : memref<64x128xf32, #tpu.memory_space<vmem>> -> memref<1x128xf32, #tpu.memory_space<vmem>>
      %swap3A_708 = tpu.memref_squeeze %swap3A_707 : memref<1x128xf32, #tpu.memory_space<vmem>> -> memref<128xf32, #tpu.memory_space<vmem>>
      %swap3A_709 = arith.index_cast %mul3A_221 : i32 to index
      %swap3A_710 = tpu.vector_load %swap3A_708[%swap3A_709] {strides = array<i32>} : memref<128xf32, #tpu.memory_space<vmem>>, vector<16xf32>,
      tpu.vector_store %swap3A_708[%swap3A_709], %gather3A_704 {strides = array<i32>} : memref<128xf32, #tpu.memory_space<vmem>>, vector<16xf32>,
      %broadcast_in_dim3A_711 = arith.constant 20 : i32
      %broadcast_in_dim3A_712 = vector.broadcast %broadcast_in_dim3A_711 : i32 to vector<16xi32>
      %gather3A_713 = arith.constant 1 : i32
      %gather3A_714 = arith.constant 0 : i32
      %gather3A_715 = arith.constant 0 : i32
      %gather3A_716 = tpu.memref_slice %arg12[%gather3A_713, %gather3A_714, %gather3A_715] : memref<4x128x128xf32, #tpu.memory_space<vmem>> -> memref<1x128x128xf32, #tpu.memory_space<vmem>>
      %gather3A_717 = tpu.memref_squeeze %gather3A_716 : memref<1x128x128xf32, #tpu.memory_space<vmem>> -> memref<128x128xf32, #tpu.memory_space<vmem>>
      %gather3A_718 = tpu.vector_load_idx %gather3A_717[%add3A_233, %broadcast_in_dim3A_712] : memref<128x128xf32, #tpu.memory_space<vmem>>[vector<16xi32>, vector<16xi32>], vector<16xf32>,
      %swap3A_719 = arith.constant 20 : i32
      %swap3A_720 = arith.constant 0 : i32
      %swap3A_721 = tpu.memref_slice %arg13[%swap3A_719, %swap3A_720] : memref<64x128xf32, #tpu.memory_space<vmem>> -> memref<1x128xf32, #tpu.memory_space<vmem>>
      %swap3A_722 = tpu.memref_squeeze %swap3A_721 : memref<1x128xf32, #tpu.memory_space<vmem>> -> memref<128xf32, #tpu.memory_space<vmem>>
      %swap3A_723 = arith.index_cast %mul3A_221 : i32 to index
      %swap3A_724 = tpu.vector_load %swap3A_722[%swap3A_723] {strides = array<i32>} : memref<128xf32, #tpu.memory_space<vmem>>, vector<16xf32>,
      tpu.vector_store %swap3A_722[%swap3A_723], %gather3A_718 {strides = array<i32>} : memref<128xf32, #tpu.memory_space<vmem>>, vector<16xf32>,
      %add3A_725 = arith.constant 20 : i32
      %add3A_726 = vector.broadcast %add3A_725 : i32 to vector<16xi32>
      %add3A_727 = arith.addi %mul3A_229, %add3A_726 : vector<16xi32>
      %gather3A_728 = tpu.vector_load_idx %arg11[%add3A_727] : memref<6400xf32, #tpu.memory_space<vmem>>[vector<16xi32>], vector<16xf32>,
      %swap3A_729 = arith.constant 52 : i32
      %swap3A_730 = arith.constant 0 : i32
      %swap3A_731 = tpu.memref_slice %arg13[%swap3A_729, %swap3A_730] : memref<64x128xf32, #tpu.memory_space<vmem>> -> memref<1x128xf32, #tpu.memory_space<vmem>>
      %swap3A_732 = tpu.memref_squeeze %swap3A_731 : memref<1x128xf32, #tpu.memory_space<vmem>> -> memref<128xf32, #tpu.memory_space<vmem>>
      %swap3A_733 = arith.index_cast %mul3A_221 : i32 to index
      %swap3A_734 = tpu.vector_load %swap3A_732[%swap3A_733] {strides = array<i32>} : memref<128xf32, #tpu.memory_space<vmem>>, vector<16xf32>,
      tpu.vector_store %swap3A_732[%swap3A_733], %gather3A_728 {strides = array<i32>} : memref<128xf32, #tpu.memory_space<vmem>>, vector<16xf32>,
      %broadcast_in_dim3A_735 = arith.constant 21 : i32
      %broadcast_in_dim3A_736 = vector.broadcast %broadcast_in_dim3A_735 : i32 to vector<16xi32>
      %gather3A_737 = arith.constant 1 : i32
      %gather3A_738 = arith.constant 0 : i32
      %gather3A_739 = arith.constant 0 : i32
      %gather3A_740 = tpu.memref_slice %arg12[%gather3A_737, %gather3A_738, %gather3A_739] : memref<4x128x128xf32, #tpu.memory_space<vmem>> -> memref<1x128x128xf32, #tpu.memory_space<vmem>>
      %gather3A_741 = tpu.memref_squeeze %gather3A_740 : memref<1x128x128xf32, #tpu.memory_space<vmem>> -> memref<128x128xf32, #tpu.memory_space<vmem>>
      %gather3A_742 = tpu.vector_load_idx %gather3A_741[%add3A_233, %broadcast_in_dim3A_736] : memref<128x128xf32, #tpu.memory_space<vmem>>[vector<16xi32>, vector<16xi32>], vector<16xf32>,
      %swap3A_743 = arith.constant 21 : i32
      %swap3A_744 = arith.constant 0 : i32
      %swap3A_745 = tpu.memref_slice %arg13[%swap3A_743, %swap3A_744] : memref<64x128xf32, #tpu.memory_space<vmem>> -> memref<1x128xf32, #tpu.memory_space<vmem>>
      %swap3A_746 = tpu.memref_squeeze %swap3A_745 : memref<1x128xf32, #tpu.memory_space<vmem>> -> memref<128xf32, #tpu.memory_space<vmem>>
      %swap3A_747 = arith.index_cast %mul3A_221 : i32 to index
      %swap3A_748 = tpu.vector_load %swap3A_746[%swap3A_747] {strides = array<i32>} : memref<128xf32, #tpu.memory_space<vmem>>, vector<16xf32>,
      tpu.vector_store %swap3A_746[%swap3A_747], %gather3A_742 {strides = array<i32>} : memref<128xf32, #tpu.memory_space<vmem>>, vector<16xf32>,
      %add3A_749 = arith.constant 21 : i32
      %add3A_750 = vector.broadcast %add3A_749 : i32 to vector<16xi32>
      %add3A_751 = arith.addi %mul3A_229, %add3A_750 : vector<16xi32>
      %gather3A_752 = tpu.vector_load_idx %arg11[%add3A_751] : memref<6400xf32, #tpu.memory_space<vmem>>[vector<16xi32>], vector<16xf32>,
      %swap3A_753 = arith.constant 53 : i32
      %swap3A_754 = arith.constant 0 : i32
      %swap3A_755 = tpu.memref_slice %arg13[%swap3A_753, %swap3A_754] : memref<64x128xf32, #tpu.memory_space<vmem>> -> memref<1x128xf32, #tpu.memory_space<vmem>>
      %swap3A_756 = tpu.memref_squeeze %swap3A_755 : memref<1x128xf32, #tpu.memory_space<vmem>> -> memref<128xf32, #tpu.memory_space<vmem>>
      %swap3A_757 = arith.index_cast %mul3A_221 : i32 to index
      %swap3A_758 = tpu.vector_load %swap3A_756[%swap3A_757] {strides = array<i32>} : memref<128xf32, #tpu.memory_space<vmem>>, vector<16xf32>,
      tpu.vector_store %swap3A_756[%swap3A_757], %gather3A_752 {strides = array<i32>} : memref<128xf32, #tpu.memory_space<vmem>>, vector<16xf32>,
      %broadcast_in_dim3A_759 = arith.constant 22 : i32
      %broadcast_in_dim3A_760 = vector.broadcast %broadcast_in_dim3A_759 : i32 to vector<16xi32>
      %gather3A_761 = arith.constant 1 : i32
      %gather3A_762 = arith.constant 0 : i32
      %gather3A_763 = arith.constant 0 : i32
      %gather3A_764 = tpu.memref_slice %arg12[%gather3A_761, %gather3A_762, %gather3A_763] : memref<4x128x128xf32, #tpu.memory_space<vmem>> -> memref<1x128x128xf32, #tpu.memory_space<vmem>>
      %gather3A_765 = tpu.memref_squeeze %gather3A_764 : memref<1x128x128xf32, #tpu.memory_space<vmem>> -> memref<128x128xf32, #tpu.memory_space<vmem>>
      %gather3A_766 = tpu.vector_load_idx %gather3A_765[%add3A_233, %broadcast_in_dim3A_760] : memref<128x128xf32, #tpu.memory_space<vmem>>[vector<16xi32>, vector<16xi32>], vector<16xf32>,
      %swap3A_767 = arith.constant 22 : i32
      %swap3A_768 = arith.constant 0 : i32
      %swap3A_769 = tpu.memref_slice %arg13[%swap3A_767, %swap3A_768] : memref<64x128xf32, #tpu.memory_space<vmem>> -> memref<1x128xf32, #tpu.memory_space<vmem>>
      %swap3A_770 = tpu.memref_squeeze %swap3A_769 : memref<1x128xf32, #tpu.memory_space<vmem>> -> memref<128xf32, #tpu.memory_space<vmem>>
      %swap3A_771 = arith.index_cast %mul3A_221 : i32 to index
      %swap3A_772 = tpu.vector_load %swap3A_770[%swap3A_771] {strides = array<i32>} : memref<128xf32, #tpu.memory_space<vmem>>, vector<16xf32>,
      tpu.vector_store %swap3A_770[%swap3A_771], %gather3A_766 {strides = array<i32>} : memref<128xf32, #tpu.memory_space<vmem>>, vector<16xf32>,
      %add3A_773 = arith.constant 22 : i32
      %add3A_774 = vector.broadcast %add3A_773 : i32 to vector<16xi32>
      %add3A_775 = arith.addi %mul3A_229, %add3A_774 : vector<16xi32>
      %gather3A_776 = tpu.vector_load_idx %arg11[%add3A_775] : memref<6400xf32, #tpu.memory_space<vmem>>[vector<16xi32>], vector<16xf32>,
      %swap3A_777 = arith.constant 54 : i32
      %swap3A_778 = arith.constant 0 : i32
      %swap3A_779 = tpu.memref_slice %arg13[%swap3A_777, %swap3A_778] : memref<64x128xf32, #tpu.memory_space<vmem>> -> memref<1x128xf32, #tpu.memory_space<vmem>>
      %swap3A_780 = tpu.memref_squeeze %swap3A_779 : memref<1x128xf32, #tpu.memory_space<vmem>> -> memref<128xf32, #tpu.memory_space<vmem>>
      %swap3A_781 = arith.index_cast %mul3A_221 : i32 to index
      %swap3A_782 = tpu.vector_load %swap3A_780[%swap3A_781] {strides = array<i32>} : memref<128xf32, #tpu.memory_space<vmem>>, vector<16xf32>,
      tpu.vector_store %swap3A_780[%swap3A_781], %gather3A_776 {strides = array<i32>} : memref<128xf32, #tpu.memory_space<vmem>>, vector<16xf32>,
      %broadcast_in_dim3A_783 = arith.constant 23 : i32
      %broadcast_in_dim3A_784 = vector.broadcast %broadcast_in_dim3A_783 : i32 to vector<16xi32>
      %gather3A_785 = arith.constant 1 : i32
      %gather3A_786 = arith.constant 0 : i32
      %gather3A_787 = arith.constant 0 : i32
      %gather3A_788 = tpu.memref_slice %arg12[%gather3A_785, %gather3A_786, %gather3A_787] : memref<4x128x128xf32, #tpu.memory_space<vmem>> -> memref<1x128x128xf32, #tpu.memory_space<vmem>>
      %gather3A_789 = tpu.memref_squeeze %gather3A_788 : memref<1x128x128xf32, #tpu.memory_space<vmem>> -> memref<128x128xf32, #tpu.memory_space<vmem>>
      %gather3A_790 = tpu.vector_load_idx %gather3A_789[%add3A_233, %broadcast_in_dim3A_784] : memref<128x128xf32, #tpu.memory_space<vmem>>[vector<16xi32>, vector<16xi32>], vector<16xf32>,
      %swap3A_791 = arith.constant 23 : i32
      %swap3A_792 = arith.constant 0 : i32
      %swap3A_793 = tpu.memref_slice %arg13[%swap3A_791, %swap3A_792] : memref<64x128xf32, #tpu.memory_space<vmem>> -> memref<1x128xf32, #tpu.memory_space<vmem>>
      %swap3A_794 = tpu.memref_squeeze %swap3A_793 : memref<1x128xf32, #tpu.memory_space<vmem>> -> memref<128xf32, #tpu.memory_space<vmem>>
      %swap3A_795 = arith.index_cast %mul3A_221 : i32 to index
      %swap3A_796 = tpu.vector_load %swap3A_794[%swap3A_795] {strides = array<i32>} : memref<128xf32, #tpu.memory_space<vmem>>, vector<16xf32>,
      tpu.vector_store %swap3A_794[%swap3A_795], %gather3A_790 {strides = array<i32>} : memref<128xf32, #tpu.memory_space<vmem>>, vector<16xf32>,
      %add3A_797 = arith.constant 23 : i32
      %add3A_798 = vector.broadcast %add3A_797 : i32 to vector<16xi32>
      %add3A_799 = arith.addi %mul3A_229, %add3A_798 : vector<16xi32>
      %gather3A_800 = tpu.vector_load_idx %arg11[%add3A_799] : memref<6400xf32, #tpu.memory_space<vmem>>[vector<16xi32>], vector<16xf32>,
      %swap3A_801 = arith.constant 55 : i32
      %swap3A_802 = arith.constant 0 : i32
      %swap3A_803 = tpu.memref_slice %arg13[%swap3A_801, %swap3A_802] : memref<64x128xf32, #tpu.memory_space<vmem>> -> memref<1x128xf32, #tpu.memory_space<vmem>>
      %swap3A_804 = tpu.memref_squeeze %swap3A_803 : memref<1x128xf32, #tpu.memory_space<vmem>> -> memref<128xf32, #tpu.memory_space<vmem>>
      %swap3A_805 = arith.index_cast %mul3A_221 : i32 to index
      %swap3A_806 = tpu.vector_load %swap3A_804[%swap3A_805] {strides = array<i32>} : memref<128xf32, #tpu.memory_space<vmem>>, vector<16xf32>,
      tpu.vector_store %swap3A_804[%swap3A_805], %gather3A_800 {strides = array<i32>} : memref<128xf32, #tpu.memory_space<vmem>>, vector<16xf32>,
      %broadcast_in_dim3A_807 = arith.constant 24 : i32
      %broadcast_in_dim3A_808 = vector.broadcast %broadcast_in_dim3A_807 : i32 to vector<16xi32>
      %gather3A_809 = arith.constant 1 : i32
      %gather3A_810 = arith.constant 0 : i32
      %gather3A_811 = arith.constant 0 : i32
      %gather3A_812 = tpu.memref_slice %arg12[%gather3A_809, %gather3A_810, %gather3A_811] : memref<4x128x128xf32, #tpu.memory_space<vmem>> -> memref<1x128x128xf32, #tpu.memory_space<vmem>>
      %gather3A_813 = tpu.memref_squeeze %gather3A_812 : memref<1x128x128xf32, #tpu.memory_space<vmem>> -> memref<128x128xf32, #tpu.memory_space<vmem>>
      %gather3A_814 = tpu.vector_load_idx %gather3A_813[%add3A_233, %broadcast_in_dim3A_808] : memref<128x128xf32, #tpu.memory_space<vmem>>[vector<16xi32>, vector<16xi32>], vector<16xf32>,
      %swap3A_815 = arith.constant 24 : i32
      %swap3A_816 = arith.constant 0 : i32
      %swap3A_817 = tpu.memref_slice %arg13[%swap3A_815, %swap3A_816] : memref<64x128xf32, #tpu.memory_space<vmem>> -> memref<1x128xf32, #tpu.memory_space<vmem>>
      %swap3A_818 = tpu.memref_squeeze %swap3A_817 : memref<1x128xf32, #tpu.memory_space<vmem>> -> memref<128xf32, #tpu.memory_space<vmem>>
      %swap3A_819 = arith.index_cast %mul3A_221 : i32 to index
      %swap3A_820 = tpu.vector_load %swap3A_818[%swap3A_819] {strides = array<i32>} : memref<128xf32, #tpu.memory_space<vmem>>, vector<16xf32>,
      tpu.vector_store %swap3A_818[%swap3A_819], %gather3A_814 {strides = array<i32>} : memref<128xf32, #tpu.memory_space<vmem>>, vector<16xf32>,
      %add3A_821 = arith.constant 24 : i32
      %add3A_822 = vector.broadcast %add3A_821 : i32 to vector<16xi32>
      %add3A_823 = arith.addi %mul3A_229, %add3A_822 : vector<16xi32>
      %gather3A_824 = tpu.vector_load_idx %arg11[%add3A_823] : memref<6400xf32, #tpu.memory_space<vmem>>[vector<16xi32>], vector<16xf32>,
      %swap3A_825 = arith.constant 56 : i32
      %swap3A_826 = arith.constant 0 : i32
      %swap3A_827 = tpu.memref_slice %arg13[%swap3A_825, %swap3A_826] : memref<64x128xf32, #tpu.memory_space<vmem>> -> memref<1x128xf32, #tpu.memory_space<vmem>>
      %swap3A_828 = tpu.memref_squeeze %swap3A_827 : memref<1x128xf32, #tpu.memory_space<vmem>> -> memref<128xf32, #tpu.memory_space<vmem>>
      %swap3A_829 = arith.index_cast %mul3A_221 : i32 to index
      %swap3A_830 = tpu.vector_load %swap3A_828[%swap3A_829] {strides = array<i32>} : memref<128xf32, #tpu.memory_space<vmem>>, vector<16xf32>,
      tpu.vector_store %swap3A_828[%swap3A_829], %gather3A_824 {strides = array<i32>} : memref<128xf32, #tpu.memory_space<vmem>>, vector<16xf32>,
      %broadcast_in_dim3A_831 = arith.constant 25 : i32
      %broadcast_in_dim3A_832 = vector.broadcast %broadcast_in_dim3A_831 : i32 to vector<16xi32>
      %gather3A_833 = arith.constant 1 : i32
      %gather3A_834 = arith.constant 0 : i32
      %gather3A_835 = arith.constant 0 : i32
      %gather3A_836 = tpu.memref_slice %arg12[%gather3A_833, %gather3A_834, %gather3A_835] : memref<4x128x128xf32, #tpu.memory_space<vmem>> -> memref<1x128x128xf32, #tpu.memory_space<vmem>>
      %gather3A_837 = tpu.memref_squeeze %gather3A_836 : memref<1x128x128xf32, #tpu.memory_space<vmem>> -> memref<128x128xf32, #tpu.memory_space<vmem>>
      %gather3A_838 = tpu.vector_load_idx %gather3A_837[%add3A_233, %broadcast_in_dim3A_832] : memref<128x128xf32, #tpu.memory_space<vmem>>[vector<16xi32>, vector<16xi32>], vector<16xf32>,
      %swap3A_839 = arith.constant 25 : i32
      %swap3A_840 = arith.constant 0 : i32
      %swap3A_841 = tpu.memref_slice %arg13[%swap3A_839, %swap3A_840] : memref<64x128xf32, #tpu.memory_space<vmem>> -> memref<1x128xf32, #tpu.memory_space<vmem>>
      %swap3A_842 = tpu.memref_squeeze %swap3A_841 : memref<1x128xf32, #tpu.memory_space<vmem>> -> memref<128xf32, #tpu.memory_space<vmem>>
      %swap3A_843 = arith.index_cast %mul3A_221 : i32 to index
      %swap3A_844 = tpu.vector_load %swap3A_842[%swap3A_843] {strides = array<i32>} : memref<128xf32, #tpu.memory_space<vmem>>, vector<16xf32>,
      tpu.vector_store %swap3A_842[%swap3A_843], %gather3A_838 {strides = array<i32>} : memref<128xf32, #tpu.memory_space<vmem>>, vector<16xf32>,
      %add3A_845 = arith.constant 25 : i32
      %add3A_846 = vector.broadcast %add3A_845 : i32 to vector<16xi32>
      %add3A_847 = arith.addi %mul3A_229, %add3A_846 : vector<16xi32>
      %gather3A_848 = tpu.vector_load_idx %arg11[%add3A_847] : memref<6400xf32, #tpu.memory_space<vmem>>[vector<16xi32>], vector<16xf32>,
      %swap3A_849 = arith.constant 57 : i32
      %swap3A_850 = arith.constant 0 : i32
      %swap3A_851 = tpu.memref_slice %arg13[%swap3A_849, %swap3A_850] : memref<64x128xf32, #tpu.memory_space<vmem>> -> memref<1x128xf32, #tpu.memory_space<vmem>>
      %swap3A_852 = tpu.memref_squeeze %swap3A_851 : memref<1x128xf32, #tpu.memory_space<vmem>> -> memref<128xf32, #tpu.memory_space<vmem>>
      %swap3A_853 = arith.index_cast %mul3A_221 : i32 to index
      %swap3A_854 = tpu.vector_load %swap3A_852[%swap3A_853] {strides = array<i32>} : memref<128xf32, #tpu.memory_space<vmem>>, vector<16xf32>,
      tpu.vector_store %swap3A_852[%swap3A_853], %gather3A_848 {strides = array<i32>} : memref<128xf32, #tpu.memory_space<vmem>>, vector<16xf32>,
      %broadcast_in_dim3A_855 = arith.constant 26 : i32
      %broadcast_in_dim3A_856 = vector.broadcast %broadcast_in_dim3A_855 : i32 to vector<16xi32>
      %gather3A_857 = arith.constant 1 : i32
      %gather3A_858 = arith.constant 0 : i32
      %gather3A_859 = arith.constant 0 : i32
      %gather3A_860 = tpu.memref_slice %arg12[%gather3A_857, %gather3A_858, %gather3A_859] : memref<4x128x128xf32, #tpu.memory_space<vmem>> -> memref<1x128x128xf32, #tpu.memory_space<vmem>>
      %gather3A_861 = tpu.memref_squeeze %gather3A_860 : memref<1x128x128xf32, #tpu.memory_space<vmem>> -> memref<128x128xf32, #tpu.memory_space<vmem>>
      %gather3A_862 = tpu.vector_load_idx %gather3A_861[%add3A_233, %broadcast_in_dim3A_856] : memref<128x128xf32, #tpu.memory_space<vmem>>[vector<16xi32>, vector<16xi32>], vector<16xf32>,
      %swap3A_863 = arith.constant 26 : i32
      %swap3A_864 = arith.constant 0 : i32
      %swap3A_865 = tpu.memref_slice %arg13[%swap3A_863, %swap3A_864] : memref<64x128xf32, #tpu.memory_space<vmem>> -> memref<1x128xf32, #tpu.memory_space<vmem>>
      %swap3A_866 = tpu.memref_squeeze %swap3A_865 : memref<1x128xf32, #tpu.memory_space<vmem>> -> memref<128xf32, #tpu.memory_space<vmem>>
      %swap3A_867 = arith.index_cast %mul3A_221 : i32 to index
      %swap3A_868 = tpu.vector_load %swap3A_866[%swap3A_867] {strides = array<i32>} : memref<128xf32, #tpu.memory_space<vmem>>, vector<16xf32>,
      tpu.vector_store %swap3A_866[%swap3A_867], %gather3A_862 {strides = array<i32>} : memref<128xf32, #tpu.memory_space<vmem>>, vector<16xf32>,
      %add3A_869 = arith.constant 26 : i32
      %add3A_870 = vector.broadcast %add3A_869 : i32 to vector<16xi32>
      %add3A_871 = arith.addi %mul3A_229, %add3A_870 : vector<16xi32>
      %gather3A_872 = tpu.vector_load_idx %arg11[%add3A_871] : memref<6400xf32, #tpu.memory_space<vmem>>[vector<16xi32>], vector<16xf32>,
      %swap3A_873 = arith.constant 58 : i32
      %swap3A_874 = arith.constant 0 : i32
      %swap3A_875 = tpu.memref_slice %arg13[%swap3A_873, %swap3A_874] : memref<64x128xf32, #tpu.memory_space<vmem>> -> memref<1x128xf32, #tpu.memory_space<vmem>>
      %swap3A_876 = tpu.memref_squeeze %swap3A_875 : memref<1x128xf32, #tpu.memory_space<vmem>> -> memref<128xf32, #tpu.memory_space<vmem>>
      %swap3A_877 = arith.index_cast %mul3A_221 : i32 to index
      %swap3A_878 = tpu.vector_load %swap3A_876[%swap3A_877] {strides = array<i32>} : memref<128xf32, #tpu.memory_space<vmem>>, vector<16xf32>,
      tpu.vector_store %swap3A_876[%swap3A_877], %gather3A_872 {strides = array<i32>} : memref<128xf32, #tpu.memory_space<vmem>>, vector<16xf32>,
      %broadcast_in_dim3A_879 = arith.constant 27 : i32
      %broadcast_in_dim3A_880 = vector.broadcast %broadcast_in_dim3A_879 : i32 to vector<16xi32>
      %gather3A_881 = arith.constant 1 : i32
      %gather3A_882 = arith.constant 0 : i32
      %gather3A_883 = arith.constant 0 : i32
      %gather3A_884 = tpu.memref_slice %arg12[%gather3A_881, %gather3A_882, %gather3A_883] : memref<4x128x128xf32, #tpu.memory_space<vmem>> -> memref<1x128x128xf32, #tpu.memory_space<vmem>>
      %gather3A_885 = tpu.memref_squeeze %gather3A_884 : memref<1x128x128xf32, #tpu.memory_space<vmem>> -> memref<128x128xf32, #tpu.memory_space<vmem>>
      %gather3A_886 = tpu.vector_load_idx %gather3A_885[%add3A_233, %broadcast_in_dim3A_880] : memref<128x128xf32, #tpu.memory_space<vmem>>[vector<16xi32>, vector<16xi32>], vector<16xf32>,
      %swap3A_887 = arith.constant 27 : i32
      %swap3A_888 = arith.constant 0 : i32
      %swap3A_889 = tpu.memref_slice %arg13[%swap3A_887, %swap3A_888] : memref<64x128xf32, #tpu.memory_space<vmem>> -> memref<1x128xf32, #tpu.memory_space<vmem>>
      %swap3A_890 = tpu.memref_squeeze %swap3A_889 : memref<1x128xf32, #tpu.memory_space<vmem>> -> memref<128xf32, #tpu.memory_space<vmem>>
      %swap3A_891 = arith.index_cast %mul3A_221 : i32 to index
      %swap3A_892 = tpu.vector_load %swap3A_890[%swap3A_891] {strides = array<i32>} : memref<128xf32, #tpu.memory_space<vmem>>, vector<16xf32>,
      tpu.vector_store %swap3A_890[%swap3A_891], %gather3A_886 {strides = array<i32>} : memref<128xf32, #tpu.memory_space<vmem>>, vector<16xf32>,
      %add3A_893 = arith.constant 27 : i32
      %add3A_894 = vector.broadcast %add3A_893 : i32 to vector<16xi32>
      %add3A_895 = arith.addi %mul3A_229, %add3A_894 : vector<16xi32>
      %gather3A_896 = tpu.vector_load_idx %arg11[%add3A_895] : memref<6400xf32, #tpu.memory_space<vmem>>[vector<16xi32>], vector<16xf32>,
      %swap3A_897 = arith.constant 59 : i32
      %swap3A_898 = arith.constant 0 : i32
      %swap3A_899 = tpu.memref_slice %arg13[%swap3A_897, %swap3A_898] : memref<64x128xf32, #tpu.memory_space<vmem>> -> memref<1x128xf32, #tpu.memory_space<vmem>>
      %swap3A_900 = tpu.memref_squeeze %swap3A_899 : memref<1x128xf32, #tpu.memory_space<vmem>> -> memref<128xf32, #tpu.memory_space<vmem>>
      %swap3A_901 = arith.index_cast %mul3A_221 : i32 to index
      %swap3A_902 = tpu.vector_load %swap3A_900[%swap3A_901] {strides = array<i32>} : memref<128xf32, #tpu.memory_space<vmem>>, vector<16xf32>,
      tpu.vector_store %swap3A_900[%swap3A_901], %gather3A_896 {strides = array<i32>} : memref<128xf32, #tpu.memory_space<vmem>>, vector<16xf32>,
      %broadcast_in_dim3A_903 = arith.constant 28 : i32
      %broadcast_in_dim3A_904 = vector.broadcast %broadcast_in_dim3A_903 : i32 to vector<16xi32>
      %gather3A_905 = arith.constant 1 : i32
      %gather3A_906 = arith.constant 0 : i32
      %gather3A_907 = arith.constant 0 : i32
      %gather3A_908 = tpu.memref_slice %arg12[%gather3A_905, %gather3A_906, %gather3A_907] : memref<4x128x128xf32, #tpu.memory_space<vmem>> -> memref<1x128x128xf32, #tpu.memory_space<vmem>>
      %gather3A_909 = tpu.memref_squeeze %gather3A_908 : memref<1x128x128xf32, #tpu.memory_space<vmem>> -> memref<128x128xf32, #tpu.memory_space<vmem>>
      %gather3A_910 = tpu.vector_load_idx %gather3A_909[%add3A_233, %broadcast_in_dim3A_904] : memref<128x128xf32, #tpu.memory_space<vmem>>[vector<16xi32>, vector<16xi32>], vector<16xf32>,
      %swap3A_911 = arith.constant 28 : i32
      %swap3A_912 = arith.constant 0 : i32
      %swap3A_913 = tpu.memref_slice %arg13[%swap3A_911, %swap3A_912] : memref<64x128xf32, #tpu.memory_space<vmem>> -> memref<1x128xf32, #tpu.memory_space<vmem>>
      %swap3A_914 = tpu.memref_squeeze %swap3A_913 : memref<1x128xf32, #tpu.memory_space<vmem>> -> memref<128xf32, #tpu.memory_space<vmem>>
      %swap3A_915 = arith.index_cast %mul3A_221 : i32 to index
      %swap3A_916 = tpu.vector_load %swap3A_914[%swap3A_915] {strides = array<i32>} : memref<128xf32, #tpu.memory_space<vmem>>, vector<16xf32>,
      tpu.vector_store %swap3A_914[%swap3A_915], %gather3A_910 {strides = array<i32>} : memref<128xf32, #tpu.memory_space<vmem>>, vector<16xf32>,
      %add3A_917 = arith.constant 28 : i32
      %add3A_918 = vector.broadcast %add3A_917 : i32 to vector<16xi32>
      %add3A_919 = arith.addi %mul3A_229, %add3A_918 : vector<16xi32>
      %gather3A_920 = tpu.vector_load_idx %arg11[%add3A_919] : memref<6400xf32, #tpu.memory_space<vmem>>[vector<16xi32>], vector<16xf32>,
      %swap3A_921 = arith.constant 60 : i32
      %swap3A_922 = arith.constant 0 : i32
      %swap3A_923 = tpu.memref_slice %arg13[%swap3A_921, %swap3A_922] : memref<64x128xf32, #tpu.memory_space<vmem>> -> memref<1x128xf32, #tpu.memory_space<vmem>>
      %swap3A_924 = tpu.memref_squeeze %swap3A_923 : memref<1x128xf32, #tpu.memory_space<vmem>> -> memref<128xf32, #tpu.memory_space<vmem>>
      %swap3A_925 = arith.index_cast %mul3A_221 : i32 to index
      %swap3A_926 = tpu.vector_load %swap3A_924[%swap3A_925] {strides = array<i32>} : memref<128xf32, #tpu.memory_space<vmem>>, vector<16xf32>,
      tpu.vector_store %swap3A_924[%swap3A_925], %gather3A_920 {strides = array<i32>} : memref<128xf32, #tpu.memory_space<vmem>>, vector<16xf32>,
      %broadcast_in_dim3A_927 = arith.constant 29 : i32
      %broadcast_in_dim3A_928 = vector.broadcast %broadcast_in_dim3A_927 : i32 to vector<16xi32>
      %gather3A_929 = arith.constant 1 : i32
      %gather3A_930 = arith.constant 0 : i32
      %gather3A_931 = arith.constant 0 : i32
      %gather3A_932 = tpu.memref_slice %arg12[%gather3A_929, %gather3A_930, %gather3A_931] : memref<4x128x128xf32, #tpu.memory_space<vmem>> -> memref<1x128x128xf32, #tpu.memory_space<vmem>>
      %gather3A_933 = tpu.memref_squeeze %gather3A_932 : memref<1x128x128xf32, #tpu.memory_space<vmem>> -> memref<128x128xf32, #tpu.memory_space<vmem>>
      %gather3A_934 = tpu.vector_load_idx %gather3A_933[%add3A_233, %broadcast_in_dim3A_928] : memref<128x128xf32, #tpu.memory_space<vmem>>[vector<16xi32>, vector<16xi32>], vector<16xf32>,
      %swap3A_935 = arith.constant 29 : i32
      %swap3A_936 = arith.constant 0 : i32
      %swap3A_937 = tpu.memref_slice %arg13[%swap3A_935, %swap3A_936] : memref<64x128xf32, #tpu.memory_space<vmem>> -> memref<1x128xf32, #tpu.memory_space<vmem>>
      %swap3A_938 = tpu.memref_squeeze %swap3A_937 : memref<1x128xf32, #tpu.memory_space<vmem>> -> memref<128xf32, #tpu.memory_space<vmem>>
      %swap3A_939 = arith.index_cast %mul3A_221 : i32 to index
      %swap3A_940 = tpu.vector_load %swap3A_938[%swap3A_939] {strides = array<i32>} : memref<128xf32, #tpu.memory_space<vmem>>, vector<16xf32>,
      tpu.vector_store %swap3A_938[%swap3A_939], %gather3A_934 {strides = array<i32>} : memref<128xf32, #tpu.memory_space<vmem>>, vector<16xf32>,
      %add3A_941 = arith.constant 29 : i32
      %add3A_942 = vector.broadcast %add3A_941 : i32 to vector<16xi32>
      %add3A_943 = arith.addi %mul3A_229, %add3A_942 : vector<16xi32>
      %gather3A_944 = tpu.vector_load_idx %arg11[%add3A_943] : memref<6400xf32, #tpu.memory_space<vmem>>[vector<16xi32>], vector<16xf32>,
      %swap3A_945 = arith.constant 61 : i32
      %swap3A_946 = arith.constant 0 : i32
      %swap3A_947 = tpu.memref_slice %arg13[%swap3A_945, %swap3A_946] : memref<64x128xf32, #tpu.memory_space<vmem>> -> memref<1x128xf32, #tpu.memory_space<vmem>>
      %swap3A_948 = tpu.memref_squeeze %swap3A_947 : memref<1x128xf32, #tpu.memory_space<vmem>> -> memref<128xf32, #tpu.memory_space<vmem>>
      %swap3A_949 = arith.index_cast %mul3A_221 : i32 to index
      %swap3A_950 = tpu.vector_load %swap3A_948[%swap3A_949] {strides = array<i32>} : memref<128xf32, #tpu.memory_space<vmem>>, vector<16xf32>,
      tpu.vector_store %swap3A_948[%swap3A_949], %gather3A_944 {strides = array<i32>} : memref<128xf32, #tpu.memory_space<vmem>>, vector<16xf32>,
      %broadcast_in_dim3A_951 = arith.constant 30 : i32
      %broadcast_in_dim3A_952 = vector.broadcast %broadcast_in_dim3A_951 : i32 to vector<16xi32>
      %gather3A_953 = arith.constant 1 : i32
      %gather3A_954 = arith.constant 0 : i32
      %gather3A_955 = arith.constant 0 : i32
      %gather3A_956 = tpu.memref_slice %arg12[%gather3A_953, %gather3A_954, %gather3A_955] : memref<4x128x128xf32, #tpu.memory_space<vmem>> -> memref<1x128x128xf32, #tpu.memory_space<vmem>>
      %gather3A_957 = tpu.memref_squeeze %gather3A_956 : memref<1x128x128xf32, #tpu.memory_space<vmem>> -> memref<128x128xf32, #tpu.memory_space<vmem>>
      %gather3A_958 = tpu.vector_load_idx %gather3A_957[%add3A_233, %broadcast_in_dim3A_952] : memref<128x128xf32, #tpu.memory_space<vmem>>[vector<16xi32>, vector<16xi32>], vector<16xf32>,
      %swap3A_959 = arith.constant 30 : i32
      %swap3A_960 = arith.constant 0 : i32
      %swap3A_961 = tpu.memref_slice %arg13[%swap3A_959, %swap3A_960] : memref<64x128xf32, #tpu.memory_space<vmem>> -> memref<1x128xf32, #tpu.memory_space<vmem>>
      %swap3A_962 = tpu.memref_squeeze %swap3A_961 : memref<1x128xf32, #tpu.memory_space<vmem>> -> memref<128xf32, #tpu.memory_space<vmem>>
      %swap3A_963 = arith.index_cast %mul3A_221 : i32 to index
      %swap3A_964 = tpu.vector_load %swap3A_962[%swap3A_963] {strides = array<i32>} : memref<128xf32, #tpu.memory_space<vmem>>, vector<16xf32>,
      tpu.vector_store %swap3A_962[%swap3A_963], %gather3A_958 {strides = array<i32>} : memref<128xf32, #tpu.memory_space<vmem>>, vector<16xf32>,
      %add3A_965 = arith.constant 30 : i32
      %add3A_966 = vector.broadcast %add3A_965 : i32 to vector<16xi32>
      %add3A_967 = arith.addi %mul3A_229, %add3A_966 : vector<16xi32>
      %gather3A_968 = tpu.vector_load_idx %arg11[%add3A_967] : memref<6400xf32, #tpu.memory_space<vmem>>[vector<16xi32>], vector<16xf32>,
      %swap3A_969 = arith.constant 62 : i32
      %swap3A_970 = arith.constant 0 : i32
      %swap3A_971 = tpu.memref_slice %arg13[%swap3A_969, %swap3A_970] : memref<64x128xf32, #tpu.memory_space<vmem>> -> memref<1x128xf32, #tpu.memory_space<vmem>>
      %swap3A_972 = tpu.memref_squeeze %swap3A_971 : memref<1x128xf32, #tpu.memory_space<vmem>> -> memref<128xf32, #tpu.memory_space<vmem>>
      %swap3A_973 = arith.index_cast %mul3A_221 : i32 to index
      %swap3A_974 = tpu.vector_load %swap3A_972[%swap3A_973] {strides = array<i32>} : memref<128xf32, #tpu.memory_space<vmem>>, vector<16xf32>,
      tpu.vector_store %swap3A_972[%swap3A_973], %gather3A_968 {strides = array<i32>} : memref<128xf32, #tpu.memory_space<vmem>>, vector<16xf32>,
      %broadcast_in_dim3A_975 = arith.constant 31 : i32
      %broadcast_in_dim3A_976 = vector.broadcast %broadcast_in_dim3A_975 : i32 to vector<16xi32>
      %gather3A_977 = arith.constant 1 : i32
      %gather3A_978 = arith.constant 0 : i32
      %gather3A_979 = arith.constant 0 : i32
      %gather3A_980 = tpu.memref_slice %arg12[%gather3A_977, %gather3A_978, %gather3A_979] : memref<4x128x128xf32, #tpu.memory_space<vmem>> -> memref<1x128x128xf32, #tpu.memory_space<vmem>>
      %gather3A_981 = tpu.memref_squeeze %gather3A_980 : memref<1x128x128xf32, #tpu.memory_space<vmem>> -> memref<128x128xf32, #tpu.memory_space<vmem>>
      %gather3A_982 = tpu.vector_load_idx %gather3A_981[%add3A_233, %broadcast_in_dim3A_976] : memref<128x128xf32, #tpu.memory_space<vmem>>[vector<16xi32>, vector<16xi32>], vector<16xf32>,
      %swap3A_983 = arith.constant 31 : i32
      %swap3A_984 = arith.constant 0 : i32
      %swap3A_985 = tpu.memref_slice %arg13[%swap3A_983, %swap3A_984] : memref<64x128xf32, #tpu.memory_space<vmem>> -> memref<1x128xf32, #tpu.memory_space<vmem>>
      %swap3A_986 = tpu.memref_squeeze %swap3A_985 : memref<1x128xf32, #tpu.memory_space<vmem>> -> memref<128xf32, #tpu.memory_space<vmem>>
      %swap3A_987 = arith.index_cast %mul3A_221 : i32 to index
      %swap3A_988 = tpu.vector_load %swap3A_986[%swap3A_987] {strides = array<i32>} : memref<128xf32, #tpu.memory_space<vmem>>, vector<16xf32>,
      tpu.vector_store %swap3A_986[%swap3A_987], %gather3A_982 {strides = array<i32>} : memref<128xf32, #tpu.memory_space<vmem>>, vector<16xf32>,
      %add3A_989 = arith.constant 31 : i32
      %add3A_990 = vector.broadcast %add3A_989 : i32 to vector<16xi32>
      %add3A_991 = arith.addi %mul3A_229, %add3A_990 : vector<16xi32>
      %gather3A_992 = tpu.vector_load_idx %arg11[%add3A_991] : memref<6400xf32, #tpu.memory_space<vmem>>[vector<16xi32>], vector<16xf32>,
      %swap3A_993 = arith.constant 63 : i32
      %swap3A_994 = arith.constant 0 : i32
      %swap3A_995 = tpu.memref_slice %arg13[%swap3A_993, %swap3A_994] : memref<64x128xf32, #tpu.memory_space<vmem>> -> memref<1x128xf32, #tpu.memory_space<vmem>>
      %swap3A_996 = tpu.memref_squeeze %swap3A_995 : memref<1x128xf32, #tpu.memory_space<vmem>> -> memref<128xf32, #tpu.memory_space<vmem>>
      %swap3A_997 = arith.index_cast %mul3A_221 : i32 to index
      %swap3A_998 = tpu.vector_load %swap3A_996[%swap3A_997] {strides = array<i32>} : memref<128xf32, #tpu.memory_space<vmem>>, vector<16xf32>,
      tpu.vector_store %swap3A_996[%swap3A_997], %gather3A_992 {strides = array<i32>} : memref<128xf32, #tpu.memory_space<vmem>>, vector<16xf32>,
      %scan3A_999 = arith.constant 0 : i32
      scf.yield %scan3A_999 : i32
    }
    %scan3A_167 = arith.constant 8 : i32
    %mul3A_168 = arith.constant 512 : i32
    %mul3A_169 = arith.muli %add3A, %mul3A_168 : i32
    %add3A_170 = arith.constant 128 : i32
    %add3A_171 = arith.addi %mul3A_169, %add3A_170 : i32
    "tpu.region"() ({
      %run_scoped3A = tpu.sem_alloc : memref<!tpu.dma_semaphore, #tpu.memory_space<semaphore_mem>>
      %dma_start3A_218 = arith.constant 0 : i32
      %dma_start3A_219 = tpu.memref_slice %arg7[%dma_start3A_218, %add3A_171] : memref<64x16384xf32, #tpu.memory_space<hbm>> -> memref<64x128xf32, #tpu.memory_space<hbm>>
      %dma_start3A_220 = arith.constant 0 : i32
      %dma_start3A_221 = tpu.memref_slice %arg7[%dma_start3A_220, %add3A_171] : memref<64x16384xf32, #tpu.memory_space<hbm>> -> memref<64x128xf32, #tpu.memory_space<hbm>>
      tpu.enqueue_dma source(%arg13 : memref<64x128xf32, #tpu.memory_space<vmem>>) target(%dma_start3A_221 : memref<64x128xf32, #tpu.memory_space<hbm>>) target_semaphore(%run_scoped3A : memref<!tpu.dma_semaphore, #tpu.memory_space<semaphore_mem>>)
      %dma_wait3A_222 = arith.constant 0 : i32
      %dma_wait3A_223 = tpu.memref_slice %arg7[%dma_wait3A_222, %add3A_171] : memref<64x16384xf32, #tpu.memory_space<hbm>> -> memref<64x128xf32, #tpu.memory_space<hbm>>
      %dma_wait3A_224 = arith.constant 0 : i32
      %dma_wait3A_225 = tpu.memref_slice %arg7[%dma_wait3A_224, %add3A_171] : memref<64x16384xf32, #tpu.memory_space<hbm>> -> memref<64x128xf32, #tpu.memory_space<hbm>>
      tpu.wait_dma2 semaphore(%run_scoped3A : memref<!tpu.dma_semaphore, #tpu.memory_space<semaphore_mem>>) src(%arg13 : memref<64x128xf32, #tpu.memory_space<vmem>>) dst(%dma_wait3A_225 : memref<64x128xf32, #tpu.memory_space<hbm>>)
      tpu.yield
    }) : () -> ()
    %dma_wait3A_172 = arith.constant 2 : i32
    %dma_wait3A_173 = arith.constant 2 : i32
    %dma_wait3A_174 = arith.constant 0 : i32
    %dma_wait3A_175 = arith.constant 0 : i32
    %dma_wait3A_176 = tpu.memref_slice %arg12[%dma_wait3A_173, %dma_wait3A_174, %dma_wait3A_175] : memref<4x128x128xf32, #tpu.memory_space<vmem>> -> memref<1x128x128xf32, #tpu.memory_space<vmem>>
    %dma_wait3A_177 = tpu.memref_squeeze %dma_wait3A_176 : memref<1x128x128xf32, #tpu.memory_space<vmem>> -> memref<128x128xf32, #tpu.memory_space<vmem>>
    %dma_wait3A_178 = arith.constant 0 : i32
    %dma_wait3A_179 = tpu.memref_slice %arg10[%dma_wait3A_172, %dma_wait3A_178] : memref<4x128xi32, #tpu.memory_space<vmem>> -> memref<1x128xi32, #tpu.memory_space<vmem>>
    %dma_wait3A_180 = tpu.memref_squeeze %dma_wait3A_179 : memref<1x128xi32, #tpu.memory_space<vmem>> -> memref<128xi32, #tpu.memory_space<vmem>>
    %dma_wait3A_181 = arith.constant 0 : i32
    %dma_wait3A_182 = arith.constant 0 : i32
    %dma_wait3A_183 = tpu.memref_slice %arg5[%dma_wait3A_181, %dma_wait3A_182] : memref<1000000x128xf32, #tpu.memory_space<hbm>> -> memref<1000000x128xf32, #tpu.memory_space<hbm>>
    tpu.wait_indirect_dma semaphore(%arg15 : memref<!tpu.dma_semaphore, #tpu.memory_space<semaphore_mem>>) src(%dma_wait3A_183 : memref<1000000x128xf32, #tpu.memory_space<hbm>>) dst(%dma_wait3A_177 : memref<128x128xf32, #tpu.memory_space<vmem>>)
    %scan3A_184 = arith.constant 0 : i32
    %scan3A_185 = arith.constant 0 : i32
    %scan3A_186 = arith.constant 8 : i32
    %scan3A_187 = arith.addi %scan3A_185, %scan3A_186 : i32
    %scan3A_188 = arith.constant 1 : i32
    %scan3A_189 = scf.for %scan3A_218 = %scan3A_185 to %scan3A_187 step %scan3A_188 iter_args(%scan3A_219 = %scan3A_184) -> (i32)  : i32 {
      %mul3A_220 = arith.constant 16 : i32
      %mul3A_221 = arith.muli %scan3A_218, %mul3A_220 : i32
      %get3A = arith.constant 2 : i32
      %get3A_222 = arith.constant 0 : i32
      %get3A_223 = tpu.memref_slice %arg9[%get3A, %get3A_222] : memref<4x128xi32, #tpu.memory_space<vmem>> -> memref<1x128xi32, #tpu.memory_space<vmem>>
      %get3A_224 = tpu.memref_squeeze %get3A_223 : memref<1x128xi32, #tpu.memory_space<vmem>> -> memref<128xi32, #tpu.memory_space<vmem>>
      %get3A_225 = arith.index_cast %mul3A_221 : i32 to index
      %get3A_226 = tpu.vector_load %get3A_224[%get3A_225] {strides = array<i32>} : memref<128xi32, #tpu.memory_space<vmem>>, vector<16xi32>,
      %mul3A_227 = arith.constant 32 : i32
      %mul3A_228 = vector.broadcast %mul3A_227 : i32 to vector<16xi32>
      %mul3A_229 = arith.muli %get3A_226, %mul3A_228 : vector<16xi32>
      %mul3A_230 = arith.constant 16 : i32
      %mul3A_231 = arith.muli %scan3A_218, %mul3A_230 : i32
      %add3A_232 = vector.broadcast %mul3A_231 : i32 to vector<16xi32>
      %add3A_233 = arith.addi %add3A_232, %iota3A : vector<16xi32>
      %broadcast_in_dim3A = arith.constant 0 : i32
      %broadcast_in_dim3A_234 = vector.broadcast %broadcast_in_dim3A : i32 to vector<16xi32>
      %gather3A = arith.constant 2 : i32
      %gather3A_235 = arith.constant 0 : i32
      %gather3A_236 = arith.constant 0 : i32
      %gather3A_237 = tpu.memref_slice %arg12[%gather3A, %gather3A_235, %gather3A_236] : memref<4x128x128xf32, #tpu.memory_space<vmem>> -> memref<1x128x128xf32, #tpu.memory_space<vmem>>
      %gather3A_238 = tpu.memref_squeeze %gather3A_237 : memref<1x128x128xf32, #tpu.memory_space<vmem>> -> memref<128x128xf32, #tpu.memory_space<vmem>>
      %gather3A_239 = tpu.vector_load_idx %gather3A_238[%add3A_233, %broadcast_in_dim3A_234] : memref<128x128xf32, #tpu.memory_space<vmem>>[vector<16xi32>, vector<16xi32>], vector<16xf32>,
      %swap3A = arith.constant 0 : i32
      %swap3A_240 = arith.constant 0 : i32
      %swap3A_241 = tpu.memref_slice %arg13[%swap3A, %swap3A_240] : memref<64x128xf32, #tpu.memory_space<vmem>> -> memref<1x128xf32, #tpu.memory_space<vmem>>
      %swap3A_242 = tpu.memref_squeeze %swap3A_241 : memref<1x128xf32, #tpu.memory_space<vmem>> -> memref<128xf32, #tpu.memory_space<vmem>>
      %swap3A_243 = arith.index_cast %mul3A_221 : i32 to index
      %swap3A_244 = tpu.vector_load %swap3A_242[%swap3A_243] {strides = array<i32>} : memref<128xf32, #tpu.memory_space<vmem>>, vector<16xf32>,
      tpu.vector_store %swap3A_242[%swap3A_243], %gather3A_239 {strides = array<i32>} : memref<128xf32, #tpu.memory_space<vmem>>, vector<16xf32>,
      %add3A_245 = arith.constant 0 : i32
      %add3A_246 = vector.broadcast %add3A_245 : i32 to vector<16xi32>
      %add3A_247 = arith.addi %mul3A_229, %add3A_246 : vector<16xi32>
      %gather3A_248 = tpu.vector_load_idx %arg11[%add3A_247] : memref<6400xf32, #tpu.memory_space<vmem>>[vector<16xi32>], vector<16xf32>,
      %swap3A_249 = arith.constant 32 : i32
      %swap3A_250 = arith.constant 0 : i32
      %swap3A_251 = tpu.memref_slice %arg13[%swap3A_249, %swap3A_250] : memref<64x128xf32, #tpu.memory_space<vmem>> -> memref<1x128xf32, #tpu.memory_space<vmem>>
      %swap3A_252 = tpu.memref_squeeze %swap3A_251 : memref<1x128xf32, #tpu.memory_space<vmem>> -> memref<128xf32, #tpu.memory_space<vmem>>
      %swap3A_253 = arith.index_cast %mul3A_221 : i32 to index
      %swap3A_254 = tpu.vector_load %swap3A_252[%swap3A_253] {strides = array<i32>} : memref<128xf32, #tpu.memory_space<vmem>>, vector<16xf32>,
      tpu.vector_store %swap3A_252[%swap3A_253], %gather3A_248 {strides = array<i32>} : memref<128xf32, #tpu.memory_space<vmem>>, vector<16xf32>,
      %broadcast_in_dim3A_255 = arith.constant 1 : i32
      %broadcast_in_dim3A_256 = vector.broadcast %broadcast_in_dim3A_255 : i32 to vector<16xi32>
      %gather3A_257 = arith.constant 2 : i32
      %gather3A_258 = arith.constant 0 : i32
      %gather3A_259 = arith.constant 0 : i32
      %gather3A_260 = tpu.memref_slice %arg12[%gather3A_257, %gather3A_258, %gather3A_259] : memref<4x128x128xf32, #tpu.memory_space<vmem>> -> memref<1x128x128xf32, #tpu.memory_space<vmem>>
      %gather3A_261 = tpu.memref_squeeze %gather3A_260 : memref<1x128x128xf32, #tpu.memory_space<vmem>> -> memref<128x128xf32, #tpu.memory_space<vmem>>
      %gather3A_262 = tpu.vector_load_idx %gather3A_261[%add3A_233, %broadcast_in_dim3A_256] : memref<128x128xf32, #tpu.memory_space<vmem>>[vector<16xi32>, vector<16xi32>], vector<16xf32>,
      %swap3A_263 = arith.constant 1 : i32
      %swap3A_264 = arith.constant 0 : i32
      %swap3A_265 = tpu.memref_slice %arg13[%swap3A_263, %swap3A_264] : memref<64x128xf32, #tpu.memory_space<vmem>> -> memref<1x128xf32, #tpu.memory_space<vmem>>
      %swap3A_266 = tpu.memref_squeeze %swap3A_265 : memref<1x128xf32, #tpu.memory_space<vmem>> -> memref<128xf32, #tpu.memory_space<vmem>>
      %swap3A_267 = arith.index_cast %mul3A_221 : i32 to index
      %swap3A_268 = tpu.vector_load %swap3A_266[%swap3A_267] {strides = array<i32>} : memref<128xf32, #tpu.memory_space<vmem>>, vector<16xf32>,
      tpu.vector_store %swap3A_266[%swap3A_267], %gather3A_262 {strides = array<i32>} : memref<128xf32, #tpu.memory_space<vmem>>, vector<16xf32>,
      %add3A_269 = arith.constant 1 : i32
      %add3A_270 = vector.broadcast %add3A_269 : i32 to vector<16xi32>
      %add3A_271 = arith.addi %mul3A_229, %add3A_270 : vector<16xi32>
      %gather3A_272 = tpu.vector_load_idx %arg11[%add3A_271] : memref<6400xf32, #tpu.memory_space<vmem>>[vector<16xi32>], vector<16xf32>,
      %swap3A_273 = arith.constant 33 : i32
      %swap3A_274 = arith.constant 0 : i32
      %swap3A_275 = tpu.memref_slice %arg13[%swap3A_273, %swap3A_274] : memref<64x128xf32, #tpu.memory_space<vmem>> -> memref<1x128xf32, #tpu.memory_space<vmem>>
      %swap3A_276 = tpu.memref_squeeze %swap3A_275 : memref<1x128xf32, #tpu.memory_space<vmem>> -> memref<128xf32, #tpu.memory_space<vmem>>
      %swap3A_277 = arith.index_cast %mul3A_221 : i32 to index
      %swap3A_278 = tpu.vector_load %swap3A_276[%swap3A_277] {strides = array<i32>} : memref<128xf32, #tpu.memory_space<vmem>>, vector<16xf32>,
      tpu.vector_store %swap3A_276[%swap3A_277], %gather3A_272 {strides = array<i32>} : memref<128xf32, #tpu.memory_space<vmem>>, vector<16xf32>,
      %broadcast_in_dim3A_279 = arith.constant 2 : i32
      %broadcast_in_dim3A_280 = vector.broadcast %broadcast_in_dim3A_279 : i32 to vector<16xi32>
      %gather3A_281 = arith.constant 2 : i32
      %gather3A_282 = arith.constant 0 : i32
      %gather3A_283 = arith.constant 0 : i32
      %gather3A_284 = tpu.memref_slice %arg12[%gather3A_281, %gather3A_282, %gather3A_283] : memref<4x128x128xf32, #tpu.memory_space<vmem>> -> memref<1x128x128xf32, #tpu.memory_space<vmem>>
      %gather3A_285 = tpu.memref_squeeze %gather3A_284 : memref<1x128x128xf32, #tpu.memory_space<vmem>> -> memref<128x128xf32, #tpu.memory_space<vmem>>
      %gather3A_286 = tpu.vector_load_idx %gather3A_285[%add3A_233, %broadcast_in_dim3A_280] : memref<128x128xf32, #tpu.memory_space<vmem>>[vector<16xi32>, vector<16xi32>], vector<16xf32>,
      %swap3A_287 = arith.constant 2 : i32
      %swap3A_288 = arith.constant 0 : i32
      %swap3A_289 = tpu.memref_slice %arg13[%swap3A_287, %swap3A_288] : memref<64x128xf32, #tpu.memory_space<vmem>> -> memref<1x128xf32, #tpu.memory_space<vmem>>
      %swap3A_290 = tpu.memref_squeeze %swap3A_289 : memref<1x128xf32, #tpu.memory_space<vmem>> -> memref<128xf32, #tpu.memory_space<vmem>>
      %swap3A_291 = arith.index_cast %mul3A_221 : i32 to index
      %swap3A_292 = tpu.vector_load %swap3A_290[%swap3A_291] {strides = array<i32>} : memref<128xf32, #tpu.memory_space<vmem>>, vector<16xf32>,
      tpu.vector_store %swap3A_290[%swap3A_291], %gather3A_286 {strides = array<i32>} : memref<128xf32, #tpu.memory_space<vmem>>, vector<16xf32>,
      %add3A_293 = arith.constant 2 : i32
      %add3A_294 = vector.broadcast %add3A_293 : i32 to vector<16xi32>
      %add3A_295 = arith.addi %mul3A_229, %add3A_294 : vector<16xi32>
      %gather3A_296 = tpu.vector_load_idx %arg11[%add3A_295] : memref<6400xf32, #tpu.memory_space<vmem>>[vector<16xi32>], vector<16xf32>,
      %swap3A_297 = arith.constant 34 : i32
      %swap3A_298 = arith.constant 0 : i32
      %swap3A_299 = tpu.memref_slice %arg13[%swap3A_297, %swap3A_298] : memref<64x128xf32, #tpu.memory_space<vmem>> -> memref<1x128xf32, #tpu.memory_space<vmem>>
      %swap3A_300 = tpu.memref_squeeze %swap3A_299 : memref<1x128xf32, #tpu.memory_space<vmem>> -> memref<128xf32, #tpu.memory_space<vmem>>
      %swap3A_301 = arith.index_cast %mul3A_221 : i32 to index
      %swap3A_302 = tpu.vector_load %swap3A_300[%swap3A_301] {strides = array<i32>} : memref<128xf32, #tpu.memory_space<vmem>>, vector<16xf32>,
      tpu.vector_store %swap3A_300[%swap3A_301], %gather3A_296 {strides = array<i32>} : memref<128xf32, #tpu.memory_space<vmem>>, vector<16xf32>,
      %broadcast_in_dim3A_303 = arith.constant 3 : i32
      %broadcast_in_dim3A_304 = vector.broadcast %broadcast_in_dim3A_303 : i32 to vector<16xi32>
      %gather3A_305 = arith.constant 2 : i32
      %gather3A_306 = arith.constant 0 : i32
      %gather3A_307 = arith.constant 0 : i32
      %gather3A_308 = tpu.memref_slice %arg12[%gather3A_305, %gather3A_306, %gather3A_307] : memref<4x128x128xf32, #tpu.memory_space<vmem>> -> memref<1x128x128xf32, #tpu.memory_space<vmem>>
      %gather3A_309 = tpu.memref_squeeze %gather3A_308 : memref<1x128x128xf32, #tpu.memory_space<vmem>> -> memref<128x128xf32, #tpu.memory_space<vmem>>
      %gather3A_310 = tpu.vector_load_idx %gather3A_309[%add3A_233, %broadcast_in_dim3A_304] : memref<128x128xf32, #tpu.memory_space<vmem>>[vector<16xi32>, vector<16xi32>], vector<16xf32>,
      %swap3A_311 = arith.constant 3 : i32
      %swap3A_312 = arith.constant 0 : i32
      %swap3A_313 = tpu.memref_slice %arg13[%swap3A_311, %swap3A_312] : memref<64x128xf32, #tpu.memory_space<vmem>> -> memref<1x128xf32, #tpu.memory_space<vmem>>
      %swap3A_314 = tpu.memref_squeeze %swap3A_313 : memref<1x128xf32, #tpu.memory_space<vmem>> -> memref<128xf32, #tpu.memory_space<vmem>>
      %swap3A_315 = arith.index_cast %mul3A_221 : i32 to index
      %swap3A_316 = tpu.vector_load %swap3A_314[%swap3A_315] {strides = array<i32>} : memref<128xf32, #tpu.memory_space<vmem>>, vector<16xf32>,
      tpu.vector_store %swap3A_314[%swap3A_315], %gather3A_310 {strides = array<i32>} : memref<128xf32, #tpu.memory_space<vmem>>, vector<16xf32>,
      %add3A_317 = arith.constant 3 : i32
      %add3A_318 = vector.broadcast %add3A_317 : i32 to vector<16xi32>
      %add3A_319 = arith.addi %mul3A_229, %add3A_318 : vector<16xi32>
      %gather3A_320 = tpu.vector_load_idx %arg11[%add3A_319] : memref<6400xf32, #tpu.memory_space<vmem>>[vector<16xi32>], vector<16xf32>,
      %swap3A_321 = arith.constant 35 : i32
      %swap3A_322 = arith.constant 0 : i32
      %swap3A_323 = tpu.memref_slice %arg13[%swap3A_321, %swap3A_322] : memref<64x128xf32, #tpu.memory_space<vmem>> -> memref<1x128xf32, #tpu.memory_space<vmem>>
      %swap3A_324 = tpu.memref_squeeze %swap3A_323 : memref<1x128xf32, #tpu.memory_space<vmem>> -> memref<128xf32, #tpu.memory_space<vmem>>
      %swap3A_325 = arith.index_cast %mul3A_221 : i32 to index
      %swap3A_326 = tpu.vector_load %swap3A_324[%swap3A_325] {strides = array<i32>} : memref<128xf32, #tpu.memory_space<vmem>>, vector<16xf32>,
      tpu.vector_store %swap3A_324[%swap3A_325], %gather3A_320 {strides = array<i32>} : memref<128xf32, #tpu.memory_space<vmem>>, vector<16xf32>,
      %broadcast_in_dim3A_327 = arith.constant 4 : i32
      %broadcast_in_dim3A_328 = vector.broadcast %broadcast_in_dim3A_327 : i32 to vector<16xi32>
      %gather3A_329 = arith.constant 2 : i32
      %gather3A_330 = arith.constant 0 : i32
      %gather3A_331 = arith.constant 0 : i32
      %gather3A_332 = tpu.memref_slice %arg12[%gather3A_329, %gather3A_330, %gather3A_331] : memref<4x128x128xf32, #tpu.memory_space<vmem>> -> memref<1x128x128xf32, #tpu.memory_space<vmem>>
      %gather3A_333 = tpu.memref_squeeze %gather3A_332 : memref<1x128x128xf32, #tpu.memory_space<vmem>> -> memref<128x128xf32, #tpu.memory_space<vmem>>
      %gather3A_334 = tpu.vector_load_idx %gather3A_333[%add3A_233, %broadcast_in_dim3A_328] : memref<128x128xf32, #tpu.memory_space<vmem>>[vector<16xi32>, vector<16xi32>], vector<16xf32>,
      %swap3A_335 = arith.constant 4 : i32
      %swap3A_336 = arith.constant 0 : i32
      %swap3A_337 = tpu.memref_slice %arg13[%swap3A_335, %swap3A_336] : memref<64x128xf32, #tpu.memory_space<vmem>> -> memref<1x128xf32, #tpu.memory_space<vmem>>
      %swap3A_338 = tpu.memref_squeeze %swap3A_337 : memref<1x128xf32, #tpu.memory_space<vmem>> -> memref<128xf32, #tpu.memory_space<vmem>>
      %swap3A_339 = arith.index_cast %mul3A_221 : i32 to index
      %swap3A_340 = tpu.vector_load %swap3A_338[%swap3A_339] {strides = array<i32>} : memref<128xf32, #tpu.memory_space<vmem>>, vector<16xf32>,
      tpu.vector_store %swap3A_338[%swap3A_339], %gather3A_334 {strides = array<i32>} : memref<128xf32, #tpu.memory_space<vmem>>, vector<16xf32>,
      %add3A_341 = arith.constant 4 : i32
      %add3A_342 = vector.broadcast %add3A_341 : i32 to vector<16xi32>
      %add3A_343 = arith.addi %mul3A_229, %add3A_342 : vector<16xi32>
      %gather3A_344 = tpu.vector_load_idx %arg11[%add3A_343] : memref<6400xf32, #tpu.memory_space<vmem>>[vector<16xi32>], vector<16xf32>,
      %swap3A_345 = arith.constant 36 : i32
      %swap3A_346 = arith.constant 0 : i32
      %swap3A_347 = tpu.memref_slice %arg13[%swap3A_345, %swap3A_346] : memref<64x128xf32, #tpu.memory_space<vmem>> -> memref<1x128xf32, #tpu.memory_space<vmem>>
      %swap3A_348 = tpu.memref_squeeze %swap3A_347 : memref<1x128xf32, #tpu.memory_space<vmem>> -> memref<128xf32, #tpu.memory_space<vmem>>
      %swap3A_349 = arith.index_cast %mul3A_221 : i32 to index
      %swap3A_350 = tpu.vector_load %swap3A_348[%swap3A_349] {strides = array<i32>} : memref<128xf32, #tpu.memory_space<vmem>>, vector<16xf32>,
      tpu.vector_store %swap3A_348[%swap3A_349], %gather3A_344 {strides = array<i32>} : memref<128xf32, #tpu.memory_space<vmem>>, vector<16xf32>,
      %broadcast_in_dim3A_351 = arith.constant 5 : i32
      %broadcast_in_dim3A_352 = vector.broadcast %broadcast_in_dim3A_351 : i32 to vector<16xi32>
      %gather3A_353 = arith.constant 2 : i32
      %gather3A_354 = arith.constant 0 : i32
      %gather3A_355 = arith.constant 0 : i32
      %gather3A_356 = tpu.memref_slice %arg12[%gather3A_353, %gather3A_354, %gather3A_355] : memref<4x128x128xf32, #tpu.memory_space<vmem>> -> memref<1x128x128xf32, #tpu.memory_space<vmem>>
      %gather3A_357 = tpu.memref_squeeze %gather3A_356 : memref<1x128x128xf32, #tpu.memory_space<vmem>> -> memref<128x128xf32, #tpu.memory_space<vmem>>
      %gather3A_358 = tpu.vector_load_idx %gather3A_357[%add3A_233, %broadcast_in_dim3A_352] : memref<128x128xf32, #tpu.memory_space<vmem>>[vector<16xi32>, vector<16xi32>], vector<16xf32>,
      %swap3A_359 = arith.constant 5 : i32
      %swap3A_360 = arith.constant 0 : i32
      %swap3A_361 = tpu.memref_slice %arg13[%swap3A_359, %swap3A_360] : memref<64x128xf32, #tpu.memory_space<vmem>> -> memref<1x128xf32, #tpu.memory_space<vmem>>
      %swap3A_362 = tpu.memref_squeeze %swap3A_361 : memref<1x128xf32, #tpu.memory_space<vmem>> -> memref<128xf32, #tpu.memory_space<vmem>>
      %swap3A_363 = arith.index_cast %mul3A_221 : i32 to index
      %swap3A_364 = tpu.vector_load %swap3A_362[%swap3A_363] {strides = array<i32>} : memref<128xf32, #tpu.memory_space<vmem>>, vector<16xf32>,
      tpu.vector_store %swap3A_362[%swap3A_363], %gather3A_358 {strides = array<i32>} : memref<128xf32, #tpu.memory_space<vmem>>, vector<16xf32>,
      %add3A_365 = arith.constant 5 : i32
      %add3A_366 = vector.broadcast %add3A_365 : i32 to vector<16xi32>
      %add3A_367 = arith.addi %mul3A_229, %add3A_366 : vector<16xi32>
      %gather3A_368 = tpu.vector_load_idx %arg11[%add3A_367] : memref<6400xf32, #tpu.memory_space<vmem>>[vector<16xi32>], vector<16xf32>,
      %swap3A_369 = arith.constant 37 : i32
      %swap3A_370 = arith.constant 0 : i32
      %swap3A_371 = tpu.memref_slice %arg13[%swap3A_369, %swap3A_370] : memref<64x128xf32, #tpu.memory_space<vmem>> -> memref<1x128xf32, #tpu.memory_space<vmem>>
      %swap3A_372 = tpu.memref_squeeze %swap3A_371 : memref<1x128xf32, #tpu.memory_space<vmem>> -> memref<128xf32, #tpu.memory_space<vmem>>
      %swap3A_373 = arith.index_cast %mul3A_221 : i32 to index
      %swap3A_374 = tpu.vector_load %swap3A_372[%swap3A_373] {strides = array<i32>} : memref<128xf32, #tpu.memory_space<vmem>>, vector<16xf32>,
      tpu.vector_store %swap3A_372[%swap3A_373], %gather3A_368 {strides = array<i32>} : memref<128xf32, #tpu.memory_space<vmem>>, vector<16xf32>,
      %broadcast_in_dim3A_375 = arith.constant 6 : i32
      %broadcast_in_dim3A_376 = vector.broadcast %broadcast_in_dim3A_375 : i32 to vector<16xi32>
      %gather3A_377 = arith.constant 2 : i32
      %gather3A_378 = arith.constant 0 : i32
      %gather3A_379 = arith.constant 0 : i32
      %gather3A_380 = tpu.memref_slice %arg12[%gather3A_377, %gather3A_378, %gather3A_379] : memref<4x128x128xf32, #tpu.memory_space<vmem>> -> memref<1x128x128xf32, #tpu.memory_space<vmem>>
      %gather3A_381 = tpu.memref_squeeze %gather3A_380 : memref<1x128x128xf32, #tpu.memory_space<vmem>> -> memref<128x128xf32, #tpu.memory_space<vmem>>
      %gather3A_382 = tpu.vector_load_idx %gather3A_381[%add3A_233, %broadcast_in_dim3A_376] : memref<128x128xf32, #tpu.memory_space<vmem>>[vector<16xi32>, vector<16xi32>], vector<16xf32>,
      %swap3A_383 = arith.constant 6 : i32
      %swap3A_384 = arith.constant 0 : i32
      %swap3A_385 = tpu.memref_slice %arg13[%swap3A_383, %swap3A_384] : memref<64x128xf32, #tpu.memory_space<vmem>> -> memref<1x128xf32, #tpu.memory_space<vmem>>
      %swap3A_386 = tpu.memref_squeeze %swap3A_385 : memref<1x128xf32, #tpu.memory_space<vmem>> -> memref<128xf32, #tpu.memory_space<vmem>>
      %swap3A_387 = arith.index_cast %mul3A_221 : i32 to index
      %swap3A_388 = tpu.vector_load %swap3A_386[%swap3A_387] {strides = array<i32>} : memref<128xf32, #tpu.memory_space<vmem>>, vector<16xf32>,
      tpu.vector_store %swap3A_386[%swap3A_387], %gather3A_382 {strides = array<i32>} : memref<128xf32, #tpu.memory_space<vmem>>, vector<16xf32>,
      %add3A_389 = arith.constant 6 : i32
      %add3A_390 = vector.broadcast %add3A_389 : i32 to vector<16xi32>
      %add3A_391 = arith.addi %mul3A_229, %add3A_390 : vector<16xi32>
      %gather3A_392 = tpu.vector_load_idx %arg11[%add3A_391] : memref<6400xf32, #tpu.memory_space<vmem>>[vector<16xi32>], vector<16xf32>,
      %swap3A_393 = arith.constant 38 : i32
      %swap3A_394 = arith.constant 0 : i32
      %swap3A_395 = tpu.memref_slice %arg13[%swap3A_393, %swap3A_394] : memref<64x128xf32, #tpu.memory_space<vmem>> -> memref<1x128xf32, #tpu.memory_space<vmem>>
      %swap3A_396 = tpu.memref_squeeze %swap3A_395 : memref<1x128xf32, #tpu.memory_space<vmem>> -> memref<128xf32, #tpu.memory_space<vmem>>
      %swap3A_397 = arith.index_cast %mul3A_221 : i32 to index
      %swap3A_398 = tpu.vector_load %swap3A_396[%swap3A_397] {strides = array<i32>} : memref<128xf32, #tpu.memory_space<vmem>>, vector<16xf32>,
      tpu.vector_store %swap3A_396[%swap3A_397], %gather3A_392 {strides = array<i32>} : memref<128xf32, #tpu.memory_space<vmem>>, vector<16xf32>,
      %broadcast_in_dim3A_399 = arith.constant 7 : i32
      %broadcast_in_dim3A_400 = vector.broadcast %broadcast_in_dim3A_399 : i32 to vector<16xi32>
      %gather3A_401 = arith.constant 2 : i32
      %gather3A_402 = arith.constant 0 : i32
      %gather3A_403 = arith.constant 0 : i32
      %gather3A_404 = tpu.memref_slice %arg12[%gather3A_401, %gather3A_402, %gather3A_403] : memref<4x128x128xf32, #tpu.memory_space<vmem>> -> memref<1x128x128xf32, #tpu.memory_space<vmem>>
      %gather3A_405 = tpu.memref_squeeze %gather3A_404 : memref<1x128x128xf32, #tpu.memory_space<vmem>> -> memref<128x128xf32, #tpu.memory_space<vmem>>
      %gather3A_406 = tpu.vector_load_idx %gather3A_405[%add3A_233, %broadcast_in_dim3A_400] : memref<128x128xf32, #tpu.memory_space<vmem>>[vector<16xi32>, vector<16xi32>], vector<16xf32>,
      %swap3A_407 = arith.constant 7 : i32
      %swap3A_408 = arith.constant 0 : i32
      %swap3A_409 = tpu.memref_slice %arg13[%swap3A_407, %swap3A_408] : memref<64x128xf32, #tpu.memory_space<vmem>> -> memref<1x128xf32, #tpu.memory_space<vmem>>
      %swap3A_410 = tpu.memref_squeeze %swap3A_409 : memref<1x128xf32, #tpu.memory_space<vmem>> -> memref<128xf32, #tpu.memory_space<vmem>>
      %swap3A_411 = arith.index_cast %mul3A_221 : i32 to index
      %swap3A_412 = tpu.vector_load %swap3A_410[%swap3A_411] {strides = array<i32>} : memref<128xf32, #tpu.memory_space<vmem>>, vector<16xf32>,
      tpu.vector_store %swap3A_410[%swap3A_411], %gather3A_406 {strides = array<i32>} : memref<128xf32, #tpu.memory_space<vmem>>, vector<16xf32>,
      %add3A_413 = arith.constant 7 : i32
      %add3A_414 = vector.broadcast %add3A_413 : i32 to vector<16xi32>
      %add3A_415 = arith.addi %mul3A_229, %add3A_414 : vector<16xi32>
      %gather3A_416 = tpu.vector_load_idx %arg11[%add3A_415] : memref<6400xf32, #tpu.memory_space<vmem>>[vector<16xi32>], vector<16xf32>,
      %swap3A_417 = arith.constant 39 : i32
      %swap3A_418 = arith.constant 0 : i32
      %swap3A_419 = tpu.memref_slice %arg13[%swap3A_417, %swap3A_418] : memref<64x128xf32, #tpu.memory_space<vmem>> -> memref<1x128xf32, #tpu.memory_space<vmem>>
      %swap3A_420 = tpu.memref_squeeze %swap3A_419 : memref<1x128xf32, #tpu.memory_space<vmem>> -> memref<128xf32, #tpu.memory_space<vmem>>
      %swap3A_421 = arith.index_cast %mul3A_221 : i32 to index
      %swap3A_422 = tpu.vector_load %swap3A_420[%swap3A_421] {strides = array<i32>} : memref<128xf32, #tpu.memory_space<vmem>>, vector<16xf32>,
      tpu.vector_store %swap3A_420[%swap3A_421], %gather3A_416 {strides = array<i32>} : memref<128xf32, #tpu.memory_space<vmem>>, vector<16xf32>,
      %broadcast_in_dim3A_423 = arith.constant 8 : i32
      %broadcast_in_dim3A_424 = vector.broadcast %broadcast_in_dim3A_423 : i32 to vector<16xi32>
      %gather3A_425 = arith.constant 2 : i32
      %gather3A_426 = arith.constant 0 : i32
      %gather3A_427 = arith.constant 0 : i32
      %gather3A_428 = tpu.memref_slice %arg12[%gather3A_425, %gather3A_426, %gather3A_427] : memref<4x128x128xf32, #tpu.memory_space<vmem>> -> memref<1x128x128xf32, #tpu.memory_space<vmem>>
      %gather3A_429 = tpu.memref_squeeze %gather3A_428 : memref<1x128x128xf32, #tpu.memory_space<vmem>> -> memref<128x128xf32, #tpu.memory_space<vmem>>
      %gather3A_430 = tpu.vector_load_idx %gather3A_429[%add3A_233, %broadcast_in_dim3A_424] : memref<128x128xf32, #tpu.memory_space<vmem>>[vector<16xi32>, vector<16xi32>], vector<16xf32>,
      %swap3A_431 = arith.constant 8 : i32
      %swap3A_432 = arith.constant 0 : i32
      %swap3A_433 = tpu.memref_slice %arg13[%swap3A_431, %swap3A_432] : memref<64x128xf32, #tpu.memory_space<vmem>> -> memref<1x128xf32, #tpu.memory_space<vmem>>
      %swap3A_434 = tpu.memref_squeeze %swap3A_433 : memref<1x128xf32, #tpu.memory_space<vmem>> -> memref<128xf32, #tpu.memory_space<vmem>>
      %swap3A_435 = arith.index_cast %mul3A_221 : i32 to index
      %swap3A_436 = tpu.vector_load %swap3A_434[%swap3A_435] {strides = array<i32>} : memref<128xf32, #tpu.memory_space<vmem>>, vector<16xf32>,
      tpu.vector_store %swap3A_434[%swap3A_435], %gather3A_430 {strides = array<i32>} : memref<128xf32, #tpu.memory_space<vmem>>, vector<16xf32>,
      %add3A_437 = arith.constant 8 : i32
      %add3A_438 = vector.broadcast %add3A_437 : i32 to vector<16xi32>
      %add3A_439 = arith.addi %mul3A_229, %add3A_438 : vector<16xi32>
      %gather3A_440 = tpu.vector_load_idx %arg11[%add3A_439] : memref<6400xf32, #tpu.memory_space<vmem>>[vector<16xi32>], vector<16xf32>,
      %swap3A_441 = arith.constant 40 : i32
      %swap3A_442 = arith.constant 0 : i32
      %swap3A_443 = tpu.memref_slice %arg13[%swap3A_441, %swap3A_442] : memref<64x128xf32, #tpu.memory_space<vmem>> -> memref<1x128xf32, #tpu.memory_space<vmem>>
      %swap3A_444 = tpu.memref_squeeze %swap3A_443 : memref<1x128xf32, #tpu.memory_space<vmem>> -> memref<128xf32, #tpu.memory_space<vmem>>
      %swap3A_445 = arith.index_cast %mul3A_221 : i32 to index
      %swap3A_446 = tpu.vector_load %swap3A_444[%swap3A_445] {strides = array<i32>} : memref<128xf32, #tpu.memory_space<vmem>>, vector<16xf32>,
      tpu.vector_store %swap3A_444[%swap3A_445], %gather3A_440 {strides = array<i32>} : memref<128xf32, #tpu.memory_space<vmem>>, vector<16xf32>,
      %broadcast_in_dim3A_447 = arith.constant 9 : i32
      %broadcast_in_dim3A_448 = vector.broadcast %broadcast_in_dim3A_447 : i32 to vector<16xi32>
      %gather3A_449 = arith.constant 2 : i32
      %gather3A_450 = arith.constant 0 : i32
      %gather3A_451 = arith.constant 0 : i32
      %gather3A_452 = tpu.memref_slice %arg12[%gather3A_449, %gather3A_450, %gather3A_451] : memref<4x128x128xf32, #tpu.memory_space<vmem>> -> memref<1x128x128xf32, #tpu.memory_space<vmem>>
      %gather3A_453 = tpu.memref_squeeze %gather3A_452 : memref<1x128x128xf32, #tpu.memory_space<vmem>> -> memref<128x128xf32, #tpu.memory_space<vmem>>
      %gather3A_454 = tpu.vector_load_idx %gather3A_453[%add3A_233, %broadcast_in_dim3A_448] : memref<128x128xf32, #tpu.memory_space<vmem>>[vector<16xi32>, vector<16xi32>], vector<16xf32>,
      %swap3A_455 = arith.constant 9 : i32
      %swap3A_456 = arith.constant 0 : i32
      %swap3A_457 = tpu.memref_slice %arg13[%swap3A_455, %swap3A_456] : memref<64x128xf32, #tpu.memory_space<vmem>> -> memref<1x128xf32, #tpu.memory_space<vmem>>
      %swap3A_458 = tpu.memref_squeeze %swap3A_457 : memref<1x128xf32, #tpu.memory_space<vmem>> -> memref<128xf32, #tpu.memory_space<vmem>>
      %swap3A_459 = arith.index_cast %mul3A_221 : i32 to index
      %swap3A_460 = tpu.vector_load %swap3A_458[%swap3A_459] {strides = array<i32>} : memref<128xf32, #tpu.memory_space<vmem>>, vector<16xf32>,
      tpu.vector_store %swap3A_458[%swap3A_459], %gather3A_454 {strides = array<i32>} : memref<128xf32, #tpu.memory_space<vmem>>, vector<16xf32>,
      %add3A_461 = arith.constant 9 : i32
      %add3A_462 = vector.broadcast %add3A_461 : i32 to vector<16xi32>
      %add3A_463 = arith.addi %mul3A_229, %add3A_462 : vector<16xi32>
      %gather3A_464 = tpu.vector_load_idx %arg11[%add3A_463] : memref<6400xf32, #tpu.memory_space<vmem>>[vector<16xi32>], vector<16xf32>,
      %swap3A_465 = arith.constant 41 : i32
      %swap3A_466 = arith.constant 0 : i32
      %swap3A_467 = tpu.memref_slice %arg13[%swap3A_465, %swap3A_466] : memref<64x128xf32, #tpu.memory_space<vmem>> -> memref<1x128xf32, #tpu.memory_space<vmem>>
      %swap3A_468 = tpu.memref_squeeze %swap3A_467 : memref<1x128xf32, #tpu.memory_space<vmem>> -> memref<128xf32, #tpu.memory_space<vmem>>
      %swap3A_469 = arith.index_cast %mul3A_221 : i32 to index
      %swap3A_470 = tpu.vector_load %swap3A_468[%swap3A_469] {strides = array<i32>} : memref<128xf32, #tpu.memory_space<vmem>>, vector<16xf32>,
      tpu.vector_store %swap3A_468[%swap3A_469], %gather3A_464 {strides = array<i32>} : memref<128xf32, #tpu.memory_space<vmem>>, vector<16xf32>,
      %broadcast_in_dim3A_471 = arith.constant 10 : i32
      %broadcast_in_dim3A_472 = vector.broadcast %broadcast_in_dim3A_471 : i32 to vector<16xi32>
      %gather3A_473 = arith.constant 2 : i32
      %gather3A_474 = arith.constant 0 : i32
      %gather3A_475 = arith.constant 0 : i32
      %gather3A_476 = tpu.memref_slice %arg12[%gather3A_473, %gather3A_474, %gather3A_475] : memref<4x128x128xf32, #tpu.memory_space<vmem>> -> memref<1x128x128xf32, #tpu.memory_space<vmem>>
      %gather3A_477 = tpu.memref_squeeze %gather3A_476 : memref<1x128x128xf32, #tpu.memory_space<vmem>> -> memref<128x128xf32, #tpu.memory_space<vmem>>
      %gather3A_478 = tpu.vector_load_idx %gather3A_477[%add3A_233, %broadcast_in_dim3A_472] : memref<128x128xf32, #tpu.memory_space<vmem>>[vector<16xi32>, vector<16xi32>], vector<16xf32>,
      %swap3A_479 = arith.constant 10 : i32
      %swap3A_480 = arith.constant 0 : i32
      %swap3A_481 = tpu.memref_slice %arg13[%swap3A_479, %swap3A_480] : memref<64x128xf32, #tpu.memory_space<vmem>> -> memref<1x128xf32, #tpu.memory_space<vmem>>
      %swap3A_482 = tpu.memref_squeeze %swap3A_481 : memref<1x128xf32, #tpu.memory_space<vmem>> -> memref<128xf32, #tpu.memory_space<vmem>>
      %swap3A_483 = arith.index_cast %mul3A_221 : i32 to index
      %swap3A_484 = tpu.vector_load %swap3A_482[%swap3A_483] {strides = array<i32>} : memref<128xf32, #tpu.memory_space<vmem>>, vector<16xf32>,
      tpu.vector_store %swap3A_482[%swap3A_483], %gather3A_478 {strides = array<i32>} : memref<128xf32, #tpu.memory_space<vmem>>, vector<16xf32>,
      %add3A_485 = arith.constant 10 : i32
      %add3A_486 = vector.broadcast %add3A_485 : i32 to vector<16xi32>
      %add3A_487 = arith.addi %mul3A_229, %add3A_486 : vector<16xi32>
      %gather3A_488 = tpu.vector_load_idx %arg11[%add3A_487] : memref<6400xf32, #tpu.memory_space<vmem>>[vector<16xi32>], vector<16xf32>,
      %swap3A_489 = arith.constant 42 : i32
      %swap3A_490 = arith.constant 0 : i32
      %swap3A_491 = tpu.memref_slice %arg13[%swap3A_489, %swap3A_490] : memref<64x128xf32, #tpu.memory_space<vmem>> -> memref<1x128xf32, #tpu.memory_space<vmem>>
      %swap3A_492 = tpu.memref_squeeze %swap3A_491 : memref<1x128xf32, #tpu.memory_space<vmem>> -> memref<128xf32, #tpu.memory_space<vmem>>
      %swap3A_493 = arith.index_cast %mul3A_221 : i32 to index
      %swap3A_494 = tpu.vector_load %swap3A_492[%swap3A_493] {strides = array<i32>} : memref<128xf32, #tpu.memory_space<vmem>>, vector<16xf32>,
      tpu.vector_store %swap3A_492[%swap3A_493], %gather3A_488 {strides = array<i32>} : memref<128xf32, #tpu.memory_space<vmem>>, vector<16xf32>,
      %broadcast_in_dim3A_495 = arith.constant 11 : i32
      %broadcast_in_dim3A_496 = vector.broadcast %broadcast_in_dim3A_495 : i32 to vector<16xi32>
      %gather3A_497 = arith.constant 2 : i32
      %gather3A_498 = arith.constant 0 : i32
      %gather3A_499 = arith.constant 0 : i32
      %gather3A_500 = tpu.memref_slice %arg12[%gather3A_497, %gather3A_498, %gather3A_499] : memref<4x128x128xf32, #tpu.memory_space<vmem>> -> memref<1x128x128xf32, #tpu.memory_space<vmem>>
      %gather3A_501 = tpu.memref_squeeze %gather3A_500 : memref<1x128x128xf32, #tpu.memory_space<vmem>> -> memref<128x128xf32, #tpu.memory_space<vmem>>
      %gather3A_502 = tpu.vector_load_idx %gather3A_501[%add3A_233, %broadcast_in_dim3A_496] : memref<128x128xf32, #tpu.memory_space<vmem>>[vector<16xi32>, vector<16xi32>], vector<16xf32>,
      %swap3A_503 = arith.constant 11 : i32
      %swap3A_504 = arith.constant 0 : i32
      %swap3A_505 = tpu.memref_slice %arg13[%swap3A_503, %swap3A_504] : memref<64x128xf32, #tpu.memory_space<vmem>> -> memref<1x128xf32, #tpu.memory_space<vmem>>
      %swap3A_506 = tpu.memref_squeeze %swap3A_505 : memref<1x128xf32, #tpu.memory_space<vmem>> -> memref<128xf32, #tpu.memory_space<vmem>>
      %swap3A_507 = arith.index_cast %mul3A_221 : i32 to index
      %swap3A_508 = tpu.vector_load %swap3A_506[%swap3A_507] {strides = array<i32>} : memref<128xf32, #tpu.memory_space<vmem>>, vector<16xf32>,
      tpu.vector_store %swap3A_506[%swap3A_507], %gather3A_502 {strides = array<i32>} : memref<128xf32, #tpu.memory_space<vmem>>, vector<16xf32>,
      %add3A_509 = arith.constant 11 : i32
      %add3A_510 = vector.broadcast %add3A_509 : i32 to vector<16xi32>
      %add3A_511 = arith.addi %mul3A_229, %add3A_510 : vector<16xi32>
      %gather3A_512 = tpu.vector_load_idx %arg11[%add3A_511] : memref<6400xf32, #tpu.memory_space<vmem>>[vector<16xi32>], vector<16xf32>,
      %swap3A_513 = arith.constant 43 : i32
      %swap3A_514 = arith.constant 0 : i32
      %swap3A_515 = tpu.memref_slice %arg13[%swap3A_513, %swap3A_514] : memref<64x128xf32, #tpu.memory_space<vmem>> -> memref<1x128xf32, #tpu.memory_space<vmem>>
      %swap3A_516 = tpu.memref_squeeze %swap3A_515 : memref<1x128xf32, #tpu.memory_space<vmem>> -> memref<128xf32, #tpu.memory_space<vmem>>
      %swap3A_517 = arith.index_cast %mul3A_221 : i32 to index
      %swap3A_518 = tpu.vector_load %swap3A_516[%swap3A_517] {strides = array<i32>} : memref<128xf32, #tpu.memory_space<vmem>>, vector<16xf32>,
      tpu.vector_store %swap3A_516[%swap3A_517], %gather3A_512 {strides = array<i32>} : memref<128xf32, #tpu.memory_space<vmem>>, vector<16xf32>,
      %broadcast_in_dim3A_519 = arith.constant 12 : i32
      %broadcast_in_dim3A_520 = vector.broadcast %broadcast_in_dim3A_519 : i32 to vector<16xi32>
      %gather3A_521 = arith.constant 2 : i32
      %gather3A_522 = arith.constant 0 : i32
      %gather3A_523 = arith.constant 0 : i32
      %gather3A_524 = tpu.memref_slice %arg12[%gather3A_521, %gather3A_522, %gather3A_523] : memref<4x128x128xf32, #tpu.memory_space<vmem>> -> memref<1x128x128xf32, #tpu.memory_space<vmem>>
      %gather3A_525 = tpu.memref_squeeze %gather3A_524 : memref<1x128x128xf32, #tpu.memory_space<vmem>> -> memref<128x128xf32, #tpu.memory_space<vmem>>
      %gather3A_526 = tpu.vector_load_idx %gather3A_525[%add3A_233, %broadcast_in_dim3A_520] : memref<128x128xf32, #tpu.memory_space<vmem>>[vector<16xi32>, vector<16xi32>], vector<16xf32>,
      %swap3A_527 = arith.constant 12 : i32
      %swap3A_528 = arith.constant 0 : i32
      %swap3A_529 = tpu.memref_slice %arg13[%swap3A_527, %swap3A_528] : memref<64x128xf32, #tpu.memory_space<vmem>> -> memref<1x128xf32, #tpu.memory_space<vmem>>
      %swap3A_530 = tpu.memref_squeeze %swap3A_529 : memref<1x128xf32, #tpu.memory_space<vmem>> -> memref<128xf32, #tpu.memory_space<vmem>>
      %swap3A_531 = arith.index_cast %mul3A_221 : i32 to index
      %swap3A_532 = tpu.vector_load %swap3A_530[%swap3A_531] {strides = array<i32>} : memref<128xf32, #tpu.memory_space<vmem>>, vector<16xf32>,
      tpu.vector_store %swap3A_530[%swap3A_531], %gather3A_526 {strides = array<i32>} : memref<128xf32, #tpu.memory_space<vmem>>, vector<16xf32>,
      %add3A_533 = arith.constant 12 : i32
      %add3A_534 = vector.broadcast %add3A_533 : i32 to vector<16xi32>
      %add3A_535 = arith.addi %mul3A_229, %add3A_534 : vector<16xi32>
      %gather3A_536 = tpu.vector_load_idx %arg11[%add3A_535] : memref<6400xf32, #tpu.memory_space<vmem>>[vector<16xi32>], vector<16xf32>,
      %swap3A_537 = arith.constant 44 : i32
      %swap3A_538 = arith.constant 0 : i32
      %swap3A_539 = tpu.memref_slice %arg13[%swap3A_537, %swap3A_538] : memref<64x128xf32, #tpu.memory_space<vmem>> -> memref<1x128xf32, #tpu.memory_space<vmem>>
      %swap3A_540 = tpu.memref_squeeze %swap3A_539 : memref<1x128xf32, #tpu.memory_space<vmem>> -> memref<128xf32, #tpu.memory_space<vmem>>
      %swap3A_541 = arith.index_cast %mul3A_221 : i32 to index
      %swap3A_542 = tpu.vector_load %swap3A_540[%swap3A_541] {strides = array<i32>} : memref<128xf32, #tpu.memory_space<vmem>>, vector<16xf32>,
      tpu.vector_store %swap3A_540[%swap3A_541], %gather3A_536 {strides = array<i32>} : memref<128xf32, #tpu.memory_space<vmem>>, vector<16xf32>,
      %broadcast_in_dim3A_543 = arith.constant 13 : i32
      %broadcast_in_dim3A_544 = vector.broadcast %broadcast_in_dim3A_543 : i32 to vector<16xi32>
      %gather3A_545 = arith.constant 2 : i32
      %gather3A_546 = arith.constant 0 : i32
      %gather3A_547 = arith.constant 0 : i32
      %gather3A_548 = tpu.memref_slice %arg12[%gather3A_545, %gather3A_546, %gather3A_547] : memref<4x128x128xf32, #tpu.memory_space<vmem>> -> memref<1x128x128xf32, #tpu.memory_space<vmem>>
      %gather3A_549 = tpu.memref_squeeze %gather3A_548 : memref<1x128x128xf32, #tpu.memory_space<vmem>> -> memref<128x128xf32, #tpu.memory_space<vmem>>
      %gather3A_550 = tpu.vector_load_idx %gather3A_549[%add3A_233, %broadcast_in_dim3A_544] : memref<128x128xf32, #tpu.memory_space<vmem>>[vector<16xi32>, vector<16xi32>], vector<16xf32>,
      %swap3A_551 = arith.constant 13 : i32
      %swap3A_552 = arith.constant 0 : i32
      %swap3A_553 = tpu.memref_slice %arg13[%swap3A_551, %swap3A_552] : memref<64x128xf32, #tpu.memory_space<vmem>> -> memref<1x128xf32, #tpu.memory_space<vmem>>
      %swap3A_554 = tpu.memref_squeeze %swap3A_553 : memref<1x128xf32, #tpu.memory_space<vmem>> -> memref<128xf32, #tpu.memory_space<vmem>>
      %swap3A_555 = arith.index_cast %mul3A_221 : i32 to index
      %swap3A_556 = tpu.vector_load %swap3A_554[%swap3A_555] {strides = array<i32>} : memref<128xf32, #tpu.memory_space<vmem>>, vector<16xf32>,
      tpu.vector_store %swap3A_554[%swap3A_555], %gather3A_550 {strides = array<i32>} : memref<128xf32, #tpu.memory_space<vmem>>, vector<16xf32>,
      %add3A_557 = arith.constant 13 : i32
      %add3A_558 = vector.broadcast %add3A_557 : i32 to vector<16xi32>
      %add3A_559 = arith.addi %mul3A_229, %add3A_558 : vector<16xi32>
      %gather3A_560 = tpu.vector_load_idx %arg11[%add3A_559] : memref<6400xf32, #tpu.memory_space<vmem>>[vector<16xi32>], vector<16xf32>,
      %swap3A_561 = arith.constant 45 : i32
      %swap3A_562 = arith.constant 0 : i32
      %swap3A_563 = tpu.memref_slice %arg13[%swap3A_561, %swap3A_562] : memref<64x128xf32, #tpu.memory_space<vmem>> -> memref<1x128xf32, #tpu.memory_space<vmem>>
      %swap3A_564 = tpu.memref_squeeze %swap3A_563 : memref<1x128xf32, #tpu.memory_space<vmem>> -> memref<128xf32, #tpu.memory_space<vmem>>
      %swap3A_565 = arith.index_cast %mul3A_221 : i32 to index
      %swap3A_566 = tpu.vector_load %swap3A_564[%swap3A_565] {strides = array<i32>} : memref<128xf32, #tpu.memory_space<vmem>>, vector<16xf32>,
      tpu.vector_store %swap3A_564[%swap3A_565], %gather3A_560 {strides = array<i32>} : memref<128xf32, #tpu.memory_space<vmem>>, vector<16xf32>,
      %broadcast_in_dim3A_567 = arith.constant 14 : i32
      %broadcast_in_dim3A_568 = vector.broadcast %broadcast_in_dim3A_567 : i32 to vector<16xi32>
      %gather3A_569 = arith.constant 2 : i32
      %gather3A_570 = arith.constant 0 : i32
      %gather3A_571 = arith.constant 0 : i32
      %gather3A_572 = tpu.memref_slice %arg12[%gather3A_569, %gather3A_570, %gather3A_571] : memref<4x128x128xf32, #tpu.memory_space<vmem>> -> memref<1x128x128xf32, #tpu.memory_space<vmem>>
      %gather3A_573 = tpu.memref_squeeze %gather3A_572 : memref<1x128x128xf32, #tpu.memory_space<vmem>> -> memref<128x128xf32, #tpu.memory_space<vmem>>
      %gather3A_574 = tpu.vector_load_idx %gather3A_573[%add3A_233, %broadcast_in_dim3A_568] : memref<128x128xf32, #tpu.memory_space<vmem>>[vector<16xi32>, vector<16xi32>], vector<16xf32>,
      %swap3A_575 = arith.constant 14 : i32
      %swap3A_576 = arith.constant 0 : i32
      %swap3A_577 = tpu.memref_slice %arg13[%swap3A_575, %swap3A_576] : memref<64x128xf32, #tpu.memory_space<vmem>> -> memref<1x128xf32, #tpu.memory_space<vmem>>
      %swap3A_578 = tpu.memref_squeeze %swap3A_577 : memref<1x128xf32, #tpu.memory_space<vmem>> -> memref<128xf32, #tpu.memory_space<vmem>>
      %swap3A_579 = arith.index_cast %mul3A_221 : i32 to index
      %swap3A_580 = tpu.vector_load %swap3A_578[%swap3A_579] {strides = array<i32>} : memref<128xf32, #tpu.memory_space<vmem>>, vector<16xf32>,
      tpu.vector_store %swap3A_578[%swap3A_579], %gather3A_574 {strides = array<i32>} : memref<128xf32, #tpu.memory_space<vmem>>, vector<16xf32>,
      %add3A_581 = arith.constant 14 : i32
      %add3A_582 = vector.broadcast %add3A_581 : i32 to vector<16xi32>
      %add3A_583 = arith.addi %mul3A_229, %add3A_582 : vector<16xi32>
      %gather3A_584 = tpu.vector_load_idx %arg11[%add3A_583] : memref<6400xf32, #tpu.memory_space<vmem>>[vector<16xi32>], vector<16xf32>,
      %swap3A_585 = arith.constant 46 : i32
      %swap3A_586 = arith.constant 0 : i32
      %swap3A_587 = tpu.memref_slice %arg13[%swap3A_585, %swap3A_586] : memref<64x128xf32, #tpu.memory_space<vmem>> -> memref<1x128xf32, #tpu.memory_space<vmem>>
      %swap3A_588 = tpu.memref_squeeze %swap3A_587 : memref<1x128xf32, #tpu.memory_space<vmem>> -> memref<128xf32, #tpu.memory_space<vmem>>
      %swap3A_589 = arith.index_cast %mul3A_221 : i32 to index
      %swap3A_590 = tpu.vector_load %swap3A_588[%swap3A_589] {strides = array<i32>} : memref<128xf32, #tpu.memory_space<vmem>>, vector<16xf32>,
      tpu.vector_store %swap3A_588[%swap3A_589], %gather3A_584 {strides = array<i32>} : memref<128xf32, #tpu.memory_space<vmem>>, vector<16xf32>,
      %broadcast_in_dim3A_591 = arith.constant 15 : i32
      %broadcast_in_dim3A_592 = vector.broadcast %broadcast_in_dim3A_591 : i32 to vector<16xi32>
      %gather3A_593 = arith.constant 2 : i32
      %gather3A_594 = arith.constant 0 : i32
      %gather3A_595 = arith.constant 0 : i32
      %gather3A_596 = tpu.memref_slice %arg12[%gather3A_593, %gather3A_594, %gather3A_595] : memref<4x128x128xf32, #tpu.memory_space<vmem>> -> memref<1x128x128xf32, #tpu.memory_space<vmem>>
      %gather3A_597 = tpu.memref_squeeze %gather3A_596 : memref<1x128x128xf32, #tpu.memory_space<vmem>> -> memref<128x128xf32, #tpu.memory_space<vmem>>
      %gather3A_598 = tpu.vector_load_idx %gather3A_597[%add3A_233, %broadcast_in_dim3A_592] : memref<128x128xf32, #tpu.memory_space<vmem>>[vector<16xi32>, vector<16xi32>], vector<16xf32>,
      %swap3A_599 = arith.constant 15 : i32
      %swap3A_600 = arith.constant 0 : i32
      %swap3A_601 = tpu.memref_slice %arg13[%swap3A_599, %swap3A_600] : memref<64x128xf32, #tpu.memory_space<vmem>> -> memref<1x128xf32, #tpu.memory_space<vmem>>
      %swap3A_602 = tpu.memref_squeeze %swap3A_601 : memref<1x128xf32, #tpu.memory_space<vmem>> -> memref<128xf32, #tpu.memory_space<vmem>>
      %swap3A_603 = arith.index_cast %mul3A_221 : i32 to index
      %swap3A_604 = tpu.vector_load %swap3A_602[%swap3A_603] {strides = array<i32>} : memref<128xf32, #tpu.memory_space<vmem>>, vector<16xf32>,
      tpu.vector_store %swap3A_602[%swap3A_603], %gather3A_598 {strides = array<i32>} : memref<128xf32, #tpu.memory_space<vmem>>, vector<16xf32>,
      %add3A_605 = arith.constant 15 : i32
      %add3A_606 = vector.broadcast %add3A_605 : i32 to vector<16xi32>
      %add3A_607 = arith.addi %mul3A_229, %add3A_606 : vector<16xi32>
      %gather3A_608 = tpu.vector_load_idx %arg11[%add3A_607] : memref<6400xf32, #tpu.memory_space<vmem>>[vector<16xi32>], vector<16xf32>,
      %swap3A_609 = arith.constant 47 : i32
      %swap3A_610 = arith.constant 0 : i32
      %swap3A_611 = tpu.memref_slice %arg13[%swap3A_609, %swap3A_610] : memref<64x128xf32, #tpu.memory_space<vmem>> -> memref<1x128xf32, #tpu.memory_space<vmem>>
      %swap3A_612 = tpu.memref_squeeze %swap3A_611 : memref<1x128xf32, #tpu.memory_space<vmem>> -> memref<128xf32, #tpu.memory_space<vmem>>
      %swap3A_613 = arith.index_cast %mul3A_221 : i32 to index
      %swap3A_614 = tpu.vector_load %swap3A_612[%swap3A_613] {strides = array<i32>} : memref<128xf32, #tpu.memory_space<vmem>>, vector<16xf32>,
      tpu.vector_store %swap3A_612[%swap3A_613], %gather3A_608 {strides = array<i32>} : memref<128xf32, #tpu.memory_space<vmem>>, vector<16xf32>,
      %broadcast_in_dim3A_615 = arith.constant 16 : i32
      %broadcast_in_dim3A_616 = vector.broadcast %broadcast_in_dim3A_615 : i32 to vector<16xi32>
      %gather3A_617 = arith.constant 2 : i32
      %gather3A_618 = arith.constant 0 : i32
      %gather3A_619 = arith.constant 0 : i32
      %gather3A_620 = tpu.memref_slice %arg12[%gather3A_617, %gather3A_618, %gather3A_619] : memref<4x128x128xf32, #tpu.memory_space<vmem>> -> memref<1x128x128xf32, #tpu.memory_space<vmem>>
      %gather3A_621 = tpu.memref_squeeze %gather3A_620 : memref<1x128x128xf32, #tpu.memory_space<vmem>> -> memref<128x128xf32, #tpu.memory_space<vmem>>
      %gather3A_622 = tpu.vector_load_idx %gather3A_621[%add3A_233, %broadcast_in_dim3A_616] : memref<128x128xf32, #tpu.memory_space<vmem>>[vector<16xi32>, vector<16xi32>], vector<16xf32>,
      %swap3A_623 = arith.constant 16 : i32
      %swap3A_624 = arith.constant 0 : i32
      %swap3A_625 = tpu.memref_slice %arg13[%swap3A_623, %swap3A_624] : memref<64x128xf32, #tpu.memory_space<vmem>> -> memref<1x128xf32, #tpu.memory_space<vmem>>
      %swap3A_626 = tpu.memref_squeeze %swap3A_625 : memref<1x128xf32, #tpu.memory_space<vmem>> -> memref<128xf32, #tpu.memory_space<vmem>>
      %swap3A_627 = arith.index_cast %mul3A_221 : i32 to index
      %swap3A_628 = tpu.vector_load %swap3A_626[%swap3A_627] {strides = array<i32>} : memref<128xf32, #tpu.memory_space<vmem>>, vector<16xf32>,
      tpu.vector_store %swap3A_626[%swap3A_627], %gather3A_622 {strides = array<i32>} : memref<128xf32, #tpu.memory_space<vmem>>, vector<16xf32>,
      %add3A_629 = arith.constant 16 : i32
      %add3A_630 = vector.broadcast %add3A_629 : i32 to vector<16xi32>
      %add3A_631 = arith.addi %mul3A_229, %add3A_630 : vector<16xi32>
      %gather3A_632 = tpu.vector_load_idx %arg11[%add3A_631] : memref<6400xf32, #tpu.memory_space<vmem>>[vector<16xi32>], vector<16xf32>,
      %swap3A_633 = arith.constant 48 : i32
      %swap3A_634 = arith.constant 0 : i32
      %swap3A_635 = tpu.memref_slice %arg13[%swap3A_633, %swap3A_634] : memref<64x128xf32, #tpu.memory_space<vmem>> -> memref<1x128xf32, #tpu.memory_space<vmem>>
      %swap3A_636 = tpu.memref_squeeze %swap3A_635 : memref<1x128xf32, #tpu.memory_space<vmem>> -> memref<128xf32, #tpu.memory_space<vmem>>
      %swap3A_637 = arith.index_cast %mul3A_221 : i32 to index
      %swap3A_638 = tpu.vector_load %swap3A_636[%swap3A_637] {strides = array<i32>} : memref<128xf32, #tpu.memory_space<vmem>>, vector<16xf32>,
      tpu.vector_store %swap3A_636[%swap3A_637], %gather3A_632 {strides = array<i32>} : memref<128xf32, #tpu.memory_space<vmem>>, vector<16xf32>,
      %broadcast_in_dim3A_639 = arith.constant 17 : i32
      %broadcast_in_dim3A_640 = vector.broadcast %broadcast_in_dim3A_639 : i32 to vector<16xi32>
      %gather3A_641 = arith.constant 2 : i32
      %gather3A_642 = arith.constant 0 : i32
      %gather3A_643 = arith.constant 0 : i32
      %gather3A_644 = tpu.memref_slice %arg12[%gather3A_641, %gather3A_642, %gather3A_643] : memref<4x128x128xf32, #tpu.memory_space<vmem>> -> memref<1x128x128xf32, #tpu.memory_space<vmem>>
      %gather3A_645 = tpu.memref_squeeze %gather3A_644 : memref<1x128x128xf32, #tpu.memory_space<vmem>> -> memref<128x128xf32, #tpu.memory_space<vmem>>
      %gather3A_646 = tpu.vector_load_idx %gather3A_645[%add3A_233, %broadcast_in_dim3A_640] : memref<128x128xf32, #tpu.memory_space<vmem>>[vector<16xi32>, vector<16xi32>], vector<16xf32>,
      %swap3A_647 = arith.constant 17 : i32
      %swap3A_648 = arith.constant 0 : i32
      %swap3A_649 = tpu.memref_slice %arg13[%swap3A_647, %swap3A_648] : memref<64x128xf32, #tpu.memory_space<vmem>> -> memref<1x128xf32, #tpu.memory_space<vmem>>
      %swap3A_650 = tpu.memref_squeeze %swap3A_649 : memref<1x128xf32, #tpu.memory_space<vmem>> -> memref<128xf32, #tpu.memory_space<vmem>>
      %swap3A_651 = arith.index_cast %mul3A_221 : i32 to index
      %swap3A_652 = tpu.vector_load %swap3A_650[%swap3A_651] {strides = array<i32>} : memref<128xf32, #tpu.memory_space<vmem>>, vector<16xf32>,
      tpu.vector_store %swap3A_650[%swap3A_651], %gather3A_646 {strides = array<i32>} : memref<128xf32, #tpu.memory_space<vmem>>, vector<16xf32>,
      %add3A_653 = arith.constant 17 : i32
      %add3A_654 = vector.broadcast %add3A_653 : i32 to vector<16xi32>
      %add3A_655 = arith.addi %mul3A_229, %add3A_654 : vector<16xi32>
      %gather3A_656 = tpu.vector_load_idx %arg11[%add3A_655] : memref<6400xf32, #tpu.memory_space<vmem>>[vector<16xi32>], vector<16xf32>,
      %swap3A_657 = arith.constant 49 : i32
      %swap3A_658 = arith.constant 0 : i32
      %swap3A_659 = tpu.memref_slice %arg13[%swap3A_657, %swap3A_658] : memref<64x128xf32, #tpu.memory_space<vmem>> -> memref<1x128xf32, #tpu.memory_space<vmem>>
      %swap3A_660 = tpu.memref_squeeze %swap3A_659 : memref<1x128xf32, #tpu.memory_space<vmem>> -> memref<128xf32, #tpu.memory_space<vmem>>
      %swap3A_661 = arith.index_cast %mul3A_221 : i32 to index
      %swap3A_662 = tpu.vector_load %swap3A_660[%swap3A_661] {strides = array<i32>} : memref<128xf32, #tpu.memory_space<vmem>>, vector<16xf32>,
      tpu.vector_store %swap3A_660[%swap3A_661], %gather3A_656 {strides = array<i32>} : memref<128xf32, #tpu.memory_space<vmem>>, vector<16xf32>,
      %broadcast_in_dim3A_663 = arith.constant 18 : i32
      %broadcast_in_dim3A_664 = vector.broadcast %broadcast_in_dim3A_663 : i32 to vector<16xi32>
      %gather3A_665 = arith.constant 2 : i32
      %gather3A_666 = arith.constant 0 : i32
      %gather3A_667 = arith.constant 0 : i32
      %gather3A_668 = tpu.memref_slice %arg12[%gather3A_665, %gather3A_666, %gather3A_667] : memref<4x128x128xf32, #tpu.memory_space<vmem>> -> memref<1x128x128xf32, #tpu.memory_space<vmem>>
      %gather3A_669 = tpu.memref_squeeze %gather3A_668 : memref<1x128x128xf32, #tpu.memory_space<vmem>> -> memref<128x128xf32, #tpu.memory_space<vmem>>
      %gather3A_670 = tpu.vector_load_idx %gather3A_669[%add3A_233, %broadcast_in_dim3A_664] : memref<128x128xf32, #tpu.memory_space<vmem>>[vector<16xi32>, vector<16xi32>], vector<16xf32>,
      %swap3A_671 = arith.constant 18 : i32
      %swap3A_672 = arith.constant 0 : i32
      %swap3A_673 = tpu.memref_slice %arg13[%swap3A_671, %swap3A_672] : memref<64x128xf32, #tpu.memory_space<vmem>> -> memref<1x128xf32, #tpu.memory_space<vmem>>
      %swap3A_674 = tpu.memref_squeeze %swap3A_673 : memref<1x128xf32, #tpu.memory_space<vmem>> -> memref<128xf32, #tpu.memory_space<vmem>>
      %swap3A_675 = arith.index_cast %mul3A_221 : i32 to index
      %swap3A_676 = tpu.vector_load %swap3A_674[%swap3A_675] {strides = array<i32>} : memref<128xf32, #tpu.memory_space<vmem>>, vector<16xf32>,
      tpu.vector_store %swap3A_674[%swap3A_675], %gather3A_670 {strides = array<i32>} : memref<128xf32, #tpu.memory_space<vmem>>, vector<16xf32>,
      %add3A_677 = arith.constant 18 : i32
      %add3A_678 = vector.broadcast %add3A_677 : i32 to vector<16xi32>
      %add3A_679 = arith.addi %mul3A_229, %add3A_678 : vector<16xi32>
      %gather3A_680 = tpu.vector_load_idx %arg11[%add3A_679] : memref<6400xf32, #tpu.memory_space<vmem>>[vector<16xi32>], vector<16xf32>,
      %swap3A_681 = arith.constant 50 : i32
      %swap3A_682 = arith.constant 0 : i32
      %swap3A_683 = tpu.memref_slice %arg13[%swap3A_681, %swap3A_682] : memref<64x128xf32, #tpu.memory_space<vmem>> -> memref<1x128xf32, #tpu.memory_space<vmem>>
      %swap3A_684 = tpu.memref_squeeze %swap3A_683 : memref<1x128xf32, #tpu.memory_space<vmem>> -> memref<128xf32, #tpu.memory_space<vmem>>
      %swap3A_685 = arith.index_cast %mul3A_221 : i32 to index
      %swap3A_686 = tpu.vector_load %swap3A_684[%swap3A_685] {strides = array<i32>} : memref<128xf32, #tpu.memory_space<vmem>>, vector<16xf32>,
      tpu.vector_store %swap3A_684[%swap3A_685], %gather3A_680 {strides = array<i32>} : memref<128xf32, #tpu.memory_space<vmem>>, vector<16xf32>,
      %broadcast_in_dim3A_687 = arith.constant 19 : i32
      %broadcast_in_dim3A_688 = vector.broadcast %broadcast_in_dim3A_687 : i32 to vector<16xi32>
      %gather3A_689 = arith.constant 2 : i32
      %gather3A_690 = arith.constant 0 : i32
      %gather3A_691 = arith.constant 0 : i32
      %gather3A_692 = tpu.memref_slice %arg12[%gather3A_689, %gather3A_690, %gather3A_691] : memref<4x128x128xf32, #tpu.memory_space<vmem>> -> memref<1x128x128xf32, #tpu.memory_space<vmem>>
      %gather3A_693 = tpu.memref_squeeze %gather3A_692 : memref<1x128x128xf32, #tpu.memory_space<vmem>> -> memref<128x128xf32, #tpu.memory_space<vmem>>
      %gather3A_694 = tpu.vector_load_idx %gather3A_693[%add3A_233, %broadcast_in_dim3A_688] : memref<128x128xf32, #tpu.memory_space<vmem>>[vector<16xi32>, vector<16xi32>], vector<16xf32>,
      %swap3A_695 = arith.constant 19 : i32
      %swap3A_696 = arith.constant 0 : i32
      %swap3A_697 = tpu.memref_slice %arg13[%swap3A_695, %swap3A_696] : memref<64x128xf32, #tpu.memory_space<vmem>> -> memref<1x128xf32, #tpu.memory_space<vmem>>
      %swap3A_698 = tpu.memref_squeeze %swap3A_697 : memref<1x128xf32, #tpu.memory_space<vmem>> -> memref<128xf32, #tpu.memory_space<vmem>>
      %swap3A_699 = arith.index_cast %mul3A_221 : i32 to index
      %swap3A_700 = tpu.vector_load %swap3A_698[%swap3A_699] {strides = array<i32>} : memref<128xf32, #tpu.memory_space<vmem>>, vector<16xf32>,
      tpu.vector_store %swap3A_698[%swap3A_699], %gather3A_694 {strides = array<i32>} : memref<128xf32, #tpu.memory_space<vmem>>, vector<16xf32>,
      %add3A_701 = arith.constant 19 : i32
      %add3A_702 = vector.broadcast %add3A_701 : i32 to vector<16xi32>
      %add3A_703 = arith.addi %mul3A_229, %add3A_702 : vector<16xi32>
      %gather3A_704 = tpu.vector_load_idx %arg11[%add3A_703] : memref<6400xf32, #tpu.memory_space<vmem>>[vector<16xi32>], vector<16xf32>,
      %swap3A_705 = arith.constant 51 : i32
      %swap3A_706 = arith.constant 0 : i32
      %swap3A_707 = tpu.memref_slice %arg13[%swap3A_705, %swap3A_706] : memref<64x128xf32, #tpu.memory_space<vmem>> -> memref<1x128xf32, #tpu.memory_space<vmem>>
      %swap3A_708 = tpu.memref_squeeze %swap3A_707 : memref<1x128xf32, #tpu.memory_space<vmem>> -> memref<128xf32, #tpu.memory_space<vmem>>
      %swap3A_709 = arith.index_cast %mul3A_221 : i32 to index
      %swap3A_710 = tpu.vector_load %swap3A_708[%swap3A_709] {strides = array<i32>} : memref<128xf32, #tpu.memory_space<vmem>>, vector<16xf32>,
      tpu.vector_store %swap3A_708[%swap3A_709], %gather3A_704 {strides = array<i32>} : memref<128xf32, #tpu.memory_space<vmem>>, vector<16xf32>,
      %broadcast_in_dim3A_711 = arith.constant 20 : i32
      %broadcast_in_dim3A_712 = vector.broadcast %broadcast_in_dim3A_711 : i32 to vector<16xi32>
      %gather3A_713 = arith.constant 2 : i32
      %gather3A_714 = arith.constant 0 : i32
      %gather3A_715 = arith.constant 0 : i32
      %gather3A_716 = tpu.memref_slice %arg12[%gather3A_713, %gather3A_714, %gather3A_715] : memref<4x128x128xf32, #tpu.memory_space<vmem>> -> memref<1x128x128xf32, #tpu.memory_space<vmem>>
      %gather3A_717 = tpu.memref_squeeze %gather3A_716 : memref<1x128x128xf32, #tpu.memory_space<vmem>> -> memref<128x128xf32, #tpu.memory_space<vmem>>
      %gather3A_718 = tpu.vector_load_idx %gather3A_717[%add3A_233, %broadcast_in_dim3A_712] : memref<128x128xf32, #tpu.memory_space<vmem>>[vector<16xi32>, vector<16xi32>], vector<16xf32>,
      %swap3A_719 = arith.constant 20 : i32
      %swap3A_720 = arith.constant 0 : i32
      %swap3A_721 = tpu.memref_slice %arg13[%swap3A_719, %swap3A_720] : memref<64x128xf32, #tpu.memory_space<vmem>> -> memref<1x128xf32, #tpu.memory_space<vmem>>
      %swap3A_722 = tpu.memref_squeeze %swap3A_721 : memref<1x128xf32, #tpu.memory_space<vmem>> -> memref<128xf32, #tpu.memory_space<vmem>>
      %swap3A_723 = arith.index_cast %mul3A_221 : i32 to index
      %swap3A_724 = tpu.vector_load %swap3A_722[%swap3A_723] {strides = array<i32>} : memref<128xf32, #tpu.memory_space<vmem>>, vector<16xf32>,
      tpu.vector_store %swap3A_722[%swap3A_723], %gather3A_718 {strides = array<i32>} : memref<128xf32, #tpu.memory_space<vmem>>, vector<16xf32>,
      %add3A_725 = arith.constant 20 : i32
      %add3A_726 = vector.broadcast %add3A_725 : i32 to vector<16xi32>
      %add3A_727 = arith.addi %mul3A_229, %add3A_726 : vector<16xi32>
      %gather3A_728 = tpu.vector_load_idx %arg11[%add3A_727] : memref<6400xf32, #tpu.memory_space<vmem>>[vector<16xi32>], vector<16xf32>,
      %swap3A_729 = arith.constant 52 : i32
      %swap3A_730 = arith.constant 0 : i32
      %swap3A_731 = tpu.memref_slice %arg13[%swap3A_729, %swap3A_730] : memref<64x128xf32, #tpu.memory_space<vmem>> -> memref<1x128xf32, #tpu.memory_space<vmem>>
      %swap3A_732 = tpu.memref_squeeze %swap3A_731 : memref<1x128xf32, #tpu.memory_space<vmem>> -> memref<128xf32, #tpu.memory_space<vmem>>
      %swap3A_733 = arith.index_cast %mul3A_221 : i32 to index
      %swap3A_734 = tpu.vector_load %swap3A_732[%swap3A_733] {strides = array<i32>} : memref<128xf32, #tpu.memory_space<vmem>>, vector<16xf32>,
      tpu.vector_store %swap3A_732[%swap3A_733], %gather3A_728 {strides = array<i32>} : memref<128xf32, #tpu.memory_space<vmem>>, vector<16xf32>,
      %broadcast_in_dim3A_735 = arith.constant 21 : i32
      %broadcast_in_dim3A_736 = vector.broadcast %broadcast_in_dim3A_735 : i32 to vector<16xi32>
      %gather3A_737 = arith.constant 2 : i32
      %gather3A_738 = arith.constant 0 : i32
      %gather3A_739 = arith.constant 0 : i32
      %gather3A_740 = tpu.memref_slice %arg12[%gather3A_737, %gather3A_738, %gather3A_739] : memref<4x128x128xf32, #tpu.memory_space<vmem>> -> memref<1x128x128xf32, #tpu.memory_space<vmem>>
      %gather3A_741 = tpu.memref_squeeze %gather3A_740 : memref<1x128x128xf32, #tpu.memory_space<vmem>> -> memref<128x128xf32, #tpu.memory_space<vmem>>
      %gather3A_742 = tpu.vector_load_idx %gather3A_741[%add3A_233, %broadcast_in_dim3A_736] : memref<128x128xf32, #tpu.memory_space<vmem>>[vector<16xi32>, vector<16xi32>], vector<16xf32>,
      %swap3A_743 = arith.constant 21 : i32
      %swap3A_744 = arith.constant 0 : i32
      %swap3A_745 = tpu.memref_slice %arg13[%swap3A_743, %swap3A_744] : memref<64x128xf32, #tpu.memory_space<vmem>> -> memref<1x128xf32, #tpu.memory_space<vmem>>
      %swap3A_746 = tpu.memref_squeeze %swap3A_745 : memref<1x128xf32, #tpu.memory_space<vmem>> -> memref<128xf32, #tpu.memory_space<vmem>>
      %swap3A_747 = arith.index_cast %mul3A_221 : i32 to index
      %swap3A_748 = tpu.vector_load %swap3A_746[%swap3A_747] {strides = array<i32>} : memref<128xf32, #tpu.memory_space<vmem>>, vector<16xf32>,
      tpu.vector_store %swap3A_746[%swap3A_747], %gather3A_742 {strides = array<i32>} : memref<128xf32, #tpu.memory_space<vmem>>, vector<16xf32>,
      %add3A_749 = arith.constant 21 : i32
      %add3A_750 = vector.broadcast %add3A_749 : i32 to vector<16xi32>
      %add3A_751 = arith.addi %mul3A_229, %add3A_750 : vector<16xi32>
      %gather3A_752 = tpu.vector_load_idx %arg11[%add3A_751] : memref<6400xf32, #tpu.memory_space<vmem>>[vector<16xi32>], vector<16xf32>,
      %swap3A_753 = arith.constant 53 : i32
      %swap3A_754 = arith.constant 0 : i32
      %swap3A_755 = tpu.memref_slice %arg13[%swap3A_753, %swap3A_754] : memref<64x128xf32, #tpu.memory_space<vmem>> -> memref<1x128xf32, #tpu.memory_space<vmem>>
      %swap3A_756 = tpu.memref_squeeze %swap3A_755 : memref<1x128xf32, #tpu.memory_space<vmem>> -> memref<128xf32, #tpu.memory_space<vmem>>
      %swap3A_757 = arith.index_cast %mul3A_221 : i32 to index
      %swap3A_758 = tpu.vector_load %swap3A_756[%swap3A_757] {strides = array<i32>} : memref<128xf32, #tpu.memory_space<vmem>>, vector<16xf32>,
      tpu.vector_store %swap3A_756[%swap3A_757], %gather3A_752 {strides = array<i32>} : memref<128xf32, #tpu.memory_space<vmem>>, vector<16xf32>,
      %broadcast_in_dim3A_759 = arith.constant 22 : i32
      %broadcast_in_dim3A_760 = vector.broadcast %broadcast_in_dim3A_759 : i32 to vector<16xi32>
      %gather3A_761 = arith.constant 2 : i32
      %gather3A_762 = arith.constant 0 : i32
      %gather3A_763 = arith.constant 0 : i32
      %gather3A_764 = tpu.memref_slice %arg12[%gather3A_761, %gather3A_762, %gather3A_763] : memref<4x128x128xf32, #tpu.memory_space<vmem>> -> memref<1x128x128xf32, #tpu.memory_space<vmem>>
      %gather3A_765 = tpu.memref_squeeze %gather3A_764 : memref<1x128x128xf32, #tpu.memory_space<vmem>> -> memref<128x128xf32, #tpu.memory_space<vmem>>
      %gather3A_766 = tpu.vector_load_idx %gather3A_765[%add3A_233, %broadcast_in_dim3A_760] : memref<128x128xf32, #tpu.memory_space<vmem>>[vector<16xi32>, vector<16xi32>], vector<16xf32>,
      %swap3A_767 = arith.constant 22 : i32
      %swap3A_768 = arith.constant 0 : i32
      %swap3A_769 = tpu.memref_slice %arg13[%swap3A_767, %swap3A_768] : memref<64x128xf32, #tpu.memory_space<vmem>> -> memref<1x128xf32, #tpu.memory_space<vmem>>
      %swap3A_770 = tpu.memref_squeeze %swap3A_769 : memref<1x128xf32, #tpu.memory_space<vmem>> -> memref<128xf32, #tpu.memory_space<vmem>>
      %swap3A_771 = arith.index_cast %mul3A_221 : i32 to index
      %swap3A_772 = tpu.vector_load %swap3A_770[%swap3A_771] {strides = array<i32>} : memref<128xf32, #tpu.memory_space<vmem>>, vector<16xf32>,
      tpu.vector_store %swap3A_770[%swap3A_771], %gather3A_766 {strides = array<i32>} : memref<128xf32, #tpu.memory_space<vmem>>, vector<16xf32>,
      %add3A_773 = arith.constant 22 : i32
      %add3A_774 = vector.broadcast %add3A_773 : i32 to vector<16xi32>
      %add3A_775 = arith.addi %mul3A_229, %add3A_774 : vector<16xi32>
      %gather3A_776 = tpu.vector_load_idx %arg11[%add3A_775] : memref<6400xf32, #tpu.memory_space<vmem>>[vector<16xi32>], vector<16xf32>,
      %swap3A_777 = arith.constant 54 : i32
      %swap3A_778 = arith.constant 0 : i32
      %swap3A_779 = tpu.memref_slice %arg13[%swap3A_777, %swap3A_778] : memref<64x128xf32, #tpu.memory_space<vmem>> -> memref<1x128xf32, #tpu.memory_space<vmem>>
      %swap3A_780 = tpu.memref_squeeze %swap3A_779 : memref<1x128xf32, #tpu.memory_space<vmem>> -> memref<128xf32, #tpu.memory_space<vmem>>
      %swap3A_781 = arith.index_cast %mul3A_221 : i32 to index
      %swap3A_782 = tpu.vector_load %swap3A_780[%swap3A_781] {strides = array<i32>} : memref<128xf32, #tpu.memory_space<vmem>>, vector<16xf32>,
      tpu.vector_store %swap3A_780[%swap3A_781], %gather3A_776 {strides = array<i32>} : memref<128xf32, #tpu.memory_space<vmem>>, vector<16xf32>,
      %broadcast_in_dim3A_783 = arith.constant 23 : i32
      %broadcast_in_dim3A_784 = vector.broadcast %broadcast_in_dim3A_783 : i32 to vector<16xi32>
      %gather3A_785 = arith.constant 2 : i32
      %gather3A_786 = arith.constant 0 : i32
      %gather3A_787 = arith.constant 0 : i32
      %gather3A_788 = tpu.memref_slice %arg12[%gather3A_785, %gather3A_786, %gather3A_787] : memref<4x128x128xf32, #tpu.memory_space<vmem>> -> memref<1x128x128xf32, #tpu.memory_space<vmem>>
      %gather3A_789 = tpu.memref_squeeze %gather3A_788 : memref<1x128x128xf32, #tpu.memory_space<vmem>> -> memref<128x128xf32, #tpu.memory_space<vmem>>
      %gather3A_790 = tpu.vector_load_idx %gather3A_789[%add3A_233, %broadcast_in_dim3A_784] : memref<128x128xf32, #tpu.memory_space<vmem>>[vector<16xi32>, vector<16xi32>], vector<16xf32>,
      %swap3A_791 = arith.constant 23 : i32
      %swap3A_792 = arith.constant 0 : i32
      %swap3A_793 = tpu.memref_slice %arg13[%swap3A_791, %swap3A_792] : memref<64x128xf32, #tpu.memory_space<vmem>> -> memref<1x128xf32, #tpu.memory_space<vmem>>
      %swap3A_794 = tpu.memref_squeeze %swap3A_793 : memref<1x128xf32, #tpu.memory_space<vmem>> -> memref<128xf32, #tpu.memory_space<vmem>>
      %swap3A_795 = arith.index_cast %mul3A_221 : i32 to index
      %swap3A_796 = tpu.vector_load %swap3A_794[%swap3A_795] {strides = array<i32>} : memref<128xf32, #tpu.memory_space<vmem>>, vector<16xf32>,
      tpu.vector_store %swap3A_794[%swap3A_795], %gather3A_790 {strides = array<i32>} : memref<128xf32, #tpu.memory_space<vmem>>, vector<16xf32>,
      %add3A_797 = arith.constant 23 : i32
      %add3A_798 = vector.broadcast %add3A_797 : i32 to vector<16xi32>
      %add3A_799 = arith.addi %mul3A_229, %add3A_798 : vector<16xi32>
      %gather3A_800 = tpu.vector_load_idx %arg11[%add3A_799] : memref<6400xf32, #tpu.memory_space<vmem>>[vector<16xi32>], vector<16xf32>,
      %swap3A_801 = arith.constant 55 : i32
      %swap3A_802 = arith.constant 0 : i32
      %swap3A_803 = tpu.memref_slice %arg13[%swap3A_801, %swap3A_802] : memref<64x128xf32, #tpu.memory_space<vmem>> -> memref<1x128xf32, #tpu.memory_space<vmem>>
      %swap3A_804 = tpu.memref_squeeze %swap3A_803 : memref<1x128xf32, #tpu.memory_space<vmem>> -> memref<128xf32, #tpu.memory_space<vmem>>
      %swap3A_805 = arith.index_cast %mul3A_221 : i32 to index
      %swap3A_806 = tpu.vector_load %swap3A_804[%swap3A_805] {strides = array<i32>} : memref<128xf32, #tpu.memory_space<vmem>>, vector<16xf32>,
      tpu.vector_store %swap3A_804[%swap3A_805], %gather3A_800 {strides = array<i32>} : memref<128xf32, #tpu.memory_space<vmem>>, vector<16xf32>,
      %broadcast_in_dim3A_807 = arith.constant 24 : i32
      %broadcast_in_dim3A_808 = vector.broadcast %broadcast_in_dim3A_807 : i32 to vector<16xi32>
      %gather3A_809 = arith.constant 2 : i32
      %gather3A_810 = arith.constant 0 : i32
      %gather3A_811 = arith.constant 0 : i32
      %gather3A_812 = tpu.memref_slice %arg12[%gather3A_809, %gather3A_810, %gather3A_811] : memref<4x128x128xf32, #tpu.memory_space<vmem>> -> memref<1x128x128xf32, #tpu.memory_space<vmem>>
      %gather3A_813 = tpu.memref_squeeze %gather3A_812 : memref<1x128x128xf32, #tpu.memory_space<vmem>> -> memref<128x128xf32, #tpu.memory_space<vmem>>
      %gather3A_814 = tpu.vector_load_idx %gather3A_813[%add3A_233, %broadcast_in_dim3A_808] : memref<128x128xf32, #tpu.memory_space<vmem>>[vector<16xi32>, vector<16xi32>], vector<16xf32>,
      %swap3A_815 = arith.constant 24 : i32
      %swap3A_816 = arith.constant 0 : i32
      %swap3A_817 = tpu.memref_slice %arg13[%swap3A_815, %swap3A_816] : memref<64x128xf32, #tpu.memory_space<vmem>> -> memref<1x128xf32, #tpu.memory_space<vmem>>
      %swap3A_818 = tpu.memref_squeeze %swap3A_817 : memref<1x128xf32, #tpu.memory_space<vmem>> -> memref<128xf32, #tpu.memory_space<vmem>>
      %swap3A_819 = arith.index_cast %mul3A_221 : i32 to index
      %swap3A_820 = tpu.vector_load %swap3A_818[%swap3A_819] {strides = array<i32>} : memref<128xf32, #tpu.memory_space<vmem>>, vector<16xf32>,
      tpu.vector_store %swap3A_818[%swap3A_819], %gather3A_814 {strides = array<i32>} : memref<128xf32, #tpu.memory_space<vmem>>, vector<16xf32>,
      %add3A_821 = arith.constant 24 : i32
      %add3A_822 = vector.broadcast %add3A_821 : i32 to vector<16xi32>
      %add3A_823 = arith.addi %mul3A_229, %add3A_822 : vector<16xi32>
      %gather3A_824 = tpu.vector_load_idx %arg11[%add3A_823] : memref<6400xf32, #tpu.memory_space<vmem>>[vector<16xi32>], vector<16xf32>,
      %swap3A_825 = arith.constant 56 : i32
      %swap3A_826 = arith.constant 0 : i32
      %swap3A_827 = tpu.memref_slice %arg13[%swap3A_825, %swap3A_826] : memref<64x128xf32, #tpu.memory_space<vmem>> -> memref<1x128xf32, #tpu.memory_space<vmem>>
      %swap3A_828 = tpu.memref_squeeze %swap3A_827 : memref<1x128xf32, #tpu.memory_space<vmem>> -> memref<128xf32, #tpu.memory_space<vmem>>
      %swap3A_829 = arith.index_cast %mul3A_221 : i32 to index
      %swap3A_830 = tpu.vector_load %swap3A_828[%swap3A_829] {strides = array<i32>} : memref<128xf32, #tpu.memory_space<vmem>>, vector<16xf32>,
      tpu.vector_store %swap3A_828[%swap3A_829], %gather3A_824 {strides = array<i32>} : memref<128xf32, #tpu.memory_space<vmem>>, vector<16xf32>,
      %broadcast_in_dim3A_831 = arith.constant 25 : i32
      %broadcast_in_dim3A_832 = vector.broadcast %broadcast_in_dim3A_831 : i32 to vector<16xi32>
      %gather3A_833 = arith.constant 2 : i32
      %gather3A_834 = arith.constant 0 : i32
      %gather3A_835 = arith.constant 0 : i32
      %gather3A_836 = tpu.memref_slice %arg12[%gather3A_833, %gather3A_834, %gather3A_835] : memref<4x128x128xf32, #tpu.memory_space<vmem>> -> memref<1x128x128xf32, #tpu.memory_space<vmem>>
      %gather3A_837 = tpu.memref_squeeze %gather3A_836 : memref<1x128x128xf32, #tpu.memory_space<vmem>> -> memref<128x128xf32, #tpu.memory_space<vmem>>
      %gather3A_838 = tpu.vector_load_idx %gather3A_837[%add3A_233, %broadcast_in_dim3A_832] : memref<128x128xf32, #tpu.memory_space<vmem>>[vector<16xi32>, vector<16xi32>], vector<16xf32>,
      %swap3A_839 = arith.constant 25 : i32
      %swap3A_840 = arith.constant 0 : i32
      %swap3A_841 = tpu.memref_slice %arg13[%swap3A_839, %swap3A_840] : memref<64x128xf32, #tpu.memory_space<vmem>> -> memref<1x128xf32, #tpu.memory_space<vmem>>
      %swap3A_842 = tpu.memref_squeeze %swap3A_841 : memref<1x128xf32, #tpu.memory_space<vmem>> -> memref<128xf32, #tpu.memory_space<vmem>>
      %swap3A_843 = arith.index_cast %mul3A_221 : i32 to index
      %swap3A_844 = tpu.vector_load %swap3A_842[%swap3A_843] {strides = array<i32>} : memref<128xf32, #tpu.memory_space<vmem>>, vector<16xf32>,
      tpu.vector_store %swap3A_842[%swap3A_843], %gather3A_838 {strides = array<i32>} : memref<128xf32, #tpu.memory_space<vmem>>, vector<16xf32>,
      %add3A_845 = arith.constant 25 : i32
      %add3A_846 = vector.broadcast %add3A_845 : i32 to vector<16xi32>
      %add3A_847 = arith.addi %mul3A_229, %add3A_846 : vector<16xi32>
      %gather3A_848 = tpu.vector_load_idx %arg11[%add3A_847] : memref<6400xf32, #tpu.memory_space<vmem>>[vector<16xi32>], vector<16xf32>,
      %swap3A_849 = arith.constant 57 : i32
      %swap3A_850 = arith.constant 0 : i32
      %swap3A_851 = tpu.memref_slice %arg13[%swap3A_849, %swap3A_850] : memref<64x128xf32, #tpu.memory_space<vmem>> -> memref<1x128xf32, #tpu.memory_space<vmem>>
      %swap3A_852 = tpu.memref_squeeze %swap3A_851 : memref<1x128xf32, #tpu.memory_space<vmem>> -> memref<128xf32, #tpu.memory_space<vmem>>
      %swap3A_853 = arith.index_cast %mul3A_221 : i32 to index
      %swap3A_854 = tpu.vector_load %swap3A_852[%swap3A_853] {strides = array<i32>} : memref<128xf32, #tpu.memory_space<vmem>>, vector<16xf32>,
      tpu.vector_store %swap3A_852[%swap3A_853], %gather3A_848 {strides = array<i32>} : memref<128xf32, #tpu.memory_space<vmem>>, vector<16xf32>,
      %broadcast_in_dim3A_855 = arith.constant 26 : i32
      %broadcast_in_dim3A_856 = vector.broadcast %broadcast_in_dim3A_855 : i32 to vector<16xi32>
      %gather3A_857 = arith.constant 2 : i32
      %gather3A_858 = arith.constant 0 : i32
      %gather3A_859 = arith.constant 0 : i32
      %gather3A_860 = tpu.memref_slice %arg12[%gather3A_857, %gather3A_858, %gather3A_859] : memref<4x128x128xf32, #tpu.memory_space<vmem>> -> memref<1x128x128xf32, #tpu.memory_space<vmem>>
      %gather3A_861 = tpu.memref_squeeze %gather3A_860 : memref<1x128x128xf32, #tpu.memory_space<vmem>> -> memref<128x128xf32, #tpu.memory_space<vmem>>
      %gather3A_862 = tpu.vector_load_idx %gather3A_861[%add3A_233, %broadcast_in_dim3A_856] : memref<128x128xf32, #tpu.memory_space<vmem>>[vector<16xi32>, vector<16xi32>], vector<16xf32>,
      %swap3A_863 = arith.constant 26 : i32
      %swap3A_864 = arith.constant 0 : i32
      %swap3A_865 = tpu.memref_slice %arg13[%swap3A_863, %swap3A_864] : memref<64x128xf32, #tpu.memory_space<vmem>> -> memref<1x128xf32, #tpu.memory_space<vmem>>
      %swap3A_866 = tpu.memref_squeeze %swap3A_865 : memref<1x128xf32, #tpu.memory_space<vmem>> -> memref<128xf32, #tpu.memory_space<vmem>>
      %swap3A_867 = arith.index_cast %mul3A_221 : i32 to index
      %swap3A_868 = tpu.vector_load %swap3A_866[%swap3A_867] {strides = array<i32>} : memref<128xf32, #tpu.memory_space<vmem>>, vector<16xf32>,
      tpu.vector_store %swap3A_866[%swap3A_867], %gather3A_862 {strides = array<i32>} : memref<128xf32, #tpu.memory_space<vmem>>, vector<16xf32>,
      %add3A_869 = arith.constant 26 : i32
      %add3A_870 = vector.broadcast %add3A_869 : i32 to vector<16xi32>
      %add3A_871 = arith.addi %mul3A_229, %add3A_870 : vector<16xi32>
      %gather3A_872 = tpu.vector_load_idx %arg11[%add3A_871] : memref<6400xf32, #tpu.memory_space<vmem>>[vector<16xi32>], vector<16xf32>,
      %swap3A_873 = arith.constant 58 : i32
      %swap3A_874 = arith.constant 0 : i32
      %swap3A_875 = tpu.memref_slice %arg13[%swap3A_873, %swap3A_874] : memref<64x128xf32, #tpu.memory_space<vmem>> -> memref<1x128xf32, #tpu.memory_space<vmem>>
      %swap3A_876 = tpu.memref_squeeze %swap3A_875 : memref<1x128xf32, #tpu.memory_space<vmem>> -> memref<128xf32, #tpu.memory_space<vmem>>
      %swap3A_877 = arith.index_cast %mul3A_221 : i32 to index
      %swap3A_878 = tpu.vector_load %swap3A_876[%swap3A_877] {strides = array<i32>} : memref<128xf32, #tpu.memory_space<vmem>>, vector<16xf32>,
      tpu.vector_store %swap3A_876[%swap3A_877], %gather3A_872 {strides = array<i32>} : memref<128xf32, #tpu.memory_space<vmem>>, vector<16xf32>,
      %broadcast_in_dim3A_879 = arith.constant 27 : i32
      %broadcast_in_dim3A_880 = vector.broadcast %broadcast_in_dim3A_879 : i32 to vector<16xi32>
      %gather3A_881 = arith.constant 2 : i32
      %gather3A_882 = arith.constant 0 : i32
      %gather3A_883 = arith.constant 0 : i32
      %gather3A_884 = tpu.memref_slice %arg12[%gather3A_881, %gather3A_882, %gather3A_883] : memref<4x128x128xf32, #tpu.memory_space<vmem>> -> memref<1x128x128xf32, #tpu.memory_space<vmem>>
      %gather3A_885 = tpu.memref_squeeze %gather3A_884 : memref<1x128x128xf32, #tpu.memory_space<vmem>> -> memref<128x128xf32, #tpu.memory_space<vmem>>
      %gather3A_886 = tpu.vector_load_idx %gather3A_885[%add3A_233, %broadcast_in_dim3A_880] : memref<128x128xf32, #tpu.memory_space<vmem>>[vector<16xi32>, vector<16xi32>], vector<16xf32>,
      %swap3A_887 = arith.constant 27 : i32
      %swap3A_888 = arith.constant 0 : i32
      %swap3A_889 = tpu.memref_slice %arg13[%swap3A_887, %swap3A_888] : memref<64x128xf32, #tpu.memory_space<vmem>> -> memref<1x128xf32, #tpu.memory_space<vmem>>
      %swap3A_890 = tpu.memref_squeeze %swap3A_889 : memref<1x128xf32, #tpu.memory_space<vmem>> -> memref<128xf32, #tpu.memory_space<vmem>>
      %swap3A_891 = arith.index_cast %mul3A_221 : i32 to index
      %swap3A_892 = tpu.vector_load %swap3A_890[%swap3A_891] {strides = array<i32>} : memref<128xf32, #tpu.memory_space<vmem>>, vector<16xf32>,
      tpu.vector_store %swap3A_890[%swap3A_891], %gather3A_886 {strides = array<i32>} : memref<128xf32, #tpu.memory_space<vmem>>, vector<16xf32>,
      %add3A_893 = arith.constant 27 : i32
      %add3A_894 = vector.broadcast %add3A_893 : i32 to vector<16xi32>
      %add3A_895 = arith.addi %mul3A_229, %add3A_894 : vector<16xi32>
      %gather3A_896 = tpu.vector_load_idx %arg11[%add3A_895] : memref<6400xf32, #tpu.memory_space<vmem>>[vector<16xi32>], vector<16xf32>,
      %swap3A_897 = arith.constant 59 : i32
      %swap3A_898 = arith.constant 0 : i32
      %swap3A_899 = tpu.memref_slice %arg13[%swap3A_897, %swap3A_898] : memref<64x128xf32, #tpu.memory_space<vmem>> -> memref<1x128xf32, #tpu.memory_space<vmem>>
      %swap3A_900 = tpu.memref_squeeze %swap3A_899 : memref<1x128xf32, #tpu.memory_space<vmem>> -> memref<128xf32, #tpu.memory_space<vmem>>
      %swap3A_901 = arith.index_cast %mul3A_221 : i32 to index
      %swap3A_902 = tpu.vector_load %swap3A_900[%swap3A_901] {strides = array<i32>} : memref<128xf32, #tpu.memory_space<vmem>>, vector<16xf32>,
      tpu.vector_store %swap3A_900[%swap3A_901], %gather3A_896 {strides = array<i32>} : memref<128xf32, #tpu.memory_space<vmem>>, vector<16xf32>,
      %broadcast_in_dim3A_903 = arith.constant 28 : i32
      %broadcast_in_dim3A_904 = vector.broadcast %broadcast_in_dim3A_903 : i32 to vector<16xi32>
      %gather3A_905 = arith.constant 2 : i32
      %gather3A_906 = arith.constant 0 : i32
      %gather3A_907 = arith.constant 0 : i32
      %gather3A_908 = tpu.memref_slice %arg12[%gather3A_905, %gather3A_906, %gather3A_907] : memref<4x128x128xf32, #tpu.memory_space<vmem>> -> memref<1x128x128xf32, #tpu.memory_space<vmem>>
      %gather3A_909 = tpu.memref_squeeze %gather3A_908 : memref<1x128x128xf32, #tpu.memory_space<vmem>> -> memref<128x128xf32, #tpu.memory_space<vmem>>
      %gather3A_910 = tpu.vector_load_idx %gather3A_909[%add3A_233, %broadcast_in_dim3A_904] : memref<128x128xf32, #tpu.memory_space<vmem>>[vector<16xi32>, vector<16xi32>], vector<16xf32>,
      %swap3A_911 = arith.constant 28 : i32
      %swap3A_912 = arith.constant 0 : i32
      %swap3A_913 = tpu.memref_slice %arg13[%swap3A_911, %swap3A_912] : memref<64x128xf32, #tpu.memory_space<vmem>> -> memref<1x128xf32, #tpu.memory_space<vmem>>
      %swap3A_914 = tpu.memref_squeeze %swap3A_913 : memref<1x128xf32, #tpu.memory_space<vmem>> -> memref<128xf32, #tpu.memory_space<vmem>>
      %swap3A_915 = arith.index_cast %mul3A_221 : i32 to index
      %swap3A_916 = tpu.vector_load %swap3A_914[%swap3A_915] {strides = array<i32>} : memref<128xf32, #tpu.memory_space<vmem>>, vector<16xf32>,
      tpu.vector_store %swap3A_914[%swap3A_915], %gather3A_910 {strides = array<i32>} : memref<128xf32, #tpu.memory_space<vmem>>, vector<16xf32>,
      %add3A_917 = arith.constant 28 : i32
      %add3A_918 = vector.broadcast %add3A_917 : i32 to vector<16xi32>
      %add3A_919 = arith.addi %mul3A_229, %add3A_918 : vector<16xi32>
      %gather3A_920 = tpu.vector_load_idx %arg11[%add3A_919] : memref<6400xf32, #tpu.memory_space<vmem>>[vector<16xi32>], vector<16xf32>,
      %swap3A_921 = arith.constant 60 : i32
      %swap3A_922 = arith.constant 0 : i32
      %swap3A_923 = tpu.memref_slice %arg13[%swap3A_921, %swap3A_922] : memref<64x128xf32, #tpu.memory_space<vmem>> -> memref<1x128xf32, #tpu.memory_space<vmem>>
      %swap3A_924 = tpu.memref_squeeze %swap3A_923 : memref<1x128xf32, #tpu.memory_space<vmem>> -> memref<128xf32, #tpu.memory_space<vmem>>
      %swap3A_925 = arith.index_cast %mul3A_221 : i32 to index
      %swap3A_926 = tpu.vector_load %swap3A_924[%swap3A_925] {strides = array<i32>} : memref<128xf32, #tpu.memory_space<vmem>>, vector<16xf32>,
      tpu.vector_store %swap3A_924[%swap3A_925], %gather3A_920 {strides = array<i32>} : memref<128xf32, #tpu.memory_space<vmem>>, vector<16xf32>,
      %broadcast_in_dim3A_927 = arith.constant 29 : i32
      %broadcast_in_dim3A_928 = vector.broadcast %broadcast_in_dim3A_927 : i32 to vector<16xi32>
      %gather3A_929 = arith.constant 2 : i32
      %gather3A_930 = arith.constant 0 : i32
      %gather3A_931 = arith.constant 0 : i32
      %gather3A_932 = tpu.memref_slice %arg12[%gather3A_929, %gather3A_930, %gather3A_931] : memref<4x128x128xf32, #tpu.memory_space<vmem>> -> memref<1x128x128xf32, #tpu.memory_space<vmem>>
      %gather3A_933 = tpu.memref_squeeze %gather3A_932 : memref<1x128x128xf32, #tpu.memory_space<vmem>> -> memref<128x128xf32, #tpu.memory_space<vmem>>
      %gather3A_934 = tpu.vector_load_idx %gather3A_933[%add3A_233, %broadcast_in_dim3A_928] : memref<128x128xf32, #tpu.memory_space<vmem>>[vector<16xi32>, vector<16xi32>], vector<16xf32>,
      %swap3A_935 = arith.constant 29 : i32
      %swap3A_936 = arith.constant 0 : i32
      %swap3A_937 = tpu.memref_slice %arg13[%swap3A_935, %swap3A_936] : memref<64x128xf32, #tpu.memory_space<vmem>> -> memref<1x128xf32, #tpu.memory_space<vmem>>
      %swap3A_938 = tpu.memref_squeeze %swap3A_937 : memref<1x128xf32, #tpu.memory_space<vmem>> -> memref<128xf32, #tpu.memory_space<vmem>>
      %swap3A_939 = arith.index_cast %mul3A_221 : i32 to index
      %swap3A_940 = tpu.vector_load %swap3A_938[%swap3A_939] {strides = array<i32>} : memref<128xf32, #tpu.memory_space<vmem>>, vector<16xf32>,
      tpu.vector_store %swap3A_938[%swap3A_939], %gather3A_934 {strides = array<i32>} : memref<128xf32, #tpu.memory_space<vmem>>, vector<16xf32>,
      %add3A_941 = arith.constant 29 : i32
      %add3A_942 = vector.broadcast %add3A_941 : i32 to vector<16xi32>
      %add3A_943 = arith.addi %mul3A_229, %add3A_942 : vector<16xi32>
      %gather3A_944 = tpu.vector_load_idx %arg11[%add3A_943] : memref<6400xf32, #tpu.memory_space<vmem>>[vector<16xi32>], vector<16xf32>,
      %swap3A_945 = arith.constant 61 : i32
      %swap3A_946 = arith.constant 0 : i32
      %swap3A_947 = tpu.memref_slice %arg13[%swap3A_945, %swap3A_946] : memref<64x128xf32, #tpu.memory_space<vmem>> -> memref<1x128xf32, #tpu.memory_space<vmem>>
      %swap3A_948 = tpu.memref_squeeze %swap3A_947 : memref<1x128xf32, #tpu.memory_space<vmem>> -> memref<128xf32, #tpu.memory_space<vmem>>
      %swap3A_949 = arith.index_cast %mul3A_221 : i32 to index
      %swap3A_950 = tpu.vector_load %swap3A_948[%swap3A_949] {strides = array<i32>} : memref<128xf32, #tpu.memory_space<vmem>>, vector<16xf32>,
      tpu.vector_store %swap3A_948[%swap3A_949], %gather3A_944 {strides = array<i32>} : memref<128xf32, #tpu.memory_space<vmem>>, vector<16xf32>,
      %broadcast_in_dim3A_951 = arith.constant 30 : i32
      %broadcast_in_dim3A_952 = vector.broadcast %broadcast_in_dim3A_951 : i32 to vector<16xi32>
      %gather3A_953 = arith.constant 2 : i32
      %gather3A_954 = arith.constant 0 : i32
      %gather3A_955 = arith.constant 0 : i32
      %gather3A_956 = tpu.memref_slice %arg12[%gather3A_953, %gather3A_954, %gather3A_955] : memref<4x128x128xf32, #tpu.memory_space<vmem>> -> memref<1x128x128xf32, #tpu.memory_space<vmem>>
      %gather3A_957 = tpu.memref_squeeze %gather3A_956 : memref<1x128x128xf32, #tpu.memory_space<vmem>> -> memref<128x128xf32, #tpu.memory_space<vmem>>
      %gather3A_958 = tpu.vector_load_idx %gather3A_957[%add3A_233, %broadcast_in_dim3A_952] : memref<128x128xf32, #tpu.memory_space<vmem>>[vector<16xi32>, vector<16xi32>], vector<16xf32>,
      %swap3A_959 = arith.constant 30 : i32
      %swap3A_960 = arith.constant 0 : i32
      %swap3A_961 = tpu.memref_slice %arg13[%swap3A_959, %swap3A_960] : memref<64x128xf32, #tpu.memory_space<vmem>> -> memref<1x128xf32, #tpu.memory_space<vmem>>
      %swap3A_962 = tpu.memref_squeeze %swap3A_961 : memref<1x128xf32, #tpu.memory_space<vmem>> -> memref<128xf32, #tpu.memory_space<vmem>>
      %swap3A_963 = arith.index_cast %mul3A_221 : i32 to index
      %swap3A_964 = tpu.vector_load %swap3A_962[%swap3A_963] {strides = array<i32>} : memref<128xf32, #tpu.memory_space<vmem>>, vector<16xf32>,
      tpu.vector_store %swap3A_962[%swap3A_963], %gather3A_958 {strides = array<i32>} : memref<128xf32, #tpu.memory_space<vmem>>, vector<16xf32>,
      %add3A_965 = arith.constant 30 : i32
      %add3A_966 = vector.broadcast %add3A_965 : i32 to vector<16xi32>
      %add3A_967 = arith.addi %mul3A_229, %add3A_966 : vector<16xi32>
      %gather3A_968 = tpu.vector_load_idx %arg11[%add3A_967] : memref<6400xf32, #tpu.memory_space<vmem>>[vector<16xi32>], vector<16xf32>,
      %swap3A_969 = arith.constant 62 : i32
      %swap3A_970 = arith.constant 0 : i32
      %swap3A_971 = tpu.memref_slice %arg13[%swap3A_969, %swap3A_970] : memref<64x128xf32, #tpu.memory_space<vmem>> -> memref<1x128xf32, #tpu.memory_space<vmem>>
      %swap3A_972 = tpu.memref_squeeze %swap3A_971 : memref<1x128xf32, #tpu.memory_space<vmem>> -> memref<128xf32, #tpu.memory_space<vmem>>
      %swap3A_973 = arith.index_cast %mul3A_221 : i32 to index
      %swap3A_974 = tpu.vector_load %swap3A_972[%swap3A_973] {strides = array<i32>} : memref<128xf32, #tpu.memory_space<vmem>>, vector<16xf32>,
      tpu.vector_store %swap3A_972[%swap3A_973], %gather3A_968 {strides = array<i32>} : memref<128xf32, #tpu.memory_space<vmem>>, vector<16xf32>,
      %broadcast_in_dim3A_975 = arith.constant 31 : i32
      %broadcast_in_dim3A_976 = vector.broadcast %broadcast_in_dim3A_975 : i32 to vector<16xi32>
      %gather3A_977 = arith.constant 2 : i32
      %gather3A_978 = arith.constant 0 : i32
      %gather3A_979 = arith.constant 0 : i32
      %gather3A_980 = tpu.memref_slice %arg12[%gather3A_977, %gather3A_978, %gather3A_979] : memref<4x128x128xf32, #tpu.memory_space<vmem>> -> memref<1x128x128xf32, #tpu.memory_space<vmem>>
      %gather3A_981 = tpu.memref_squeeze %gather3A_980 : memref<1x128x128xf32, #tpu.memory_space<vmem>> -> memref<128x128xf32, #tpu.memory_space<vmem>>
      %gather3A_982 = tpu.vector_load_idx %gather3A_981[%add3A_233, %broadcast_in_dim3A_976] : memref<128x128xf32, #tpu.memory_space<vmem>>[vector<16xi32>, vector<16xi32>], vector<16xf32>,
      %swap3A_983 = arith.constant 31 : i32
      %swap3A_984 = arith.constant 0 : i32
      %swap3A_985 = tpu.memref_slice %arg13[%swap3A_983, %swap3A_984] : memref<64x128xf32, #tpu.memory_space<vmem>> -> memref<1x128xf32, #tpu.memory_space<vmem>>
      %swap3A_986 = tpu.memref_squeeze %swap3A_985 : memref<1x128xf32, #tpu.memory_space<vmem>> -> memref<128xf32, #tpu.memory_space<vmem>>
      %swap3A_987 = arith.index_cast %mul3A_221 : i32 to index
      %swap3A_988 = tpu.vector_load %swap3A_986[%swap3A_987] {strides = array<i32>} : memref<128xf32, #tpu.memory_space<vmem>>, vector<16xf32>,
      tpu.vector_store %swap3A_986[%swap3A_987], %gather3A_982 {strides = array<i32>} : memref<128xf32, #tpu.memory_space<vmem>>, vector<16xf32>,
      %add3A_989 = arith.constant 31 : i32
      %add3A_990 = vector.broadcast %add3A_989 : i32 to vector<16xi32>
      %add3A_991 = arith.addi %mul3A_229, %add3A_990 : vector<16xi32>
      %gather3A_992 = tpu.vector_load_idx %arg11[%add3A_991] : memref<6400xf32, #tpu.memory_space<vmem>>[vector<16xi32>], vector<16xf32>,
      %swap3A_993 = arith.constant 63 : i32
      %swap3A_994 = arith.constant 0 : i32
      %swap3A_995 = tpu.memref_slice %arg13[%swap3A_993, %swap3A_994] : memref<64x128xf32, #tpu.memory_space<vmem>> -> memref<1x128xf32, #tpu.memory_space<vmem>>
      %swap3A_996 = tpu.memref_squeeze %swap3A_995 : memref<1x128xf32, #tpu.memory_space<vmem>> -> memref<128xf32, #tpu.memory_space<vmem>>
      %swap3A_997 = arith.index_cast %mul3A_221 : i32 to index
      %swap3A_998 = tpu.vector_load %swap3A_996[%swap3A_997] {strides = array<i32>} : memref<128xf32, #tpu.memory_space<vmem>>, vector<16xf32>,
      tpu.vector_store %swap3A_996[%swap3A_997], %gather3A_992 {strides = array<i32>} : memref<128xf32, #tpu.memory_space<vmem>>, vector<16xf32>,
      %scan3A_999 = arith.constant 0 : i32
      scf.yield %scan3A_999 : i32
    }
    %scan3A_190 = arith.constant 8 : i32
    %mul3A_191 = arith.constant 512 : i32
    %mul3A_192 = arith.muli %add3A, %mul3A_191 : i32
    %add3A_193 = arith.constant 256 : i32
    %add3A_194 = arith.addi %mul3A_192, %add3A_193 : i32
    "tpu.region"() ({
      %run_scoped3A = tpu.sem_alloc : memref<!tpu.dma_semaphore, #tpu.memory_space<semaphore_mem>>
      %dma_start3A_218 = arith.constant 0 : i32
      %dma_start3A_219 = tpu.memref_slice %arg7[%dma_start3A_218, %add3A_194] : memref<64x16384xf32, #tpu.memory_space<hbm>> -> memref<64x128xf32, #tpu.memory_space<hbm>>
      %dma_start3A_220 = arith.constant 0 : i32
      %dma_start3A_221 = tpu.memref_slice %arg7[%dma_start3A_220, %add3A_194] : memref<64x16384xf32, #tpu.memory_space<hbm>> -> memref<64x128xf32, #tpu.memory_space<hbm>>
      tpu.enqueue_dma source(%arg13 : memref<64x128xf32, #tpu.memory_space<vmem>>) target(%dma_start3A_221 : memref<64x128xf32, #tpu.memory_space<hbm>>) target_semaphore(%run_scoped3A : memref<!tpu.dma_semaphore, #tpu.memory_space<semaphore_mem>>)
      %dma_wait3A_222 = arith.constant 0 : i32
      %dma_wait3A_223 = tpu.memref_slice %arg7[%dma_wait3A_222, %add3A_194] : memref<64x16384xf32, #tpu.memory_space<hbm>> -> memref<64x128xf32, #tpu.memory_space<hbm>>
      %dma_wait3A_224 = arith.constant 0 : i32
      %dma_wait3A_225 = tpu.memref_slice %arg7[%dma_wait3A_224, %add3A_194] : memref<64x16384xf32, #tpu.memory_space<hbm>> -> memref<64x128xf32, #tpu.memory_space<hbm>>
      tpu.wait_dma2 semaphore(%run_scoped3A : memref<!tpu.dma_semaphore, #tpu.memory_space<semaphore_mem>>) src(%arg13 : memref<64x128xf32, #tpu.memory_space<vmem>>) dst(%dma_wait3A_225 : memref<64x128xf32, #tpu.memory_space<hbm>>)
      tpu.yield
    }) : () -> ()
    %dma_wait3A_195 = arith.constant 3 : i32
    %dma_wait3A_196 = arith.constant 3 : i32
    %dma_wait3A_197 = arith.constant 0 : i32
    %dma_wait3A_198 = arith.constant 0 : i32
    %dma_wait3A_199 = tpu.memref_slice %arg12[%dma_wait3A_196, %dma_wait3A_197, %dma_wait3A_198] : memref<4x128x128xf32, #tpu.memory_space<vmem>> -> memref<1x128x128xf32, #tpu.memory_space<vmem>>
    %dma_wait3A_200 = tpu.memref_squeeze %dma_wait3A_199 : memref<1x128x128xf32, #tpu.memory_space<vmem>> -> memref<128x128xf32, #tpu.memory_space<vmem>>
    %dma_wait3A_201 = arith.constant 0 : i32
    %dma_wait3A_202 = tpu.memref_slice %arg10[%dma_wait3A_195, %dma_wait3A_201] : memref<4x128xi32, #tpu.memory_space<vmem>> -> memref<1x128xi32, #tpu.memory_space<vmem>>
    %dma_wait3A_203 = tpu.memref_squeeze %dma_wait3A_202 : memref<1x128xi32, #tpu.memory_space<vmem>> -> memref<128xi32, #tpu.memory_space<vmem>>
    %dma_wait3A_204 = arith.constant 0 : i32
    %dma_wait3A_205 = arith.constant 0 : i32
    %dma_wait3A_206 = tpu.memref_slice %arg5[%dma_wait3A_204, %dma_wait3A_205] : memref<1000000x128xf32, #tpu.memory_space<hbm>> -> memref<1000000x128xf32, #tpu.memory_space<hbm>>
    tpu.wait_indirect_dma semaphore(%arg15 : memref<!tpu.dma_semaphore, #tpu.memory_space<semaphore_mem>>) src(%dma_wait3A_206 : memref<1000000x128xf32, #tpu.memory_space<hbm>>) dst(%dma_wait3A_200 : memref<128x128xf32, #tpu.memory_space<vmem>>)
    %scan3A_207 = arith.constant 0 : i32
    %scan3A_208 = arith.constant 0 : i32
    %scan3A_209 = arith.constant 8 : i32
    %scan3A_210 = arith.addi %scan3A_208, %scan3A_209 : i32
    %scan3A_211 = arith.constant 1 : i32
    %scan3A_212 = scf.for %scan3A_218 = %scan3A_208 to %scan3A_210 step %scan3A_211 iter_args(%scan3A_219 = %scan3A_207) -> (i32)  : i32 {
      %mul3A_220 = arith.constant 16 : i32
      %mul3A_221 = arith.muli %scan3A_218, %mul3A_220 : i32
      %get3A = arith.constant 3 : i32
      %get3A_222 = arith.constant 0 : i32
      %get3A_223 = tpu.memref_slice %arg9[%get3A, %get3A_222] : memref<4x128xi32, #tpu.memory_space<vmem>> -> memref<1x128xi32, #tpu.memory_space<vmem>>
      %get3A_224 = tpu.memref_squeeze %get3A_223 : memref<1x128xi32, #tpu.memory_space<vmem>> -> memref<128xi32, #tpu.memory_space<vmem>>
      %get3A_225 = arith.index_cast %mul3A_221 : i32 to index
      %get3A_226 = tpu.vector_load %get3A_224[%get3A_225] {strides = array<i32>} : memref<128xi32, #tpu.memory_space<vmem>>, vector<16xi32>,
      %mul3A_227 = arith.constant 32 : i32
      %mul3A_228 = vector.broadcast %mul3A_227 : i32 to vector<16xi32>
      %mul3A_229 = arith.muli %get3A_226, %mul3A_228 : vector<16xi32>
      %mul3A_230 = arith.constant 16 : i32
      %mul3A_231 = arith.muli %scan3A_218, %mul3A_230 : i32
      %add3A_232 = vector.broadcast %mul3A_231 : i32 to vector<16xi32>
      %add3A_233 = arith.addi %add3A_232, %iota3A : vector<16xi32>
      %broadcast_in_dim3A = arith.constant 0 : i32
      %broadcast_in_dim3A_234 = vector.broadcast %broadcast_in_dim3A : i32 to vector<16xi32>
      %gather3A = arith.constant 3 : i32
      %gather3A_235 = arith.constant 0 : i32
      %gather3A_236 = arith.constant 0 : i32
      %gather3A_237 = tpu.memref_slice %arg12[%gather3A, %gather3A_235, %gather3A_236] : memref<4x128x128xf32, #tpu.memory_space<vmem>> -> memref<1x128x128xf32, #tpu.memory_space<vmem>>
      %gather3A_238 = tpu.memref_squeeze %gather3A_237 : memref<1x128x128xf32, #tpu.memory_space<vmem>> -> memref<128x128xf32, #tpu.memory_space<vmem>>
      %gather3A_239 = tpu.vector_load_idx %gather3A_238[%add3A_233, %broadcast_in_dim3A_234] : memref<128x128xf32, #tpu.memory_space<vmem>>[vector<16xi32>, vector<16xi32>], vector<16xf32>,
      %swap3A = arith.constant 0 : i32
      %swap3A_240 = arith.constant 0 : i32
      %swap3A_241 = tpu.memref_slice %arg13[%swap3A, %swap3A_240] : memref<64x128xf32, #tpu.memory_space<vmem>> -> memref<1x128xf32, #tpu.memory_space<vmem>>
      %swap3A_242 = tpu.memref_squeeze %swap3A_241 : memref<1x128xf32, #tpu.memory_space<vmem>> -> memref<128xf32, #tpu.memory_space<vmem>>
      %swap3A_243 = arith.index_cast %mul3A_221 : i32 to index
      %swap3A_244 = tpu.vector_load %swap3A_242[%swap3A_243] {strides = array<i32>} : memref<128xf32, #tpu.memory_space<vmem>>, vector<16xf32>,
      tpu.vector_store %swap3A_242[%swap3A_243], %gather3A_239 {strides = array<i32>} : memref<128xf32, #tpu.memory_space<vmem>>, vector<16xf32>,
      %add3A_245 = arith.constant 0 : i32
      %add3A_246 = vector.broadcast %add3A_245 : i32 to vector<16xi32>
      %add3A_247 = arith.addi %mul3A_229, %add3A_246 : vector<16xi32>
      %gather3A_248 = tpu.vector_load_idx %arg11[%add3A_247] : memref<6400xf32, #tpu.memory_space<vmem>>[vector<16xi32>], vector<16xf32>,
      %swap3A_249 = arith.constant 32 : i32
      %swap3A_250 = arith.constant 0 : i32
      %swap3A_251 = tpu.memref_slice %arg13[%swap3A_249, %swap3A_250] : memref<64x128xf32, #tpu.memory_space<vmem>> -> memref<1x128xf32, #tpu.memory_space<vmem>>
      %swap3A_252 = tpu.memref_squeeze %swap3A_251 : memref<1x128xf32, #tpu.memory_space<vmem>> -> memref<128xf32, #tpu.memory_space<vmem>>
      %swap3A_253 = arith.index_cast %mul3A_221 : i32 to index
      %swap3A_254 = tpu.vector_load %swap3A_252[%swap3A_253] {strides = array<i32>} : memref<128xf32, #tpu.memory_space<vmem>>, vector<16xf32>,
      tpu.vector_store %swap3A_252[%swap3A_253], %gather3A_248 {strides = array<i32>} : memref<128xf32, #tpu.memory_space<vmem>>, vector<16xf32>,
      %broadcast_in_dim3A_255 = arith.constant 1 : i32
      %broadcast_in_dim3A_256 = vector.broadcast %broadcast_in_dim3A_255 : i32 to vector<16xi32>
      %gather3A_257 = arith.constant 3 : i32
      %gather3A_258 = arith.constant 0 : i32
      %gather3A_259 = arith.constant 0 : i32
      %gather3A_260 = tpu.memref_slice %arg12[%gather3A_257, %gather3A_258, %gather3A_259] : memref<4x128x128xf32, #tpu.memory_space<vmem>> -> memref<1x128x128xf32, #tpu.memory_space<vmem>>
      %gather3A_261 = tpu.memref_squeeze %gather3A_260 : memref<1x128x128xf32, #tpu.memory_space<vmem>> -> memref<128x128xf32, #tpu.memory_space<vmem>>
      %gather3A_262 = tpu.vector_load_idx %gather3A_261[%add3A_233, %broadcast_in_dim3A_256] : memref<128x128xf32, #tpu.memory_space<vmem>>[vector<16xi32>, vector<16xi32>], vector<16xf32>,
      %swap3A_263 = arith.constant 1 : i32
      %swap3A_264 = arith.constant 0 : i32
      %swap3A_265 = tpu.memref_slice %arg13[%swap3A_263, %swap3A_264] : memref<64x128xf32, #tpu.memory_space<vmem>> -> memref<1x128xf32, #tpu.memory_space<vmem>>
      %swap3A_266 = tpu.memref_squeeze %swap3A_265 : memref<1x128xf32, #tpu.memory_space<vmem>> -> memref<128xf32, #tpu.memory_space<vmem>>
      %swap3A_267 = arith.index_cast %mul3A_221 : i32 to index
      %swap3A_268 = tpu.vector_load %swap3A_266[%swap3A_267] {strides = array<i32>} : memref<128xf32, #tpu.memory_space<vmem>>, vector<16xf32>,
      tpu.vector_store %swap3A_266[%swap3A_267], %gather3A_262 {strides = array<i32>} : memref<128xf32, #tpu.memory_space<vmem>>, vector<16xf32>,
      %add3A_269 = arith.constant 1 : i32
      %add3A_270 = vector.broadcast %add3A_269 : i32 to vector<16xi32>
      %add3A_271 = arith.addi %mul3A_229, %add3A_270 : vector<16xi32>
      %gather3A_272 = tpu.vector_load_idx %arg11[%add3A_271] : memref<6400xf32, #tpu.memory_space<vmem>>[vector<16xi32>], vector<16xf32>,
      %swap3A_273 = arith.constant 33 : i32
      %swap3A_274 = arith.constant 0 : i32
      %swap3A_275 = tpu.memref_slice %arg13[%swap3A_273, %swap3A_274] : memref<64x128xf32, #tpu.memory_space<vmem>> -> memref<1x128xf32, #tpu.memory_space<vmem>>
      %swap3A_276 = tpu.memref_squeeze %swap3A_275 : memref<1x128xf32, #tpu.memory_space<vmem>> -> memref<128xf32, #tpu.memory_space<vmem>>
      %swap3A_277 = arith.index_cast %mul3A_221 : i32 to index
      %swap3A_278 = tpu.vector_load %swap3A_276[%swap3A_277] {strides = array<i32>} : memref<128xf32, #tpu.memory_space<vmem>>, vector<16xf32>,
      tpu.vector_store %swap3A_276[%swap3A_277], %gather3A_272 {strides = array<i32>} : memref<128xf32, #tpu.memory_space<vmem>>, vector<16xf32>,
      %broadcast_in_dim3A_279 = arith.constant 2 : i32
      %broadcast_in_dim3A_280 = vector.broadcast %broadcast_in_dim3A_279 : i32 to vector<16xi32>
      %gather3A_281 = arith.constant 3 : i32
      %gather3A_282 = arith.constant 0 : i32
      %gather3A_283 = arith.constant 0 : i32
      %gather3A_284 = tpu.memref_slice %arg12[%gather3A_281, %gather3A_282, %gather3A_283] : memref<4x128x128xf32, #tpu.memory_space<vmem>> -> memref<1x128x128xf32, #tpu.memory_space<vmem>>
      %gather3A_285 = tpu.memref_squeeze %gather3A_284 : memref<1x128x128xf32, #tpu.memory_space<vmem>> -> memref<128x128xf32, #tpu.memory_space<vmem>>
      %gather3A_286 = tpu.vector_load_idx %gather3A_285[%add3A_233, %broadcast_in_dim3A_280] : memref<128x128xf32, #tpu.memory_space<vmem>>[vector<16xi32>, vector<16xi32>], vector<16xf32>,
      %swap3A_287 = arith.constant 2 : i32
      %swap3A_288 = arith.constant 0 : i32
      %swap3A_289 = tpu.memref_slice %arg13[%swap3A_287, %swap3A_288] : memref<64x128xf32, #tpu.memory_space<vmem>> -> memref<1x128xf32, #tpu.memory_space<vmem>>
      %swap3A_290 = tpu.memref_squeeze %swap3A_289 : memref<1x128xf32, #tpu.memory_space<vmem>> -> memref<128xf32, #tpu.memory_space<vmem>>
      %swap3A_291 = arith.index_cast %mul3A_221 : i32 to index
      %swap3A_292 = tpu.vector_load %swap3A_290[%swap3A_291] {strides = array<i32>} : memref<128xf32, #tpu.memory_space<vmem>>, vector<16xf32>,
      tpu.vector_store %swap3A_290[%swap3A_291], %gather3A_286 {strides = array<i32>} : memref<128xf32, #tpu.memory_space<vmem>>, vector<16xf32>,
      %add3A_293 = arith.constant 2 : i32
      %add3A_294 = vector.broadcast %add3A_293 : i32 to vector<16xi32>
      %add3A_295 = arith.addi %mul3A_229, %add3A_294 : vector<16xi32>
      %gather3A_296 = tpu.vector_load_idx %arg11[%add3A_295] : memref<6400xf32, #tpu.memory_space<vmem>>[vector<16xi32>], vector<16xf32>,
      %swap3A_297 = arith.constant 34 : i32
      %swap3A_298 = arith.constant 0 : i32
      %swap3A_299 = tpu.memref_slice %arg13[%swap3A_297, %swap3A_298] : memref<64x128xf32, #tpu.memory_space<vmem>> -> memref<1x128xf32, #tpu.memory_space<vmem>>
      %swap3A_300 = tpu.memref_squeeze %swap3A_299 : memref<1x128xf32, #tpu.memory_space<vmem>> -> memref<128xf32, #tpu.memory_space<vmem>>
      %swap3A_301 = arith.index_cast %mul3A_221 : i32 to index
      %swap3A_302 = tpu.vector_load %swap3A_300[%swap3A_301] {strides = array<i32>} : memref<128xf32, #tpu.memory_space<vmem>>, vector<16xf32>,
      tpu.vector_store %swap3A_300[%swap3A_301], %gather3A_296 {strides = array<i32>} : memref<128xf32, #tpu.memory_space<vmem>>, vector<16xf32>,
      %broadcast_in_dim3A_303 = arith.constant 3 : i32
      %broadcast_in_dim3A_304 = vector.broadcast %broadcast_in_dim3A_303 : i32 to vector<16xi32>
      %gather3A_305 = arith.constant 3 : i32
      %gather3A_306 = arith.constant 0 : i32
      %gather3A_307 = arith.constant 0 : i32
      %gather3A_308 = tpu.memref_slice %arg12[%gather3A_305, %gather3A_306, %gather3A_307] : memref<4x128x128xf32, #tpu.memory_space<vmem>> -> memref<1x128x128xf32, #tpu.memory_space<vmem>>
      %gather3A_309 = tpu.memref_squeeze %gather3A_308 : memref<1x128x128xf32, #tpu.memory_space<vmem>> -> memref<128x128xf32, #tpu.memory_space<vmem>>
      %gather3A_310 = tpu.vector_load_idx %gather3A_309[%add3A_233, %broadcast_in_dim3A_304] : memref<128x128xf32, #tpu.memory_space<vmem>>[vector<16xi32>, vector<16xi32>], vector<16xf32>,
      %swap3A_311 = arith.constant 3 : i32
      %swap3A_312 = arith.constant 0 : i32
      %swap3A_313 = tpu.memref_slice %arg13[%swap3A_311, %swap3A_312] : memref<64x128xf32, #tpu.memory_space<vmem>> -> memref<1x128xf32, #tpu.memory_space<vmem>>
      %swap3A_314 = tpu.memref_squeeze %swap3A_313 : memref<1x128xf32, #tpu.memory_space<vmem>> -> memref<128xf32, #tpu.memory_space<vmem>>
      %swap3A_315 = arith.index_cast %mul3A_221 : i32 to index
      %swap3A_316 = tpu.vector_load %swap3A_314[%swap3A_315] {strides = array<i32>} : memref<128xf32, #tpu.memory_space<vmem>>, vector<16xf32>,
      tpu.vector_store %swap3A_314[%swap3A_315], %gather3A_310 {strides = array<i32>} : memref<128xf32, #tpu.memory_space<vmem>>, vector<16xf32>,
      %add3A_317 = arith.constant 3 : i32
      %add3A_318 = vector.broadcast %add3A_317 : i32 to vector<16xi32>
      %add3A_319 = arith.addi %mul3A_229, %add3A_318 : vector<16xi32>
      %gather3A_320 = tpu.vector_load_idx %arg11[%add3A_319] : memref<6400xf32, #tpu.memory_space<vmem>>[vector<16xi32>], vector<16xf32>,
      %swap3A_321 = arith.constant 35 : i32
      %swap3A_322 = arith.constant 0 : i32
      %swap3A_323 = tpu.memref_slice %arg13[%swap3A_321, %swap3A_322] : memref<64x128xf32, #tpu.memory_space<vmem>> -> memref<1x128xf32, #tpu.memory_space<vmem>>
      %swap3A_324 = tpu.memref_squeeze %swap3A_323 : memref<1x128xf32, #tpu.memory_space<vmem>> -> memref<128xf32, #tpu.memory_space<vmem>>
      %swap3A_325 = arith.index_cast %mul3A_221 : i32 to index
      %swap3A_326 = tpu.vector_load %swap3A_324[%swap3A_325] {strides = array<i32>} : memref<128xf32, #tpu.memory_space<vmem>>, vector<16xf32>,
      tpu.vector_store %swap3A_324[%swap3A_325], %gather3A_320 {strides = array<i32>} : memref<128xf32, #tpu.memory_space<vmem>>, vector<16xf32>,
      %broadcast_in_dim3A_327 = arith.constant 4 : i32
      %broadcast_in_dim3A_328 = vector.broadcast %broadcast_in_dim3A_327 : i32 to vector<16xi32>
      %gather3A_329 = arith.constant 3 : i32
      %gather3A_330 = arith.constant 0 : i32
      %gather3A_331 = arith.constant 0 : i32
      %gather3A_332 = tpu.memref_slice %arg12[%gather3A_329, %gather3A_330, %gather3A_331] : memref<4x128x128xf32, #tpu.memory_space<vmem>> -> memref<1x128x128xf32, #tpu.memory_space<vmem>>
      %gather3A_333 = tpu.memref_squeeze %gather3A_332 : memref<1x128x128xf32, #tpu.memory_space<vmem>> -> memref<128x128xf32, #tpu.memory_space<vmem>>
      %gather3A_334 = tpu.vector_load_idx %gather3A_333[%add3A_233, %broadcast_in_dim3A_328] : memref<128x128xf32, #tpu.memory_space<vmem>>[vector<16xi32>, vector<16xi32>], vector<16xf32>,
      %swap3A_335 = arith.constant 4 : i32
      %swap3A_336 = arith.constant 0 : i32
      %swap3A_337 = tpu.memref_slice %arg13[%swap3A_335, %swap3A_336] : memref<64x128xf32, #tpu.memory_space<vmem>> -> memref<1x128xf32, #tpu.memory_space<vmem>>
      %swap3A_338 = tpu.memref_squeeze %swap3A_337 : memref<1x128xf32, #tpu.memory_space<vmem>> -> memref<128xf32, #tpu.memory_space<vmem>>
      %swap3A_339 = arith.index_cast %mul3A_221 : i32 to index
      %swap3A_340 = tpu.vector_load %swap3A_338[%swap3A_339] {strides = array<i32>} : memref<128xf32, #tpu.memory_space<vmem>>, vector<16xf32>,
      tpu.vector_store %swap3A_338[%swap3A_339], %gather3A_334 {strides = array<i32>} : memref<128xf32, #tpu.memory_space<vmem>>, vector<16xf32>,
      %add3A_341 = arith.constant 4 : i32
      %add3A_342 = vector.broadcast %add3A_341 : i32 to vector<16xi32>
      %add3A_343 = arith.addi %mul3A_229, %add3A_342 : vector<16xi32>
      %gather3A_344 = tpu.vector_load_idx %arg11[%add3A_343] : memref<6400xf32, #tpu.memory_space<vmem>>[vector<16xi32>], vector<16xf32>,
      %swap3A_345 = arith.constant 36 : i32
      %swap3A_346 = arith.constant 0 : i32
      %swap3A_347 = tpu.memref_slice %arg13[%swap3A_345, %swap3A_346] : memref<64x128xf32, #tpu.memory_space<vmem>> -> memref<1x128xf32, #tpu.memory_space<vmem>>
      %swap3A_348 = tpu.memref_squeeze %swap3A_347 : memref<1x128xf32, #tpu.memory_space<vmem>> -> memref<128xf32, #tpu.memory_space<vmem>>
      %swap3A_349 = arith.index_cast %mul3A_221 : i32 to index
      %swap3A_350 = tpu.vector_load %swap3A_348[%swap3A_349] {strides = array<i32>} : memref<128xf32, #tpu.memory_space<vmem>>, vector<16xf32>,
      tpu.vector_store %swap3A_348[%swap3A_349], %gather3A_344 {strides = array<i32>} : memref<128xf32, #tpu.memory_space<vmem>>, vector<16xf32>,
      %broadcast_in_dim3A_351 = arith.constant 5 : i32
      %broadcast_in_dim3A_352 = vector.broadcast %broadcast_in_dim3A_351 : i32 to vector<16xi32>
      %gather3A_353 = arith.constant 3 : i32
      %gather3A_354 = arith.constant 0 : i32
      %gather3A_355 = arith.constant 0 : i32
      %gather3A_356 = tpu.memref_slice %arg12[%gather3A_353, %gather3A_354, %gather3A_355] : memref<4x128x128xf32, #tpu.memory_space<vmem>> -> memref<1x128x128xf32, #tpu.memory_space<vmem>>
      %gather3A_357 = tpu.memref_squeeze %gather3A_356 : memref<1x128x128xf32, #tpu.memory_space<vmem>> -> memref<128x128xf32, #tpu.memory_space<vmem>>
      %gather3A_358 = tpu.vector_load_idx %gather3A_357[%add3A_233, %broadcast_in_dim3A_352] : memref<128x128xf32, #tpu.memory_space<vmem>>[vector<16xi32>, vector<16xi32>], vector<16xf32>,
      %swap3A_359 = arith.constant 5 : i32
      %swap3A_360 = arith.constant 0 : i32
      %swap3A_361 = tpu.memref_slice %arg13[%swap3A_359, %swap3A_360] : memref<64x128xf32, #tpu.memory_space<vmem>> -> memref<1x128xf32, #tpu.memory_space<vmem>>
      %swap3A_362 = tpu.memref_squeeze %swap3A_361 : memref<1x128xf32, #tpu.memory_space<vmem>> -> memref<128xf32, #tpu.memory_space<vmem>>
      %swap3A_363 = arith.index_cast %mul3A_221 : i32 to index
      %swap3A_364 = tpu.vector_load %swap3A_362[%swap3A_363] {strides = array<i32>} : memref<128xf32, #tpu.memory_space<vmem>>, vector<16xf32>,
      tpu.vector_store %swap3A_362[%swap3A_363], %gather3A_358 {strides = array<i32>} : memref<128xf32, #tpu.memory_space<vmem>>, vector<16xf32>,
      %add3A_365 = arith.constant 5 : i32
      %add3A_366 = vector.broadcast %add3A_365 : i32 to vector<16xi32>
      %add3A_367 = arith.addi %mul3A_229, %add3A_366 : vector<16xi32>
      %gather3A_368 = tpu.vector_load_idx %arg11[%add3A_367] : memref<6400xf32, #tpu.memory_space<vmem>>[vector<16xi32>], vector<16xf32>,
      %swap3A_369 = arith.constant 37 : i32
      %swap3A_370 = arith.constant 0 : i32
      %swap3A_371 = tpu.memref_slice %arg13[%swap3A_369, %swap3A_370] : memref<64x128xf32, #tpu.memory_space<vmem>> -> memref<1x128xf32, #tpu.memory_space<vmem>>
      %swap3A_372 = tpu.memref_squeeze %swap3A_371 : memref<1x128xf32, #tpu.memory_space<vmem>> -> memref<128xf32, #tpu.memory_space<vmem>>
      %swap3A_373 = arith.index_cast %mul3A_221 : i32 to index
      %swap3A_374 = tpu.vector_load %swap3A_372[%swap3A_373] {strides = array<i32>} : memref<128xf32, #tpu.memory_space<vmem>>, vector<16xf32>,
      tpu.vector_store %swap3A_372[%swap3A_373], %gather3A_368 {strides = array<i32>} : memref<128xf32, #tpu.memory_space<vmem>>, vector<16xf32>,
      %broadcast_in_dim3A_375 = arith.constant 6 : i32
      %broadcast_in_dim3A_376 = vector.broadcast %broadcast_in_dim3A_375 : i32 to vector<16xi32>
      %gather3A_377 = arith.constant 3 : i32
      %gather3A_378 = arith.constant 0 : i32
      %gather3A_379 = arith.constant 0 : i32
      %gather3A_380 = tpu.memref_slice %arg12[%gather3A_377, %gather3A_378, %gather3A_379] : memref<4x128x128xf32, #tpu.memory_space<vmem>> -> memref<1x128x128xf32, #tpu.memory_space<vmem>>
      %gather3A_381 = tpu.memref_squeeze %gather3A_380 : memref<1x128x128xf32, #tpu.memory_space<vmem>> -> memref<128x128xf32, #tpu.memory_space<vmem>>
      %gather3A_382 = tpu.vector_load_idx %gather3A_381[%add3A_233, %broadcast_in_dim3A_376] : memref<128x128xf32, #tpu.memory_space<vmem>>[vector<16xi32>, vector<16xi32>], vector<16xf32>,
      %swap3A_383 = arith.constant 6 : i32
      %swap3A_384 = arith.constant 0 : i32
      %swap3A_385 = tpu.memref_slice %arg13[%swap3A_383, %swap3A_384] : memref<64x128xf32, #tpu.memory_space<vmem>> -> memref<1x128xf32, #tpu.memory_space<vmem>>
      %swap3A_386 = tpu.memref_squeeze %swap3A_385 : memref<1x128xf32, #tpu.memory_space<vmem>> -> memref<128xf32, #tpu.memory_space<vmem>>
      %swap3A_387 = arith.index_cast %mul3A_221 : i32 to index
      %swap3A_388 = tpu.vector_load %swap3A_386[%swap3A_387] {strides = array<i32>} : memref<128xf32, #tpu.memory_space<vmem>>, vector<16xf32>,
      tpu.vector_store %swap3A_386[%swap3A_387], %gather3A_382 {strides = array<i32>} : memref<128xf32, #tpu.memory_space<vmem>>, vector<16xf32>,
      %add3A_389 = arith.constant 6 : i32
      %add3A_390 = vector.broadcast %add3A_389 : i32 to vector<16xi32>
      %add3A_391 = arith.addi %mul3A_229, %add3A_390 : vector<16xi32>
      %gather3A_392 = tpu.vector_load_idx %arg11[%add3A_391] : memref<6400xf32, #tpu.memory_space<vmem>>[vector<16xi32>], vector<16xf32>,
      %swap3A_393 = arith.constant 38 : i32
      %swap3A_394 = arith.constant 0 : i32
      %swap3A_395 = tpu.memref_slice %arg13[%swap3A_393, %swap3A_394] : memref<64x128xf32, #tpu.memory_space<vmem>> -> memref<1x128xf32, #tpu.memory_space<vmem>>
      %swap3A_396 = tpu.memref_squeeze %swap3A_395 : memref<1x128xf32, #tpu.memory_space<vmem>> -> memref<128xf32, #tpu.memory_space<vmem>>
      %swap3A_397 = arith.index_cast %mul3A_221 : i32 to index
      %swap3A_398 = tpu.vector_load %swap3A_396[%swap3A_397] {strides = array<i32>} : memref<128xf32, #tpu.memory_space<vmem>>, vector<16xf32>,
      tpu.vector_store %swap3A_396[%swap3A_397], %gather3A_392 {strides = array<i32>} : memref<128xf32, #tpu.memory_space<vmem>>, vector<16xf32>,
      %broadcast_in_dim3A_399 = arith.constant 7 : i32
      %broadcast_in_dim3A_400 = vector.broadcast %broadcast_in_dim3A_399 : i32 to vector<16xi32>
      %gather3A_401 = arith.constant 3 : i32
      %gather3A_402 = arith.constant 0 : i32
      %gather3A_403 = arith.constant 0 : i32
      %gather3A_404 = tpu.memref_slice %arg12[%gather3A_401, %gather3A_402, %gather3A_403] : memref<4x128x128xf32, #tpu.memory_space<vmem>> -> memref<1x128x128xf32, #tpu.memory_space<vmem>>
      %gather3A_405 = tpu.memref_squeeze %gather3A_404 : memref<1x128x128xf32, #tpu.memory_space<vmem>> -> memref<128x128xf32, #tpu.memory_space<vmem>>
      %gather3A_406 = tpu.vector_load_idx %gather3A_405[%add3A_233, %broadcast_in_dim3A_400] : memref<128x128xf32, #tpu.memory_space<vmem>>[vector<16xi32>, vector<16xi32>], vector<16xf32>,
      %swap3A_407 = arith.constant 7 : i32
      %swap3A_408 = arith.constant 0 : i32
      %swap3A_409 = tpu.memref_slice %arg13[%swap3A_407, %swap3A_408] : memref<64x128xf32, #tpu.memory_space<vmem>> -> memref<1x128xf32, #tpu.memory_space<vmem>>
      %swap3A_410 = tpu.memref_squeeze %swap3A_409 : memref<1x128xf32, #tpu.memory_space<vmem>> -> memref<128xf32, #tpu.memory_space<vmem>>
      %swap3A_411 = arith.index_cast %mul3A_221 : i32 to index
      %swap3A_412 = tpu.vector_load %swap3A_410[%swap3A_411] {strides = array<i32>} : memref<128xf32, #tpu.memory_space<vmem>>, vector<16xf32>,
      tpu.vector_store %swap3A_410[%swap3A_411], %gather3A_406 {strides = array<i32>} : memref<128xf32, #tpu.memory_space<vmem>>, vector<16xf32>,
      %add3A_413 = arith.constant 7 : i32
      %add3A_414 = vector.broadcast %add3A_413 : i32 to vector<16xi32>
      %add3A_415 = arith.addi %mul3A_229, %add3A_414 : vector<16xi32>
      %gather3A_416 = tpu.vector_load_idx %arg11[%add3A_415] : memref<6400xf32, #tpu.memory_space<vmem>>[vector<16xi32>], vector<16xf32>,
      %swap3A_417 = arith.constant 39 : i32
      %swap3A_418 = arith.constant 0 : i32
      %swap3A_419 = tpu.memref_slice %arg13[%swap3A_417, %swap3A_418] : memref<64x128xf32, #tpu.memory_space<vmem>> -> memref<1x128xf32, #tpu.memory_space<vmem>>
      %swap3A_420 = tpu.memref_squeeze %swap3A_419 : memref<1x128xf32, #tpu.memory_space<vmem>> -> memref<128xf32, #tpu.memory_space<vmem>>
      %swap3A_421 = arith.index_cast %mul3A_221 : i32 to index
      %swap3A_422 = tpu.vector_load %swap3A_420[%swap3A_421] {strides = array<i32>} : memref<128xf32, #tpu.memory_space<vmem>>, vector<16xf32>,
      tpu.vector_store %swap3A_420[%swap3A_421], %gather3A_416 {strides = array<i32>} : memref<128xf32, #tpu.memory_space<vmem>>, vector<16xf32>,
      %broadcast_in_dim3A_423 = arith.constant 8 : i32
      %broadcast_in_dim3A_424 = vector.broadcast %broadcast_in_dim3A_423 : i32 to vector<16xi32>
      %gather3A_425 = arith.constant 3 : i32
      %gather3A_426 = arith.constant 0 : i32
      %gather3A_427 = arith.constant 0 : i32
      %gather3A_428 = tpu.memref_slice %arg12[%gather3A_425, %gather3A_426, %gather3A_427] : memref<4x128x128xf32, #tpu.memory_space<vmem>> -> memref<1x128x128xf32, #tpu.memory_space<vmem>>
      %gather3A_429 = tpu.memref_squeeze %gather3A_428 : memref<1x128x128xf32, #tpu.memory_space<vmem>> -> memref<128x128xf32, #tpu.memory_space<vmem>>
      %gather3A_430 = tpu.vector_load_idx %gather3A_429[%add3A_233, %broadcast_in_dim3A_424] : memref<128x128xf32, #tpu.memory_space<vmem>>[vector<16xi32>, vector<16xi32>], vector<16xf32>,
      %swap3A_431 = arith.constant 8 : i32
      %swap3A_432 = arith.constant 0 : i32
      %swap3A_433 = tpu.memref_slice %arg13[%swap3A_431, %swap3A_432] : memref<64x128xf32, #tpu.memory_space<vmem>> -> memref<1x128xf32, #tpu.memory_space<vmem>>
      %swap3A_434 = tpu.memref_squeeze %swap3A_433 : memref<1x128xf32, #tpu.memory_space<vmem>> -> memref<128xf32, #tpu.memory_space<vmem>>
      %swap3A_435 = arith.index_cast %mul3A_221 : i32 to index
      %swap3A_436 = tpu.vector_load %swap3A_434[%swap3A_435] {strides = array<i32>} : memref<128xf32, #tpu.memory_space<vmem>>, vector<16xf32>,
      tpu.vector_store %swap3A_434[%swap3A_435], %gather3A_430 {strides = array<i32>} : memref<128xf32, #tpu.memory_space<vmem>>, vector<16xf32>,
      %add3A_437 = arith.constant 8 : i32
      %add3A_438 = vector.broadcast %add3A_437 : i32 to vector<16xi32>
      %add3A_439 = arith.addi %mul3A_229, %add3A_438 : vector<16xi32>
      %gather3A_440 = tpu.vector_load_idx %arg11[%add3A_439] : memref<6400xf32, #tpu.memory_space<vmem>>[vector<16xi32>], vector<16xf32>,
      %swap3A_441 = arith.constant 40 : i32
      %swap3A_442 = arith.constant 0 : i32
      %swap3A_443 = tpu.memref_slice %arg13[%swap3A_441, %swap3A_442] : memref<64x128xf32, #tpu.memory_space<vmem>> -> memref<1x128xf32, #tpu.memory_space<vmem>>
      %swap3A_444 = tpu.memref_squeeze %swap3A_443 : memref<1x128xf32, #tpu.memory_space<vmem>> -> memref<128xf32, #tpu.memory_space<vmem>>
      %swap3A_445 = arith.index_cast %mul3A_221 : i32 to index
      %swap3A_446 = tpu.vector_load %swap3A_444[%swap3A_445] {strides = array<i32>} : memref<128xf32, #tpu.memory_space<vmem>>, vector<16xf32>,
      tpu.vector_store %swap3A_444[%swap3A_445], %gather3A_440 {strides = array<i32>} : memref<128xf32, #tpu.memory_space<vmem>>, vector<16xf32>,
      %broadcast_in_dim3A_447 = arith.constant 9 : i32
      %broadcast_in_dim3A_448 = vector.broadcast %broadcast_in_dim3A_447 : i32 to vector<16xi32>
      %gather3A_449 = arith.constant 3 : i32
      %gather3A_450 = arith.constant 0 : i32
      %gather3A_451 = arith.constant 0 : i32
      %gather3A_452 = tpu.memref_slice %arg12[%gather3A_449, %gather3A_450, %gather3A_451] : memref<4x128x128xf32, #tpu.memory_space<vmem>> -> memref<1x128x128xf32, #tpu.memory_space<vmem>>
      %gather3A_453 = tpu.memref_squeeze %gather3A_452 : memref<1x128x128xf32, #tpu.memory_space<vmem>> -> memref<128x128xf32, #tpu.memory_space<vmem>>
      %gather3A_454 = tpu.vector_load_idx %gather3A_453[%add3A_233, %broadcast_in_dim3A_448] : memref<128x128xf32, #tpu.memory_space<vmem>>[vector<16xi32>, vector<16xi32>], vector<16xf32>,
      %swap3A_455 = arith.constant 9 : i32
      %swap3A_456 = arith.constant 0 : i32
      %swap3A_457 = tpu.memref_slice %arg13[%swap3A_455, %swap3A_456] : memref<64x128xf32, #tpu.memory_space<vmem>> -> memref<1x128xf32, #tpu.memory_space<vmem>>
      %swap3A_458 = tpu.memref_squeeze %swap3A_457 : memref<1x128xf32, #tpu.memory_space<vmem>> -> memref<128xf32, #tpu.memory_space<vmem>>
      %swap3A_459 = arith.index_cast %mul3A_221 : i32 to index
      %swap3A_460 = tpu.vector_load %swap3A_458[%swap3A_459] {strides = array<i32>} : memref<128xf32, #tpu.memory_space<vmem>>, vector<16xf32>,
      tpu.vector_store %swap3A_458[%swap3A_459], %gather3A_454 {strides = array<i32>} : memref<128xf32, #tpu.memory_space<vmem>>, vector<16xf32>,
      %add3A_461 = arith.constant 9 : i32
      %add3A_462 = vector.broadcast %add3A_461 : i32 to vector<16xi32>
      %add3A_463 = arith.addi %mul3A_229, %add3A_462 : vector<16xi32>
      %gather3A_464 = tpu.vector_load_idx %arg11[%add3A_463] : memref<6400xf32, #tpu.memory_space<vmem>>[vector<16xi32>], vector<16xf32>,
      %swap3A_465 = arith.constant 41 : i32
      %swap3A_466 = arith.constant 0 : i32
      %swap3A_467 = tpu.memref_slice %arg13[%swap3A_465, %swap3A_466] : memref<64x128xf32, #tpu.memory_space<vmem>> -> memref<1x128xf32, #tpu.memory_space<vmem>>
      %swap3A_468 = tpu.memref_squeeze %swap3A_467 : memref<1x128xf32, #tpu.memory_space<vmem>> -> memref<128xf32, #tpu.memory_space<vmem>>
      %swap3A_469 = arith.index_cast %mul3A_221 : i32 to index
      %swap3A_470 = tpu.vector_load %swap3A_468[%swap3A_469] {strides = array<i32>} : memref<128xf32, #tpu.memory_space<vmem>>, vector<16xf32>,
      tpu.vector_store %swap3A_468[%swap3A_469], %gather3A_464 {strides = array<i32>} : memref<128xf32, #tpu.memory_space<vmem>>, vector<16xf32>,
      %broadcast_in_dim3A_471 = arith.constant 10 : i32
      %broadcast_in_dim3A_472 = vector.broadcast %broadcast_in_dim3A_471 : i32 to vector<16xi32>
      %gather3A_473 = arith.constant 3 : i32
      %gather3A_474 = arith.constant 0 : i32
      %gather3A_475 = arith.constant 0 : i32
      %gather3A_476 = tpu.memref_slice %arg12[%gather3A_473, %gather3A_474, %gather3A_475] : memref<4x128x128xf32, #tpu.memory_space<vmem>> -> memref<1x128x128xf32, #tpu.memory_space<vmem>>
      %gather3A_477 = tpu.memref_squeeze %gather3A_476 : memref<1x128x128xf32, #tpu.memory_space<vmem>> -> memref<128x128xf32, #tpu.memory_space<vmem>>
      %gather3A_478 = tpu.vector_load_idx %gather3A_477[%add3A_233, %broadcast_in_dim3A_472] : memref<128x128xf32, #tpu.memory_space<vmem>>[vector<16xi32>, vector<16xi32>], vector<16xf32>,
      %swap3A_479 = arith.constant 10 : i32
      %swap3A_480 = arith.constant 0 : i32
      %swap3A_481 = tpu.memref_slice %arg13[%swap3A_479, %swap3A_480] : memref<64x128xf32, #tpu.memory_space<vmem>> -> memref<1x128xf32, #tpu.memory_space<vmem>>
      %swap3A_482 = tpu.memref_squeeze %swap3A_481 : memref<1x128xf32, #tpu.memory_space<vmem>> -> memref<128xf32, #tpu.memory_space<vmem>>
      %swap3A_483 = arith.index_cast %mul3A_221 : i32 to index
      %swap3A_484 = tpu.vector_load %swap3A_482[%swap3A_483] {strides = array<i32>} : memref<128xf32, #tpu.memory_space<vmem>>, vector<16xf32>,
      tpu.vector_store %swap3A_482[%swap3A_483], %gather3A_478 {strides = array<i32>} : memref<128xf32, #tpu.memory_space<vmem>>, vector<16xf32>,
      %add3A_485 = arith.constant 10 : i32
      %add3A_486 = vector.broadcast %add3A_485 : i32 to vector<16xi32>
      %add3A_487 = arith.addi %mul3A_229, %add3A_486 : vector<16xi32>
      %gather3A_488 = tpu.vector_load_idx %arg11[%add3A_487] : memref<6400xf32, #tpu.memory_space<vmem>>[vector<16xi32>], vector<16xf32>,
      %swap3A_489 = arith.constant 42 : i32
      %swap3A_490 = arith.constant 0 : i32
      %swap3A_491 = tpu.memref_slice %arg13[%swap3A_489, %swap3A_490] : memref<64x128xf32, #tpu.memory_space<vmem>> -> memref<1x128xf32, #tpu.memory_space<vmem>>
      %swap3A_492 = tpu.memref_squeeze %swap3A_491 : memref<1x128xf32, #tpu.memory_space<vmem>> -> memref<128xf32, #tpu.memory_space<vmem>>
      %swap3A_493 = arith.index_cast %mul3A_221 : i32 to index
      %swap3A_494 = tpu.vector_load %swap3A_492[%swap3A_493] {strides = array<i32>} : memref<128xf32, #tpu.memory_space<vmem>>, vector<16xf32>,
      tpu.vector_store %swap3A_492[%swap3A_493], %gather3A_488 {strides = array<i32>} : memref<128xf32, #tpu.memory_space<vmem>>, vector<16xf32>,
      %broadcast_in_dim3A_495 = arith.constant 11 : i32
      %broadcast_in_dim3A_496 = vector.broadcast %broadcast_in_dim3A_495 : i32 to vector<16xi32>
      %gather3A_497 = arith.constant 3 : i32
      %gather3A_498 = arith.constant 0 : i32
      %gather3A_499 = arith.constant 0 : i32
      %gather3A_500 = tpu.memref_slice %arg12[%gather3A_497, %gather3A_498, %gather3A_499] : memref<4x128x128xf32, #tpu.memory_space<vmem>> -> memref<1x128x128xf32, #tpu.memory_space<vmem>>
      %gather3A_501 = tpu.memref_squeeze %gather3A_500 : memref<1x128x128xf32, #tpu.memory_space<vmem>> -> memref<128x128xf32, #tpu.memory_space<vmem>>
      %gather3A_502 = tpu.vector_load_idx %gather3A_501[%add3A_233, %broadcast_in_dim3A_496] : memref<128x128xf32, #tpu.memory_space<vmem>>[vector<16xi32>, vector<16xi32>], vector<16xf32>,
      %swap3A_503 = arith.constant 11 : i32
      %swap3A_504 = arith.constant 0 : i32
      %swap3A_505 = tpu.memref_slice %arg13[%swap3A_503, %swap3A_504] : memref<64x128xf32, #tpu.memory_space<vmem>> -> memref<1x128xf32, #tpu.memory_space<vmem>>
      %swap3A_506 = tpu.memref_squeeze %swap3A_505 : memref<1x128xf32, #tpu.memory_space<vmem>> -> memref<128xf32, #tpu.memory_space<vmem>>
      %swap3A_507 = arith.index_cast %mul3A_221 : i32 to index
      %swap3A_508 = tpu.vector_load %swap3A_506[%swap3A_507] {strides = array<i32>} : memref<128xf32, #tpu.memory_space<vmem>>, vector<16xf32>,
      tpu.vector_store %swap3A_506[%swap3A_507], %gather3A_502 {strides = array<i32>} : memref<128xf32, #tpu.memory_space<vmem>>, vector<16xf32>,
      %add3A_509 = arith.constant 11 : i32
      %add3A_510 = vector.broadcast %add3A_509 : i32 to vector<16xi32>
      %add3A_511 = arith.addi %mul3A_229, %add3A_510 : vector<16xi32>
      %gather3A_512 = tpu.vector_load_idx %arg11[%add3A_511] : memref<6400xf32, #tpu.memory_space<vmem>>[vector<16xi32>], vector<16xf32>,
      %swap3A_513 = arith.constant 43 : i32
      %swap3A_514 = arith.constant 0 : i32
      %swap3A_515 = tpu.memref_slice %arg13[%swap3A_513, %swap3A_514] : memref<64x128xf32, #tpu.memory_space<vmem>> -> memref<1x128xf32, #tpu.memory_space<vmem>>
      %swap3A_516 = tpu.memref_squeeze %swap3A_515 : memref<1x128xf32, #tpu.memory_space<vmem>> -> memref<128xf32, #tpu.memory_space<vmem>>
      %swap3A_517 = arith.index_cast %mul3A_221 : i32 to index
      %swap3A_518 = tpu.vector_load %swap3A_516[%swap3A_517] {strides = array<i32>} : memref<128xf32, #tpu.memory_space<vmem>>, vector<16xf32>,
      tpu.vector_store %swap3A_516[%swap3A_517], %gather3A_512 {strides = array<i32>} : memref<128xf32, #tpu.memory_space<vmem>>, vector<16xf32>,
      %broadcast_in_dim3A_519 = arith.constant 12 : i32
      %broadcast_in_dim3A_520 = vector.broadcast %broadcast_in_dim3A_519 : i32 to vector<16xi32>
      %gather3A_521 = arith.constant 3 : i32
      %gather3A_522 = arith.constant 0 : i32
      %gather3A_523 = arith.constant 0 : i32
      %gather3A_524 = tpu.memref_slice %arg12[%gather3A_521, %gather3A_522, %gather3A_523] : memref<4x128x128xf32, #tpu.memory_space<vmem>> -> memref<1x128x128xf32, #tpu.memory_space<vmem>>
      %gather3A_525 = tpu.memref_squeeze %gather3A_524 : memref<1x128x128xf32, #tpu.memory_space<vmem>> -> memref<128x128xf32, #tpu.memory_space<vmem>>
      %gather3A_526 = tpu.vector_load_idx %gather3A_525[%add3A_233, %broadcast_in_dim3A_520] : memref<128x128xf32, #tpu.memory_space<vmem>>[vector<16xi32>, vector<16xi32>], vector<16xf32>,
      %swap3A_527 = arith.constant 12 : i32
      %swap3A_528 = arith.constant 0 : i32
      %swap3A_529 = tpu.memref_slice %arg13[%swap3A_527, %swap3A_528] : memref<64x128xf32, #tpu.memory_space<vmem>> -> memref<1x128xf32, #tpu.memory_space<vmem>>
      %swap3A_530 = tpu.memref_squeeze %swap3A_529 : memref<1x128xf32, #tpu.memory_space<vmem>> -> memref<128xf32, #tpu.memory_space<vmem>>
      %swap3A_531 = arith.index_cast %mul3A_221 : i32 to index
      %swap3A_532 = tpu.vector_load %swap3A_530[%swap3A_531] {strides = array<i32>} : memref<128xf32, #tpu.memory_space<vmem>>, vector<16xf32>,
      tpu.vector_store %swap3A_530[%swap3A_531], %gather3A_526 {strides = array<i32>} : memref<128xf32, #tpu.memory_space<vmem>>, vector<16xf32>,
      %add3A_533 = arith.constant 12 : i32
      %add3A_534 = vector.broadcast %add3A_533 : i32 to vector<16xi32>
      %add3A_535 = arith.addi %mul3A_229, %add3A_534 : vector<16xi32>
      %gather3A_536 = tpu.vector_load_idx %arg11[%add3A_535] : memref<6400xf32, #tpu.memory_space<vmem>>[vector<16xi32>], vector<16xf32>,
      %swap3A_537 = arith.constant 44 : i32
      %swap3A_538 = arith.constant 0 : i32
      %swap3A_539 = tpu.memref_slice %arg13[%swap3A_537, %swap3A_538] : memref<64x128xf32, #tpu.memory_space<vmem>> -> memref<1x128xf32, #tpu.memory_space<vmem>>
      %swap3A_540 = tpu.memref_squeeze %swap3A_539 : memref<1x128xf32, #tpu.memory_space<vmem>> -> memref<128xf32, #tpu.memory_space<vmem>>
      %swap3A_541 = arith.index_cast %mul3A_221 : i32 to index
      %swap3A_542 = tpu.vector_load %swap3A_540[%swap3A_541] {strides = array<i32>} : memref<128xf32, #tpu.memory_space<vmem>>, vector<16xf32>,
      tpu.vector_store %swap3A_540[%swap3A_541], %gather3A_536 {strides = array<i32>} : memref<128xf32, #tpu.memory_space<vmem>>, vector<16xf32>,
      %broadcast_in_dim3A_543 = arith.constant 13 : i32
      %broadcast_in_dim3A_544 = vector.broadcast %broadcast_in_dim3A_543 : i32 to vector<16xi32>
      %gather3A_545 = arith.constant 3 : i32
      %gather3A_546 = arith.constant 0 : i32
      %gather3A_547 = arith.constant 0 : i32
      %gather3A_548 = tpu.memref_slice %arg12[%gather3A_545, %gather3A_546, %gather3A_547] : memref<4x128x128xf32, #tpu.memory_space<vmem>> -> memref<1x128x128xf32, #tpu.memory_space<vmem>>
      %gather3A_549 = tpu.memref_squeeze %gather3A_548 : memref<1x128x128xf32, #tpu.memory_space<vmem>> -> memref<128x128xf32, #tpu.memory_space<vmem>>
      %gather3A_550 = tpu.vector_load_idx %gather3A_549[%add3A_233, %broadcast_in_dim3A_544] : memref<128x128xf32, #tpu.memory_space<vmem>>[vector<16xi32>, vector<16xi32>], vector<16xf32>,
      %swap3A_551 = arith.constant 13 : i32
      %swap3A_552 = arith.constant 0 : i32
      %swap3A_553 = tpu.memref_slice %arg13[%swap3A_551, %swap3A_552] : memref<64x128xf32, #tpu.memory_space<vmem>> -> memref<1x128xf32, #tpu.memory_space<vmem>>
      %swap3A_554 = tpu.memref_squeeze %swap3A_553 : memref<1x128xf32, #tpu.memory_space<vmem>> -> memref<128xf32, #tpu.memory_space<vmem>>
      %swap3A_555 = arith.index_cast %mul3A_221 : i32 to index
      %swap3A_556 = tpu.vector_load %swap3A_554[%swap3A_555] {strides = array<i32>} : memref<128xf32, #tpu.memory_space<vmem>>, vector<16xf32>,
      tpu.vector_store %swap3A_554[%swap3A_555], %gather3A_550 {strides = array<i32>} : memref<128xf32, #tpu.memory_space<vmem>>, vector<16xf32>,
      %add3A_557 = arith.constant 13 : i32
      %add3A_558 = vector.broadcast %add3A_557 : i32 to vector<16xi32>
      %add3A_559 = arith.addi %mul3A_229, %add3A_558 : vector<16xi32>
      %gather3A_560 = tpu.vector_load_idx %arg11[%add3A_559] : memref<6400xf32, #tpu.memory_space<vmem>>[vector<16xi32>], vector<16xf32>,
      %swap3A_561 = arith.constant 45 : i32
      %swap3A_562 = arith.constant 0 : i32
      %swap3A_563 = tpu.memref_slice %arg13[%swap3A_561, %swap3A_562] : memref<64x128xf32, #tpu.memory_space<vmem>> -> memref<1x128xf32, #tpu.memory_space<vmem>>
      %swap3A_564 = tpu.memref_squeeze %swap3A_563 : memref<1x128xf32, #tpu.memory_space<vmem>> -> memref<128xf32, #tpu.memory_space<vmem>>
      %swap3A_565 = arith.index_cast %mul3A_221 : i32 to index
      %swap3A_566 = tpu.vector_load %swap3A_564[%swap3A_565] {strides = array<i32>} : memref<128xf32, #tpu.memory_space<vmem>>, vector<16xf32>,
      tpu.vector_store %swap3A_564[%swap3A_565], %gather3A_560 {strides = array<i32>} : memref<128xf32, #tpu.memory_space<vmem>>, vector<16xf32>,
      %broadcast_in_dim3A_567 = arith.constant 14 : i32
      %broadcast_in_dim3A_568 = vector.broadcast %broadcast_in_dim3A_567 : i32 to vector<16xi32>
      %gather3A_569 = arith.constant 3 : i32
      %gather3A_570 = arith.constant 0 : i32
      %gather3A_571 = arith.constant 0 : i32
      %gather3A_572 = tpu.memref_slice %arg12[%gather3A_569, %gather3A_570, %gather3A_571] : memref<4x128x128xf32, #tpu.memory_space<vmem>> -> memref<1x128x128xf32, #tpu.memory_space<vmem>>
      %gather3A_573 = tpu.memref_squeeze %gather3A_572 : memref<1x128x128xf32, #tpu.memory_space<vmem>> -> memref<128x128xf32, #tpu.memory_space<vmem>>
      %gather3A_574 = tpu.vector_load_idx %gather3A_573[%add3A_233, %broadcast_in_dim3A_568] : memref<128x128xf32, #tpu.memory_space<vmem>>[vector<16xi32>, vector<16xi32>], vector<16xf32>,
      %swap3A_575 = arith.constant 14 : i32
      %swap3A_576 = arith.constant 0 : i32
      %swap3A_577 = tpu.memref_slice %arg13[%swap3A_575, %swap3A_576] : memref<64x128xf32, #tpu.memory_space<vmem>> -> memref<1x128xf32, #tpu.memory_space<vmem>>
      %swap3A_578 = tpu.memref_squeeze %swap3A_577 : memref<1x128xf32, #tpu.memory_space<vmem>> -> memref<128xf32, #tpu.memory_space<vmem>>
      %swap3A_579 = arith.index_cast %mul3A_221 : i32 to index
      %swap3A_580 = tpu.vector_load %swap3A_578[%swap3A_579] {strides = array<i32>} : memref<128xf32, #tpu.memory_space<vmem>>, vector<16xf32>,
      tpu.vector_store %swap3A_578[%swap3A_579], %gather3A_574 {strides = array<i32>} : memref<128xf32, #tpu.memory_space<vmem>>, vector<16xf32>,
      %add3A_581 = arith.constant 14 : i32
      %add3A_582 = vector.broadcast %add3A_581 : i32 to vector<16xi32>
      %add3A_583 = arith.addi %mul3A_229, %add3A_582 : vector<16xi32>
      %gather3A_584 = tpu.vector_load_idx %arg11[%add3A_583] : memref<6400xf32, #tpu.memory_space<vmem>>[vector<16xi32>], vector<16xf32>,
      %swap3A_585 = arith.constant 46 : i32
      %swap3A_586 = arith.constant 0 : i32
      %swap3A_587 = tpu.memref_slice %arg13[%swap3A_585, %swap3A_586] : memref<64x128xf32, #tpu.memory_space<vmem>> -> memref<1x128xf32, #tpu.memory_space<vmem>>
      %swap3A_588 = tpu.memref_squeeze %swap3A_587 : memref<1x128xf32, #tpu.memory_space<vmem>> -> memref<128xf32, #tpu.memory_space<vmem>>
      %swap3A_589 = arith.index_cast %mul3A_221 : i32 to index
      %swap3A_590 = tpu.vector_load %swap3A_588[%swap3A_589] {strides = array<i32>} : memref<128xf32, #tpu.memory_space<vmem>>, vector<16xf32>,
      tpu.vector_store %swap3A_588[%swap3A_589], %gather3A_584 {strides = array<i32>} : memref<128xf32, #tpu.memory_space<vmem>>, vector<16xf32>,
      %broadcast_in_dim3A_591 = arith.constant 15 : i32
      %broadcast_in_dim3A_592 = vector.broadcast %broadcast_in_dim3A_591 : i32 to vector<16xi32>
      %gather3A_593 = arith.constant 3 : i32
      %gather3A_594 = arith.constant 0 : i32
      %gather3A_595 = arith.constant 0 : i32
      %gather3A_596 = tpu.memref_slice %arg12[%gather3A_593, %gather3A_594, %gather3A_595] : memref<4x128x128xf32, #tpu.memory_space<vmem>> -> memref<1x128x128xf32, #tpu.memory_space<vmem>>
      %gather3A_597 = tpu.memref_squeeze %gather3A_596 : memref<1x128x128xf32, #tpu.memory_space<vmem>> -> memref<128x128xf32, #tpu.memory_space<vmem>>
      %gather3A_598 = tpu.vector_load_idx %gather3A_597[%add3A_233, %broadcast_in_dim3A_592] : memref<128x128xf32, #tpu.memory_space<vmem>>[vector<16xi32>, vector<16xi32>], vector<16xf32>,
      %swap3A_599 = arith.constant 15 : i32
      %swap3A_600 = arith.constant 0 : i32
      %swap3A_601 = tpu.memref_slice %arg13[%swap3A_599, %swap3A_600] : memref<64x128xf32, #tpu.memory_space<vmem>> -> memref<1x128xf32, #tpu.memory_space<vmem>>
      %swap3A_602 = tpu.memref_squeeze %swap3A_601 : memref<1x128xf32, #tpu.memory_space<vmem>> -> memref<128xf32, #tpu.memory_space<vmem>>
      %swap3A_603 = arith.index_cast %mul3A_221 : i32 to index
      %swap3A_604 = tpu.vector_load %swap3A_602[%swap3A_603] {strides = array<i32>} : memref<128xf32, #tpu.memory_space<vmem>>, vector<16xf32>,
      tpu.vector_store %swap3A_602[%swap3A_603], %gather3A_598 {strides = array<i32>} : memref<128xf32, #tpu.memory_space<vmem>>, vector<16xf32>,
      %add3A_605 = arith.constant 15 : i32
      %add3A_606 = vector.broadcast %add3A_605 : i32 to vector<16xi32>
      %add3A_607 = arith.addi %mul3A_229, %add3A_606 : vector<16xi32>
      %gather3A_608 = tpu.vector_load_idx %arg11[%add3A_607] : memref<6400xf32, #tpu.memory_space<vmem>>[vector<16xi32>], vector<16xf32>,
      %swap3A_609 = arith.constant 47 : i32
      %swap3A_610 = arith.constant 0 : i32
      %swap3A_611 = tpu.memref_slice %arg13[%swap3A_609, %swap3A_610] : memref<64x128xf32, #tpu.memory_space<vmem>> -> memref<1x128xf32, #tpu.memory_space<vmem>>
      %swap3A_612 = tpu.memref_squeeze %swap3A_611 : memref<1x128xf32, #tpu.memory_space<vmem>> -> memref<128xf32, #tpu.memory_space<vmem>>
      %swap3A_613 = arith.index_cast %mul3A_221 : i32 to index
      %swap3A_614 = tpu.vector_load %swap3A_612[%swap3A_613] {strides = array<i32>} : memref<128xf32, #tpu.memory_space<vmem>>, vector<16xf32>,
      tpu.vector_store %swap3A_612[%swap3A_613], %gather3A_608 {strides = array<i32>} : memref<128xf32, #tpu.memory_space<vmem>>, vector<16xf32>,
      %broadcast_in_dim3A_615 = arith.constant 16 : i32
      %broadcast_in_dim3A_616 = vector.broadcast %broadcast_in_dim3A_615 : i32 to vector<16xi32>
      %gather3A_617 = arith.constant 3 : i32
      %gather3A_618 = arith.constant 0 : i32
      %gather3A_619 = arith.constant 0 : i32
      %gather3A_620 = tpu.memref_slice %arg12[%gather3A_617, %gather3A_618, %gather3A_619] : memref<4x128x128xf32, #tpu.memory_space<vmem>> -> memref<1x128x128xf32, #tpu.memory_space<vmem>>
      %gather3A_621 = tpu.memref_squeeze %gather3A_620 : memref<1x128x128xf32, #tpu.memory_space<vmem>> -> memref<128x128xf32, #tpu.memory_space<vmem>>
      %gather3A_622 = tpu.vector_load_idx %gather3A_621[%add3A_233, %broadcast_in_dim3A_616] : memref<128x128xf32, #tpu.memory_space<vmem>>[vector<16xi32>, vector<16xi32>], vector<16xf32>,
      %swap3A_623 = arith.constant 16 : i32
      %swap3A_624 = arith.constant 0 : i32
      %swap3A_625 = tpu.memref_slice %arg13[%swap3A_623, %swap3A_624] : memref<64x128xf32, #tpu.memory_space<vmem>> -> memref<1x128xf32, #tpu.memory_space<vmem>>
      %swap3A_626 = tpu.memref_squeeze %swap3A_625 : memref<1x128xf32, #tpu.memory_space<vmem>> -> memref<128xf32, #tpu.memory_space<vmem>>
      %swap3A_627 = arith.index_cast %mul3A_221 : i32 to index
      %swap3A_628 = tpu.vector_load %swap3A_626[%swap3A_627] {strides = array<i32>} : memref<128xf32, #tpu.memory_space<vmem>>, vector<16xf32>,
      tpu.vector_store %swap3A_626[%swap3A_627], %gather3A_622 {strides = array<i32>} : memref<128xf32, #tpu.memory_space<vmem>>, vector<16xf32>,
      %add3A_629 = arith.constant 16 : i32
      %add3A_630 = vector.broadcast %add3A_629 : i32 to vector<16xi32>
      %add3A_631 = arith.addi %mul3A_229, %add3A_630 : vector<16xi32>
      %gather3A_632 = tpu.vector_load_idx %arg11[%add3A_631] : memref<6400xf32, #tpu.memory_space<vmem>>[vector<16xi32>], vector<16xf32>,
      %swap3A_633 = arith.constant 48 : i32
      %swap3A_634 = arith.constant 0 : i32
      %swap3A_635 = tpu.memref_slice %arg13[%swap3A_633, %swap3A_634] : memref<64x128xf32, #tpu.memory_space<vmem>> -> memref<1x128xf32, #tpu.memory_space<vmem>>
      %swap3A_636 = tpu.memref_squeeze %swap3A_635 : memref<1x128xf32, #tpu.memory_space<vmem>> -> memref<128xf32, #tpu.memory_space<vmem>>
      %swap3A_637 = arith.index_cast %mul3A_221 : i32 to index
      %swap3A_638 = tpu.vector_load %swap3A_636[%swap3A_637] {strides = array<i32>} : memref<128xf32, #tpu.memory_space<vmem>>, vector<16xf32>,
      tpu.vector_store %swap3A_636[%swap3A_637], %gather3A_632 {strides = array<i32>} : memref<128xf32, #tpu.memory_space<vmem>>, vector<16xf32>,
      %broadcast_in_dim3A_639 = arith.constant 17 : i32
      %broadcast_in_dim3A_640 = vector.broadcast %broadcast_in_dim3A_639 : i32 to vector<16xi32>
      %gather3A_641 = arith.constant 3 : i32
      %gather3A_642 = arith.constant 0 : i32
      %gather3A_643 = arith.constant 0 : i32
      %gather3A_644 = tpu.memref_slice %arg12[%gather3A_641, %gather3A_642, %gather3A_643] : memref<4x128x128xf32, #tpu.memory_space<vmem>> -> memref<1x128x128xf32, #tpu.memory_space<vmem>>
      %gather3A_645 = tpu.memref_squeeze %gather3A_644 : memref<1x128x128xf32, #tpu.memory_space<vmem>> -> memref<128x128xf32, #tpu.memory_space<vmem>>
      %gather3A_646 = tpu.vector_load_idx %gather3A_645[%add3A_233, %broadcast_in_dim3A_640] : memref<128x128xf32, #tpu.memory_space<vmem>>[vector<16xi32>, vector<16xi32>], vector<16xf32>,
      %swap3A_647 = arith.constant 17 : i32
      %swap3A_648 = arith.constant 0 : i32
      %swap3A_649 = tpu.memref_slice %arg13[%swap3A_647, %swap3A_648] : memref<64x128xf32, #tpu.memory_space<vmem>> -> memref<1x128xf32, #tpu.memory_space<vmem>>
      %swap3A_650 = tpu.memref_squeeze %swap3A_649 : memref<1x128xf32, #tpu.memory_space<vmem>> -> memref<128xf32, #tpu.memory_space<vmem>>
      %swap3A_651 = arith.index_cast %mul3A_221 : i32 to index
      %swap3A_652 = tpu.vector_load %swap3A_650[%swap3A_651] {strides = array<i32>} : memref<128xf32, #tpu.memory_space<vmem>>, vector<16xf32>,
      tpu.vector_store %swap3A_650[%swap3A_651], %gather3A_646 {strides = array<i32>} : memref<128xf32, #tpu.memory_space<vmem>>, vector<16xf32>,
      %add3A_653 = arith.constant 17 : i32
      %add3A_654 = vector.broadcast %add3A_653 : i32 to vector<16xi32>
      %add3A_655 = arith.addi %mul3A_229, %add3A_654 : vector<16xi32>
      %gather3A_656 = tpu.vector_load_idx %arg11[%add3A_655] : memref<6400xf32, #tpu.memory_space<vmem>>[vector<16xi32>], vector<16xf32>,
      %swap3A_657 = arith.constant 49 : i32
      %swap3A_658 = arith.constant 0 : i32
      %swap3A_659 = tpu.memref_slice %arg13[%swap3A_657, %swap3A_658] : memref<64x128xf32, #tpu.memory_space<vmem>> -> memref<1x128xf32, #tpu.memory_space<vmem>>
      %swap3A_660 = tpu.memref_squeeze %swap3A_659 : memref<1x128xf32, #tpu.memory_space<vmem>> -> memref<128xf32, #tpu.memory_space<vmem>>
      %swap3A_661 = arith.index_cast %mul3A_221 : i32 to index
      %swap3A_662 = tpu.vector_load %swap3A_660[%swap3A_661] {strides = array<i32>} : memref<128xf32, #tpu.memory_space<vmem>>, vector<16xf32>,
      tpu.vector_store %swap3A_660[%swap3A_661], %gather3A_656 {strides = array<i32>} : memref<128xf32, #tpu.memory_space<vmem>>, vector<16xf32>,
      %broadcast_in_dim3A_663 = arith.constant 18 : i32
      %broadcast_in_dim3A_664 = vector.broadcast %broadcast_in_dim3A_663 : i32 to vector<16xi32>
      %gather3A_665 = arith.constant 3 : i32
      %gather3A_666 = arith.constant 0 : i32
      %gather3A_667 = arith.constant 0 : i32
      %gather3A_668 = tpu.memref_slice %arg12[%gather3A_665, %gather3A_666, %gather3A_667] : memref<4x128x128xf32, #tpu.memory_space<vmem>> -> memref<1x128x128xf32, #tpu.memory_space<vmem>>
      %gather3A_669 = tpu.memref_squeeze %gather3A_668 : memref<1x128x128xf32, #tpu.memory_space<vmem>> -> memref<128x128xf32, #tpu.memory_space<vmem>>
      %gather3A_670 = tpu.vector_load_idx %gather3A_669[%add3A_233, %broadcast_in_dim3A_664] : memref<128x128xf32, #tpu.memory_space<vmem>>[vector<16xi32>, vector<16xi32>], vector<16xf32>,
      %swap3A_671 = arith.constant 18 : i32
      %swap3A_672 = arith.constant 0 : i32
      %swap3A_673 = tpu.memref_slice %arg13[%swap3A_671, %swap3A_672] : memref<64x128xf32, #tpu.memory_space<vmem>> -> memref<1x128xf32, #tpu.memory_space<vmem>>
      %swap3A_674 = tpu.memref_squeeze %swap3A_673 : memref<1x128xf32, #tpu.memory_space<vmem>> -> memref<128xf32, #tpu.memory_space<vmem>>
      %swap3A_675 = arith.index_cast %mul3A_221 : i32 to index
      %swap3A_676 = tpu.vector_load %swap3A_674[%swap3A_675] {strides = array<i32>} : memref<128xf32, #tpu.memory_space<vmem>>, vector<16xf32>,
      tpu.vector_store %swap3A_674[%swap3A_675], %gather3A_670 {strides = array<i32>} : memref<128xf32, #tpu.memory_space<vmem>>, vector<16xf32>,
      %add3A_677 = arith.constant 18 : i32
      %add3A_678 = vector.broadcast %add3A_677 : i32 to vector<16xi32>
      %add3A_679 = arith.addi %mul3A_229, %add3A_678 : vector<16xi32>
      %gather3A_680 = tpu.vector_load_idx %arg11[%add3A_679] : memref<6400xf32, #tpu.memory_space<vmem>>[vector<16xi32>], vector<16xf32>,
      %swap3A_681 = arith.constant 50 : i32
      %swap3A_682 = arith.constant 0 : i32
      %swap3A_683 = tpu.memref_slice %arg13[%swap3A_681, %swap3A_682] : memref<64x128xf32, #tpu.memory_space<vmem>> -> memref<1x128xf32, #tpu.memory_space<vmem>>
      %swap3A_684 = tpu.memref_squeeze %swap3A_683 : memref<1x128xf32, #tpu.memory_space<vmem>> -> memref<128xf32, #tpu.memory_space<vmem>>
      %swap3A_685 = arith.index_cast %mul3A_221 : i32 to index
      %swap3A_686 = tpu.vector_load %swap3A_684[%swap3A_685] {strides = array<i32>} : memref<128xf32, #tpu.memory_space<vmem>>, vector<16xf32>,
      tpu.vector_store %swap3A_684[%swap3A_685], %gather3A_680 {strides = array<i32>} : memref<128xf32, #tpu.memory_space<vmem>>, vector<16xf32>,
      %broadcast_in_dim3A_687 = arith.constant 19 : i32
      %broadcast_in_dim3A_688 = vector.broadcast %broadcast_in_dim3A_687 : i32 to vector<16xi32>
      %gather3A_689 = arith.constant 3 : i32
      %gather3A_690 = arith.constant 0 : i32
      %gather3A_691 = arith.constant 0 : i32
      %gather3A_692 = tpu.memref_slice %arg12[%gather3A_689, %gather3A_690, %gather3A_691] : memref<4x128x128xf32, #tpu.memory_space<vmem>> -> memref<1x128x128xf32, #tpu.memory_space<vmem>>
      %gather3A_693 = tpu.memref_squeeze %gather3A_692 : memref<1x128x128xf32, #tpu.memory_space<vmem>> -> memref<128x128xf32, #tpu.memory_space<vmem>>
      %gather3A_694 = tpu.vector_load_idx %gather3A_693[%add3A_233, %broadcast_in_dim3A_688] : memref<128x128xf32, #tpu.memory_space<vmem>>[vector<16xi32>, vector<16xi32>], vector<16xf32>,
      %swap3A_695 = arith.constant 19 : i32
      %swap3A_696 = arith.constant 0 : i32
      %swap3A_697 = tpu.memref_slice %arg13[%swap3A_695, %swap3A_696] : memref<64x128xf32, #tpu.memory_space<vmem>> -> memref<1x128xf32, #tpu.memory_space<vmem>>
      %swap3A_698 = tpu.memref_squeeze %swap3A_697 : memref<1x128xf32, #tpu.memory_space<vmem>> -> memref<128xf32, #tpu.memory_space<vmem>>
      %swap3A_699 = arith.index_cast %mul3A_221 : i32 to index
      %swap3A_700 = tpu.vector_load %swap3A_698[%swap3A_699] {strides = array<i32>} : memref<128xf32, #tpu.memory_space<vmem>>, vector<16xf32>,
      tpu.vector_store %swap3A_698[%swap3A_699], %gather3A_694 {strides = array<i32>} : memref<128xf32, #tpu.memory_space<vmem>>, vector<16xf32>,
      %add3A_701 = arith.constant 19 : i32
      %add3A_702 = vector.broadcast %add3A_701 : i32 to vector<16xi32>
      %add3A_703 = arith.addi %mul3A_229, %add3A_702 : vector<16xi32>
      %gather3A_704 = tpu.vector_load_idx %arg11[%add3A_703] : memref<6400xf32, #tpu.memory_space<vmem>>[vector<16xi32>], vector<16xf32>,
      %swap3A_705 = arith.constant 51 : i32
      %swap3A_706 = arith.constant 0 : i32
      %swap3A_707 = tpu.memref_slice %arg13[%swap3A_705, %swap3A_706] : memref<64x128xf32, #tpu.memory_space<vmem>> -> memref<1x128xf32, #tpu.memory_space<vmem>>
      %swap3A_708 = tpu.memref_squeeze %swap3A_707 : memref<1x128xf32, #tpu.memory_space<vmem>> -> memref<128xf32, #tpu.memory_space<vmem>>
      %swap3A_709 = arith.index_cast %mul3A_221 : i32 to index
      %swap3A_710 = tpu.vector_load %swap3A_708[%swap3A_709] {strides = array<i32>} : memref<128xf32, #tpu.memory_space<vmem>>, vector<16xf32>,
      tpu.vector_store %swap3A_708[%swap3A_709], %gather3A_704 {strides = array<i32>} : memref<128xf32, #tpu.memory_space<vmem>>, vector<16xf32>,
      %broadcast_in_dim3A_711 = arith.constant 20 : i32
      %broadcast_in_dim3A_712 = vector.broadcast %broadcast_in_dim3A_711 : i32 to vector<16xi32>
      %gather3A_713 = arith.constant 3 : i32
      %gather3A_714 = arith.constant 0 : i32
      %gather3A_715 = arith.constant 0 : i32
      %gather3A_716 = tpu.memref_slice %arg12[%gather3A_713, %gather3A_714, %gather3A_715] : memref<4x128x128xf32, #tpu.memory_space<vmem>> -> memref<1x128x128xf32, #tpu.memory_space<vmem>>
      %gather3A_717 = tpu.memref_squeeze %gather3A_716 : memref<1x128x128xf32, #tpu.memory_space<vmem>> -> memref<128x128xf32, #tpu.memory_space<vmem>>
      %gather3A_718 = tpu.vector_load_idx %gather3A_717[%add3A_233, %broadcast_in_dim3A_712] : memref<128x128xf32, #tpu.memory_space<vmem>>[vector<16xi32>, vector<16xi32>], vector<16xf32>,
      %swap3A_719 = arith.constant 20 : i32
      %swap3A_720 = arith.constant 0 : i32
      %swap3A_721 = tpu.memref_slice %arg13[%swap3A_719, %swap3A_720] : memref<64x128xf32, #tpu.memory_space<vmem>> -> memref<1x128xf32, #tpu.memory_space<vmem>>
      %swap3A_722 = tpu.memref_squeeze %swap3A_721 : memref<1x128xf32, #tpu.memory_space<vmem>> -> memref<128xf32, #tpu.memory_space<vmem>>
      %swap3A_723 = arith.index_cast %mul3A_221 : i32 to index
      %swap3A_724 = tpu.vector_load %swap3A_722[%swap3A_723] {strides = array<i32>} : memref<128xf32, #tpu.memory_space<vmem>>, vector<16xf32>,
      tpu.vector_store %swap3A_722[%swap3A_723], %gather3A_718 {strides = array<i32>} : memref<128xf32, #tpu.memory_space<vmem>>, vector<16xf32>,
      %add3A_725 = arith.constant 20 : i32
      %add3A_726 = vector.broadcast %add3A_725 : i32 to vector<16xi32>
      %add3A_727 = arith.addi %mul3A_229, %add3A_726 : vector<16xi32>
      %gather3A_728 = tpu.vector_load_idx %arg11[%add3A_727] : memref<6400xf32, #tpu.memory_space<vmem>>[vector<16xi32>], vector<16xf32>,
      %swap3A_729 = arith.constant 52 : i32
      %swap3A_730 = arith.constant 0 : i32
      %swap3A_731 = tpu.memref_slice %arg13[%swap3A_729, %swap3A_730] : memref<64x128xf32, #tpu.memory_space<vmem>> -> memref<1x128xf32, #tpu.memory_space<vmem>>
      %swap3A_732 = tpu.memref_squeeze %swap3A_731 : memref<1x128xf32, #tpu.memory_space<vmem>> -> memref<128xf32, #tpu.memory_space<vmem>>
      %swap3A_733 = arith.index_cast %mul3A_221 : i32 to index
      %swap3A_734 = tpu.vector_load %swap3A_732[%swap3A_733] {strides = array<i32>} : memref<128xf32, #tpu.memory_space<vmem>>, vector<16xf32>,
      tpu.vector_store %swap3A_732[%swap3A_733], %gather3A_728 {strides = array<i32>} : memref<128xf32, #tpu.memory_space<vmem>>, vector<16xf32>,
      %broadcast_in_dim3A_735 = arith.constant 21 : i32
      %broadcast_in_dim3A_736 = vector.broadcast %broadcast_in_dim3A_735 : i32 to vector<16xi32>
      %gather3A_737 = arith.constant 3 : i32
      %gather3A_738 = arith.constant 0 : i32
      %gather3A_739 = arith.constant 0 : i32
      %gather3A_740 = tpu.memref_slice %arg12[%gather3A_737, %gather3A_738, %gather3A_739] : memref<4x128x128xf32, #tpu.memory_space<vmem>> -> memref<1x128x128xf32, #tpu.memory_space<vmem>>
      %gather3A_741 = tpu.memref_squeeze %gather3A_740 : memref<1x128x128xf32, #tpu.memory_space<vmem>> -> memref<128x128xf32, #tpu.memory_space<vmem>>
      %gather3A_742 = tpu.vector_load_idx %gather3A_741[%add3A_233, %broadcast_in_dim3A_736] : memref<128x128xf32, #tpu.memory_space<vmem>>[vector<16xi32>, vector<16xi32>], vector<16xf32>,
      %swap3A_743 = arith.constant 21 : i32
      %swap3A_744 = arith.constant 0 : i32
      %swap3A_745 = tpu.memref_slice %arg13[%swap3A_743, %swap3A_744] : memref<64x128xf32, #tpu.memory_space<vmem>> -> memref<1x128xf32, #tpu.memory_space<vmem>>
      %swap3A_746 = tpu.memref_squeeze %swap3A_745 : memref<1x128xf32, #tpu.memory_space<vmem>> -> memref<128xf32, #tpu.memory_space<vmem>>
      %swap3A_747 = arith.index_cast %mul3A_221 : i32 to index
      %swap3A_748 = tpu.vector_load %swap3A_746[%swap3A_747] {strides = array<i32>} : memref<128xf32, #tpu.memory_space<vmem>>, vector<16xf32>,
      tpu.vector_store %swap3A_746[%swap3A_747], %gather3A_742 {strides = array<i32>} : memref<128xf32, #tpu.memory_space<vmem>>, vector<16xf32>,
      %add3A_749 = arith.constant 21 : i32
      %add3A_750 = vector.broadcast %add3A_749 : i32 to vector<16xi32>
      %add3A_751 = arith.addi %mul3A_229, %add3A_750 : vector<16xi32>
      %gather3A_752 = tpu.vector_load_idx %arg11[%add3A_751] : memref<6400xf32, #tpu.memory_space<vmem>>[vector<16xi32>], vector<16xf32>,
      %swap3A_753 = arith.constant 53 : i32
      %swap3A_754 = arith.constant 0 : i32
      %swap3A_755 = tpu.memref_slice %arg13[%swap3A_753, %swap3A_754] : memref<64x128xf32, #tpu.memory_space<vmem>> -> memref<1x128xf32, #tpu.memory_space<vmem>>
      %swap3A_756 = tpu.memref_squeeze %swap3A_755 : memref<1x128xf32, #tpu.memory_space<vmem>> -> memref<128xf32, #tpu.memory_space<vmem>>
      %swap3A_757 = arith.index_cast %mul3A_221 : i32 to index
      %swap3A_758 = tpu.vector_load %swap3A_756[%swap3A_757] {strides = array<i32>} : memref<128xf32, #tpu.memory_space<vmem>>, vector<16xf32>,
      tpu.vector_store %swap3A_756[%swap3A_757], %gather3A_752 {strides = array<i32>} : memref<128xf32, #tpu.memory_space<vmem>>, vector<16xf32>,
      %broadcast_in_dim3A_759 = arith.constant 22 : i32
      %broadcast_in_dim3A_760 = vector.broadcast %broadcast_in_dim3A_759 : i32 to vector<16xi32>
      %gather3A_761 = arith.constant 3 : i32
      %gather3A_762 = arith.constant 0 : i32
      %gather3A_763 = arith.constant 0 : i32
      %gather3A_764 = tpu.memref_slice %arg12[%gather3A_761, %gather3A_762, %gather3A_763] : memref<4x128x128xf32, #tpu.memory_space<vmem>> -> memref<1x128x128xf32, #tpu.memory_space<vmem>>
      %gather3A_765 = tpu.memref_squeeze %gather3A_764 : memref<1x128x128xf32, #tpu.memory_space<vmem>> -> memref<128x128xf32, #tpu.memory_space<vmem>>
      %gather3A_766 = tpu.vector_load_idx %gather3A_765[%add3A_233, %broadcast_in_dim3A_760] : memref<128x128xf32, #tpu.memory_space<vmem>>[vector<16xi32>, vector<16xi32>], vector<16xf32>,
      %swap3A_767 = arith.constant 22 : i32
      %swap3A_768 = arith.constant 0 : i32
      %swap3A_769 = tpu.memref_slice %arg13[%swap3A_767, %swap3A_768] : memref<64x128xf32, #tpu.memory_space<vmem>> -> memref<1x128xf32, #tpu.memory_space<vmem>>
      %swap3A_770 = tpu.memref_squeeze %swap3A_769 : memref<1x128xf32, #tpu.memory_space<vmem>> -> memref<128xf32, #tpu.memory_space<vmem>>
      %swap3A_771 = arith.index_cast %mul3A_221 : i32 to index
      %swap3A_772 = tpu.vector_load %swap3A_770[%swap3A_771] {strides = array<i32>} : memref<128xf32, #tpu.memory_space<vmem>>, vector<16xf32>,
      tpu.vector_store %swap3A_770[%swap3A_771], %gather3A_766 {strides = array<i32>} : memref<128xf32, #tpu.memory_space<vmem>>, vector<16xf32>,
      %add3A_773 = arith.constant 22 : i32
      %add3A_774 = vector.broadcast %add3A_773 : i32 to vector<16xi32>
      %add3A_775 = arith.addi %mul3A_229, %add3A_774 : vector<16xi32>
      %gather3A_776 = tpu.vector_load_idx %arg11[%add3A_775] : memref<6400xf32, #tpu.memory_space<vmem>>[vector<16xi32>], vector<16xf32>,
      %swap3A_777 = arith.constant 54 : i32
      %swap3A_778 = arith.constant 0 : i32
      %swap3A_779 = tpu.memref_slice %arg13[%swap3A_777, %swap3A_778] : memref<64x128xf32, #tpu.memory_space<vmem>> -> memref<1x128xf32, #tpu.memory_space<vmem>>
      %swap3A_780 = tpu.memref_squeeze %swap3A_779 : memref<1x128xf32, #tpu.memory_space<vmem>> -> memref<128xf32, #tpu.memory_space<vmem>>
      %swap3A_781 = arith.index_cast %mul3A_221 : i32 to index
      %swap3A_782 = tpu.vector_load %swap3A_780[%swap3A_781] {strides = array<i32>} : memref<128xf32, #tpu.memory_space<vmem>>, vector<16xf32>,
      tpu.vector_store %swap3A_780[%swap3A_781], %gather3A_776 {strides = array<i32>} : memref<128xf32, #tpu.memory_space<vmem>>, vector<16xf32>,
      %broadcast_in_dim3A_783 = arith.constant 23 : i32
      %broadcast_in_dim3A_784 = vector.broadcast %broadcast_in_dim3A_783 : i32 to vector<16xi32>
      %gather3A_785 = arith.constant 3 : i32
      %gather3A_786 = arith.constant 0 : i32
      %gather3A_787 = arith.constant 0 : i32
      %gather3A_788 = tpu.memref_slice %arg12[%gather3A_785, %gather3A_786, %gather3A_787] : memref<4x128x128xf32, #tpu.memory_space<vmem>> -> memref<1x128x128xf32, #tpu.memory_space<vmem>>
      %gather3A_789 = tpu.memref_squeeze %gather3A_788 : memref<1x128x128xf32, #tpu.memory_space<vmem>> -> memref<128x128xf32, #tpu.memory_space<vmem>>
      %gather3A_790 = tpu.vector_load_idx %gather3A_789[%add3A_233, %broadcast_in_dim3A_784] : memref<128x128xf32, #tpu.memory_space<vmem>>[vector<16xi32>, vector<16xi32>], vector<16xf32>,
      %swap3A_791 = arith.constant 23 : i32
      %swap3A_792 = arith.constant 0 : i32
      %swap3A_793 = tpu.memref_slice %arg13[%swap3A_791, %swap3A_792] : memref<64x128xf32, #tpu.memory_space<vmem>> -> memref<1x128xf32, #tpu.memory_space<vmem>>
      %swap3A_794 = tpu.memref_squeeze %swap3A_793 : memref<1x128xf32, #tpu.memory_space<vmem>> -> memref<128xf32, #tpu.memory_space<vmem>>
      %swap3A_795 = arith.index_cast %mul3A_221 : i32 to index
      %swap3A_796 = tpu.vector_load %swap3A_794[%swap3A_795] {strides = array<i32>} : memref<128xf32, #tpu.memory_space<vmem>>, vector<16xf32>,
      tpu.vector_store %swap3A_794[%swap3A_795], %gather3A_790 {strides = array<i32>} : memref<128xf32, #tpu.memory_space<vmem>>, vector<16xf32>,
      %add3A_797 = arith.constant 23 : i32
      %add3A_798 = vector.broadcast %add3A_797 : i32 to vector<16xi32>
      %add3A_799 = arith.addi %mul3A_229, %add3A_798 : vector<16xi32>
      %gather3A_800 = tpu.vector_load_idx %arg11[%add3A_799] : memref<6400xf32, #tpu.memory_space<vmem>>[vector<16xi32>], vector<16xf32>,
      %swap3A_801 = arith.constant 55 : i32
      %swap3A_802 = arith.constant 0 : i32
      %swap3A_803 = tpu.memref_slice %arg13[%swap3A_801, %swap3A_802] : memref<64x128xf32, #tpu.memory_space<vmem>> -> memref<1x128xf32, #tpu.memory_space<vmem>>
      %swap3A_804 = tpu.memref_squeeze %swap3A_803 : memref<1x128xf32, #tpu.memory_space<vmem>> -> memref<128xf32, #tpu.memory_space<vmem>>
      %swap3A_805 = arith.index_cast %mul3A_221 : i32 to index
      %swap3A_806 = tpu.vector_load %swap3A_804[%swap3A_805] {strides = array<i32>} : memref<128xf32, #tpu.memory_space<vmem>>, vector<16xf32>,
      tpu.vector_store %swap3A_804[%swap3A_805], %gather3A_800 {strides = array<i32>} : memref<128xf32, #tpu.memory_space<vmem>>, vector<16xf32>,
      %broadcast_in_dim3A_807 = arith.constant 24 : i32
      %broadcast_in_dim3A_808 = vector.broadcast %broadcast_in_dim3A_807 : i32 to vector<16xi32>
      %gather3A_809 = arith.constant 3 : i32
      %gather3A_810 = arith.constant 0 : i32
      %gather3A_811 = arith.constant 0 : i32
      %gather3A_812 = tpu.memref_slice %arg12[%gather3A_809, %gather3A_810, %gather3A_811] : memref<4x128x128xf32, #tpu.memory_space<vmem>> -> memref<1x128x128xf32, #tpu.memory_space<vmem>>
      %gather3A_813 = tpu.memref_squeeze %gather3A_812 : memref<1x128x128xf32, #tpu.memory_space<vmem>> -> memref<128x128xf32, #tpu.memory_space<vmem>>
      %gather3A_814 = tpu.vector_load_idx %gather3A_813[%add3A_233, %broadcast_in_dim3A_808] : memref<128x128xf32, #tpu.memory_space<vmem>>[vector<16xi32>, vector<16xi32>], vector<16xf32>,
      %swap3A_815 = arith.constant 24 : i32
      %swap3A_816 = arith.constant 0 : i32
      %swap3A_817 = tpu.memref_slice %arg13[%swap3A_815, %swap3A_816] : memref<64x128xf32, #tpu.memory_space<vmem>> -> memref<1x128xf32, #tpu.memory_space<vmem>>
      %swap3A_818 = tpu.memref_squeeze %swap3A_817 : memref<1x128xf32, #tpu.memory_space<vmem>> -> memref<128xf32, #tpu.memory_space<vmem>>
      %swap3A_819 = arith.index_cast %mul3A_221 : i32 to index
      %swap3A_820 = tpu.vector_load %swap3A_818[%swap3A_819] {strides = array<i32>} : memref<128xf32, #tpu.memory_space<vmem>>, vector<16xf32>,
      tpu.vector_store %swap3A_818[%swap3A_819], %gather3A_814 {strides = array<i32>} : memref<128xf32, #tpu.memory_space<vmem>>, vector<16xf32>,
      %add3A_821 = arith.constant 24 : i32
      %add3A_822 = vector.broadcast %add3A_821 : i32 to vector<16xi32>
      %add3A_823 = arith.addi %mul3A_229, %add3A_822 : vector<16xi32>
      %gather3A_824 = tpu.vector_load_idx %arg11[%add3A_823] : memref<6400xf32, #tpu.memory_space<vmem>>[vector<16xi32>], vector<16xf32>,
      %swap3A_825 = arith.constant 56 : i32
      %swap3A_826 = arith.constant 0 : i32
      %swap3A_827 = tpu.memref_slice %arg13[%swap3A_825, %swap3A_826] : memref<64x128xf32, #tpu.memory_space<vmem>> -> memref<1x128xf32, #tpu.memory_space<vmem>>
      %swap3A_828 = tpu.memref_squeeze %swap3A_827 : memref<1x128xf32, #tpu.memory_space<vmem>> -> memref<128xf32, #tpu.memory_space<vmem>>
      %swap3A_829 = arith.index_cast %mul3A_221 : i32 to index
      %swap3A_830 = tpu.vector_load %swap3A_828[%swap3A_829] {strides = array<i32>} : memref<128xf32, #tpu.memory_space<vmem>>, vector<16xf32>,
      tpu.vector_store %swap3A_828[%swap3A_829], %gather3A_824 {strides = array<i32>} : memref<128xf32, #tpu.memory_space<vmem>>, vector<16xf32>,
      %broadcast_in_dim3A_831 = arith.constant 25 : i32
      %broadcast_in_dim3A_832 = vector.broadcast %broadcast_in_dim3A_831 : i32 to vector<16xi32>
      %gather3A_833 = arith.constant 3 : i32
      %gather3A_834 = arith.constant 0 : i32
      %gather3A_835 = arith.constant 0 : i32
      %gather3A_836 = tpu.memref_slice %arg12[%gather3A_833, %gather3A_834, %gather3A_835] : memref<4x128x128xf32, #tpu.memory_space<vmem>> -> memref<1x128x128xf32, #tpu.memory_space<vmem>>
      %gather3A_837 = tpu.memref_squeeze %gather3A_836 : memref<1x128x128xf32, #tpu.memory_space<vmem>> -> memref<128x128xf32, #tpu.memory_space<vmem>>
      %gather3A_838 = tpu.vector_load_idx %gather3A_837[%add3A_233, %broadcast_in_dim3A_832] : memref<128x128xf32, #tpu.memory_space<vmem>>[vector<16xi32>, vector<16xi32>], vector<16xf32>,
      %swap3A_839 = arith.constant 25 : i32
      %swap3A_840 = arith.constant 0 : i32
      %swap3A_841 = tpu.memref_slice %arg13[%swap3A_839, %swap3A_840] : memref<64x128xf32, #tpu.memory_space<vmem>> -> memref<1x128xf32, #tpu.memory_space<vmem>>
      %swap3A_842 = tpu.memref_squeeze %swap3A_841 : memref<1x128xf32, #tpu.memory_space<vmem>> -> memref<128xf32, #tpu.memory_space<vmem>>
      %swap3A_843 = arith.index_cast %mul3A_221 : i32 to index
      %swap3A_844 = tpu.vector_load %swap3A_842[%swap3A_843] {strides = array<i32>} : memref<128xf32, #tpu.memory_space<vmem>>, vector<16xf32>,
      tpu.vector_store %swap3A_842[%swap3A_843], %gather3A_838 {strides = array<i32>} : memref<128xf32, #tpu.memory_space<vmem>>, vector<16xf32>,
      %add3A_845 = arith.constant 25 : i32
      %add3A_846 = vector.broadcast %add3A_845 : i32 to vector<16xi32>
      %add3A_847 = arith.addi %mul3A_229, %add3A_846 : vector<16xi32>
      %gather3A_848 = tpu.vector_load_idx %arg11[%add3A_847] : memref<6400xf32, #tpu.memory_space<vmem>>[vector<16xi32>], vector<16xf32>,
      %swap3A_849 = arith.constant 57 : i32
      %swap3A_850 = arith.constant 0 : i32
      %swap3A_851 = tpu.memref_slice %arg13[%swap3A_849, %swap3A_850] : memref<64x128xf32, #tpu.memory_space<vmem>> -> memref<1x128xf32, #tpu.memory_space<vmem>>
      %swap3A_852 = tpu.memref_squeeze %swap3A_851 : memref<1x128xf32, #tpu.memory_space<vmem>> -> memref<128xf32, #tpu.memory_space<vmem>>
      %swap3A_853 = arith.index_cast %mul3A_221 : i32 to index
      %swap3A_854 = tpu.vector_load %swap3A_852[%swap3A_853] {strides = array<i32>} : memref<128xf32, #tpu.memory_space<vmem>>, vector<16xf32>,
      tpu.vector_store %swap3A_852[%swap3A_853], %gather3A_848 {strides = array<i32>} : memref<128xf32, #tpu.memory_space<vmem>>, vector<16xf32>,
      %broadcast_in_dim3A_855 = arith.constant 26 : i32
      %broadcast_in_dim3A_856 = vector.broadcast %broadcast_in_dim3A_855 : i32 to vector<16xi32>
      %gather3A_857 = arith.constant 3 : i32
      %gather3A_858 = arith.constant 0 : i32
      %gather3A_859 = arith.constant 0 : i32
      %gather3A_860 = tpu.memref_slice %arg12[%gather3A_857, %gather3A_858, %gather3A_859] : memref<4x128x128xf32, #tpu.memory_space<vmem>> -> memref<1x128x128xf32, #tpu.memory_space<vmem>>
      %gather3A_861 = tpu.memref_squeeze %gather3A_860 : memref<1x128x128xf32, #tpu.memory_space<vmem>> -> memref<128x128xf32, #tpu.memory_space<vmem>>
      %gather3A_862 = tpu.vector_load_idx %gather3A_861[%add3A_233, %broadcast_in_dim3A_856] : memref<128x128xf32, #tpu.memory_space<vmem>>[vector<16xi32>, vector<16xi32>], vector<16xf32>,
      %swap3A_863 = arith.constant 26 : i32
      %swap3A_864 = arith.constant 0 : i32
      %swap3A_865 = tpu.memref_slice %arg13[%swap3A_863, %swap3A_864] : memref<64x128xf32, #tpu.memory_space<vmem>> -> memref<1x128xf32, #tpu.memory_space<vmem>>
      %swap3A_866 = tpu.memref_squeeze %swap3A_865 : memref<1x128xf32, #tpu.memory_space<vmem>> -> memref<128xf32, #tpu.memory_space<vmem>>
      %swap3A_867 = arith.index_cast %mul3A_221 : i32 to index
      %swap3A_868 = tpu.vector_load %swap3A_866[%swap3A_867] {strides = array<i32>} : memref<128xf32, #tpu.memory_space<vmem>>, vector<16xf32>,
      tpu.vector_store %swap3A_866[%swap3A_867], %gather3A_862 {strides = array<i32>} : memref<128xf32, #tpu.memory_space<vmem>>, vector<16xf32>,
      %add3A_869 = arith.constant 26 : i32
      %add3A_870 = vector.broadcast %add3A_869 : i32 to vector<16xi32>
      %add3A_871 = arith.addi %mul3A_229, %add3A_870 : vector<16xi32>
      %gather3A_872 = tpu.vector_load_idx %arg11[%add3A_871] : memref<6400xf32, #tpu.memory_space<vmem>>[vector<16xi32>], vector<16xf32>,
      %swap3A_873 = arith.constant 58 : i32
      %swap3A_874 = arith.constant 0 : i32
      %swap3A_875 = tpu.memref_slice %arg13[%swap3A_873, %swap3A_874] : memref<64x128xf32, #tpu.memory_space<vmem>> -> memref<1x128xf32, #tpu.memory_space<vmem>>
      %swap3A_876 = tpu.memref_squeeze %swap3A_875 : memref<1x128xf32, #tpu.memory_space<vmem>> -> memref<128xf32, #tpu.memory_space<vmem>>
      %swap3A_877 = arith.index_cast %mul3A_221 : i32 to index
      %swap3A_878 = tpu.vector_load %swap3A_876[%swap3A_877] {strides = array<i32>} : memref<128xf32, #tpu.memory_space<vmem>>, vector<16xf32>,
      tpu.vector_store %swap3A_876[%swap3A_877], %gather3A_872 {strides = array<i32>} : memref<128xf32, #tpu.memory_space<vmem>>, vector<16xf32>,
      %broadcast_in_dim3A_879 = arith.constant 27 : i32
      %broadcast_in_dim3A_880 = vector.broadcast %broadcast_in_dim3A_879 : i32 to vector<16xi32>
      %gather3A_881 = arith.constant 3 : i32
      %gather3A_882 = arith.constant 0 : i32
      %gather3A_883 = arith.constant 0 : i32
      %gather3A_884 = tpu.memref_slice %arg12[%gather3A_881, %gather3A_882, %gather3A_883] : memref<4x128x128xf32, #tpu.memory_space<vmem>> -> memref<1x128x128xf32, #tpu.memory_space<vmem>>
      %gather3A_885 = tpu.memref_squeeze %gather3A_884 : memref<1x128x128xf32, #tpu.memory_space<vmem>> -> memref<128x128xf32, #tpu.memory_space<vmem>>
      %gather3A_886 = tpu.vector_load_idx %gather3A_885[%add3A_233, %broadcast_in_dim3A_880] : memref<128x128xf32, #tpu.memory_space<vmem>>[vector<16xi32>, vector<16xi32>], vector<16xf32>,
      %swap3A_887 = arith.constant 27 : i32
      %swap3A_888 = arith.constant 0 : i32
      %swap3A_889 = tpu.memref_slice %arg13[%swap3A_887, %swap3A_888] : memref<64x128xf32, #tpu.memory_space<vmem>> -> memref<1x128xf32, #tpu.memory_space<vmem>>
      %swap3A_890 = tpu.memref_squeeze %swap3A_889 : memref<1x128xf32, #tpu.memory_space<vmem>> -> memref<128xf32, #tpu.memory_space<vmem>>
      %swap3A_891 = arith.index_cast %mul3A_221 : i32 to index
      %swap3A_892 = tpu.vector_load %swap3A_890[%swap3A_891] {strides = array<i32>} : memref<128xf32, #tpu.memory_space<vmem>>, vector<16xf32>,
      tpu.vector_store %swap3A_890[%swap3A_891], %gather3A_886 {strides = array<i32>} : memref<128xf32, #tpu.memory_space<vmem>>, vector<16xf32>,
      %add3A_893 = arith.constant 27 : i32
      %add3A_894 = vector.broadcast %add3A_893 : i32 to vector<16xi32>
      %add3A_895 = arith.addi %mul3A_229, %add3A_894 : vector<16xi32>
      %gather3A_896 = tpu.vector_load_idx %arg11[%add3A_895] : memref<6400xf32, #tpu.memory_space<vmem>>[vector<16xi32>], vector<16xf32>,
      %swap3A_897 = arith.constant 59 : i32
      %swap3A_898 = arith.constant 0 : i32
      %swap3A_899 = tpu.memref_slice %arg13[%swap3A_897, %swap3A_898] : memref<64x128xf32, #tpu.memory_space<vmem>> -> memref<1x128xf32, #tpu.memory_space<vmem>>
      %swap3A_900 = tpu.memref_squeeze %swap3A_899 : memref<1x128xf32, #tpu.memory_space<vmem>> -> memref<128xf32, #tpu.memory_space<vmem>>
      %swap3A_901 = arith.index_cast %mul3A_221 : i32 to index
      %swap3A_902 = tpu.vector_load %swap3A_900[%swap3A_901] {strides = array<i32>} : memref<128xf32, #tpu.memory_space<vmem>>, vector<16xf32>,
      tpu.vector_store %swap3A_900[%swap3A_901], %gather3A_896 {strides = array<i32>} : memref<128xf32, #tpu.memory_space<vmem>>, vector<16xf32>,
      %broadcast_in_dim3A_903 = arith.constant 28 : i32
      %broadcast_in_dim3A_904 = vector.broadcast %broadcast_in_dim3A_903 : i32 to vector<16xi32>
      %gather3A_905 = arith.constant 3 : i32
      %gather3A_906 = arith.constant 0 : i32
      %gather3A_907 = arith.constant 0 : i32
      %gather3A_908 = tpu.memref_slice %arg12[%gather3A_905, %gather3A_906, %gather3A_907] : memref<4x128x128xf32, #tpu.memory_space<vmem>> -> memref<1x128x128xf32, #tpu.memory_space<vmem>>
      %gather3A_909 = tpu.memref_squeeze %gather3A_908 : memref<1x128x128xf32, #tpu.memory_space<vmem>> -> memref<128x128xf32, #tpu.memory_space<vmem>>
      %gather3A_910 = tpu.vector_load_idx %gather3A_909[%add3A_233, %broadcast_in_dim3A_904] : memref<128x128xf32, #tpu.memory_space<vmem>>[vector<16xi32>, vector<16xi32>], vector<16xf32>,
      %swap3A_911 = arith.constant 28 : i32
      %swap3A_912 = arith.constant 0 : i32
      %swap3A_913 = tpu.memref_slice %arg13[%swap3A_911, %swap3A_912] : memref<64x128xf32, #tpu.memory_space<vmem>> -> memref<1x128xf32, #tpu.memory_space<vmem>>
      %swap3A_914 = tpu.memref_squeeze %swap3A_913 : memref<1x128xf32, #tpu.memory_space<vmem>> -> memref<128xf32, #tpu.memory_space<vmem>>
      %swap3A_915 = arith.index_cast %mul3A_221 : i32 to index
      %swap3A_916 = tpu.vector_load %swap3A_914[%swap3A_915] {strides = array<i32>} : memref<128xf32, #tpu.memory_space<vmem>>, vector<16xf32>,
      tpu.vector_store %swap3A_914[%swap3A_915], %gather3A_910 {strides = array<i32>} : memref<128xf32, #tpu.memory_space<vmem>>, vector<16xf32>,
      %add3A_917 = arith.constant 28 : i32
      %add3A_918 = vector.broadcast %add3A_917 : i32 to vector<16xi32>
      %add3A_919 = arith.addi %mul3A_229, %add3A_918 : vector<16xi32>
      %gather3A_920 = tpu.vector_load_idx %arg11[%add3A_919] : memref<6400xf32, #tpu.memory_space<vmem>>[vector<16xi32>], vector<16xf32>,
      %swap3A_921 = arith.constant 60 : i32
      %swap3A_922 = arith.constant 0 : i32
      %swap3A_923 = tpu.memref_slice %arg13[%swap3A_921, %swap3A_922] : memref<64x128xf32, #tpu.memory_space<vmem>> -> memref<1x128xf32, #tpu.memory_space<vmem>>
      %swap3A_924 = tpu.memref_squeeze %swap3A_923 : memref<1x128xf32, #tpu.memory_space<vmem>> -> memref<128xf32, #tpu.memory_space<vmem>>
      %swap3A_925 = arith.index_cast %mul3A_221 : i32 to index
      %swap3A_926 = tpu.vector_load %swap3A_924[%swap3A_925] {strides = array<i32>} : memref<128xf32, #tpu.memory_space<vmem>>, vector<16xf32>,
      tpu.vector_store %swap3A_924[%swap3A_925], %gather3A_920 {strides = array<i32>} : memref<128xf32, #tpu.memory_space<vmem>>, vector<16xf32>,
      %broadcast_in_dim3A_927 = arith.constant 29 : i32
      %broadcast_in_dim3A_928 = vector.broadcast %broadcast_in_dim3A_927 : i32 to vector<16xi32>
      %gather3A_929 = arith.constant 3 : i32
      %gather3A_930 = arith.constant 0 : i32
      %gather3A_931 = arith.constant 0 : i32
      %gather3A_932 = tpu.memref_slice %arg12[%gather3A_929, %gather3A_930, %gather3A_931] : memref<4x128x128xf32, #tpu.memory_space<vmem>> -> memref<1x128x128xf32, #tpu.memory_space<vmem>>
      %gather3A_933 = tpu.memref_squeeze %gather3A_932 : memref<1x128x128xf32, #tpu.memory_space<vmem>> -> memref<128x128xf32, #tpu.memory_space<vmem>>
      %gather3A_934 = tpu.vector_load_idx %gather3A_933[%add3A_233, %broadcast_in_dim3A_928] : memref<128x128xf32, #tpu.memory_space<vmem>>[vector<16xi32>, vector<16xi32>], vector<16xf32>,
      %swap3A_935 = arith.constant 29 : i32
      %swap3A_936 = arith.constant 0 : i32
      %swap3A_937 = tpu.memref_slice %arg13[%swap3A_935, %swap3A_936] : memref<64x128xf32, #tpu.memory_space<vmem>> -> memref<1x128xf32, #tpu.memory_space<vmem>>
      %swap3A_938 = tpu.memref_squeeze %swap3A_937 : memref<1x128xf32, #tpu.memory_space<vmem>> -> memref<128xf32, #tpu.memory_space<vmem>>
      %swap3A_939 = arith.index_cast %mul3A_221 : i32 to index
      %swap3A_940 = tpu.vector_load %swap3A_938[%swap3A_939] {strides = array<i32>} : memref<128xf32, #tpu.memory_space<vmem>>, vector<16xf32>,
      tpu.vector_store %swap3A_938[%swap3A_939], %gather3A_934 {strides = array<i32>} : memref<128xf32, #tpu.memory_space<vmem>>, vector<16xf32>,
      %add3A_941 = arith.constant 29 : i32
      %add3A_942 = vector.broadcast %add3A_941 : i32 to vector<16xi32>
      %add3A_943 = arith.addi %mul3A_229, %add3A_942 : vector<16xi32>
      %gather3A_944 = tpu.vector_load_idx %arg11[%add3A_943] : memref<6400xf32, #tpu.memory_space<vmem>>[vector<16xi32>], vector<16xf32>,
      %swap3A_945 = arith.constant 61 : i32
      %swap3A_946 = arith.constant 0 : i32
      %swap3A_947 = tpu.memref_slice %arg13[%swap3A_945, %swap3A_946] : memref<64x128xf32, #tpu.memory_space<vmem>> -> memref<1x128xf32, #tpu.memory_space<vmem>>
      %swap3A_948 = tpu.memref_squeeze %swap3A_947 : memref<1x128xf32, #tpu.memory_space<vmem>> -> memref<128xf32, #tpu.memory_space<vmem>>
      %swap3A_949 = arith.index_cast %mul3A_221 : i32 to index
      %swap3A_950 = tpu.vector_load %swap3A_948[%swap3A_949] {strides = array<i32>} : memref<128xf32, #tpu.memory_space<vmem>>, vector<16xf32>,
      tpu.vector_store %swap3A_948[%swap3A_949], %gather3A_944 {strides = array<i32>} : memref<128xf32, #tpu.memory_space<vmem>>, vector<16xf32>,
      %broadcast_in_dim3A_951 = arith.constant 30 : i32
      %broadcast_in_dim3A_952 = vector.broadcast %broadcast_in_dim3A_951 : i32 to vector<16xi32>
      %gather3A_953 = arith.constant 3 : i32
      %gather3A_954 = arith.constant 0 : i32
      %gather3A_955 = arith.constant 0 : i32
      %gather3A_956 = tpu.memref_slice %arg12[%gather3A_953, %gather3A_954, %gather3A_955] : memref<4x128x128xf32, #tpu.memory_space<vmem>> -> memref<1x128x128xf32, #tpu.memory_space<vmem>>
      %gather3A_957 = tpu.memref_squeeze %gather3A_956 : memref<1x128x128xf32, #tpu.memory_space<vmem>> -> memref<128x128xf32, #tpu.memory_space<vmem>>
      %gather3A_958 = tpu.vector_load_idx %gather3A_957[%add3A_233, %broadcast_in_dim3A_952] : memref<128x128xf32, #tpu.memory_space<vmem>>[vector<16xi32>, vector<16xi32>], vector<16xf32>,
      %swap3A_959 = arith.constant 30 : i32
      %swap3A_960 = arith.constant 0 : i32
      %swap3A_961 = tpu.memref_slice %arg13[%swap3A_959, %swap3A_960] : memref<64x128xf32, #tpu.memory_space<vmem>> -> memref<1x128xf32, #tpu.memory_space<vmem>>
      %swap3A_962 = tpu.memref_squeeze %swap3A_961 : memref<1x128xf32, #tpu.memory_space<vmem>> -> memref<128xf32, #tpu.memory_space<vmem>>
      %swap3A_963 = arith.index_cast %mul3A_221 : i32 to index
      %swap3A_964 = tpu.vector_load %swap3A_962[%swap3A_963] {strides = array<i32>} : memref<128xf32, #tpu.memory_space<vmem>>, vector<16xf32>,
      tpu.vector_store %swap3A_962[%swap3A_963], %gather3A_958 {strides = array<i32>} : memref<128xf32, #tpu.memory_space<vmem>>, vector<16xf32>,
      %add3A_965 = arith.constant 30 : i32
      %add3A_966 = vector.broadcast %add3A_965 : i32 to vector<16xi32>
      %add3A_967 = arith.addi %mul3A_229, %add3A_966 : vector<16xi32>
      %gather3A_968 = tpu.vector_load_idx %arg11[%add3A_967] : memref<6400xf32, #tpu.memory_space<vmem>>[vector<16xi32>], vector<16xf32>,
      %swap3A_969 = arith.constant 62 : i32
      %swap3A_970 = arith.constant 0 : i32
      %swap3A_971 = tpu.memref_slice %arg13[%swap3A_969, %swap3A_970] : memref<64x128xf32, #tpu.memory_space<vmem>> -> memref<1x128xf32, #tpu.memory_space<vmem>>
      %swap3A_972 = tpu.memref_squeeze %swap3A_971 : memref<1x128xf32, #tpu.memory_space<vmem>> -> memref<128xf32, #tpu.memory_space<vmem>>
      %swap3A_973 = arith.index_cast %mul3A_221 : i32 to index
      %swap3A_974 = tpu.vector_load %swap3A_972[%swap3A_973] {strides = array<i32>} : memref<128xf32, #tpu.memory_space<vmem>>, vector<16xf32>,
      tpu.vector_store %swap3A_972[%swap3A_973], %gather3A_968 {strides = array<i32>} : memref<128xf32, #tpu.memory_space<vmem>>, vector<16xf32>,
      %broadcast_in_dim3A_975 = arith.constant 31 : i32
      %broadcast_in_dim3A_976 = vector.broadcast %broadcast_in_dim3A_975 : i32 to vector<16xi32>
      %gather3A_977 = arith.constant 3 : i32
      %gather3A_978 = arith.constant 0 : i32
      %gather3A_979 = arith.constant 0 : i32
      %gather3A_980 = tpu.memref_slice %arg12[%gather3A_977, %gather3A_978, %gather3A_979] : memref<4x128x128xf32, #tpu.memory_space<vmem>> -> memref<1x128x128xf32, #tpu.memory_space<vmem>>
      %gather3A_981 = tpu.memref_squeeze %gather3A_980 : memref<1x128x128xf32, #tpu.memory_space<vmem>> -> memref<128x128xf32, #tpu.memory_space<vmem>>
      %gather3A_982 = tpu.vector_load_idx %gather3A_981[%add3A_233, %broadcast_in_dim3A_976] : memref<128x128xf32, #tpu.memory_space<vmem>>[vector<16xi32>, vector<16xi32>], vector<16xf32>,
      %swap3A_983 = arith.constant 31 : i32
      %swap3A_984 = arith.constant 0 : i32
      %swap3A_985 = tpu.memref_slice %arg13[%swap3A_983, %swap3A_984] : memref<64x128xf32, #tpu.memory_space<vmem>> -> memref<1x128xf32, #tpu.memory_space<vmem>>
      %swap3A_986 = tpu.memref_squeeze %swap3A_985 : memref<1x128xf32, #tpu.memory_space<vmem>> -> memref<128xf32, #tpu.memory_space<vmem>>
      %swap3A_987 = arith.index_cast %mul3A_221 : i32 to index
      %swap3A_988 = tpu.vector_load %swap3A_986[%swap3A_987] {strides = array<i32>} : memref<128xf32, #tpu.memory_space<vmem>>, vector<16xf32>,
      tpu.vector_store %swap3A_986[%swap3A_987], %gather3A_982 {strides = array<i32>} : memref<128xf32, #tpu.memory_space<vmem>>, vector<16xf32>,
      %add3A_989 = arith.constant 31 : i32
      %add3A_990 = vector.broadcast %add3A_989 : i32 to vector<16xi32>
      %add3A_991 = arith.addi %mul3A_229, %add3A_990 : vector<16xi32>
      %gather3A_992 = tpu.vector_load_idx %arg11[%add3A_991] : memref<6400xf32, #tpu.memory_space<vmem>>[vector<16xi32>], vector<16xf32>,
      %swap3A_993 = arith.constant 63 : i32
      %swap3A_994 = arith.constant 0 : i32
      %swap3A_995 = tpu.memref_slice %arg13[%swap3A_993, %swap3A_994] : memref<64x128xf32, #tpu.memory_space<vmem>> -> memref<1x128xf32, #tpu.memory_space<vmem>>
      %swap3A_996 = tpu.memref_squeeze %swap3A_995 : memref<1x128xf32, #tpu.memory_space<vmem>> -> memref<128xf32, #tpu.memory_space<vmem>>
      %swap3A_997 = arith.index_cast %mul3A_221 : i32 to index
      %swap3A_998 = tpu.vector_load %swap3A_996[%swap3A_997] {strides = array<i32>} : memref<128xf32, #tpu.memory_space<vmem>>, vector<16xf32>,
      tpu.vector_store %swap3A_996[%swap3A_997], %gather3A_992 {strides = array<i32>} : memref<128xf32, #tpu.memory_space<vmem>>, vector<16xf32>,
      %scan3A_999 = arith.constant 0 : i32
      scf.yield %scan3A_999 : i32
    }
    %scan3A_213 = arith.constant 8 : i32
    %mul3A_214 = arith.constant 512 : i32
    %mul3A_215 = arith.muli %add3A, %mul3A_214 : i32
    %add3A_216 = arith.constant 384 : i32
    %add3A_217 = arith.addi %mul3A_215, %add3A_216 : i32
    "tpu.region"() ({
      %run_scoped3A = tpu.sem_alloc : memref<!tpu.dma_semaphore, #tpu.memory_space<semaphore_mem>>
      %dma_start3A_218 = arith.constant 0 : i32
      %dma_start3A_219 = tpu.memref_slice %arg7[%dma_start3A_218, %add3A_217] : memref<64x16384xf32, #tpu.memory_space<hbm>> -> memref<64x128xf32, #tpu.memory_space<hbm>>
      %dma_start3A_220 = arith.constant 0 : i32
      %dma_start3A_221 = tpu.memref_slice %arg7[%dma_start3A_220, %add3A_217] : memref<64x16384xf32, #tpu.memory_space<hbm>> -> memref<64x128xf32, #tpu.memory_space<hbm>>
      tpu.enqueue_dma source(%arg13 : memref<64x128xf32, #tpu.memory_space<vmem>>) target(%dma_start3A_221 : memref<64x128xf32, #tpu.memory_space<hbm>>) target_semaphore(%run_scoped3A : memref<!tpu.dma_semaphore, #tpu.memory_space<semaphore_mem>>)
      %dma_wait3A_222 = arith.constant 0 : i32
      %dma_wait3A_223 = tpu.memref_slice %arg7[%dma_wait3A_222, %add3A_217] : memref<64x16384xf32, #tpu.memory_space<hbm>> -> memref<64x128xf32, #tpu.memory_space<hbm>>
      %dma_wait3A_224 = arith.constant 0 : i32
      %dma_wait3A_225 = tpu.memref_slice %arg7[%dma_wait3A_224, %add3A_217] : memref<64x16384xf32, #tpu.memory_space<hbm>> -> memref<64x128xf32, #tpu.memory_space<hbm>>
      tpu.wait_dma2 semaphore(%run_scoped3A : memref<!tpu.dma_semaphore, #tpu.memory_space<semaphore_mem>>) src(%arg13 : memref<64x128xf32, #tpu.memory_space<vmem>>) dst(%dma_wait3A_225 : memref<64x128xf32, #tpu.memory_space<hbm>>)
      tpu.yield
    }) : () -> ()
    return
  }
}

</mosaic_0001>

<sc_bundles>
// kernel: _meta_gather.3.cloned.1.call-start
scs
__scs_entry_jumppad:
0x0: {  	(pc) =	sbr.rel $0x88, $3  }
0x1: {  	(tag) =	ssettag $0x0;
	lr =	simm.s32 $0x1  }
0x2: {  	[smem:$0x3F9C] =	sst lr;
	_ =	strace $0xD0000000  }
0x3: {  	_ = 	snop  }
0x4: {  	_ = 	snop  }
0x5: {  	_ = 	snop  }
0x6: {  	_ = 	snop  }
0x7: {  	_ = 	snop  }
__scs_overlays_trampoline_lowered:
0x8: {  	[smem:$0x3FAB] =	sst s0  }
0x9: {  	[smem:$0x3FAC] =	sst s1  }
0xa: {  	[smem:$0x3FAD] =	sst s2  }
0xb: {  	[smem:$0x3FAE] =	sst s3  }
0xc: {  	[smem:$0x3FAF] =	sst s4  }
0xd: {  	[smem:$0x3FB0] =	sst s5  }
0xe: {  	[smem:$0x3FB1] =	sst s6  }
0xf: {  	[smem:$0x3FB2] =	sst s7  }
0x10: {  	[smem:$0x3FB3] =	sst s8  }
0x11: {  	[smem:$0x3FB4] =	sst s9;
	s0 =	simm.s32 @!p0 $0x0  }
0x12: {  	s1 =	sld [smem:$0x3F9A];
	s0 =	simm.s32 @p0 $0x1  }
0x13: {  	[smem:$0x3FB5] =	sst s0;
	s0 =	simm.s32 @!p1 $0x0  }
0x14: {  	s2 =	sld [smem:$0x3F99];
	s0 =	simm.s32 @p1 $0x1  }
0x15: {  	[smem:$0x3FB6] =	sst s0;
	s0 =	simm.s32 @!p2 $0x0  }
0x16: {  	s3 =	sld [smem:$0x3FDB];
	s0 =	simm.s32 @p2 $0x1  }
0x17: {  	s4 =	simm.s32 $0x1BF5;
	[smem:$0x3FB8] =	sst s0  }
0x18: {  	s0 =	sld [smem:$0x3F9B];
	_ =	swait.ge [sflag:s4], $0x0  }
0x19: {  	s7 =	sld [smem:$0x3F9C]  }
0x1a: {  	s8 =	sadd.s32 $0xFFFFE003, lr  }
0x1b: {  	s9 =	sadd.s32 $0xFFFFFEF7, lr;
	s5 =	simm.s32 $0xFFFFFFFF;
	p2 =	slt.u32 s8, $0xFFFFF086  }
0x1c: {  	p1 =	slt.u32 s9, $0xF7A;
	s5 =	simm.s32 @!p2 $0x0  }
0x1d: {  	s5 =	simm.s32 @p1 $0x1;
	p0 =	seq.s32 s7, s2  }
0x1e: {  	s7 =	smul.u32 @!p0 $0xF7A, s2;
	p2 =	seq.s32 @!p0 s5, $0x0  }
0x1f: {  	s9 =	smul.u32 $0xF7A, s1;
	s8 =	simm.s32 @!p0 $0x1BF5;
	p2 =	por !p2, p0  }
0x20: {  	[sflag:s8] =	ssyncset.s32 @!p0 $0xFFFFF086;
	s6 =	sadd.s32 @!p0 s3, s7;
	s7 =	simm.s32 @!p0 $0x108  }
0x21: {  	s3 =	sadd.s32 s3, s9;
	s6 =	sadd.s32 @!p0 $0x88, s6;
	s7 =	simm.s32 @p2 $0x1082  }
0x22: {  	[simem:s7], [sflag:s8] =	dma.local @!p0 [hbm:s6], $0xF7A  }
0x23: {  	s9 =	sor.u32 $0xD0000000, s2;
	s6 =	simm.s32 $0x108;
	_ =	swait.ge @!p0 [sflag:s8], $0x0  }
0x24: {  	s3 =	sadd.s32 $0x88, s3;
	s6 =	simm.s32 @!p1 $0x1082;
	[sflag:s4] =	ssyncset.s32 $0xFFFFF086  }
0x25: {  	[simem:s6], [sflag:s4] =	dma.local [hbm:s3], $0xF7A  }
0x26: {  	[smem:$0x3F9C] =	sst s1;
	(tag) =	ssettag s2;
	_ =	strace s9  }
0x27: {  	s1 =	sld [smem:$0x3FAC]  }
0x28: {  	s2 =	sld [smem:$0x3FAD]  }
0x29: {  	s4 =	sld [smem:$0x3FAF]  }
0x2a: {  	p0 =	seq.s32 s5, $0x0;
	s5 =	sld [smem:$0x3FB0]  }
0x2b: {  	s6 =	sld [smem:$0x3FB1]  }
0x2c: {  	s7 =	sld [smem:$0x3FB2]  }
0x2d: {  	s3 =	simm.s32 $0x108;
	s8 =	sld [smem:$0x3FB3]  }
0x2e: {  	s3 =	simm.s32 @!p0 $0x1082;
	s9 =	sld [smem:$0x3FB4]  }
0x2f: {  	lr =	sadd.s32 s0, s3;
	s0 =	sld [smem:$0x3FAB]  }
0x30: {  	s3 =	sld [smem:$0x3FAE]  }
0x31: {  	[smem:$0x3FB7] =	sst s10  }
0x32: {  	s10 =	sld [smem:$0x3FB5];
	_ =	sdelay $0x3  }
0x33: {  	p0 =	seq.s32 s10, $0x1;
	s10 =	sld [smem:$0x3FB7];
	_ =	sdelay $0x3  }
0x34: {  	[smem:$0x3FB7] =	sst s10  }
0x35: {  	s10 =	sld [smem:$0x3FB6];
	_ =	sdelay $0x3  }
0x36: {  	p1 =	seq.s32 s10, $0x1;
	s10 =	sld [smem:$0x3FB7];
	_ =	sdelay $0x3  }
0x37: {  	[smem:$0x3FB7] =	sst s10  }
0x38: {  	s10 =	sld [smem:$0x3FB8]  }
0x39: {  	_ = 	snop;
	(pc) =	sbr.ind lr, $3  }
0x3a: {  	_ = 	snop  }
0x3b: {  	_ = 	snop  }
0x3c: {  	p2 =	seq.s32 s10, $0x1;
	s10 =	sld [smem:$0x3FB7]  }
0x3d: {  	_ =	shalt  }
0x3e: {  	_ =	shalt  }
0x3f: {  	_ =	shalt  }
0x40: {  	_ =	shalt  }
0x41: {  	_ =	shalt  }
0x42: {  	_ =	shalt  }
0x43: {  	_ =	shalt  }
0x44: {  	_ =	shalt  }
0x45: {  	_ =	shalt  }
0x46: {  	_ =	shalt  }
0x47: {  	_ =	shalt  }
0x48: {  	_ =	shalt  }
0x49: {  	_ =	shalt  }
0x4a: {  	_ =	shalt  }
0x4b: {  	_ =	shalt  }
0x4c: {  	_ =	shalt  }
0x4d: {  	_ =	shalt  }
0x4e: {  	_ =	shalt  }
0x4f: {  	_ =	shalt  }
0x50: {  	_ =	shalt  }
0x51: {  	_ =	shalt  }
0x52: {  	_ =	shalt  }
0x53: {  	_ =	shalt  }
0x54: {  	_ =	shalt  }
0x55: {  	_ =	shalt  }
0x56: {  	_ =	shalt  }
0x57: {  	_ =	shalt  }
0x58: {  	_ =	shalt  }
0x59: {  	_ =	shalt  }
0x5a: {  	_ =	shalt  }
0x5b: {  	_ =	shalt  }
0x5c: {  	_ =	shalt  }
0x5d: {  	_ =	shalt  }
0x5e: {  	_ =	shalt  }
0x5f: {  	_ =	shalt  }
0x60: {  	_ =	shalt  }
0x61: {  	_ =	shalt  }
0x62: {  	_ =	shalt  }
0x63: {  	_ =	shalt  }
0x64: {  	_ =	shalt  }
0x65: {  	_ =	shalt  }
0x66: {  	_ =	shalt  }
0x67: {  	_ =	shalt  }
0x68: {  	_ =	shalt  }
0x69: {  	_ =	shalt  }
0x6a: {  	_ =	shalt  }
0x6b: {  	_ =	shalt  }
0x6c: {  	_ =	shalt  }
0x6d: {  	_ =	shalt  }
0x6e: {  	_ =	shalt  }
0x6f: {  	_ =	shalt  }
0x70: {  	_ =	shalt  }
0x71: {  	_ =	shalt  }
0x72: {  	_ =	shalt  }
0x73: {  	_ =	shalt  }
0x74: {  	_ =	shalt  }
0x75: {  	_ =	shalt  }
0x76: {  	_ =	shalt  }
0x77: {  	_ =	shalt  }
0x78: {  	_ =	shalt  }
0x79: {  	_ =	shalt  }
0x7a: {  	_ =	shalt  }
0x7b: {  	_ =	shalt  }
0x7c: {  	_ =	shalt  }
0x7d: {  	_ =	shalt  }
0x7e: {  	_ =	shalt  }
0x7f: {  	_ =	shalt  }
0x80: {  	_ =	shalt  }
0x81: {  	_ =	shalt  }
0x82: {  	_ =	shalt  }
0x83: {  	_ =	shalt  }
0x84: {  	_ =	shalt  }
0x85: {  	_ =	shalt  }
0x86: {  	_ =	shalt  }
0x87: {  	_ =	shalt  }
.Lfunc_end0:
.L_simem_size_0:
called_computation_lowered:
.L_overlay_start_0:
0x88: {  	s2 =	sld [smem:$0x3FD9]  }
0x89: {  	s3 =	sld [smem:$0x3FFE];
	_ =	sdelay $0x1  }
0x8a: {  	s1 =	srdreg.scid  }
0x8b: {  	s0 =	sand.u32 $0x1, s1  }
0x8c: {  	s18 =	sshll.u32 s0, $0xA;
	s2 =	sadd.s32 s3, s2  }
0x8d: {  	s2 =	sadd.s32 s2, s18  }
0x8e: {  	[smem:$0x3FC3] =	sst s2  }
0x8f: {  	_ = 	snop  }
0x90: {  	s2 =	sld [smem:$0x3FC9]  }
0x91: {  	s19 =	sld [smem:$0x3FC8]  }
0x92: {  	s4 =	sld [smem:$0x3FC7]  }
0x93: {  	s5 =	sld [smem:$0x3FC6]  }
0x94: {  	s6 =	sld [smem:$0x3FC5]  }
0x95: {  	s7 =	sld [smem:$0x3FD0];
	(tm) =	ssettm $0x1  }
0x96: {  	s8 =	sld [smem:$0x3FFB];
	_ =	sdelay $0x3  }
0x97: {  	_ =	strace s8  }
0x98: {  	s8 =	sld [smem:$0x3FFC];
	_ =	sdelay $0x3  }
0x99: {  	_ =	strace s8  }
0x9a: {  	s8 =	sld [smem:$0x3FFD];
	_ =	sdelay $0x3  }
0x9b: {  	_ =	strace s8  }
0x9c: {  	_ =	strace $0x8FFFFFFF  }
0x9d: {  	s20 =	sld [smem:$0x3FDB];
	_ =	sdelay $0x1  }
0x9e: {  	s9 =	simm.s32 $_scs_section_size  }
0x9f: {  	s10 =	simm.s32 $_size__tile_overlayer_lowered;
	s11 =	simm.s32 $_tile_overlayer_lowered  }
0xa0: {  	s23 =	simm.s32 $0x1BFF;
	s22 =	sshll.u32 s11, $0x1;
	s8 =	sadd.s32 s9, s20  }
0xa1: {  	s12 =	simm.s32 $0x0;
	s21 =	sshll.u32 s10, $0x1;
	s10 =	sadd.s32 s22, s8  }
0xa2: {  	[timem:s12], [sflag:s23] =	dma.local [hbm:s10], s21  }
0xa3: {  	_ =	swait.ge [sflag:s23], s21  }
0xa4: {  	s9 =	ssub.s32 $0x0, s21;
	[sflag:s23] =	ssyncset.done $0x0  }
0xa5: {  	[sflag:s23] =	ssyncadd.s32 s9;
	_ =	sdelay $0x1  }
0xa6: {  	s24 =	simm.s32 $0x1B8B  }
0xa7: {  	_ =	swait.ge [sflag:s24], $0x1  }
0xa8: {  	[sflag:s24] =	ssyncset.done $0x0  }
0xa9: {  	s25 =	simm.s32 $0x1B8E;
	[sflag:s24] =	ssyncadd.s32 $0xFFFFFFFF  }
0xaa: {  	s26 =	simm.s32 $execute0_lowered;
	[smem:$0x3FD2] =	sst s25  }
0xab: {  	s9 =	sshll.u32 s26, $0x1;
	_ =	strace $0x80000046;
	[dreg:$0x1] =	wrdreg $0xFFFFFFFF  }
0xac: {  	s28 =	simm.s32 $_size_execute0_lowered;
	s8 =	sadd.s32 s8, s9;
	[dreg:$0x0] =	wrdreg $0x0  }
0xad: {  	s9 =	sshll.u32 s28, $0x1;
	[dreg:$0x2] =	wrdreg s8  }
0xae: {  	[dreg:$0x3] =	wrdreg s9  }
0xaf: {  	[dreg:$0x4] =	wrdreg $0xC0  }
0xb0: {  	_ =	task [dreg:s12], $0x5FFFF  }
0xb1: {  	[dreg:$0x1] =	wrdreg $0xFFFFFFFF  }
0xb2: {  	[dreg:$0x0] =	wrdreg $0x60  }
0xb3: {  	[dreg:$0x2] =	wrdreg s2  }
0xb4: {  	[dreg:$0x3] =	wrdreg s19  }
0xb5: {  	[dreg:$0x4] =	wrdreg s4  }
0xb6: {  	[dreg:$0x5] =	wrdreg s5  }
0xb7: {  	[dreg:$0x6] =	wrdreg s6  }
0xb8: {  	[dreg:$0x7] =	wrdreg s7  }
0xb9: {  	[dreg:$0x8] =	wrdreg $0x9  }
0xba: {  	_ =	task.clear_ibuf [dreg:s12], $0x9FFFF;
	_ =	strace $0x90000046  }
0xbb: {  	s29 =	simm.s32 $0x9;
	_ =	strace $0x80000048  }
0xbc: {  	_ =	swait.ge [sflag:s29], $0x1  }
0xbd: {  	[sflag:s29] =	ssyncadd.s32 $0xFFFFFFFF  }
0xbe: {  	_ =	strace $0x90000048  }
0xbf: {  	_ =	sfence  }
0xc0: {  	s30 =	sld [smem:$0x0];
	_ =	sdelay $0x2  }
0xc1: {  	s31 =	sshll.u32 s1, $0xD;
	s1 =	sshrl.u32 s1, $0x2  }
0xc2: {  	s3 =	sand.u32 $0x4000, s31;
	s1 =	sadd.s32 s1, s30  }
0xc3: {  	s0 =	sor.u32 s3, s0;
	s1 =	sshll.u32 s1, $0x11  }
0xc4: {  	s0 =	sor.u32 s1, s0  }
0xc5: {  	s0 =	sadd.s32 $0x8F2B, s0  }
0xc6: {  	[sflag:s0] =	ssyncadd.remote.s32 $0x1  }
0xc7: {  	_ =	sfence.sel $0xFFFF  }
0xc8: {  	[dreg:$0x0] =	wrdreg $0xFFFFFFFF;
	(pc) =	sbr.abs _section_cstart, $3  }
0xc9: {  	[dreg:$0x1] =	wrdreg $0xFFFFFFFF  }
0xca: {  	_ =	task.clear_ibuf [dreg:s12], $0x2FFFF;
	_ =	strace $0x9FFFFFFF  }
0xcb: {  	(tm) =	ssettm $0x7FFFFFFF  }
tec
execute0_lowered:
.L_overlay_start_1:
0x0: {  	(tag) =	ssettag $0x1  }
0x1: {  	s0 =	rddreg [dreg:$0x0]  }
0x2: {  	s3 =	rddreg [dreg:$0x1]  }
0x3: {  	s1 =	rddreg [dreg:$0x2]  }
0x4: {  	s2 =	rddreg [dreg:$0x3]  }
0x5: {  	s4 =	rddreg [dreg:$0x5];
	s5 =	simm.s32 $0x0;
	s6 =	srdreg.scid  }
0x6: {  	s8 =	stileid.u32;
	s13 =	simm.s32 $0x3;
	s14 =	simm.s32 $0x80  }
0x7: {  	s15 =	simm.s32 $0x400;
	s16 =	simm.s32 $0x480;
	s17 =	simm.s32 $0x100  }
0x8: {  	s18 =	simm.s32 $0x500;
	s19 =	simm.s32 $0x180;
	s20 =	simm.s32 $0x580  }
0x9: {  	s21 =	simm.s32 $0x600;
	s22 =	simm.s32 $0x1;
	s23 =	simm.s32 $0x1F00  }
0xa: {  	s24 =	simm.s32 $0x5F00;
	s25 =	simm.s32 $0x9F00;
	s26 =	simm.s32 $0xDF00  }
0xb: {  	s28 =	simm.s32 $0x2;
	s29 =	simm.s32 $0x20000;
	s30 =	simm.s32 $0x11F00  }
0xc: {  	s31 =	simm.s32 $0x0;
	[smem:$0x7FF] =	sst s5;
	s6 =	sand.u32 $0x1, s6  }
0xd: {  	s8 =	sshll.u32 s8, $0xA;
	s7 =	ssub.s32 $0x2, s6;
	s6 =	sshll.u32 s6, $0x9  }
0xe: {  	_ =	strace $0x80000047;
	s9 =	sshrl.u32 s7, $0x1;
	s6 =	sor.u32 s6, s8  }
0xf: {  	s12 =	ssub.s32 s7, s9;
	s8 =	sshrl.u32 s6, $0x3;
	s6 =	sadd.s32 s4, s6  }
0x10: {  	v0 =	vlaneseq.u32;
	s7 =	sadd.s32 s0, s8;
	s8 =	sadd.s32 s3, s8;
	s9 =	sadd.s32 $0x80, s6  }
0x11: {  	v0 =	vmul.u32 $0x80, v0;
	s10 =	sadd.s32 $0x100, s6;
	s11 =	sadd.s32 $0x180, s6;
	s12 =	smax.u32 s12, $0x1  }
.LBB2_1:
0x12: {  	[tilespmem:s5], [sflag:$0x3] =	stream.linear.gather [hbm4b:s7+s5], $0x200, $0x38;
	[tilespmem:$0x13F00] =	vst v63  }
0x13: {  	_ =	swait.ge [sflag:s13], $0x200  }
0x14: {  	[sflag:s13] =	ssyncset.done $0x0  }
0x15: {  	[sflag:s13] =	ssyncadd.s32 $0xFFFFFE00  }
0x16: {  	[tilespmem:s15], [sflag:$0x1] =	stream.indirect.gather [hbm4b:s1+s14], $0x1, s5, s14, $0xb8;
	[tilespmem:$0x13F00] =	vst v63  }
0x17: {  	_ = 	snop  }
0x18: {  	[tilespmem:s16], [sflag:$0x1] =	stream.indirect.gather [hbm4b:s1+s14], $0x1, s14, s14, $0xb8;
	[tilespmem:$0x13F00] =	vst v63  }
0x19: {  	_ = 	snop  }
0x1a: {  	[tilespmem:s18], [sflag:$0x1] =	stream.indirect.gather [hbm4b:s1+s14], $0x1, s17, s14, $0xb8;
	[tilespmem:$0x13F00] =	vst v63  }
0x1b: {  	_ = 	snop  }
0x1c: {  	[tilespmem:s20], [sflag:$0x1] =	stream.indirect.gather [hbm4b:s1+s14], $0x1, s19, s14, $0xb8;
	[tilespmem:$0x13F00] =	vst v63  }
0x1d: {  	s0 =	simm.s32 $0x200  }
0x1e: {  	[tilespmem:s0], [sflag:$0x3] =	stream.linear.gather [hbm4b:s8+s5], $0x200, $0x38;
	[tilespmem:$0x13F00] =	vst v63  }
0x1f: {  	_ =	swait.ge [sflag:s13], $0x200  }
0x20: {  	[sflag:s13] =	ssyncset.done $0x0  }
0x21: {  	[sflag:s13] =	ssyncadd.s32 $0xFFFFFE00  }
0x22: {  	s3 =	rddreg [dreg:$0x4]  }
0x23: {  	[tilespmem:s21], [sflag:$0x3] =	stream.linear.gather [hbm4b:s3+s5], $0x1900, $0x38;
	[tilespmem:$0x13F00] =	vst v63  }
0x24: {  	_ =	swait.ge [sflag:s13], $0x1900  }
0x25: {  	[sflag:s13] =	ssyncset.done $0x0  }
0x26: {  	[sflag:s13] =	ssyncadd.s32 $0xFFFFE700  }
0x27: {  	_ =	swait.ge [sflag:s22], $0x80  }
0x28: {  	[sflag:s22] =	ssyncset.done $0x0  }
0x29: {  	[sflag:s22] =	ssyncadd.s32 $0xFFFFFF80  }
0x2a: {  	[tilespmem:s23], [sflag:$0x2] =	stream.indirect.gather [hbm4b:s2+s14], $0x80, s15, s14, $0xb8;
	[tilespmem:$0x13F00] =	vst v63  }
0x2b: {  	_ =	swait.ge [sflag:s22], $0x80  }
0x2c: {  	[sflag:s22] =	ssyncset.done $0x0  }
0x2d: {  	[sflag:s22] =	ssyncadd.s32 $0xFFFFFF80  }
0x2e: {  	[tilespmem:s24], [sflag:$0x2] =	stream.indirect.gather [hbm4b:s2+s14], $0x80, s16, s14, $0xb8;
	[tilespmem:$0x13F00] =	vst v63  }
0x2f: {  	_ =	swait.ge [sflag:s22], $0x80  }
0x30: {  	[sflag:s22] =	ssyncset.done $0x0  }
0x31: {  	[sflag:s22] =	ssyncadd.s32 $0xFFFFFF80  }
0x32: {  	[tilespmem:s25], [sflag:$0x2] =	stream.indirect.gather [hbm4b:s2+s14], $0x80, s18, s14, $0xb8;
	[tilespmem:$0x13F00] =	vst v63  }
0x33: {  	_ =	swait.ge [sflag:s22], $0x80  }
0x34: {  	[sflag:s22] =	ssyncset.done $0x0  }
0x35: {  	[sflag:s22] =	ssyncadd.s32 $0xFFFFFF80  }
0x36: {  	[tilespmem:s26], [sflag:$0x2] =	stream.indirect.gather [hbm4b:s2+s14], $0x80, s20, s14, $0xb8;
	[tilespmem:$0x13F00] =	vst v63  }
0x37: {  	_ =	swait.ge [sflag:s28], $0x4000  }
0x38: {  	[sflag:s28] =	ssyncset.done $0x0  }
0x39: {  	s4 =	simm.s32 $0x12F00;
	s3 =	simm.s32 $0x0;
	[sflag:s28] =	ssyncadd.s32 $0xFFFFC000  }
.LBB2_2:
0x3a: {  	v1 =	vmov s3  }
0x3b: {  	v1 =	vshll.u32 v1, $0x7  }
0x3c: {  	v2 =	vor.u32 v0, v1  }
0x3d: {  	v1 =	vld [tilespmem:s0+$0x0];
	_ =	sdelay $0x3  }
0x3e: {  	v3 =	vld.idx.msk [tilespmem:v2+s23+$0x0], $0xffff  }
0x3f: {  	v1 =	vshll.u32 v1, $0x5;
	_ =	sdelay $0x3  }
0x40: {  	[tilespmem:s4+$0xFFFFF000] =	vst v3  }
0x41: {  	v3 =	vld.idx.msk [tilespmem:v1+s21+$0x0], $0xffff  }
0x42: {  	v4 =	vor.u32 $0x1, v2;
	_ =	sdelay $0x3  }
0x43: {  	[tilespmem:s4+$0x0] =	vst v3  }
0x44: {  	v3 =	vld.idx.msk [tilespmem:v4+s23+$0x0], $0xffff  }
0x45: {  	v61 =	vor.u32 $0x1, v1;
	_ =	sdelay $0x3  }
0x46: {  	[tilespmem:s4+$0xFFFFF080] =	vst v3  }
0x47: {  	v3 =	vld.idx.msk [tilespmem:v61+s21+$0x0], $0xffff  }
0x48: {  	v62 =	vor.u32 $0x2, v2;
	_ =	sdelay $0x3  }
0x49: {  	[tilespmem:s4+$0x80] =	vst v3  }
0x4a: {  	v3 =	vld.idx.msk [tilespmem:v62+s23+$0x0], $0xffff  }
0x4b: {  	v63 =	vor.u32 $0x2, v1;
	_ =	sdelay $0x3  }
0x4c: {  	[tilespmem:s4+$0xFFFFF100] =	vst v3  }
0x4d: {  	v3 =	vld.idx.msk [tilespmem:v63+s21+$0x0], $0xffff  }
0x4e: {  	v8 =	vor.u32 $0x3, v2;
	_ =	sdelay $0x3  }
0x4f: {  	[tilespmem:s4+$0x100] =	vst v3  }
0x50: {  	v3 =	vld.idx.msk [tilespmem:v8+s23+$0x0], $0xffff  }
0x51: {  	v9 =	vor.u32 $0x3, v1;
	_ =	sdelay $0x3  }
0x52: {  	[tilespmem:s4+$0xFFFFF180] =	vst v3  }
0x53: {  	v3 =	vld.idx.msk [tilespmem:v9+s21+$0x0], $0xffff  }
0x54: {  	v10 =	vor.u32 $0x4, v2;
	_ =	sdelay $0x3  }
0x55: {  	[tilespmem:s4+$0x180] =	vst v3  }
0x56: {  	v3 =	vld.idx.msk [tilespmem:v10+s23+$0x0], $0xffff  }
0x57: {  	v11 =	vor.u32 $0x4, v1;
	_ =	sdelay $0x3  }
0x58: {  	[tilespmem:s4+$0xFFFFF200] =	vst v3  }
0x59: {  	v3 =	vld.idx.msk [tilespmem:v11+s21+$0x0], $0xffff  }
0x5a: {  	v12 =	vor.u32 $0x5, v2;
	_ =	sdelay $0x3  }
0x5b: {  	[tilespmem:s4+$0x200] =	vst v3  }
0x5c: {  	v3 =	vld.idx.msk [tilespmem:v12+s23+$0x0], $0xffff  }
0x5d: {  	v13 =	vor.u32 $0x5, v1;
	_ =	sdelay $0x3  }
0x5e: {  	[tilespmem:s4+$0xFFFFF280] =	vst v3  }
0x5f: {  	v3 =	vld.idx.msk [tilespmem:v13+s21+$0x0], $0xffff  }
0x60: {  	v14 =	vor.u32 $0x6, v2;
	_ =	sdelay $0x3  }
0x61: {  	[tilespmem:s4+$0x280] =	vst v3  }
0x62: {  	v3 =	vld.idx.msk [tilespmem:v14+s23+$0x0], $0xffff  }
0x63: {  	v15 =	vor.u32 $0x6, v1;
	_ =	sdelay $0x3  }
0x64: {  	[tilespmem:s4+$0xFFFFF300] =	vst v3  }
0x65: {  	v3 =	vld.idx.msk [tilespmem:v15+s21+$0x0], $0xffff  }
0x66: {  	v16 =	vor.u32 $0x7, v2;
	_ =	sdelay $0x3  }
0x67: {  	[tilespmem:s4+$0x300] =	vst v3  }
0x68: {  	v3 =	vld.idx.msk [tilespmem:v16+s23+$0x0], $0xffff  }
0x69: {  	v17 =	vor.u32 $0x7, v1;
	_ =	sdelay $0x3  }
0x6a: {  	[tilespmem:s4+$0xFFFFF380] =	vst v3  }
0x6b: {  	v3 =	vld.idx.msk [tilespmem:v17+s21+$0x0], $0xffff  }
0x6c: {  	v18 =	vor.u32 $0x8, v2;
	_ =	sdelay $0x3  }
0x6d: {  	[tilespmem:s4+$0x380] =	vst v3  }
0x6e: {  	v3 =	vld.idx.msk [tilespmem:v18+s23+$0x0], $0xffff  }
0x6f: {  	v19 =	vor.u32 $0x8, v1;
	_ =	sdelay $0x3  }
0x70: {  	[tilespmem:s4+$0xFFFFF400] =	vst v3  }
0x71: {  	v3 =	vld.idx.msk [tilespmem:v19+s21+$0x0], $0xffff  }
0x72: {  	v20 =	vor.u32 $0x9, v2;
	_ =	sdelay $0x3  }
0x73: {  	[tilespmem:s4+$0x400] =	vst v3  }
0x74: {  	v3 =	vld.idx.msk [tilespmem:v20+s23+$0x0], $0xffff  }
0x75: {  	v21 =	vor.u32 $0x9, v1;
	_ =	sdelay $0x3  }
0x76: {  	[tilespmem:s4+$0xFFFFF480] =	vst v3  }
0x77: {  	v3 =	vld.idx.msk [tilespmem:v21+s21+$0x0], $0xffff  }
0x78: {  	v22 =	vor.u32 $0xA, v2;
	_ =	sdelay $0x3  }
0x79: {  	[tilespmem:s4+$0x480] =	vst v3  }
0x7a: {  	v3 =	vld.idx.msk [tilespmem:v22+s23+$0x0], $0xffff  }
0x7b: {  	v23 =	vor.u32 $0xA, v1;
	_ =	sdelay $0x3  }
0x7c: {  	[tilespmem:s4+$0xFFFFF500] =	vst v3  }
0x7d: {  	v3 =	vld.idx.msk [tilespmem:v23+s21+$0x0], $0xffff  }
0x7e: {  	v24 =	vor.u32 $0xB, v2;
	_ =	sdelay $0x3  }
0x7f: {  	[tilespmem:s4+$0x500] =	vst v3  }
0x80: {  	v3 =	vld.idx.msk [tilespmem:v24+s23+$0x0], $0xffff  }
0x81: {  	v25 =	vor.u32 $0xB, v1;
	_ =	sdelay $0x3  }
0x82: {  	[tilespmem:s4+$0xFFFFF580] =	vst v3  }
0x83: {  	v3 =	vld.idx.msk [tilespmem:v25+s21+$0x0], $0xffff  }
0x84: {  	v26 =	vor.u32 $0xC, v2;
	_ =	sdelay $0x3  }
0x85: {  	[tilespmem:s4+$0x580] =	vst v3  }
0x86: {  	v3 =	vld.idx.msk [tilespmem:v26+s23+$0x0], $0xffff  }
0x87: {  	v27 =	vor.u32 $0xC, v1;
	_ =	sdelay $0x3  }
0x88: {  	[tilespmem:s4+$0xFFFFF600] =	vst v3  }
0x89: {  	v3 =	vld.idx.msk [tilespmem:v27+s21+$0x0], $0xffff  }
0x8a: {  	v28 =	vor.u32 $0xD, v2;
	_ =	sdelay $0x3  }
0x8b: {  	[tilespmem:s4+$0x600] =	vst v3  }
0x8c: {  	v3 =	vld.idx.msk [tilespmem:v28+s23+$0x0], $0xffff  }
0x8d: {  	v29 =	vor.u32 $0xD, v1;
	_ =	sdelay $0x3  }
0x8e: {  	[tilespmem:s4+$0xFFFFF680] =	vst v3  }
0x8f: {  	v3 =	vld.idx.msk [tilespmem:v29+s21+$0x0], $0xffff  }
0x90: {  	v30 =	vor.u32 $0xE, v2;
	_ =	sdelay $0x3  }
0x91: {  	[tilespmem:s4+$0x680] =	vst v3  }
0x92: {  	v3 =	vld.idx.msk [tilespmem:v30+s23+$0x0], $0xffff  }
0x93: {  	v31 =	vor.u32 $0xE, v1;
	_ =	sdelay $0x3  }
0x94: {  	[tilespmem:s4+$0xFFFFF700] =	vst v3  }
0x95: {  	v3 =	vld.idx.msk [tilespmem:v31+s21+$0x0], $0xffff  }
0x96: {  	v32 =	vor.u32 $0xF, v2;
	_ =	sdelay $0x3  }
0x97: {  	[tilespmem:s4+$0x700] =	vst v3  }
0x98: {  	v3 =	vld.idx.msk [tilespmem:v32+s23+$0x0], $0xffff  }
0x99: {  	v33 =	vor.u32 $0xF, v1;
	_ =	sdelay $0x3  }
0x9a: {  	[tilespmem:s4+$0xFFFFF780] =	vst v3  }
0x9b: {  	v3 =	vld.idx.msk [tilespmem:v33+s21+$0x0], $0xffff  }
0x9c: {  	v34 =	vor.u32 $0x10, v2;
	_ =	sdelay $0x3  }
0x9d: {  	[tilespmem:s4+$0x780] =	vst v3  }
0x9e: {  	v3 =	vld.idx.msk [tilespmem:v34+s23+$0x0], $0xffff  }
0x9f: {  	v35 =	vor.u32 $0x10, v1;
	_ =	sdelay $0x3  }
0xa0: {  	[tilespmem:s4+$0xFFFFF800] =	vst v3  }
0xa1: {  	v3 =	vld.idx.msk [tilespmem:v35+s21+$0x0], $0xffff  }
0xa2: {  	v36 =	vor.u32 $0x11, v2;
	_ =	sdelay $0x3  }
0xa3: {  	[tilespmem:s4+$0x800] =	vst v3  }
0xa4: {  	v3 =	vld.idx.msk [tilespmem:v36+s23+$0x0], $0xffff  }
0xa5: {  	v37 =	vor.u32 $0x11, v1;
	_ =	sdelay $0x3  }
0xa6: {  	[tilespmem:s4+$0xFFFFF880] =	vst v3  }
0xa7: {  	v3 =	vld.idx.msk [tilespmem:v37+s21+$0x0], $0xffff  }
0xa8: {  	v38 =	vor.u32 $0x12, v2;
	_ =	sdelay $0x3  }
0xa9: {  	[tilespmem:s4+$0x880] =	vst v3  }
0xaa: {  	v3 =	vld.idx.msk [tilespmem:v38+s23+$0x0], $0xffff  }
0xab: {  	v39 =	vor.u32 $0x12, v1;
	_ =	sdelay $0x3  }
0xac: {  	[tilespmem:s4+$0xFFFFF900] =	vst v3  }
0xad: {  	v3 =	vld.idx.msk [tilespmem:v39+s21+$0x0], $0xffff  }
0xae: {  	v40 =	vor.u32 $0x13, v2;
	_ =	sdelay $0x3  }
0xaf: {  	[tilespmem:s4+$0x900] =	vst v3  }
0xb0: {  	v3 =	vld.idx.msk [tilespmem:v40+s23+$0x0], $0xffff  }
0xb1: {  	v41 =	vor.u32 $0x13, v1;
	_ =	sdelay $0x3  }
0xb2: {  	[tilespmem:s4+$0xFFFFF980] =	vst v3  }
0xb3: {  	v3 =	vld.idx.msk [tilespmem:v41+s21+$0x0], $0xffff  }
0xb4: {  	v42 =	vor.u32 $0x14, v2;
	_ =	sdelay $0x3  }
0xb5: {  	[tilespmem:s4+$0x980] =	vst v3  }
0xb6: {  	v3 =	vld.idx.msk [tilespmem:v42+s23+$0x0], $0xffff  }
0xb7: {  	v43 =	vor.u32 $0x14, v1;
	_ =	sdelay $0x3  }
0xb8: {  	[tilespmem:s4+$0xFFFFFA00] =	vst v3  }
0xb9: {  	v3 =	vld.idx.msk [tilespmem:v43+s21+$0x0], $0xffff  }
0xba: {  	v44 =	vor.u32 $0x15, v2;
	_ =	sdelay $0x3  }
0xbb: {  	[tilespmem:s4+$0xA00] =	vst v3  }
0xbc: {  	v3 =	vld.idx.msk [tilespmem:v44+s23+$0x0], $0xffff  }
0xbd: {  	v45 =	vor.u32 $0x15, v1;
	_ =	sdelay $0x3  }
0xbe: {  	[tilespmem:s4+$0xFFFFFA80] =	vst v3  }
0xbf: {  	v3 =	vld.idx.msk [tilespmem:v45+s21+$0x0], $0xffff  }
0xc0: {  	v46 =	vor.u32 $0x16, v2;
	_ =	sdelay $0x3  }
0xc1: {  	[tilespmem:s4+$0xA80] =	vst v3  }
0xc2: {  	v3 =	vld.idx.msk [tilespmem:v46+s23+$0x0], $0xffff  }
0xc3: {  	v47 =	vor.u32 $0x16, v1;
	_ =	sdelay $0x3  }
0xc4: {  	[tilespmem:s4+$0xFFFFFB00] =	vst v3  }
0xc5: {  	v3 =	vld.idx.msk [tilespmem:v47+s21+$0x0], $0xffff  }
0xc6: {  	v48 =	vor.u32 $0x17, v2;
	_ =	sdelay $0x3  }
0xc7: {  	[tilespmem:s4+$0xB00] =	vst v3  }
0xc8: {  	v3 =	vld.idx.msk [tilespmem:v48+s23+$0x0], $0xffff  }
0xc9: {  	v49 =	vor.u32 $0x17, v1;
	_ =	sdelay $0x3  }
0xca: {  	[tilespmem:s4+$0xFFFFFB80] =	vst v3  }
0xcb: {  	v3 =	vld.idx.msk [tilespmem:v49+s21+$0x0], $0xffff  }
0xcc: {  	v50 =	vor.u32 $0x18, v2;
	_ =	sdelay $0x3  }
0xcd: {  	[tilespmem:s4+$0xB80] =	vst v3  }
0xce: {  	v3 =	vld.idx.msk [tilespmem:v50+s23+$0x0], $0xffff  }
0xcf: {  	v51 =	vor.u32 $0x18, v1;
	_ =	sdelay $0x3  }
0xd0: {  	[tilespmem:s4+$0xFFFFFC00] =	vst v3  }
0xd1: {  	v3 =	vld.idx.msk [tilespmem:v51+s21+$0x0], $0xffff  }
0xd2: {  	v52 =	vor.u32 $0x19, v2;
	_ =	sdelay $0x3  }
0xd3: {  	[tilespmem:s4+$0xC00] =	vst v3  }
0xd4: {  	v3 =	vld.idx.msk [tilespmem:v52+s23+$0x0], $0xffff  }
0xd5: {  	v53 =	vor.u32 $0x19, v1;
	_ =	sdelay $0x3  }
0xd6: {  	[tilespmem:s4+$0xFFFFFC80] =	vst v3  }
0xd7: {  	v3 =	vld.idx.msk [tilespmem:v53+s21+$0x0], $0xffff  }
0xd8: {  	v54 =	vor.u32 $0x1A, v2;
	_ =	sdelay $0x3  }
0xd9: {  	[tilespmem:s4+$0xC80] =	vst v3  }
0xda: {  	v3 =	vld.idx.msk [tilespmem:v54+s23+$0x0], $0xffff  }
0xdb: {  	v55 =	vor.u32 $0x1A, v1;
	_ =	sdelay $0x3  }
0xdc: {  	[tilespmem:s4+$0xFFFFFD00] =	vst v3  }
0xdd: {  	v3 =	vld.idx.msk [tilespmem:v55+s21+$0x0], $0xffff  }
0xde: {  	v56 =	vor.u32 $0x1B, v2;
	_ =	sdelay $0x3  }
0xdf: {  	[tilespmem:s4+$0xD00] =	vst v3  }
0xe0: {  	v3 =	vld.idx.msk [tilespmem:v56+s23+$0x0], $0xffff  }
0xe1: {  	v57 =	vor.u32 $0x1B, v1;
	_ =	sdelay $0x3  }
0xe2: {  	[tilespmem:s4+$0xFFFFFD80] =	vst v3  }
0xe3: {  	v3 =	vld.idx.msk [tilespmem:v57+s21+$0x0], $0xffff  }
0xe4: {  	v58 =	vor.u32 $0x1C, v2;
	_ =	sdelay $0x3  }
0xe5: {  	[tilespmem:s4+$0xD80] =	vst v3  }
0xe6: {  	v3 =	vld.idx.msk [tilespmem:v58+s23+$0x0], $0xffff  }
0xe7: {  	v59 =	vor.u32 $0x1C, v1;
	_ =	sdelay $0x3  }
0xe8: {  	[tilespmem:s4+$0xFFFFFE00] =	vst v3  }
0xe9: {  	v3 =	vld.idx.msk [tilespmem:v59+s21+$0x0], $0xffff  }
0xea: {  	v60 =	vor.u32 $0x1D, v2;
	_ =	sdelay $0x3  }
0xeb: {  	[tilespmem:s4+$0xE00] =	vst v3  }
0xec: {  	v3 =	vld.idx.msk [tilespmem:v60+s23+$0x0], $0xffff  }
0xed: {  	v61 =	vor.u32 $0x1D, v1;
	_ =	sdelay $0x3  }
0xee: {  	[tilespmem:s4+$0xFFFFFE80] =	vst v3  }
0xef: {  	v3 =	vld.idx.msk [tilespmem:v61+s21+$0x0], $0xffff  }
0xf0: {  	v62 =	vor.u32 $0x1E, v2;
	_ =	sdelay $0x3  }
0xf1: {  	[tilespmem:s4+$0xE80] =	vst v3  }
0xf2: {  	v3 =	vld.idx.msk [tilespmem:v62+s23+$0x0], $0xffff  }
0xf3: {  	v63 =	vor.u32 $0x1E, v1;
	_ =	sdelay $0x3  }
0xf4: {  	[tilespmem:s4+$0xFFFFFF00] =	vst v3  }
0xf5: {  	v3 =	vld.idx.msk [tilespmem:v63+s21+$0x0], $0xffff  }
0xf6: {  	v2 =	vor.u32 $0x1F, v2;
	_ =	sdelay $0x3  }
0xf7: {  	[tilespmem:s4+$0xF00] =	vst v3  }
0xf8: {  	v2 =	vld.idx.msk [tilespmem:v2+s23+$0x0], $0xffff  }
0xf9: {  	v1 =	vor.u32 $0x1F, v1;
	_ =	sdelay $0x3  }
0xfa: {  	[tilespmem:s4+$0xFFFFFF80] =	vst v2  }
0xfb: {  	p0 =	sne.s32 s3, $0x70;
	v1 =	vld.idx.msk [tilespmem:v1+s21+$0x0], $0xffff  }
.Ltmp0:
0xfc: {  	_ = 	snop;
	(pc) =	sbr.rel @p0 .LBB2_2-.Ltmp0, $2  }
0xfd: {  	_ =	sdelay $0x2  }
0xfe: {  	s3 =	sadd.s32 $0x10, s3;
	s0 =	sadd.s32 $0x10, s0;
	[tilespmem:s4+$0xF80] =	vst v1;
	s4 =	sadd.s32 $0x10, s4  }
0xff: {  	[hbm4b:s6+s15] =	stream.strided.scatter [tilespmem:s30], [sflag:$0x3], $0x2000, s29, s15, $0x38;
	[tilespmem:$0x13F00] =	vst v63  }
0x100: {  	_ =	swait.ge [sflag:s13], $0x2000  }
0x101: {  	[sflag:s13] =	ssyncset.done $0x0  }
0x102: {  	[sflag:s13] =	ssyncadd.s32 $0xFFFFE000  }
0x103: {  	_ =	swait.ge [sflag:s28], $0x4000  }
0x104: {  	s0 =	simm.s32 $0x0;
	[sflag:s28] =	ssyncset.done $0x0  }
0x105: {  	s4 =	simm.s32 $0x280;
	s3 =	simm.s32 $0x12F00;
	[sflag:s28] =	ssyncadd.s32 $0xFFFFC000  }
.LBB2_4:
0x106: {  	v1 =	vmov s0  }
0x107: {  	v1 =	vshll.u32 v1, $0x7  }
0x108: {  	v2 =	vor.u32 v0, v1  }
0x109: {  	v1 =	vld [tilespmem:s4+$0x0];
	_ =	sdelay $0x3  }
0x10a: {  	v3 =	vld.idx.msk [tilespmem:v2+s24+$0x0], $0xffff  }
0x10b: {  	v1 =	vshll.u32 v1, $0x5;
	_ =	sdelay $0x3  }
0x10c: {  	[tilespmem:s3+$0xFFFFF000] =	vst v3  }
0x10d: {  	v3 =	vld.idx.msk [tilespmem:v1+s21+$0x0], $0xffff  }
0x10e: {  	v4 =	vor.u32 $0x1, v2;
	_ =	sdelay $0x3  }
0x10f: {  	[tilespmem:s3+$0x0] =	vst v3  }
0x110: {  	v3 =	vld.idx.msk [tilespmem:v4+s24+$0x0], $0xffff  }
0x111: {  	v61 =	vor.u32 $0x1, v1;
	_ =	sdelay $0x3  }
0x112: {  	[tilespmem:s3+$0xFFFFF080] =	vst v3  }
0x113: {  	v3 =	vld.idx.msk [tilespmem:v61+s21+$0x0], $0xffff  }
0x114: {  	v62 =	vor.u32 $0x2, v2;
	_ =	sdelay $0x3  }
0x115: {  	[tilespmem:s3+$0x80] =	vst v3  }
0x116: {  	v3 =	vld.idx.msk [tilespmem:v62+s24+$0x0], $0xffff  }
0x117: {  	v63 =	vor.u32 $0x2, v1;
	_ =	sdelay $0x3  }
0x118: {  	[tilespmem:s3+$0xFFFFF100] =	vst v3  }
0x119: {  	v3 =	vld.idx.msk [tilespmem:v63+s21+$0x0], $0xffff  }
0x11a: {  	v8 =	vor.u32 $0x3, v2;
	_ =	sdelay $0x3  }
0x11b: {  	[tilespmem:s3+$0x100] =	vst v3  }
0x11c: {  	v3 =	vld.idx.msk [tilespmem:v8+s24+$0x0], $0xffff  }
0x11d: {  	v9 =	vor.u32 $0x3, v1;
	_ =	sdelay $0x3  }
0x11e: {  	[tilespmem:s3+$0xFFFFF180] =	vst v3  }
0x11f: {  	v3 =	vld.idx.msk [tilespmem:v9+s21+$0x0], $0xffff  }
0x120: {  	v10 =	vor.u32 $0x4, v2;
	_ =	sdelay $0x3  }
0x121: {  	[tilespmem:s3+$0x180] =	vst v3  }
0x122: {  	v3 =	vld.idx.msk [tilespmem:v10+s24+$0x0], $0xffff  }
0x123: {  	v11 =	vor.u32 $0x4, v1;
	_ =	sdelay $0x3  }
0x124: {  	[tilespmem:s3+$0xFFFFF200] =	vst v3  }
0x125: {  	v3 =	vld.idx.msk [tilespmem:v11+s21+$0x0], $0xffff  }
0x126: {  	v12 =	vor.u32 $0x5, v2;
	_ =	sdelay $0x3  }
0x127: {  	[tilespmem:s3+$0x200] =	vst v3  }
0x128: {  	v3 =	vld.idx.msk [tilespmem:v12+s24+$0x0], $0xffff  }
0x129: {  	v13 =	vor.u32 $0x5, v1;
	_ =	sdelay $0x3  }
0x12a: {  	[tilespmem:s3+$0xFFFFF280] =	vst v3  }
0x12b: {  	v3 =	vld.idx.msk [tilespmem:v13+s21+$0x0], $0xffff  }
0x12c: {  	v14 =	vor.u32 $0x6, v2;
	_ =	sdelay $0x3  }
0x12d: {  	[tilespmem:s3+$0x280] =	vst v3  }
0x12e: {  	v3 =	vld.idx.msk [tilespmem:v14+s24+$0x0], $0xffff  }
0x12f: {  	v15 =	vor.u32 $0x6, v1;
	_ =	sdelay $0x3  }
0x130: {  	[tilespmem:s3+$0xFFFFF300] =	vst v3  }
0x131: {  	v3 =	vld.idx.msk [tilespmem:v15+s21+$0x0], $0xffff  }
0x132: {  	v16 =	vor.u32 $0x7, v2;
	_ =	sdelay $0x3  }
0x133: {  	[tilespmem:s3+$0x300] =	vst v3  }
0x134: {  	v3 =	vld.idx.msk [tilespmem:v16+s24+$0x0], $0xffff  }
0x135: {  	v17 =	vor.u32 $0x7, v1;
	_ =	sdelay $0x3  }
0x136: {  	[tilespmem:s3+$0xFFFFF380] =	vst v3  }
0x137: {  	v3 =	vld.idx.msk [tilespmem:v17+s21+$0x0], $0xffff  }
0x138: {  	v18 =	vor.u32 $0x8, v2;
	_ =	sdelay $0x3  }
0x139: {  	[tilespmem:s3+$0x380] =	vst v3  }
0x13a: {  	v3 =	vld.idx.msk [tilespmem:v18+s24+$0x0], $0xffff  }
0x13b: {  	v19 =	vor.u32 $0x8, v1;
	_ =	sdelay $0x3  }
0x13c: {  	[tilespmem:s3+$0xFFFFF400] =	vst v3  }
0x13d: {  	v3 =	vld.idx.msk [tilespmem:v19+s21+$0x0], $0xffff  }
0x13e: {  	v20 =	vor.u32 $0x9, v2;
	_ =	sdelay $0x3  }
0x13f: {  	[tilespmem:s3+$0x400] =	vst v3  }
0x140: {  	v3 =	vld.idx.msk [tilespmem:v20+s24+$0x0], $0xffff  }
0x141: {  	v21 =	vor.u32 $0x9, v1;
	_ =	sdelay $0x3  }
0x142: {  	[tilespmem:s3+$0xFFFFF480] =	vst v3  }
0x143: {  	v3 =	vld.idx.msk [tilespmem:v21+s21+$0x0], $0xffff  }
0x144: {  	v22 =	vor.u32 $0xA, v2;
	_ =	sdelay $0x3  }
0x145: {  	[tilespmem:s3+$0x480] =	vst v3  }
0x146: {  	v3 =	vld.idx.msk [tilespmem:v22+s24+$0x0], $0xffff  }
0x147: {  	v23 =	vor.u32 $0xA, v1;
	_ =	sdelay $0x3  }
0x148: {  	[tilespmem:s3+$0xFFFFF500] =	vst v3  }
0x149: {  	v3 =	vld.idx.msk [tilespmem:v23+s21+$0x0], $0xffff  }
0x14a: {  	v24 =	vor.u32 $0xB, v2;
	_ =	sdelay $0x3  }
0x14b: {  	[tilespmem:s3+$0x500] =	vst v3  }
0x14c: {  	v3 =	vld.idx.msk [tilespmem:v24+s24+$0x0], $0xffff  }
0x14d: {  	v25 =	vor.u32 $0xB, v1;
	_ =	sdelay $0x3  }
0x14e: {  	[tilespmem:s3+$0xFFFFF580] =	vst v3  }
0x14f: {  	v3 =	vld.idx.msk [tilespmem:v25+s21+$0x0], $0xffff  }
0x150: {  	v26 =	vor.u32 $0xC, v2;
	_ =	sdelay $0x3  }
0x151: {  	[tilespmem:s3+$0x580] =	vst v3  }
0x152: {  	v3 =	vld.idx.msk [tilespmem:v26+s24+$0x0], $0xffff  }
0x153: {  	v27 =	vor.u32 $0xC, v1;
	_ =	sdelay $0x3  }
0x154: {  	[tilespmem:s3+$0xFFFFF600] =	vst v3  }
0x155: {  	v3 =	vld.idx.msk [tilespmem:v27+s21+$0x0], $0xffff  }
0x156: {  	v28 =	vor.u32 $0xD, v2;
	_ =	sdelay $0x3  }
0x157: {  	[tilespmem:s3+$0x600] =	vst v3  }
0x158: {  	v3 =	vld.idx.msk [tilespmem:v28+s24+$0x0], $0xffff  }
0x159: {  	v29 =	vor.u32 $0xD, v1;
	_ =	sdelay $0x3  }
0x15a: {  	[tilespmem:s3+$0xFFFFF680] =	vst v3  }
0x15b: {  	v3 =	vld.idx.msk [tilespmem:v29+s21+$0x0], $0xffff  }
0x15c: {  	v30 =	vor.u32 $0xE, v2;
	_ =	sdelay $0x3  }
0x15d: {  	[tilespmem:s3+$0x680] =	vst v3  }
0x15e: {  	v3 =	vld.idx.msk [tilespmem:v30+s24+$0x0], $0xffff  }
0x15f: {  	v31 =	vor.u32 $0xE, v1;
	_ =	sdelay $0x3  }
0x160: {  	[tilespmem:s3+$0xFFFFF700] =	vst v3  }
0x161: {  	v3 =	vld.idx.msk [tilespmem:v31+s21+$0x0], $0xffff  }
0x162: {  	v32 =	vor.u32 $0xF, v2;
	_ =	sdelay $0x3  }
0x163: {  	[tilespmem:s3+$0x700] =	vst v3  }
0x164: {  	v3 =	vld.idx.msk [tilespmem:v32+s24+$0x0], $0xffff  }
0x165: {  	v33 =	vor.u32 $0xF, v1;
	_ =	sdelay $0x3  }
0x166: {  	[tilespmem:s3+$0xFFFFF780] =	vst v3  }
0x167: {  	v3 =	vld.idx.msk [tilespmem:v33+s21+$0x0], $0xffff  }
0x168: {  	v34 =	vor.u32 $0x10, v2;
	_ =	sdelay $0x3  }
0x169: {  	[tilespmem:s3+$0x780] =	vst v3  }
0x16a: {  	v3 =	vld.idx.msk [tilespmem:v34+s24+$0x0], $0xffff  }
0x16b: {  	v35 =	vor.u32 $0x10, v1;
	_ =	sdelay $0x3  }
0x16c: {  	[tilespmem:s3+$0xFFFFF800] =	vst v3  }
0x16d: {  	v3 =	vld.idx.msk [tilespmem:v35+s21+$0x0], $0xffff  }
0x16e: {  	v36 =	vor.u32 $0x11, v2;
	_ =	sdelay $0x3  }
0x16f: {  	[tilespmem:s3+$0x800] =	vst v3  }
0x170: {  	v3 =	vld.idx.msk [tilespmem:v36+s24+$0x0], $0xffff  }
0x171: {  	v37 =	vor.u32 $0x11, v1;
	_ =	sdelay $0x3  }
0x172: {  	[tilespmem:s3+$0xFFFFF880] =	vst v3  }
0x173: {  	v3 =	vld.idx.msk [tilespmem:v37+s21+$0x0], $0xffff  }
0x174: {  	v38 =	vor.u32 $0x12, v2;
	_ =	sdelay $0x3  }
0x175: {  	[tilespmem:s3+$0x880] =	vst v3  }
0x176: {  	v3 =	vld.idx.msk [tilespmem:v38+s24+$0x0], $0xffff  }
0x177: {  	v39 =	vor.u32 $0x12, v1;
	_ =	sdelay $0x3  }
0x178: {  	[tilespmem:s3+$0xFFFFF900] =	vst v3  }
0x179: {  	v3 =	vld.idx.msk [tilespmem:v39+s21+$0x0], $0xffff  }
0x17a: {  	v40 =	vor.u32 $0x13, v2;
	_ =	sdelay $0x3  }
0x17b: {  	[tilespmem:s3+$0x900] =	vst v3  }
0x17c: {  	v3 =	vld.idx.msk [tilespmem:v40+s24+$0x0], $0xffff  }
0x17d: {  	v41 =	vor.u32 $0x13, v1;
	_ =	sdelay $0x3  }
0x17e: {  	[tilespmem:s3+$0xFFFFF980] =	vst v3  }
0x17f: {  	v3 =	vld.idx.msk [tilespmem:v41+s21+$0x0], $0xffff  }
0x180: {  	v42 =	vor.u32 $0x14, v2;
	_ =	sdelay $0x3  }
0x181: {  	[tilespmem:s3+$0x980] =	vst v3  }
0x182: {  	v3 =	vld.idx.msk [tilespmem:v42+s24+$0x0], $0xffff  }
0x183: {  	v43 =	vor.u32 $0x14, v1;
	_ =	sdelay $0x3  }
0x184: {  	[tilespmem:s3+$0xFFFFFA00] =	vst v3  }
0x185: {  	v3 =	vld.idx.msk [tilespmem:v43+s21+$0x0], $0xffff  }
0x186: {  	v44 =	vor.u32 $0x15, v2;
	_ =	sdelay $0x3  }
0x187: {  	[tilespmem:s3+$0xA00] =	vst v3  }
0x188: {  	v3 =	vld.idx.msk [tilespmem:v44+s24+$0x0], $0xffff  }
0x189: {  	v45 =	vor.u32 $0x15, v1;
	_ =	sdelay $0x3  }
0x18a: {  	[tilespmem:s3+$0xFFFFFA80] =	vst v3  }
0x18b: {  	v3 =	vld.idx.msk [tilespmem:v45+s21+$0x0], $0xffff  }
0x18c: {  	v46 =	vor.u32 $0x16, v2;
	_ =	sdelay $0x3  }
0x18d: {  	[tilespmem:s3+$0xA80] =	vst v3  }
0x18e: {  	v3 =	vld.idx.msk [tilespmem:v46+s24+$0x0], $0xffff  }
0x18f: {  	v47 =	vor.u32 $0x16, v1;
	_ =	sdelay $0x3  }
0x190: {  	[tilespmem:s3+$0xFFFFFB00] =	vst v3  }
0x191: {  	v3 =	vld.idx.msk [tilespmem:v47+s21+$0x0], $0xffff  }
0x192: {  	v48 =	vor.u32 $0x17, v2;
	_ =	sdelay $0x3  }
0x193: {  	[tilespmem:s3+$0xB00] =	vst v3  }
0x194: {  	v3 =	vld.idx.msk [tilespmem:v48+s24+$0x0], $0xffff  }
0x195: {  	v49 =	vor.u32 $0x17, v1;
	_ =	sdelay $0x3  }
0x196: {  	[tilespmem:s3+$0xFFFFFB80] =	vst v3  }
0x197: {  	v3 =	vld.idx.msk [tilespmem:v49+s21+$0x0], $0xffff  }
0x198: {  	v50 =	vor.u32 $0x18, v2;
	_ =	sdelay $0x3  }
0x199: {  	[tilespmem:s3+$0xB80] =	vst v3  }
0x19a: {  	v3 =	vld.idx.msk [tilespmem:v50+s24+$0x0], $0xffff  }
0x19b: {  	v51 =	vor.u32 $0x18, v1;
	_ =	sdelay $0x3  }
0x19c: {  	[tilespmem:s3+$0xFFFFFC00] =	vst v3  }
0x19d: {  	v3 =	vld.idx.msk [tilespmem:v51+s21+$0x0], $0xffff  }
0x19e: {  	v52 =	vor.u32 $0x19, v2;
	_ =	sdelay $0x3  }
0x19f: {  	[tilespmem:s3+$0xC00] =	vst v3  }
0x1a0: {  	v3 =	vld.idx.msk [tilespmem:v52+s24+$0x0], $0xffff  }
0x1a1: {  	v53 =	vor.u32 $0x19, v1;
	_ =	sdelay $0x3  }
0x1a2: {  	[tilespmem:s3+$0xFFFFFC80] =	vst v3  }
0x1a3: {  	v3 =	vld.idx.msk [tilespmem:v53+s21+$0x0], $0xffff  }
0x1a4: {  	v54 =	vor.u32 $0x1A, v2;
	_ =	sdelay $0x3  }
0x1a5: {  	[tilespmem:s3+$0xC80] =	vst v3  }
0x1a6: {  	v3 =	vld.idx.msk [tilespmem:v54+s24+$0x0], $0xffff  }
0x1a7: {  	v55 =	vor.u32 $0x1A, v1;
	_ =	sdelay $0x3  }
0x1a8: {  	[tilespmem:s3+$0xFFFFFD00] =	vst v3  }
0x1a9: {  	v3 =	vld.idx.msk [tilespmem:v55+s21+$0x0], $0xffff  }
0x1aa: {  	v56 =	vor.u32 $0x1B, v2;
	_ =	sdelay $0x3  }
0x1ab: {  	[tilespmem:s3+$0xD00] =	vst v3  }
0x1ac: {  	v3 =	vld.idx.msk [tilespmem:v56+s24+$0x0], $0xffff  }
0x1ad: {  	v57 =	vor.u32 $0x1B, v1;
	_ =	sdelay $0x3  }
0x1ae: {  	[tilespmem:s3+$0xFFFFFD80] =	vst v3  }
0x1af: {  	v3 =	vld.idx.msk [tilespmem:v57+s21+$0x0], $0xffff  }
0x1b0: {  	v58 =	vor.u32 $0x1C, v2;
	_ =	sdelay $0x3  }
0x1b1: {  	[tilespmem:s3+$0xD80] =	vst v3  }
0x1b2: {  	v3 =	vld.idx.msk [tilespmem:v58+s24+$0x0], $0xffff  }
0x1b3: {  	v59 =	vor.u32 $0x1C, v1;
	_ =	sdelay $0x3  }
0x1b4: {  	[tilespmem:s3+$0xFFFFFE00] =	vst v3  }
0x1b5: {  	v3 =	vld.idx.msk [tilespmem:v59+s21+$0x0], $0xffff  }
0x1b6: {  	v60 =	vor.u32 $0x1D, v2;
	_ =	sdelay $0x3  }
0x1b7: {  	[tilespmem:s3+$0xE00] =	vst v3  }
0x1b8: {  	v3 =	vld.idx.msk [tilespmem:v60+s24+$0x0], $0xffff  }
0x1b9: {  	v61 =	vor.u32 $0x1D, v1;
	_ =	sdelay $0x3  }
0x1ba: {  	[tilespmem:s3+$0xFFFFFE80] =	vst v3  }
0x1bb: {  	v3 =	vld.idx.msk [tilespmem:v61+s21+$0x0], $0xffff  }
0x1bc: {  	v62 =	vor.u32 $0x1E, v2;
	_ =	sdelay $0x3  }
0x1bd: {  	[tilespmem:s3+$0xE80] =	vst v3  }
0x1be: {  	v3 =	vld.idx.msk [tilespmem:v62+s24+$0x0], $0xffff  }
0x1bf: {  	v63 =	vor.u32 $0x1E, v1;
	_ =	sdelay $0x3  }
0x1c0: {  	[tilespmem:s3+$0xFFFFFF00] =	vst v3  }
0x1c1: {  	v3 =	vld.idx.msk [tilespmem:v63+s21+$0x0], $0xffff  }
0x1c2: {  	v2 =	vor.u32 $0x1F, v2;
	_ =	sdelay $0x3  }
0x1c3: {  	[tilespmem:s3+$0xF00] =	vst v3  }
0x1c4: {  	v2 =	vld.idx.msk [tilespmem:v2+s24+$0x0], $0xffff  }
0x1c5: {  	v1 =	vor.u32 $0x1F, v1;
	_ =	sdelay $0x3  }
0x1c6: {  	[tilespmem:s3+$0xFFFFFF80] =	vst v2  }
0x1c7: {  	p0 =	sne.s32 s0, $0x70;
	v1 =	vld.idx.msk [tilespmem:v1+s21+$0x0], $0xffff  }
.Ltmp1:
0x1c8: {  	_ = 	snop;
	(pc) =	sbr.rel @p0 .LBB2_4-.Ltmp1, $2  }
0x1c9: {  	_ =	sdelay $0x2  }
0x1ca: {  	s0 =	sadd.s32 $0x10, s0;
	s4 =	sadd.s32 $0x10, s4;
	[tilespmem:s3+$0xF80] =	vst v1;
	s3 =	sadd.s32 $0x10, s3  }
0x1cb: {  	[hbm4b:s9+s15] =	stream.strided.scatter [tilespmem:s30], [sflag:$0x3], $0x2000, s29, s15, $0x38;
	[tilespmem:$0x13F00] =	vst v63  }
0x1cc: {  	_ =	swait.ge [sflag:s13], $0x2000  }
0x1cd: {  	[sflag:s13] =	ssyncset.done $0x0  }
0x1ce: {  	[sflag:s13] =	ssyncadd.s32 $0xFFFFE000  }
0x1cf: {  	_ =	swait.ge [sflag:s28], $0x4000  }
0x1d0: {  	s0 =	simm.s32 $0x0;
	[sflag:s28] =	ssyncset.done $0x0  }
0x1d1: {  	s4 =	simm.s32 $0x300;
	s3 =	simm.s32 $0x12F00;
	[sflag:s28] =	ssyncadd.s32 $0xFFFFC000  }
.LBB2_6:
0x1d2: {  	v1 =	vmov s0  }
0x1d3: {  	v1 =	vshll.u32 v1, $0x7  }
0x1d4: {  	v2 =	vor.u32 v0, v1  }
0x1d5: {  	v1 =	vld [tilespmem:s4+$0x0];
	_ =	sdelay $0x3  }
0x1d6: {  	v3 =	vld.idx.msk [tilespmem:v2+s25+$0x0], $0xffff  }
0x1d7: {  	v1 =	vshll.u32 v1, $0x5;
	_ =	sdelay $0x3  }
0x1d8: {  	[tilespmem:s3+$0xFFFFF000] =	vst v3  }
0x1d9: {  	v3 =	vld.idx.msk [tilespmem:v1+s21+$0x0], $0xffff  }
0x1da: {  	v4 =	vor.u32 $0x1, v2;
	_ =	sdelay $0x3  }
0x1db: {  	[tilespmem:s3+$0x0] =	vst v3  }
0x1dc: {  	v3 =	vld.idx.msk [tilespmem:v4+s25+$0x0], $0xffff  }
0x1dd: {  	v61 =	vor.u32 $0x1, v1;
	_ =	sdelay $0x3  }
0x1de: {  	[tilespmem:s3+$0xFFFFF080] =	vst v3  }
0x1df: {  	v3 =	vld.idx.msk [tilespmem:v61+s21+$0x0], $0xffff  }
0x1e0: {  	v62 =	vor.u32 $0x2, v2;
	_ =	sdelay $0x3  }
0x1e1: {  	[tilespmem:s3+$0x80] =	vst v3  }
0x1e2: {  	v3 =	vld.idx.msk [tilespmem:v62+s25+$0x0], $0xffff  }
0x1e3: {  	v63 =	vor.u32 $0x2, v1;
	_ =	sdelay $0x3  }
0x1e4: {  	[tilespmem:s3+$0xFFFFF100] =	vst v3  }
0x1e5: {  	v3 =	vld.idx.msk [tilespmem:v63+s21+$0x0], $0xffff  }
0x1e6: {  	v8 =	vor.u32 $0x3, v2;
	_ =	sdelay $0x3  }
0x1e7: {  	[tilespmem:s3+$0x100] =	vst v3  }
0x1e8: {  	v3 =	vld.idx.msk [tilespmem:v8+s25+$0x0], $0xffff  }
0x1e9: {  	v9 =	vor.u32 $0x3, v1;
	_ =	sdelay $0x3  }
0x1ea: {  	[tilespmem:s3+$0xFFFFF180] =	vst v3  }
0x1eb: {  	v3 =	vld.idx.msk [tilespmem:v9+s21+$0x0], $0xffff  }
0x1ec: {  	v10 =	vor.u32 $0x4, v2;
	_ =	sdelay $0x3  }
0x1ed: {  	[tilespmem:s3+$0x180] =	vst v3  }
0x1ee: {  	v3 =	vld.idx.msk [tilespmem:v10+s25+$0x0], $0xffff  }
0x1ef: {  	v11 =	vor.u32 $0x4, v1;
	_ =	sdelay $0x3  }
0x1f0: {  	[tilespmem:s3+$0xFFFFF200] =	vst v3  }
0x1f1: {  	v3 =	vld.idx.msk [tilespmem:v11+s21+$0x0], $0xffff  }
0x1f2: {  	v12 =	vor.u32 $0x5, v2;
	_ =	sdelay $0x3  }
0x1f3: {  	[tilespmem:s3+$0x200] =	vst v3  }
0x1f4: {  	v3 =	vld.idx.msk [tilespmem:v12+s25+$0x0], $0xffff  }
0x1f5: {  	v13 =	vor.u32 $0x5, v1;
	_ =	sdelay $0x3  }
0x1f6: {  	[tilespmem:s3+$0xFFFFF280] =	vst v3  }
0x1f7: {  	v3 =	vld.idx.msk [tilespmem:v13+s21+$0x0], $0xffff  }
0x1f8: {  	v14 =	vor.u32 $0x6, v2;
	_ =	sdelay $0x3  }
0x1f9: {  	[tilespmem:s3+$0x280] =	vst v3  }
0x1fa: {  	v3 =	vld.idx.msk [tilespmem:v14+s25+$0x0], $0xffff  }
0x1fb: {  	v15 =	vor.u32 $0x6, v1;
	_ =	sdelay $0x3  }
0x1fc: {  	[tilespmem:s3+$0xFFFFF300] =	vst v3  }
0x1fd: {  	v3 =	vld.idx.msk [tilespmem:v15+s21+$0x0], $0xffff  }
0x1fe: {  	v16 =	vor.u32 $0x7, v2;
	_ =	sdelay $0x3  }
0x1ff: {  	[tilespmem:s3+$0x300] =	vst v3  }
0x200: {  	v3 =	vld.idx.msk [tilespmem:v16+s25+$0x0], $0xffff  }
0x201: {  	v17 =	vor.u32 $0x7, v1;
	_ =	sdelay $0x3  }
0x202: {  	[tilespmem:s3+$0xFFFFF380] =	vst v3  }
0x203: {  	v3 =	vld.idx.msk [tilespmem:v17+s21+$0x0], $0xffff  }
0x204: {  	v18 =	vor.u32 $0x8, v2;
	_ =	sdelay $0x3  }
0x205: {  	[tilespmem:s3+$0x380] =	vst v3  }
0x206: {  	v3 =	vld.idx.msk [tilespmem:v18+s25+$0x0], $0xffff  }
0x207: {  	v19 =	vor.u32 $0x8, v1;
	_ =	sdelay $0x3  }
0x208: {  	[tilespmem:s3+$0xFFFFF400] =	vst v3  }
0x209: {  	v3 =	vld.idx.msk [tilespmem:v19+s21+$0x0], $0xffff  }
0x20a: {  	v20 =	vor.u32 $0x9, v2;
	_ =	sdelay $0x3  }
0x20b: {  	[tilespmem:s3+$0x400] =	vst v3  }
0x20c: {  	v3 =	vld.idx.msk [tilespmem:v20+s25+$0x0], $0xffff  }
0x20d: {  	v21 =	vor.u32 $0x9, v1;
	_ =	sdelay $0x3  }
0x20e: {  	[tilespmem:s3+$0xFFFFF480] =	vst v3  }
0x20f: {  	v3 =	vld.idx.msk [tilespmem:v21+s21+$0x0], $0xffff  }
0x210: {  	v22 =	vor.u32 $0xA, v2;
	_ =	sdelay $0x3  }
0x211: {  	[tilespmem:s3+$0x480] =	vst v3  }
0x212: {  	v3 =	vld.idx.msk [tilespmem:v22+s25+$0x0], $0xffff  }
0x213: {  	v23 =	vor.u32 $0xA, v1;
	_ =	sdelay $0x3  }
0x214: {  	[tilespmem:s3+$0xFFFFF500] =	vst v3  }
0x215: {  	v3 =	vld.idx.msk [tilespmem:v23+s21+$0x0], $0xffff  }
0x216: {  	v24 =	vor.u32 $0xB, v2;
	_ =	sdelay $0x3  }
0x217: {  	[tilespmem:s3+$0x500] =	vst v3  }
0x218: {  	v3 =	vld.idx.msk [tilespmem:v24+s25+$0x0], $0xffff  }
0x219: {  	v25 =	vor.u32 $0xB, v1;
	_ =	sdelay $0x3  }
0x21a: {  	[tilespmem:s3+$0xFFFFF580] =	vst v3  }
0x21b: {  	v3 =	vld.idx.msk [tilespmem:v25+s21+$0x0], $0xffff  }
0x21c: {  	v26 =	vor.u32 $0xC, v2;
	_ =	sdelay $0x3  }
0x21d: {  	[tilespmem:s3+$0x580] =	vst v3  }
0x21e: {  	v3 =	vld.idx.msk [tilespmem:v26+s25+$0x0], $0xffff  }
0x21f: {  	v27 =	vor.u32 $0xC, v1;
	_ =	sdelay $0x3  }
0x220: {  	[tilespmem:s3+$0xFFFFF600] =	vst v3  }
0x221: {  	v3 =	vld.idx.msk [tilespmem:v27+s21+$0x0], $0xffff  }
0x222: {  	v28 =	vor.u32 $0xD, v2;
	_ =	sdelay $0x3  }
0x223: {  	[tilespmem:s3+$0x600] =	vst v3  }
0x224: {  	v3 =	vld.idx.msk [tilespmem:v28+s25+$0x0], $0xffff  }
0x225: {  	v29 =	vor.u32 $0xD, v1;
	_ =	sdelay $0x3  }
0x226: {  	[tilespmem:s3+$0xFFFFF680] =	vst v3  }
0x227: {  	v3 =	vld.idx.msk [tilespmem:v29+s21+$0x0], $0xffff  }
0x228: {  	v30 =	vor.u32 $0xE, v2;
	_ =	sdelay $0x3  }
0x229: {  	[tilespmem:s3+$0x680] =	vst v3  }
0x22a: {  	v3 =	vld.idx.msk [tilespmem:v30+s25+$0x0], $0xffff  }
0x22b: {  	v31 =	vor.u32 $0xE, v1;
	_ =	sdelay $0x3  }
0x22c: {  	[tilespmem:s3+$0xFFFFF700] =	vst v3  }
0x22d: {  	v3 =	vld.idx.msk [tilespmem:v31+s21+$0x0], $0xffff  }
0x22e: {  	v32 =	vor.u32 $0xF, v2;
	_ =	sdelay $0x3  }
0x22f: {  	[tilespmem:s3+$0x700] =	vst v3  }
0x230: {  	v3 =	vld.idx.msk [tilespmem:v32+s25+$0x0], $0xffff  }
0x231: {  	v33 =	vor.u32 $0xF, v1;
	_ =	sdelay $0x3  }
0x232: {  	[tilespmem:s3+$0xFFFFF780] =	vst v3  }
0x233: {  	v3 =	vld.idx.msk [tilespmem:v33+s21+$0x0], $0xffff  }
0x234: {  	v34 =	vor.u32 $0x10, v2;
	_ =	sdelay $0x3  }
0x235: {  	[tilespmem:s3+$0x780] =	vst v3  }
0x236: {  	v3 =	vld.idx.msk [tilespmem:v34+s25+$0x0], $0xffff  }
0x237: {  	v35 =	vor.u32 $0x10, v1;
	_ =	sdelay $0x3  }
0x238: {  	[tilespmem:s3+$0xFFFFF800] =	vst v3  }
0x239: {  	v3 =	vld.idx.msk [tilespmem:v35+s21+$0x0], $0xffff  }
0x23a: {  	v36 =	vor.u32 $0x11, v2;
	_ =	sdelay $0x3  }
0x23b: {  	[tilespmem:s3+$0x800] =	vst v3  }
0x23c: {  	v3 =	vld.idx.msk [tilespmem:v36+s25+$0x0], $0xffff  }
0x23d: {  	v37 =	vor.u32 $0x11, v1;
	_ =	sdelay $0x3  }
0x23e: {  	[tilespmem:s3+$0xFFFFF880] =	vst v3  }
0x23f: {  	v3 =	vld.idx.msk [tilespmem:v37+s21+$0x0], $0xffff  }
0x240: {  	v38 =	vor.u32 $0x12, v2;
	_ =	sdelay $0x3  }
0x241: {  	[tilespmem:s3+$0x880] =	vst v3  }
0x242: {  	v3 =	vld.idx.msk [tilespmem:v38+s25+$0x0], $0xffff  }
0x243: {  	v39 =	vor.u32 $0x12, v1;
	_ =	sdelay $0x3  }
0x244: {  	[tilespmem:s3+$0xFFFFF900] =	vst v3  }
0x245: {  	v3 =	vld.idx.msk [tilespmem:v39+s21+$0x0], $0xffff  }
0x246: {  	v40 =	vor.u32 $0x13, v2;
	_ =	sdelay $0x3  }
0x247: {  	[tilespmem:s3+$0x900] =	vst v3  }
0x248: {  	v3 =	vld.idx.msk [tilespmem:v40+s25+$0x0], $0xffff  }
0x249: {  	v41 =	vor.u32 $0x13, v1;
	_ =	sdelay $0x3  }
0x24a: {  	[tilespmem:s3+$0xFFFFF980] =	vst v3  }
0x24b: {  	v3 =	vld.idx.msk [tilespmem:v41+s21+$0x0], $0xffff  }
0x24c: {  	v42 =	vor.u32 $0x14, v2;
	_ =	sdelay $0x3  }
0x24d: {  	[tilespmem:s3+$0x980] =	vst v3  }
0x24e: {  	v3 =	vld.idx.msk [tilespmem:v42+s25+$0x0], $0xffff  }
0x24f: {  	v43 =	vor.u32 $0x14, v1;
	_ =	sdelay $0x3  }
0x250: {  	[tilespmem:s3+$0xFFFFFA00] =	vst v3  }
0x251: {  	v3 =	vld.idx.msk [tilespmem:v43+s21+$0x0], $0xffff  }
0x252: {  	v44 =	vor.u32 $0x15, v2;
	_ =	sdelay $0x3  }
0x253: {  	[tilespmem:s3+$0xA00] =	vst v3  }
0x254: {  	v3 =	vld.idx.msk [tilespmem:v44+s25+$0x0], $0xffff  }
0x255: {  	v45 =	vor.u32 $0x15, v1;
	_ =	sdelay $0x3  }
0x256: {  	[tilespmem:s3+$0xFFFFFA80] =	vst v3  }
0x257: {  	v3 =	vld.idx.msk [tilespmem:v45+s21+$0x0], $0xffff  }
0x258: {  	v46 =	vor.u32 $0x16, v2;
	_ =	sdelay $0x3  }
0x259: {  	[tilespmem:s3+$0xA80] =	vst v3  }
0x25a: {  	v3 =	vld.idx.msk [tilespmem:v46+s25+$0x0], $0xffff  }
0x25b: {  	v47 =	vor.u32 $0x16, v1;
	_ =	sdelay $0x3  }
0x25c: {  	[tilespmem:s3+$0xFFFFFB00] =	vst v3  }
0x25d: {  	v3 =	vld.idx.msk [tilespmem:v47+s21+$0x0], $0xffff  }
0x25e: {  	v48 =	vor.u32 $0x17, v2;
	_ =	sdelay $0x3  }
0x25f: {  	[tilespmem:s3+$0xB00] =	vst v3  }
0x260: {  	v3 =	vld.idx.msk [tilespmem:v48+s25+$0x0], $0xffff  }
0x261: {  	v49 =	vor.u32 $0x17, v1;
	_ =	sdelay $0x3  }
0x262: {  	[tilespmem:s3+$0xFFFFFB80] =	vst v3  }
0x263: {  	v3 =	vld.idx.msk [tilespmem:v49+s21+$0x0], $0xffff  }
0x264: {  	v50 =	vor.u32 $0x18, v2;
	_ =	sdelay $0x3  }
0x265: {  	[tilespmem:s3+$0xB80] =	vst v3  }
0x266: {  	v3 =	vld.idx.msk [tilespmem:v50+s25+$0x0], $0xffff  }
0x267: {  	v51 =	vor.u32 $0x18, v1;
	_ =	sdelay $0x3  }
0x268: {  	[tilespmem:s3+$0xFFFFFC00] =	vst v3  }
0x269: {  	v3 =	vld.idx.msk [tilespmem:v51+s21+$0x0], $0xffff  }
0x26a: {  	v52 =	vor.u32 $0x19, v2;
	_ =	sdelay $0x3  }
0x26b: {  	[tilespmem:s3+$0xC00] =	vst v3  }
0x26c: {  	v3 =	vld.idx.msk [tilespmem:v52+s25+$0x0], $0xffff  }
0x26d: {  	v53 =	vor.u32 $0x19, v1;
	_ =	sdelay $0x3  }
0x26e: {  	[tilespmem:s3+$0xFFFFFC80] =	vst v3  }
0x26f: {  	v3 =	vld.idx.msk [tilespmem:v53+s21+$0x0], $0xffff  }
0x270: {  	v54 =	vor.u32 $0x1A, v2;
	_ =	sdelay $0x3  }
0x271: {  	[tilespmem:s3+$0xC80] =	vst v3  }
0x272: {  	v3 =	vld.idx.msk [tilespmem:v54+s25+$0x0], $0xffff  }
0x273: {  	v55 =	vor.u32 $0x1A, v1;
	_ =	sdelay $0x3  }
0x274: {  	[tilespmem:s3+$0xFFFFFD00] =	vst v3  }
0x275: {  	v3 =	vld.idx.msk [tilespmem:v55+s21+$0x0], $0xffff  }
0x276: {  	v56 =	vor.u32 $0x1B, v2;
	_ =	sdelay $0x3  }
0x277: {  	[tilespmem:s3+$0xD00] =	vst v3  }
0x278: {  	v3 =	vld.idx.msk [tilespmem:v56+s25+$0x0], $0xffff  }
0x279: {  	v57 =	vor.u32 $0x1B, v1;
	_ =	sdelay $0x3  }
0x27a: {  	[tilespmem:s3+$0xFFFFFD80] =	vst v3  }
0x27b: {  	v3 =	vld.idx.msk [tilespmem:v57+s21+$0x0], $0xffff  }
0x27c: {  	v58 =	vor.u32 $0x1C, v2;
	_ =	sdelay $0x3  }
0x27d: {  	[tilespmem:s3+$0xD80] =	vst v3  }
0x27e: {  	v3 =	vld.idx.msk [tilespmem:v58+s25+$0x0], $0xffff  }
0x27f: {  	v59 =	vor.u32 $0x1C, v1;
	_ =	sdelay $0x3  }
0x280: {  	[tilespmem:s3+$0xFFFFFE00] =	vst v3  }
0x281: {  	v3 =	vld.idx.msk [tilespmem:v59+s21+$0x0], $0xffff  }
0x282: {  	v60 =	vor.u32 $0x1D, v2;
	_ =	sdelay $0x3  }
0x283: {  	[tilespmem:s3+$0xE00] =	vst v3  }
0x284: {  	v3 =	vld.idx.msk [tilespmem:v60+s25+$0x0], $0xffff  }
0x285: {  	v61 =	vor.u32 $0x1D, v1;
	_ =	sdelay $0x3  }
0x286: {  	[tilespmem:s3+$0xFFFFFE80] =	vst v3  }
0x287: {  	v3 =	vld.idx.msk [tilespmem:v61+s21+$0x0], $0xffff  }
0x288: {  	v62 =	vor.u32 $0x1E, v2;
	_ =	sdelay $0x3  }
0x289: {  	[tilespmem:s3+$0xE80] =	vst v3  }
0x28a: {  	v3 =	vld.idx.msk [tilespmem:v62+s25+$0x0], $0xffff  }
0x28b: {  	v63 =	vor.u32 $0x1E, v1;
	_ =	sdelay $0x3  }
0x28c: {  	[tilespmem:s3+$0xFFFFFF00] =	vst v3  }
0x28d: {  	v3 =	vld.idx.msk [tilespmem:v63+s21+$0x0], $0xffff  }
0x28e: {  	v2 =	vor.u32 $0x1F, v2;
	_ =	sdelay $0x3  }
0x28f: {  	[tilespmem:s3+$0xF00] =	vst v3  }
0x290: {  	v2 =	vld.idx.msk [tilespmem:v2+s25+$0x0], $0xffff  }
0x291: {  	v1 =	vor.u32 $0x1F, v1;
	_ =	sdelay $0x3  }
0x292: {  	[tilespmem:s3+$0xFFFFFF80] =	vst v2  }
0x293: {  	p0 =	sne.s32 s0, $0x70;
	v1 =	vld.idx.msk [tilespmem:v1+s21+$0x0], $0xffff  }
.Ltmp2:
0x294: {  	_ = 	snop;
	(pc) =	sbr.rel @p0 .LBB2_6-.Ltmp2, $2  }
0x295: {  	_ =	sdelay $0x2  }
0x296: {  	s0 =	sadd.s32 $0x10, s0;
	s4 =	sadd.s32 $0x10, s4;
	[tilespmem:s3+$0xF80] =	vst v1;
	s3 =	sadd.s32 $0x10, s3  }
0x297: {  	[hbm4b:s10+s15] =	stream.strided.scatter [tilespmem:s30], [sflag:$0x3], $0x2000, s29, s15, $0x38;
	[tilespmem:$0x13F00] =	vst v63  }
0x298: {  	_ =	swait.ge [sflag:s13], $0x2000  }
0x299: {  	[sflag:s13] =	ssyncset.done $0x0  }
0x29a: {  	[sflag:s13] =	ssyncadd.s32 $0xFFFFE000  }
0x29b: {  	_ =	swait.ge [sflag:s28], $0x4000  }
0x29c: {  	s0 =	simm.s32 $0x0;
	[sflag:s28] =	ssyncset.done $0x0  }
0x29d: {  	s4 =	simm.s32 $0x380;
	s3 =	simm.s32 $0x12F00;
	[sflag:s28] =	ssyncadd.s32 $0xFFFFC000  }
.LBB2_8:
0x29e: {  	v1 =	vmov s0  }
0x29f: {  	v1 =	vshll.u32 v1, $0x7  }
0x2a0: {  	v2 =	vor.u32 v0, v1  }
0x2a1: {  	v1 =	vld [tilespmem:s4+$0x0];
	_ =	sdelay $0x3  }
0x2a2: {  	v3 =	vld.idx.msk [tilespmem:v2+s26+$0x0], $0xffff  }
0x2a3: {  	v1 =	vshll.u32 v1, $0x5;
	_ =	sdelay $0x3  }
0x2a4: {  	[tilespmem:s3+$0xFFFFF000] =	vst v3  }
0x2a5: {  	v3 =	vld.idx.msk [tilespmem:v1+s21+$0x0], $0xffff  }
0x2a6: {  	v4 =	vor.u32 $0x1, v2;
	_ =	sdelay $0x3  }
0x2a7: {  	[tilespmem:s3+$0x0] =	vst v3  }
0x2a8: {  	v3 =	vld.idx.msk [tilespmem:v4+s26+$0x0], $0xffff  }
0x2a9: {  	v61 =	vor.u32 $0x1, v1;
	_ =	sdelay $0x3  }
0x2aa: {  	[tilespmem:s3+$0xFFFFF080] =	vst v3  }
0x2ab: {  	v3 =	vld.idx.msk [tilespmem:v61+s21+$0x0], $0xffff  }
0x2ac: {  	v62 =	vor.u32 $0x2, v2;
	_ =	sdelay $0x3  }
0x2ad: {  	[tilespmem:s3+$0x80] =	vst v3  }
0x2ae: {  	v3 =	vld.idx.msk [tilespmem:v62+s26+$0x0], $0xffff  }
0x2af: {  	v63 =	vor.u32 $0x2, v1;
	_ =	sdelay $0x3  }
0x2b0: {  	[tilespmem:s3+$0xFFFFF100] =	vst v3  }
0x2b1: {  	v3 =	vld.idx.msk [tilespmem:v63+s21+$0x0], $0xffff  }
0x2b2: {  	v8 =	vor.u32 $0x3, v2;
	_ =	sdelay $0x3  }
0x2b3: {  	[tilespmem:s3+$0x100] =	vst v3  }
0x2b4: {  	v3 =	vld.idx.msk [tilespmem:v8+s26+$0x0], $0xffff  }
0x2b5: {  	v9 =	vor.u32 $0x3, v1;
	_ =	sdelay $0x3  }
0x2b6: {  	[tilespmem:s3+$0xFFFFF180] =	vst v3  }
0x2b7: {  	v3 =	vld.idx.msk [tilespmem:v9+s21+$0x0], $0xffff  }
0x2b8: {  	v10 =	vor.u32 $0x4, v2;
	_ =	sdelay $0x3  }
0x2b9: {  	[tilespmem:s3+$0x180] =	vst v3  }
0x2ba: {  	v3 =	vld.idx.msk [tilespmem:v10+s26+$0x0], $0xffff  }
0x2bb: {  	v11 =	vor.u32 $0x4, v1;
	_ =	sdelay $0x3  }
0x2bc: {  	[tilespmem:s3+$0xFFFFF200] =	vst v3  }
0x2bd: {  	v3 =	vld.idx.msk [tilespmem:v11+s21+$0x0], $0xffff  }
0x2be: {  	v12 =	vor.u32 $0x5, v2;
	_ =	sdelay $0x3  }
0x2bf: {  	[tilespmem:s3+$0x200] =	vst v3  }
0x2c0: {  	v3 =	vld.idx.msk [tilespmem:v12+s26+$0x0], $0xffff  }
0x2c1: {  	v13 =	vor.u32 $0x5, v1;
	_ =	sdelay $0x3  }
0x2c2: {  	[tilespmem:s3+$0xFFFFF280] =	vst v3  }
0x2c3: {  	v3 =	vld.idx.msk [tilespmem:v13+s21+$0x0], $0xffff  }
0x2c4: {  	v14 =	vor.u32 $0x6, v2;
	_ =	sdelay $0x3  }
0x2c5: {  	[tilespmem:s3+$0x280] =	vst v3  }
0x2c6: {  	v3 =	vld.idx.msk [tilespmem:v14+s26+$0x0], $0xffff  }
0x2c7: {  	v15 =	vor.u32 $0x6, v1;
	_ =	sdelay $0x3  }
0x2c8: {  	[tilespmem:s3+$0xFFFFF300] =	vst v3  }
0x2c9: {  	v3 =	vld.idx.msk [tilespmem:v15+s21+$0x0], $0xffff  }
0x2ca: {  	v16 =	vor.u32 $0x7, v2;
	_ =	sdelay $0x3  }
0x2cb: {  	[tilespmem:s3+$0x300] =	vst v3  }
0x2cc: {  	v3 =	vld.idx.msk [tilespmem:v16+s26+$0x0], $0xffff  }
0x2cd: {  	v17 =	vor.u32 $0x7, v1;
	_ =	sdelay $0x3  }
0x2ce: {  	[tilespmem:s3+$0xFFFFF380] =	vst v3  }
0x2cf: {  	v3 =	vld.idx.msk [tilespmem:v17+s21+$0x0], $0xffff  }
0x2d0: {  	v18 =	vor.u32 $0x8, v2;
	_ =	sdelay $0x3  }
0x2d1: {  	[tilespmem:s3+$0x380] =	vst v3  }
0x2d2: {  	v3 =	vld.idx.msk [tilespmem:v18+s26+$0x0], $0xffff  }
0x2d3: {  	v19 =	vor.u32 $0x8, v1;
	_ =	sdelay $0x3  }
0x2d4: {  	[tilespmem:s3+$0xFFFFF400] =	vst v3  }
0x2d5: {  	v3 =	vld.idx.msk [tilespmem:v19+s21+$0x0], $0xffff  }
0x2d6: {  	v20 =	vor.u32 $0x9, v2;
	_ =	sdelay $0x3  }
0x2d7: {  	[tilespmem:s3+$0x400] =	vst v3  }
0x2d8: {  	v3 =	vld.idx.msk [tilespmem:v20+s26+$0x0], $0xffff  }
0x2d9: {  	v21 =	vor.u32 $0x9, v1;
	_ =	sdelay $0x3  }
0x2da: {  	[tilespmem:s3+$0xFFFFF480] =	vst v3  }
0x2db: {  	v3 =	vld.idx.msk [tilespmem:v21+s21+$0x0], $0xffff  }
0x2dc: {  	v22 =	vor.u32 $0xA, v2;
	_ =	sdelay $0x3  }
0x2dd: {  	[tilespmem:s3+$0x480] =	vst v3  }
0x2de: {  	v3 =	vld.idx.msk [tilespmem:v22+s26+$0x0], $0xffff  }
0x2df: {  	v23 =	vor.u32 $0xA, v1;
	_ =	sdelay $0x3  }
0x2e0: {  	[tilespmem:s3+$0xFFFFF500] =	vst v3  }
0x2e1: {  	v3 =	vld.idx.msk [tilespmem:v23+s21+$0x0], $0xffff  }
0x2e2: {  	v24 =	vor.u32 $0xB, v2;
	_ =	sdelay $0x3  }
0x2e3: {  	[tilespmem:s3+$0x500] =	vst v3  }
0x2e4: {  	v3 =	vld.idx.msk [tilespmem:v24+s26+$0x0], $0xffff  }
0x2e5: {  	v25 =	vor.u32 $0xB, v1;
	_ =	sdelay $0x3  }
0x2e6: {  	[tilespmem:s3+$0xFFFFF580] =	vst v3  }
0x2e7: {  	v3 =	vld.idx.msk [tilespmem:v25+s21+$0x0], $0xffff  }
0x2e8: {  	v26 =	vor.u32 $0xC, v2;
	_ =	sdelay $0x3  }
0x2e9: {  	[tilespmem:s3+$0x580] =	vst v3  }
0x2ea: {  	v3 =	vld.idx.msk [tilespmem:v26+s26+$0x0], $0xffff  }
0x2eb: {  	v27 =	vor.u32 $0xC, v1;
	_ =	sdelay $0x3  }
0x2ec: {  	[tilespmem:s3+$0xFFFFF600] =	vst v3  }
0x2ed: {  	v3 =	vld.idx.msk [tilespmem:v27+s21+$0x0], $0xffff  }
0x2ee: {  	v28 =	vor.u32 $0xD, v2;
	_ =	sdelay $0x3  }
0x2ef: {  	[tilespmem:s3+$0x600] =	vst v3  }
0x2f0: {  	v3 =	vld.idx.msk [tilespmem:v28+s26+$0x0], $0xffff  }
0x2f1: {  	v29 =	vor.u32 $0xD, v1;
	_ =	sdelay $0x3  }
0x2f2: {  	[tilespmem:s3+$0xFFFFF680] =	vst v3  }
0x2f3: {  	v3 =	vld.idx.msk [tilespmem:v29+s21+$0x0], $0xffff  }
0x2f4: {  	v30 =	vor.u32 $0xE, v2;
	_ =	sdelay $0x3  }
0x2f5: {  	[tilespmem:s3+$0x680] =	vst v3  }
0x2f6: {  	v3 =	vld.idx.msk [tilespmem:v30+s26+$0x0], $0xffff  }
0x2f7: {  	v31 =	vor.u32 $0xE, v1;
	_ =	sdelay $0x3  }
0x2f8: {  	[tilespmem:s3+$0xFFFFF700] =	vst v3  }
0x2f9: {  	v3 =	vld.idx.msk [tilespmem:v31+s21+$0x0], $0xffff  }
0x2fa: {  	v32 =	vor.u32 $0xF, v2;
	_ =	sdelay $0x3  }
0x2fb: {  	[tilespmem:s3+$0x700] =	vst v3  }
0x2fc: {  	v3 =	vld.idx.msk [tilespmem:v32+s26+$0x0], $0xffff  }
0x2fd: {  	v33 =	vor.u32 $0xF, v1;
	_ =	sdelay $0x3  }
0x2fe: {  	[tilespmem:s3+$0xFFFFF780] =	vst v3  }
0x2ff: {  	v3 =	vld.idx.msk [tilespmem:v33+s21+$0x0], $0xffff  }
0x300: {  	v34 =	vor.u32 $0x10, v2;
	_ =	sdelay $0x3  }
0x301: {  	[tilespmem:s3+$0x780] =	vst v3  }
0x302: {  	v3 =	vld.idx.msk [tilespmem:v34+s26+$0x0], $0xffff  }
0x303: {  	v35 =	vor.u32 $0x10, v1;
	_ =	sdelay $0x3  }
0x304: {  	[tilespmem:s3+$0xFFFFF800] =	vst v3  }
0x305: {  	v3 =	vld.idx.msk [tilespmem:v35+s21+$0x0], $0xffff  }
0x306: {  	v36 =	vor.u32 $0x11, v2;
	_ =	sdelay $0x3  }
0x307: {  	[tilespmem:s3+$0x800] =	vst v3  }
0x308: {  	v3 =	vld.idx.msk [tilespmem:v36+s26+$0x0], $0xffff  }
0x309: {  	v37 =	vor.u32 $0x11, v1;
	_ =	sdelay $0x3  }
0x30a: {  	[tilespmem:s3+$0xFFFFF880] =	vst v3  }
0x30b: {  	v3 =	vld.idx.msk [tilespmem:v37+s21+$0x0], $0xffff  }
0x30c: {  	v38 =	vor.u32 $0x12, v2;
	_ =	sdelay $0x3  }
0x30d: {  	[tilespmem:s3+$0x880] =	vst v3  }
0x30e: {  	v3 =	vld.idx.msk [tilespmem:v38+s26+$0x0], $0xffff  }
0x30f: {  	v39 =	vor.u32 $0x12, v1;
	_ =	sdelay $0x3  }
0x310: {  	[tilespmem:s3+$0xFFFFF900] =	vst v3  }
0x311: {  	v3 =	vld.idx.msk [tilespmem:v39+s21+$0x0], $0xffff  }
0x312: {  	v40 =	vor.u32 $0x13, v2;
	_ =	sdelay $0x3  }
0x313: {  	[tilespmem:s3+$0x900] =	vst v3  }
0x314: {  	v3 =	vld.idx.msk [tilespmem:v40+s26+$0x0], $0xffff  }
0x315: {  	v41 =	vor.u32 $0x13, v1;
	_ =	sdelay $0x3  }
0x316: {  	[tilespmem:s3+$0xFFFFF980] =	vst v3  }
0x317: {  	v3 =	vld.idx.msk [tilespmem:v41+s21+$0x0], $0xffff  }
0x318: {  	v42 =	vor.u32 $0x14, v2;
	_ =	sdelay $0x3  }
0x319: {  	[tilespmem:s3+$0x980] =	vst v3  }
0x31a: {  	v3 =	vld.idx.msk [tilespmem:v42+s26+$0x0], $0xffff  }
0x31b: {  	v43 =	vor.u32 $0x14, v1;
	_ =	sdelay $0x3  }
0x31c: {  	[tilespmem:s3+$0xFFFFFA00] =	vst v3  }
0x31d: {  	v3 =	vld.idx.msk [tilespmem:v43+s21+$0x0], $0xffff  }
0x31e: {  	v44 =	vor.u32 $0x15, v2;
	_ =	sdelay $0x3  }
0x31f: {  	[tilespmem:s3+$0xA00] =	vst v3  }
0x320: {  	v3 =	vld.idx.msk [tilespmem:v44+s26+$0x0], $0xffff  }
0x321: {  	v45 =	vor.u32 $0x15, v1;
	_ =	sdelay $0x3  }
0x322: {  	[tilespmem:s3+$0xFFFFFA80] =	vst v3  }
0x323: {  	v3 =	vld.idx.msk [tilespmem:v45+s21+$0x0], $0xffff  }
0x324: {  	v46 =	vor.u32 $0x16, v2;
	_ =	sdelay $0x3  }
0x325: {  	[tilespmem:s3+$0xA80] =	vst v3  }
0x326: {  	v3 =	vld.idx.msk [tilespmem:v46+s26+$0x0], $0xffff  }
0x327: {  	v47 =	vor.u32 $0x16, v1;
	_ =	sdelay $0x3  }
0x328: {  	[tilespmem:s3+$0xFFFFFB00] =	vst v3  }
0x329: {  	v3 =	vld.idx.msk [tilespmem:v47+s21+$0x0], $0xffff  }
0x32a: {  	v48 =	vor.u32 $0x17, v2;
	_ =	sdelay $0x3  }
0x32b: {  	[tilespmem:s3+$0xB00] =	vst v3  }
0x32c: {  	v3 =	vld.idx.msk [tilespmem:v48+s26+$0x0], $0xffff  }
0x32d: {  	v49 =	vor.u32 $0x17, v1;
	_ =	sdelay $0x3  }
0x32e: {  	[tilespmem:s3+$0xFFFFFB80] =	vst v3  }
0x32f: {  	v3 =	vld.idx.msk [tilespmem:v49+s21+$0x0], $0xffff  }
0x330: {  	v50 =	vor.u32 $0x18, v2;
	_ =	sdelay $0x3  }
0x331: {  	[tilespmem:s3+$0xB80] =	vst v3  }
0x332: {  	v3 =	vld.idx.msk [tilespmem:v50+s26+$0x0], $0xffff  }
0x333: {  	v51 =	vor.u32 $0x18, v1;
	_ =	sdelay $0x3  }
0x334: {  	[tilespmem:s3+$0xFFFFFC00] =	vst v3  }
0x335: {  	v3 =	vld.idx.msk [tilespmem:v51+s21+$0x0], $0xffff  }
0x336: {  	v52 =	vor.u32 $0x19, v2;
	_ =	sdelay $0x3  }
0x337: {  	[tilespmem:s3+$0xC00] =	vst v3  }
0x338: {  	v3 =	vld.idx.msk [tilespmem:v52+s26+$0x0], $0xffff  }
0x339: {  	v53 =	vor.u32 $0x19, v1;
	_ =	sdelay $0x3  }
0x33a: {  	[tilespmem:s3+$0xFFFFFC80] =	vst v3  }
0x33b: {  	v3 =	vld.idx.msk [tilespmem:v53+s21+$0x0], $0xffff  }
0x33c: {  	v54 =	vor.u32 $0x1A, v2;
	_ =	sdelay $0x3  }
0x33d: {  	[tilespmem:s3+$0xC80] =	vst v3  }
0x33e: {  	v3 =	vld.idx.msk [tilespmem:v54+s26+$0x0], $0xffff  }
0x33f: {  	v55 =	vor.u32 $0x1A, v1;
	_ =	sdelay $0x3  }
0x340: {  	[tilespmem:s3+$0xFFFFFD00] =	vst v3  }
0x341: {  	v3 =	vld.idx.msk [tilespmem:v55+s21+$0x0], $0xffff  }
0x342: {  	v56 =	vor.u32 $0x1B, v2;
	_ =	sdelay $0x3  }
0x343: {  	[tilespmem:s3+$0xD00] =	vst v3  }
0x344: {  	v3 =	vld.idx.msk [tilespmem:v56+s26+$0x0], $0xffff  }
0x345: {  	v57 =	vor.u32 $0x1B, v1;
	_ =	sdelay $0x3  }
0x346: {  	[tilespmem:s3+$0xFFFFFD80] =	vst v3  }
0x347: {  	v3 =	vld.idx.msk [tilespmem:v57+s21+$0x0], $0xffff  }
0x348: {  	v58 =	vor.u32 $0x1C, v2;
	_ =	sdelay $0x3  }
0x349: {  	[tilespmem:s3+$0xD80] =	vst v3  }
0x34a: {  	v3 =	vld.idx.msk [tilespmem:v58+s26+$0x0], $0xffff  }
0x34b: {  	v59 =	vor.u32 $0x1C, v1;
	_ =	sdelay $0x3  }
0x34c: {  	[tilespmem:s3+$0xFFFFFE00] =	vst v3  }
0x34d: {  	v3 =	vld.idx.msk [tilespmem:v59+s21+$0x0], $0xffff  }
0x34e: {  	v60 =	vor.u32 $0x1D, v2;
	_ =	sdelay $0x3  }
0x34f: {  	[tilespmem:s3+$0xE00] =	vst v3  }
0x350: {  	v3 =	vld.idx.msk [tilespmem:v60+s26+$0x0], $0xffff  }
0x351: {  	v61 =	vor.u32 $0x1D, v1;
	_ =	sdelay $0x3  }
0x352: {  	[tilespmem:s3+$0xFFFFFE80] =	vst v3  }
0x353: {  	v3 =	vld.idx.msk [tilespmem:v61+s21+$0x0], $0xffff  }
0x354: {  	v62 =	vor.u32 $0x1E, v2;
	_ =	sdelay $0x3  }
0x355: {  	[tilespmem:s3+$0xE80] =	vst v3  }
0x356: {  	v3 =	vld.idx.msk [tilespmem:v62+s26+$0x0], $0xffff  }
0x357: {  	v63 =	vor.u32 $0x1E, v1;
	_ =	sdelay $0x3  }
0x358: {  	[tilespmem:s3+$0xFFFFFF00] =	vst v3  }
0x359: {  	v3 =	vld.idx.msk [tilespmem:v63+s21+$0x0], $0xffff  }
0x35a: {  	v2 =	vor.u32 $0x1F, v2;
	_ =	sdelay $0x3  }
0x35b: {  	[tilespmem:s3+$0xF00] =	vst v3  }
0x35c: {  	v2 =	vld.idx.msk [tilespmem:v2+s26+$0x0], $0xffff  }
0x35d: {  	v1 =	vor.u32 $0x1F, v1;
	_ =	sdelay $0x3  }
0x35e: {  	[tilespmem:s3+$0xFFFFFF80] =	vst v2  }
0x35f: {  	p0 =	sne.s32 s0, $0x70;
	v1 =	vld.idx.msk [tilespmem:v1+s21+$0x0], $0xffff  }
.Ltmp3:
0x360: {  	_ = 	snop;
	(pc) =	sbr.rel @p0 .LBB2_8-.Ltmp3, $2  }
0x361: {  	_ =	sdelay $0x2  }
0x362: {  	s0 =	sadd.s32 $0x10, s0;
	s4 =	sadd.s32 $0x10, s4;
	[tilespmem:s3+$0xF80] =	vst v1;
	s3 =	sadd.s32 $0x10, s3  }
0x363: {  	s31 =	sadd.s32 $0x1, s31  }
0x364: {  	p0 =	sne.s32 s31, s12  }
.Ltmp4:
0x365: {  	_ = 	snop;
	(pc) =	sbr.rel @p0 .LBB2_1-.Ltmp4, $4  }
0x366: {  	[hbm4b:s11+s15] =	stream.strided.scatter [tilespmem:s30], [sflag:$0x3], $0x2000, s29, s15, $0x38;
	[tilespmem:$0x13F00] =	vst v63  }
0x367: {  	_ =	swait.ge [sflag:s13], $0x2000  }
0x368: {  	[sflag:s13] =	ssyncset.done $0x0  }
0x369: {  	[sflag:s13] =	ssyncadd.s32 $0xFFFFE000  }
0x36a: {  	_ =	sfence.sel $0x180000  }
0x36b: {  	[bflag:$0x0] =	sbarrier.arrive $0xFFFF  }
0x36c: {  	_ =	strace $0x90000047  }
0x36d: {  	s0 =	stileid.u32;
	[bflag:$0x2] =	sbarrier.arrive $0xFFFF  }
0x36e: {  	p0 =	sne.s32 s0, $0x0;
	s0 =	rddreg [dreg:$0x6]  }
0x36f: {  	s0 =	sadd.s32 @!p0 $0x100000, s0  }
0x370: {  	[sflag:s0] =	ssyncadd.tile.s32 @!p0 $0x1;
	_ =	shalt  }
.Lfunc_end2:
_tile_overlayer_lowered:
.L_overlay_start_2:
0x371: {  	(tag) =	ssettag $0x2  }
0x372: {  	s0 =	rddreg [dreg:$0x0];
	s2 =	stileid.u32  }
0x373: {  	s1 =	rddreg [dreg:$0x1];
	p0 =	sne.s32 s2, $0x0  }
0x374: {  	s3 =	rddreg [dreg:$0x2];
	[bflag:$0x3] =	sbarrier.arrive $0xFFFF;
	s2 =	simm.s32 @!p0 $0x1C03  }
0x375: {  	[timem:s3], [sflag:s2] =	dma.local @!p0 [hbm:s0], s1  }
0x376: {  	s0 =	simm.s32 @!p0 $0x3  }
0x377: {  	_ =	swait.ge @!p0 [sflag:s0], s1  }
0x378: {  	s1 =	ssub.s32 @!p0 $0x0, s1;
	[sflag:s0] =	ssyncset.done @!p0 $0x0  }
0x379: {  	[sflag:s0] =	ssyncadd.s32 @!p0 s1  }
0x37a: {  	[bflag:$0x3] =	sbarrier.arrive $0xFFFF  }
0x37b: {  	_ =	shalt  }

</sc_bundles>
